<compile_context>
chip_gen: v7x
topology: tpu7x:2x2x1
jax: 0.10.2.dev20260603
libtpu: 0.0.44.dev20260713+nightly
codegen_flags: <defaults>
</compile_context>

<pallas_src>
import functools

import jax
import jax.numpy as jnp
from jax import lax
from jax.experimental import pallas as pl
from jax.experimental.pallas import tpu as pltpu
from jax.experimental.pallas import tpu_sc as plsc

B = 128
V = 100000
NC = 2
NS = 16
NW = NC * NS
ROWS_PER_W = B // NW
L = 16
CH = 10000
NCH = V // CH
INNER = CH // L
I32MAX = 2147483647


def _recip(x):
    xi = plsc.bitcast(x, jnp.int32)
    y = plsc.bitcast(jnp.int32(0x7EF311C3) - xi, jnp.float32)
    for _ in range(4):
        y = y * (2.0 - x * y)
    return y


def _sampler_body(logits_hbm, temps_hbm, noise_hbm, out_hbm,
                  lrow, nb0, nb1, tbuf, obuf, sem0, sem1):
    c = lax.axis_index("c")
    s = lax.axis_index("s")
    wid = s * NC + c
    lane = lax.iota(jnp.int32, L)

    pltpu.sync_copy(temps_hbm, tbuf.at[pl.ds(0, B)])
    t_vec = tbuf[pl.ds(wid * ROWS_PER_W, L)]

    acc = jnp.zeros((L,), jnp.int32)
    for r in range(ROWS_PER_W):
        row = wid * ROWS_PER_W + r

        pltpu.async_copy(noise_hbm.at[row, pl.ds(0, CH)], nb0, sem0)
        pltpu.async_copy(noise_hbm.at[row, pl.ds(CH, CH)], nb1, sem1)

        pltpu.sync_copy(logits_hbm.at[row], lrow)

        def p1(i, carry):
            maxv, gidx, idxv = carry
            l = lrow[pl.ds(i * L, L)]
            upd = l > maxv
            gidx = jnp.where(upd, idxv, gidx)
            maxv = jnp.maximum(maxv, l)
            return maxv, gidx, idxv + L

        maxv, gidx, _ = lax.fori_loop(
            0, V // L, p1,
            (jnp.full((L,), -jnp.inf, jnp.float32), jnp.zeros((L,), jnp.int32),
             lane),
            unroll=10)
        m_l = jnp.max(maxv)
        g_tok = jnp.min(jnp.where(maxv == m_l, gidx, I32MAX))

        t_r = jnp.max(jnp.where(lane == r, t_vec, -jnp.inf))
        tpos = t_r > 0.0
        safe_t = jnp.where(tpos, jnp.full((L,), t_r, jnp.float32),
                           jnp.full((L,), 1.0, jnp.float32))
        inv_t = _recip(safe_t)
        m2 = jnp.full((L,), m_l, jnp.float32) * inv_t

        def p2_chunk(nb, cidx, carry):
            def body(j, carry):
                b_e, b_n, bidx, idxv = carry
                l = lrow[pl.ds(cidx * CH + j * L, L)]
                n = nb[pl.ds(j * L, L)]
                e = jnp.exp(l * inv_t - m2)
                ncl = jnp.maximum(n, 1e-10)
                upd = e * b_n > b_e * ncl
                b_e = jnp.where(upd, e, b_e)
                b_n = jnp.where(upd, ncl, b_n)
                bidx = jnp.where(upd, idxv, bidx)
                return b_e, b_n, bidx, idxv + L
            return lax.fori_loop(0, INNER, body, carry, unroll=5)

        def p2_outer(k, carry):
            c0 = 2 * k
            pltpu.make_async_copy(noise_hbm.at[row, pl.ds(0, CH)], nb0,
                                  sem0).wait()
            carry = p2_chunk(nb0, c0, carry)

            @pl.when(c0 + 2 < NCH)
            def _():
                pltpu.async_copy(
                    noise_hbm.at[row, pl.ds((c0 + 2) * CH, CH)], nb0, sem0)

            pltpu.make_async_copy(noise_hbm.at[row, pl.ds(0, CH)], nb1,
                                  sem1).wait()
            carry = p2_chunk(nb1, c0 + 1, carry)

            @pl.when(c0 + 3 < NCH)
            def _():
                pltpu.async_copy(
                    noise_hbm.at[row, pl.ds((c0 + 3) * CH, CH)], nb1, sem1)

            return carry

        init = (jnp.full((L,), -1.0, jnp.float32),
                jnp.ones((L,), jnp.float32),
                jnp.zeros((L,), jnp.int32),
                lane)
        b_e, b_n, bidx, _ = lax.fori_loop(0, NCH // 2, p2_outer, init)

        key = b_e * _recip(b_n)
        m_k = jnp.max(key)
        s_tok = jnp.min(jnp.where(key == m_k, bidx, I32MAX))

        tok = jnp.where(tpos, s_tok, g_tok)
        acc = jnp.where(lane == r, tok, acc)

    obuf[...] = acc
    pltpu.sync_copy(obuf, out_hbm.at[wid])


@jax.jit
def _sampler(logits, temperatures, exp_noise):
    mesh = plsc.VectorSubcoreMesh(core_axis_name="c", subcore_axis_name="s",
                                  num_cores=NC, num_subcores=NS)
    f = pl.kernel(
        _sampler_body,
        out_type=jax.ShapeDtypeStruct((NW, L), jnp.int32),
        mesh=mesh,
        scratch_types=[
            pltpu.VMEM((V,), jnp.float32),
            pltpu.VMEM((CH,), jnp.float32),
            pltpu.VMEM((CH,), jnp.float32),
            pltpu.VMEM((B + 2 * L,), jnp.float32),
            pltpu.VMEM((L,), jnp.int32),
            pltpu.SemaphoreType.DMA,
            pltpu.SemaphoreType.DMA,
        ],
        compiler_params=pltpu.CompilerParams(use_tc_tiling_on_sc=False,
                                             needs_layout_passes=False),
    )
    return f(logits, temperatures, exp_noise)


def kernel(logits, temperatures, exp_noise):
    out2d = _sampler(logits, temperatures, exp_noise)
    return out2d[:, :ROWS_PER_W].reshape(B)

# --- scband reference (transcript-rebuilt; emitter-appended) ---
"""Pipeline reference for scband-sampler-85607288144299 (READ-ONLY COPY).

The authoritative reference and input builder live on the scoring server;
editing this copy changes nothing except your own understanding.
"""

import jax, jax.numpy as jnp
import numpy as np


def setup_inputs(seed: int = 0) -> dict:
    key = jax.random.key(seed)
    k1, k2, k3 = jax.random.split(key, 3)
    B, V = 128, 100000
    logits = jax.random.normal(k1, (B, V), dtype=jnp.float32)
    temperatures = jax.random.uniform(k2, (B,), dtype=jnp.float32)
    # Exponential(1) noise standing in for torch.empty_like(probs).exponential_(1)
    exp_noise = jax.random.exponential(k3, (B, V)).astype(jnp.float32)
    return {"logits": logits, "temperatures": temperatures, "exp_noise": exp_noise}


def reference(logits, temperatures, exp_noise):
    greedy_tokens = jnp.argmax(logits, axis=-1)
    safe_temp = jnp.where(temperatures > 0, temperatures, 1.0)[:, None]
    scaled = logits.astype(jnp.float32) / safe_temp
    probs = jax.nn.softmax(scaled, axis=-1)
    ratio = probs / jnp.clip(exp_noise, 1e-10, None)
    sample_tokens = jnp.argmax(ratio, axis=-1)
    return jnp.where(temperatures > 0, sample_tokens, greedy_tokens)

if __name__ == "__main__":
    import jax
    _d = setup_inputs()
    print(jax.jit(kernel)(*tuple(_d.values())))

</pallas_src>

<mosaic_0001>
#map = affine_map<(d0, d1) -> (0, 0)>
#map1 = affine_map<(d0, d1) -> (0)>
module attributes {stable_mosaic.version = 14 : i64} {
  func.func @_sampler_body(%arg0: i32, %arg1: i32, %arg2: memref<128x100000xf32, #tpu.memory_space<hbm>>, %arg3: memref<128xf32, #tpu.memory_space<hbm>>, %arg4: memref<128x100000xf32, #tpu.memory_space<hbm>>, %arg5: memref<32x16xi32, #tpu.memory_space<hbm>>, %arg6: memref<100000xf32, #tpu.memory_space<vmem>>, %arg7: memref<10000xf32, #tpu.memory_space<vmem>>, %arg8: memref<10000xf32, #tpu.memory_space<vmem>>, %arg9: memref<160xf32, #tpu.memory_space<vmem>>, %arg10: memref<16xi32, #tpu.memory_space<vmem>>, %arg11: memref<!tpu.dma_semaphore, #tpu.memory_space<semaphore_mem>>, %arg12: memref<!tpu.dma_semaphore, #tpu.memory_space<semaphore_mem>>) attributes {dimension_semantics = [#tpu.dimension_semantics<core_parallel>, #tpu.dimension_semantics<subcore_parallel>], iteration_bounds = array<i64: 2, 16>, scalar_prefetch = 0 : i64, scratch_operands = 7 : i64, tpu.core_type = #tpu.core_type<sc_vector_subcore>, window_params = [{transform_indices = #map}, {transform_indices = #map1}, {transform_indices = #map}, {transform_indices = #map}]} {
    %mul3A = arith.constant 2 : i32
    %mul3A_0 = arith.muli %arg1, %mul3A : i32
    %add3A = arith.addi %mul3A_0, %arg0 : i32
    %iota3A = tpu.iota {dimensions = array<i32: 0>} : vector<16xi32>
    "tpu.region"() ({
      %run_scoped3A = tpu.sem_alloc : memref<!tpu.dma_semaphore, #tpu.memory_space<semaphore_mem>>
      %dma_start3A_584 = arith.constant 0 : i32
      %dma_start3A_585 = tpu.memref_slice %arg9[%dma_start3A_584] : memref<160xf32, #tpu.memory_space<vmem>> -> memref<128xf32, #tpu.memory_space<vmem>>
      %dma_start3A_586 = arith.constant 0 : i32
      %dma_start3A_587 = tpu.memref_slice %arg9[%dma_start3A_586] : memref<160xf32, #tpu.memory_space<vmem>> -> memref<128xf32, #tpu.memory_space<vmem>>
      tpu.enqueue_dma source(%arg3 : memref<128xf32, #tpu.memory_space<hbm>>) target(%dma_start3A_587 : memref<128xf32, #tpu.memory_space<vmem>>) target_semaphore(%run_scoped3A : memref<!tpu.dma_semaphore, #tpu.memory_space<semaphore_mem>>)
      %dma_wait3A = arith.constant 0 : i32
      %dma_wait3A_588 = tpu.memref_slice %arg9[%dma_wait3A] : memref<160xf32, #tpu.memory_space<vmem>> -> memref<128xf32, #tpu.memory_space<vmem>>
      %dma_wait3A_589 = arith.constant 0 : i32
      %dma_wait3A_590 = tpu.memref_slice %arg9[%dma_wait3A_589] : memref<160xf32, #tpu.memory_space<vmem>> -> memref<128xf32, #tpu.memory_space<vmem>>
      tpu.wait_dma2 semaphore(%run_scoped3A : memref<!tpu.dma_semaphore, #tpu.memory_space<semaphore_mem>>) src(%arg3 : memref<128xf32, #tpu.memory_space<hbm>>) dst(%dma_wait3A_590 : memref<128xf32, #tpu.memory_space<vmem>>)
      tpu.yield
    }) : () -> ()
    %mul3A_1 = arith.constant 4 : i32
    %mul3A_2 = arith.muli %add3A, %mul3A_1 : i32
    %get3A = arith.index_cast %mul3A_2 : i32 to index
    %get3A_3 = tpu.vector_load %arg9[%get3A] {strides = array<i32>} : memref<160xf32, #tpu.memory_space<vmem>>, vector<16xf32>,
    %broadcast_in_dim3A = arith.constant 0 : i32
    %broadcast_in_dim3A_4 = vector.broadcast %broadcast_in_dim3A : i32 to vector<16xi32>
    %mul3A_5 = arith.constant 4 : i32
    %mul3A_6 = arith.muli %add3A, %mul3A_5 : i32
    %add3A_7 = arith.constant 0 : i32
    %add3A_8 = arith.addi %mul3A_6, %add3A_7 : i32
    %dma_start3A = arith.constant 0 : i32
    %dma_start3A_9 = tpu.memref_slice %arg4[%add3A_8, %dma_start3A] : memref<128x100000xf32, #tpu.memory_space<hbm>> -> memref<1x10000xf32, #tpu.memory_space<hbm>>
    %dma_start3A_10 = tpu.memref_squeeze %dma_start3A_9 : memref<1x10000xf32, #tpu.memory_space<hbm>> -> memref<10000xf32, #tpu.memory_space<hbm>>
    %dma_start3A_11 = arith.constant 0 : i32
    %dma_start3A_12 = tpu.memref_slice %arg4[%add3A_8, %dma_start3A_11] : memref<128x100000xf32, #tpu.memory_space<hbm>> -> memref<1x10000xf32, #tpu.memory_space<hbm>>
    %dma_start3A_13 = tpu.memref_squeeze %dma_start3A_12 : memref<1x10000xf32, #tpu.memory_space<hbm>> -> memref<10000xf32, #tpu.memory_space<hbm>>
    tpu.enqueue_dma source(%dma_start3A_13 : memref<10000xf32, #tpu.memory_space<hbm>>) target(%arg7 : memref<10000xf32, #tpu.memory_space<vmem>>) target_semaphore(%arg11 : memref<!tpu.dma_semaphore, #tpu.memory_space<semaphore_mem>>)
    %dma_start3A_14 = arith.constant 10000 : i32
    %dma_start3A_15 = tpu.memref_slice %arg4[%add3A_8, %dma_start3A_14] : memref<128x100000xf32, #tpu.memory_space<hbm>> -> memref<1x10000xf32, #tpu.memory_space<hbm>>
    %dma_start3A_16 = tpu.memref_squeeze %dma_start3A_15 : memref<1x10000xf32, #tpu.memory_space<hbm>> -> memref<10000xf32, #tpu.memory_space<hbm>>
    %dma_start3A_17 = arith.constant 10000 : i32
    %dma_start3A_18 = tpu.memref_slice %arg4[%add3A_8, %dma_start3A_17] : memref<128x100000xf32, #tpu.memory_space<hbm>> -> memref<1x10000xf32, #tpu.memory_space<hbm>>
    %dma_start3A_19 = tpu.memref_squeeze %dma_start3A_18 : memref<1x10000xf32, #tpu.memory_space<hbm>> -> memref<10000xf32, #tpu.memory_space<hbm>>
    tpu.enqueue_dma source(%dma_start3A_19 : memref<10000xf32, #tpu.memory_space<hbm>>) target(%arg8 : memref<10000xf32, #tpu.memory_space<vmem>>) target_semaphore(%arg12 : memref<!tpu.dma_semaphore, #tpu.memory_space<semaphore_mem>>)
    "tpu.region"() ({
      %run_scoped3A = tpu.sem_alloc : memref<!tpu.dma_semaphore, #tpu.memory_space<semaphore_mem>>
      %dma_start3A_584 = arith.constant 0 : i32
      %dma_start3A_585 = tpu.memref_slice %arg2[%add3A_8, %dma_start3A_584] : memref<128x100000xf32, #tpu.memory_space<hbm>> -> memref<1x100000xf32, #tpu.memory_space<hbm>>
      %dma_start3A_586 = tpu.memref_squeeze %dma_start3A_585 : memref<1x100000xf32, #tpu.memory_space<hbm>> -> memref<100000xf32, #tpu.memory_space<hbm>>
      %dma_start3A_587 = arith.constant 0 : i32
      %dma_start3A_588 = tpu.memref_slice %arg2[%add3A_8, %dma_start3A_587] : memref<128x100000xf32, #tpu.memory_space<hbm>> -> memref<1x100000xf32, #tpu.memory_space<hbm>>
      %dma_start3A_589 = tpu.memref_squeeze %dma_start3A_588 : memref<1x100000xf32, #tpu.memory_space<hbm>> -> memref<100000xf32, #tpu.memory_space<hbm>>
      tpu.enqueue_dma source(%dma_start3A_589 : memref<100000xf32, #tpu.memory_space<hbm>>) target(%arg6 : memref<100000xf32, #tpu.memory_space<vmem>>) target_semaphore(%run_scoped3A : memref<!tpu.dma_semaphore, #tpu.memory_space<semaphore_mem>>)
      %dma_wait3A = arith.constant 0 : i32
      %dma_wait3A_590 = tpu.memref_slice %arg2[%add3A_8, %dma_wait3A] : memref<128x100000xf32, #tpu.memory_space<hbm>> -> memref<1x100000xf32, #tpu.memory_space<hbm>>
      %dma_wait3A_591 = tpu.memref_squeeze %dma_wait3A_590 : memref<1x100000xf32, #tpu.memory_space<hbm>> -> memref<100000xf32, #tpu.memory_space<hbm>>
      %dma_wait3A_592 = arith.constant 0 : i32
      %dma_wait3A_593 = tpu.memref_slice %arg2[%add3A_8, %dma_wait3A_592] : memref<128x100000xf32, #tpu.memory_space<hbm>> -> memref<1x100000xf32, #tpu.memory_space<hbm>>
      %dma_wait3A_594 = tpu.memref_squeeze %dma_wait3A_593 : memref<1x100000xf32, #tpu.memory_space<hbm>> -> memref<100000xf32, #tpu.memory_space<hbm>>
      tpu.wait_dma2 semaphore(%run_scoped3A : memref<!tpu.dma_semaphore, #tpu.memory_space<semaphore_mem>>) src(%dma_wait3A_594 : memref<100000xf32, #tpu.memory_space<hbm>>) dst(%arg6 : memref<100000xf32, #tpu.memory_space<vmem>>)
      tpu.yield
    }) : () -> ()
    %broadcast_in_dim3A_20 = arith.constant 0xFF800000 : f32
    %broadcast_in_dim3A_21 = vector.broadcast %broadcast_in_dim3A_20 : f32 to vector<16xf32>
    %broadcast_in_dim3A_22 = arith.constant 0 : i32
    %broadcast_in_dim3A_23 = vector.broadcast %broadcast_in_dim3A_22 : i32 to vector<16xi32>
    %scan3A = arith.constant 0 : i32
    %scan3A_24 = arith.constant 6250 : i32
    %scan3A_25 = arith.addi %scan3A, %scan3A_24 : i32
    %scan3A_26 = arith.constant 10 : i32
    %scan3A_27:3 = scf.for %scan3A_584 = %scan3A to %scan3A_25 step %scan3A_26 iter_args(%scan3A_585 = %broadcast_in_dim3A_21, %scan3A_586 = %broadcast_in_dim3A_23, %scan3A_587 = %iota3A) -> (vector<16xf32>, vector<16xi32>, vector<16xi32>)  : i32 {
      %mul3A_588 = arith.constant 16 : i32
      %mul3A_589 = arith.muli %scan3A_584, %mul3A_588 : i32
      %get3A_590 = arith.index_cast %mul3A_589 : i32 to index
      %get3A_591 = tpu.vector_load %arg6[%get3A_590] {strides = array<i32>} : memref<100000xf32, #tpu.memory_space<vmem>>, vector<16xf32>,
      %gt3A_592 = arith.cmpf ogt, %get3A_591, %scan3A_585 : vector<16xf32>
      %select_n3A_593 = arith.select %gt3A_592, %scan3A_587, %scan3A_586 : vector<16xi1>, vector<16xi32>
      %max3A = arith.maximumf %scan3A_585, %get3A_591 : vector<16xf32>
      %add3A_594 = arith.constant 16 : i32
      %add3A_595 = vector.broadcast %add3A_594 : i32 to vector<16xi32>
      %add3A_596 = arith.addi %scan3A_587, %add3A_595 : vector<16xi32>
      %scan3A_597 = arith.constant 1 : i32
      %scan3A_598 = arith.addi %scan3A_584, %scan3A_597 : i32
      %mul3A_599 = arith.constant 16 : i32
      %mul3A_600 = arith.muli %scan3A_598, %mul3A_599 : i32
      %get3A_601 = arith.index_cast %mul3A_600 : i32 to index
      %get3A_602 = tpu.vector_load %arg6[%get3A_601] {strides = array<i32>} : memref<100000xf32, #tpu.memory_space<vmem>>, vector<16xf32>,
      %gt3A_603 = arith.cmpf ogt, %get3A_602, %max3A : vector<16xf32>
      %select_n3A_604 = arith.select %gt3A_603, %add3A_596, %select_n3A_593 : vector<16xi1>, vector<16xi32>
      %max3A_605 = arith.maximumf %max3A, %get3A_602 : vector<16xf32>
      %add3A_606 = arith.constant 16 : i32
      %add3A_607 = vector.broadcast %add3A_606 : i32 to vector<16xi32>
      %add3A_608 = arith.addi %add3A_596, %add3A_607 : vector<16xi32>
      %scan3A_609 = arith.constant 2 : i32
      %scan3A_610 = arith.addi %scan3A_584, %scan3A_609 : i32
      %mul3A_611 = arith.constant 16 : i32
      %mul3A_612 = arith.muli %scan3A_610, %mul3A_611 : i32
      %get3A_613 = arith.index_cast %mul3A_612 : i32 to index
      %get3A_614 = tpu.vector_load %arg6[%get3A_613] {strides = array<i32>} : memref<100000xf32, #tpu.memory_space<vmem>>, vector<16xf32>,
      %gt3A_615 = arith.cmpf ogt, %get3A_614, %max3A_605 : vector<16xf32>
      %select_n3A_616 = arith.select %gt3A_615, %add3A_608, %select_n3A_604 : vector<16xi1>, vector<16xi32>
      %max3A_617 = arith.maximumf %max3A_605, %get3A_614 : vector<16xf32>
      %add3A_618 = arith.constant 16 : i32
      %add3A_619 = vector.broadcast %add3A_618 : i32 to vector<16xi32>
      %add3A_620 = arith.addi %add3A_608, %add3A_619 : vector<16xi32>
      %scan3A_621 = arith.constant 3 : i32
      %scan3A_622 = arith.addi %scan3A_584, %scan3A_621 : i32
      %mul3A_623 = arith.constant 16 : i32
      %mul3A_624 = arith.muli %scan3A_622, %mul3A_623 : i32
      %get3A_625 = arith.index_cast %mul3A_624 : i32 to index
      %get3A_626 = tpu.vector_load %arg6[%get3A_625] {strides = array<i32>} : memref<100000xf32, #tpu.memory_space<vmem>>, vector<16xf32>,
      %gt3A_627 = arith.cmpf ogt, %get3A_626, %max3A_617 : vector<16xf32>
      %select_n3A_628 = arith.select %gt3A_627, %add3A_620, %select_n3A_616 : vector<16xi1>, vector<16xi32>
      %max3A_629 = arith.maximumf %max3A_617, %get3A_626 : vector<16xf32>
      %add3A_630 = arith.constant 16 : i32
      %add3A_631 = vector.broadcast %add3A_630 : i32 to vector<16xi32>
      %add3A_632 = arith.addi %add3A_620, %add3A_631 : vector<16xi32>
      %scan3A_633 = arith.constant 4 : i32
      %scan3A_634 = arith.addi %scan3A_584, %scan3A_633 : i32
      %mul3A_635 = arith.constant 16 : i32
      %mul3A_636 = arith.muli %scan3A_634, %mul3A_635 : i32
      %get3A_637 = arith.index_cast %mul3A_636 : i32 to index
      %get3A_638 = tpu.vector_load %arg6[%get3A_637] {strides = array<i32>} : memref<100000xf32, #tpu.memory_space<vmem>>, vector<16xf32>,
      %gt3A_639 = arith.cmpf ogt, %get3A_638, %max3A_629 : vector<16xf32>
      %select_n3A_640 = arith.select %gt3A_639, %add3A_632, %select_n3A_628 : vector<16xi1>, vector<16xi32>
      %max3A_641 = arith.maximumf %max3A_629, %get3A_638 : vector<16xf32>
      %add3A_642 = arith.constant 16 : i32
      %add3A_643 = vector.broadcast %add3A_642 : i32 to vector<16xi32>
      %add3A_644 = arith.addi %add3A_632, %add3A_643 : vector<16xi32>
      %scan3A_645 = arith.constant 5 : i32
      %scan3A_646 = arith.addi %scan3A_584, %scan3A_645 : i32
      %mul3A_647 = arith.constant 16 : i32
      %mul3A_648 = arith.muli %scan3A_646, %mul3A_647 : i32
      %get3A_649 = arith.index_cast %mul3A_648 : i32 to index
      %get3A_650 = tpu.vector_load %arg6[%get3A_649] {strides = array<i32>} : memref<100000xf32, #tpu.memory_space<vmem>>, vector<16xf32>,
      %gt3A_651 = arith.cmpf ogt, %get3A_650, %max3A_641 : vector<16xf32>
      %select_n3A_652 = arith.select %gt3A_651, %add3A_644, %select_n3A_640 : vector<16xi1>, vector<16xi32>
      %max3A_653 = arith.maximumf %max3A_641, %get3A_650 : vector<16xf32>
      %add3A_654 = arith.constant 16 : i32
      %add3A_655 = vector.broadcast %add3A_654 : i32 to vector<16xi32>
      %add3A_656 = arith.addi %add3A_644, %add3A_655 : vector<16xi32>
      %scan3A_657 = arith.constant 6 : i32
      %scan3A_658 = arith.addi %scan3A_584, %scan3A_657 : i32
      %mul3A_659 = arith.constant 16 : i32
      %mul3A_660 = arith.muli %scan3A_658, %mul3A_659 : i32
      %get3A_661 = arith.index_cast %mul3A_660 : i32 to index
      %get3A_662 = tpu.vector_load %arg6[%get3A_661] {strides = array<i32>} : memref<100000xf32, #tpu.memory_space<vmem>>, vector<16xf32>,
      %gt3A_663 = arith.cmpf ogt, %get3A_662, %max3A_653 : vector<16xf32>
      %select_n3A_664 = arith.select %gt3A_663, %add3A_656, %select_n3A_652 : vector<16xi1>, vector<16xi32>
      %max3A_665 = arith.maximumf %max3A_653, %get3A_662 : vector<16xf32>
      %add3A_666 = arith.constant 16 : i32
      %add3A_667 = vector.broadcast %add3A_666 : i32 to vector<16xi32>
      %add3A_668 = arith.addi %add3A_656, %add3A_667 : vector<16xi32>
      %scan3A_669 = arith.constant 7 : i32
      %scan3A_670 = arith.addi %scan3A_584, %scan3A_669 : i32
      %mul3A_671 = arith.constant 16 : i32
      %mul3A_672 = arith.muli %scan3A_670, %mul3A_671 : i32
      %get3A_673 = arith.index_cast %mul3A_672 : i32 to index
      %get3A_674 = tpu.vector_load %arg6[%get3A_673] {strides = array<i32>} : memref<100000xf32, #tpu.memory_space<vmem>>, vector<16xf32>,
      %gt3A_675 = arith.cmpf ogt, %get3A_674, %max3A_665 : vector<16xf32>
      %select_n3A_676 = arith.select %gt3A_675, %add3A_668, %select_n3A_664 : vector<16xi1>, vector<16xi32>
      %max3A_677 = arith.maximumf %max3A_665, %get3A_674 : vector<16xf32>
      %add3A_678 = arith.constant 16 : i32
      %add3A_679 = vector.broadcast %add3A_678 : i32 to vector<16xi32>
      %add3A_680 = arith.addi %add3A_668, %add3A_679 : vector<16xi32>
      %scan3A_681 = arith.constant 8 : i32
      %scan3A_682 = arith.addi %scan3A_584, %scan3A_681 : i32
      %mul3A_683 = arith.constant 16 : i32
      %mul3A_684 = arith.muli %scan3A_682, %mul3A_683 : i32
      %get3A_685 = arith.index_cast %mul3A_684 : i32 to index
      %get3A_686 = tpu.vector_load %arg6[%get3A_685] {strides = array<i32>} : memref<100000xf32, #tpu.memory_space<vmem>>, vector<16xf32>,
      %gt3A_687 = arith.cmpf ogt, %get3A_686, %max3A_677 : vector<16xf32>
      %select_n3A_688 = arith.select %gt3A_687, %add3A_680, %select_n3A_676 : vector<16xi1>, vector<16xi32>
      %max3A_689 = arith.maximumf %max3A_677, %get3A_686 : vector<16xf32>
      %add3A_690 = arith.constant 16 : i32
      %add3A_691 = vector.broadcast %add3A_690 : i32 to vector<16xi32>
      %add3A_692 = arith.addi %add3A_680, %add3A_691 : vector<16xi32>
      %scan3A_693 = arith.constant 9 : i32
      %scan3A_694 = arith.addi %scan3A_584, %scan3A_693 : i32
      %mul3A_695 = arith.constant 16 : i32
      %mul3A_696 = arith.muli %scan3A_694, %mul3A_695 : i32
      %get3A_697 = arith.index_cast %mul3A_696 : i32 to index
      %get3A_698 = tpu.vector_load %arg6[%get3A_697] {strides = array<i32>} : memref<100000xf32, #tpu.memory_space<vmem>>, vector<16xf32>,
      %gt3A_699 = arith.cmpf ogt, %get3A_698, %max3A_689 : vector<16xf32>
      %select_n3A_700 = arith.select %gt3A_699, %add3A_692, %select_n3A_688 : vector<16xi1>, vector<16xi32>
      %max3A_701 = arith.maximumf %max3A_689, %get3A_698 : vector<16xf32>
      %add3A_702 = arith.constant 16 : i32
      %add3A_703 = vector.broadcast %add3A_702 : i32 to vector<16xi32>
      %add3A_704 = arith.addi %add3A_692, %add3A_703 : vector<16xi32>
      scf.yield %max3A_701, %select_n3A_700, %add3A_704 : vector<16xf32>, vector<16xi32>, vector<16xi32>
    }
    %scan3A_28 = arith.constant 6250 : i32
    %reduce_max3A = arith.constant true
    %reduce_max3A_29 = vector.broadcast %reduce_max3A : i1 to vector<16xi1>
    %reduce_max3A_30 = tpu.scan <max>, %scan3A_27#0 masked %reduce_max3A_29 : vector<16xf32>, vector<16xi1> -> vector<16xf32>
    %reduce_max3A_31 = vector.extract %reduce_max3A_30[15] : f32 from vector<16xf32>
    %eq3A = vector.broadcast %reduce_max3A_31 : f32 to vector<16xf32>
    %eq3A_32 = arith.cmpf oeq, %scan3A_27#0, %eq3A : vector<16xf32>
    %jit3A = arith.constant 2147483647 : i32
    %broadcast_in_dim3A_33 = vector.broadcast %jit3A : i32 to vector<16xi32>
    %select_n3A = arith.select %eq3A_32, %scan3A_27#1, %broadcast_in_dim3A_33 : vector<16xi1>, vector<16xi32>
    %reduce_min3A = arith.constant true
    %reduce_min3A_34 = vector.broadcast %reduce_min3A : i1 to vector<16xi1>
    %reduce_min3A_35 = arith.constant -2147483648 : i32
    %reduce_min3A_36 = vector.broadcast %reduce_min3A_35 : i32 to vector<16xi32>
    %reduce_min3A_37 = arith.xori %select_n3A, %reduce_min3A_36 : vector<16xi32>
    %reduce_min3A_38 = tpu.scan <min>, %reduce_min3A_37 masked %reduce_min3A_34 : vector<16xi32>, vector<16xi1> -> vector<16xi32>
    %reduce_min3A_39 = arith.xori %reduce_min3A_38, %reduce_min3A_36 : vector<16xi32>
    %reduce_min3A_40 = vector.extract %reduce_min3A_39[15] : i32 from vector<16xi32>
    %eq3A_41 = arith.constant 0 : i32
    %eq3A_42 = vector.broadcast %eq3A_41 : i32 to vector<16xi32>
    %eq3A_43 = arith.cmpi eq, %iota3A, %eq3A_42 : vector<16xi32>
    %jit3A_44 = arith.constant 0xFF800000 : f32
    %broadcast_in_dim3A_45 = vector.broadcast %jit3A_44 : f32 to vector<16xf32>
    %select_n3A_46 = arith.select %eq3A_43, %get3A_3, %broadcast_in_dim3A_45 : vector<16xi1>, vector<16xf32>
    %reduce_max3A_47 = arith.constant true
    %reduce_max3A_48 = vector.broadcast %reduce_max3A_47 : i1 to vector<16xi1>
    %reduce_max3A_49 = tpu.scan <max>, %select_n3A_46 masked %reduce_max3A_48 : vector<16xf32>, vector<16xi1> -> vector<16xf32>
    %reduce_max3A_50 = vector.extract %reduce_max3A_49[15] : f32 from vector<16xf32>
    %gt3A = arith.constant 0.000000e+00 : f32
    %gt3A_51 = arith.cmpf ogt, %reduce_max3A_50, %gt3A : f32
    %broadcast_in_dim3A_52 = vector.broadcast %reduce_max3A_50 : f32 to vector<16xf32>
    %broadcast_in_dim3A_53 = arith.constant 1.000000e+00 : f32
    %broadcast_in_dim3A_54 = vector.broadcast %broadcast_in_dim3A_53 : f32 to vector<16xf32>
    %select_n3A_55 = arith.select %gt3A_51, %broadcast_in_dim3A_52, %broadcast_in_dim3A_54 : vector<16xf32>
    %bitcast3A = vector.bitcast %select_n3A_55 : vector<16xf32> to vector<16xi32>
    %sub3A = arith.constant 2129859011 : i32
    %sub3A_56 = vector.broadcast %sub3A : i32 to vector<16xi32>
    %sub3A_57 = arith.subi %sub3A_56, %bitcast3A : vector<16xi32>
    %bitcast3A_58 = vector.bitcast %sub3A_57 : vector<16xi32> to vector<16xf32>
    %mul3A_59 = arith.mulf %select_n3A_55, %bitcast3A_58 : vector<16xf32>
    %sub3A_60 = arith.constant 2.000000e+00 : f32
    %sub3A_61 = vector.broadcast %sub3A_60 : f32 to vector<16xf32>
    %sub3A_62 = arith.subf %sub3A_61, %mul3A_59 : vector<16xf32>
    %mul3A_63 = arith.mulf %bitcast3A_58, %sub3A_62 : vector<16xf32>
    %mul3A_64 = arith.mulf %select_n3A_55, %mul3A_63 : vector<16xf32>
    %sub3A_65 = arith.constant 2.000000e+00 : f32
    %sub3A_66 = vector.broadcast %sub3A_65 : f32 to vector<16xf32>
    %sub3A_67 = arith.subf %sub3A_66, %mul3A_64 : vector<16xf32>
    %mul3A_68 = arith.mulf %mul3A_63, %sub3A_67 : vector<16xf32>
    %mul3A_69 = arith.mulf %select_n3A_55, %mul3A_68 : vector<16xf32>
    %sub3A_70 = arith.constant 2.000000e+00 : f32
    %sub3A_71 = vector.broadcast %sub3A_70 : f32 to vector<16xf32>
    %sub3A_72 = arith.subf %sub3A_71, %mul3A_69 : vector<16xf32>
    %mul3A_73 = arith.mulf %mul3A_68, %sub3A_72 : vector<16xf32>
    %mul3A_74 = arith.mulf %select_n3A_55, %mul3A_73 : vector<16xf32>
    %sub3A_75 = arith.constant 2.000000e+00 : f32
    %sub3A_76 = vector.broadcast %sub3A_75 : f32 to vector<16xf32>
    %sub3A_77 = arith.subf %sub3A_76, %mul3A_74 : vector<16xf32>
    %mul3A_78 = arith.mulf %mul3A_73, %sub3A_77 : vector<16xf32>
    %broadcast_in_dim3A_79 = vector.broadcast %reduce_max3A_31 : f32 to vector<16xf32>
    %mul3A_80 = arith.mulf %broadcast_in_dim3A_79, %mul3A_78 : vector<16xf32>
    %broadcast_in_dim3A_81 = arith.constant -1.000000e+00 : f32
    %broadcast_in_dim3A_82 = vector.broadcast %broadcast_in_dim3A_81 : f32 to vector<16xf32>
    %broadcast_in_dim3A_83 = arith.constant 1.000000e+00 : f32
    %broadcast_in_dim3A_84 = vector.broadcast %broadcast_in_dim3A_83 : f32 to vector<16xf32>
    %broadcast_in_dim3A_85 = arith.constant 0 : i32
    %broadcast_in_dim3A_86 = vector.broadcast %broadcast_in_dim3A_85 : i32 to vector<16xi32>
    %scan3A_87 = arith.constant 0 : i32
    %scan3A_88 = arith.constant 5 : i32
    %scan3A_89 = arith.addi %scan3A_87, %scan3A_88 : i32
    %scan3A_90 = arith.constant 1 : i32
    %scan3A_91:4 = scf.for %scan3A_584 = %scan3A_87 to %scan3A_89 step %scan3A_90 iter_args(%scan3A_585 = %broadcast_in_dim3A_82, %scan3A_586 = %broadcast_in_dim3A_84, %scan3A_587 = %broadcast_in_dim3A_86, %scan3A_588 = %iota3A) -> (vector<16xf32>, vector<16xf32>, vector<16xi32>, vector<16xi32>)  : i32 {
      %mul3A_589 = arith.constant 2 : i32
      %mul3A_590 = arith.muli %mul3A_589, %scan3A_584 : i32
      %dma_wait3A = arith.constant 0 : i32
      %dma_wait3A_591 = tpu.memref_slice %arg4[%add3A_8, %dma_wait3A] : memref<128x100000xf32, #tpu.memory_space<hbm>> -> memref<1x10000xf32, #tpu.memory_space<hbm>>
      %dma_wait3A_592 = tpu.memref_squeeze %dma_wait3A_591 : memref<1x10000xf32, #tpu.memory_space<hbm>> -> memref<10000xf32, #tpu.memory_space<hbm>>
      %dma_wait3A_593 = arith.constant 0 : i32
      %dma_wait3A_594 = tpu.memref_slice %arg4[%add3A_8, %dma_wait3A_593] : memref<128x100000xf32, #tpu.memory_space<hbm>> -> memref<1x10000xf32, #tpu.memory_space<hbm>>
      %dma_wait3A_595 = tpu.memref_squeeze %dma_wait3A_594 : memref<1x10000xf32, #tpu.memory_space<hbm>> -> memref<10000xf32, #tpu.memory_space<hbm>>
      tpu.wait_dma2 semaphore(%arg11 : memref<!tpu.dma_semaphore, #tpu.memory_space<semaphore_mem>>) src(%dma_wait3A_595 : memref<10000xf32, #tpu.memory_space<hbm>>) dst(%arg7 : memref<10000xf32, #tpu.memory_space<vmem>>)
      %scan3A_596 = arith.constant 0 : i32
      %scan3A_597 = arith.constant 625 : i32
      %scan3A_598 = arith.addi %scan3A_596, %scan3A_597 : i32
      %scan3A_599 = arith.constant 5 : i32
      %scan3A_600:4 = scf.for %scan3A_627 = %scan3A_596 to %scan3A_598 step %scan3A_599 iter_args(%scan3A_628 = %scan3A_585, %scan3A_629 = %scan3A_586, %scan3A_630 = %scan3A_587, %scan3A_631 = %scan3A_588) -> (vector<16xf32>, vector<16xf32>, vector<16xi32>, vector<16xi32>)  : i32 {
        %mul3A_632 = arith.constant 10000 : i32
        %mul3A_633 = arith.muli %mul3A_590, %mul3A_632 : i32
        %mul3A_634 = arith.constant 16 : i32
        %mul3A_635 = arith.muli %scan3A_627, %mul3A_634 : i32
        %add3A_636 = arith.addi %mul3A_633, %mul3A_635 : i32
        %get3A_637 = arith.index_cast %add3A_636 : i32 to index
        %get3A_638 = tpu.vector_load %arg6[%get3A_637] {strides = array<i32>} : memref<100000xf32, #tpu.memory_space<vmem>>, vector<16xf32>,
        %mul3A_639 = arith.constant 16 : i32
        %mul3A_640 = arith.muli %scan3A_627, %mul3A_639 : i32
        %get3A_641 = arith.index_cast %mul3A_640 : i32 to index
        %get3A_642 = tpu.vector_load %arg7[%get3A_641] {strides = array<i32>} : memref<10000xf32, #tpu.memory_space<vmem>>, vector<16xf32>,
        %mul3A_643 = arith.mulf %get3A_638, %mul3A_78 : vector<16xf32>
        %sub3A_644 = arith.subf %mul3A_643, %mul3A_80 : vector<16xf32>
        %exp3A = math.exp %sub3A_644 : vector<16xf32>
        %max3A = arith.constant 1.000000e-10 : f32
        %max3A_645 = vector.broadcast %max3A : f32 to vector<16xf32>
        %max3A_646 = arith.maximumf %get3A_642, %max3A_645 : vector<16xf32>
        %mul3A_647 = arith.mulf %exp3A, %scan3A_629 : vector<16xf32>
        %mul3A_648 = arith.mulf %scan3A_628, %max3A_646 : vector<16xf32>
        %gt3A_649 = arith.cmpf ogt, %mul3A_647, %mul3A_648 : vector<16xf32>
        %select_n3A_650 = arith.select %gt3A_649, %exp3A, %scan3A_628 : vector<16xi1>, vector<16xf32>
        %select_n3A_651 = arith.select %gt3A_649, %max3A_646, %scan3A_629 : vector<16xi1>, vector<16xf32>
        %select_n3A_652 = arith.select %gt3A_649, %scan3A_631, %scan3A_630 : vector<16xi1>, vector<16xi32>
        %add3A_653 = arith.constant 16 : i32
        %add3A_654 = vector.broadcast %add3A_653 : i32 to vector<16xi32>
        %add3A_655 = arith.addi %scan3A_631, %add3A_654 : vector<16xi32>
        %scan3A_656 = arith.constant 1 : i32
        %scan3A_657 = arith.addi %scan3A_627, %scan3A_656 : i32
        %mul3A_658 = arith.constant 10000 : i32
        %mul3A_659 = arith.muli %mul3A_590, %mul3A_658 : i32
        %mul3A_660 = arith.constant 16 : i32
        %mul3A_661 = arith.muli %scan3A_657, %mul3A_660 : i32
        %add3A_662 = arith.addi %mul3A_659, %mul3A_661 : i32
        %get3A_663 = arith.index_cast %add3A_662 : i32 to index
        %get3A_664 = tpu.vector_load %arg6[%get3A_663] {strides = array<i32>} : memref<100000xf32, #tpu.memory_space<vmem>>, vector<16xf32>,
        %mul3A_665 = arith.constant 16 : i32
        %mul3A_666 = arith.muli %scan3A_657, %mul3A_665 : i32
        %get3A_667 = arith.index_cast %mul3A_666 : i32 to index
        %get3A_668 = tpu.vector_load %arg7[%get3A_667] {strides = array<i32>} : memref<10000xf32, #tpu.memory_space<vmem>>, vector<16xf32>,
        %mul3A_669 = arith.mulf %get3A_664, %mul3A_78 : vector<16xf32>
        %sub3A_670 = arith.subf %mul3A_669, %mul3A_80 : vector<16xf32>
        %exp3A_671 = math.exp %sub3A_670 : vector<16xf32>
        %max3A_672 = arith.constant 1.000000e-10 : f32
        %max3A_673 = vector.broadcast %max3A_672 : f32 to vector<16xf32>
        %max3A_674 = arith.maximumf %get3A_668, %max3A_673 : vector<16xf32>
        %mul3A_675 = arith.mulf %exp3A_671, %select_n3A_651 : vector<16xf32>
        %mul3A_676 = arith.mulf %select_n3A_650, %max3A_674 : vector<16xf32>
        %gt3A_677 = arith.cmpf ogt, %mul3A_675, %mul3A_676 : vector<16xf32>
        %select_n3A_678 = arith.select %gt3A_677, %exp3A_671, %select_n3A_650 : vector<16xi1>, vector<16xf32>
        %select_n3A_679 = arith.select %gt3A_677, %max3A_674, %select_n3A_651 : vector<16xi1>, vector<16xf32>
        %select_n3A_680 = arith.select %gt3A_677, %add3A_655, %select_n3A_652 : vector<16xi1>, vector<16xi32>
        %add3A_681 = arith.constant 16 : i32
        %add3A_682 = vector.broadcast %add3A_681 : i32 to vector<16xi32>
        %add3A_683 = arith.addi %add3A_655, %add3A_682 : vector<16xi32>
        %scan3A_684 = arith.constant 2 : i32
        %scan3A_685 = arith.addi %scan3A_627, %scan3A_684 : i32
        %mul3A_686 = arith.constant 10000 : i32
        %mul3A_687 = arith.muli %mul3A_590, %mul3A_686 : i32
        %mul3A_688 = arith.constant 16 : i32
        %mul3A_689 = arith.muli %scan3A_685, %mul3A_688 : i32
        %add3A_690 = arith.addi %mul3A_687, %mul3A_689 : i32
        %get3A_691 = arith.index_cast %add3A_690 : i32 to index
        %get3A_692 = tpu.vector_load %arg6[%get3A_691] {strides = array<i32>} : memref<100000xf32, #tpu.memory_space<vmem>>, vector<16xf32>,
        %mul3A_693 = arith.constant 16 : i32
        %mul3A_694 = arith.muli %scan3A_685, %mul3A_693 : i32
        %get3A_695 = arith.index_cast %mul3A_694 : i32 to index
        %get3A_696 = tpu.vector_load %arg7[%get3A_695] {strides = array<i32>} : memref<10000xf32, #tpu.memory_space<vmem>>, vector<16xf32>,
        %mul3A_697 = arith.mulf %get3A_692, %mul3A_78 : vector<16xf32>
        %sub3A_698 = arith.subf %mul3A_697, %mul3A_80 : vector<16xf32>
        %exp3A_699 = math.exp %sub3A_698 : vector<16xf32>
        %max3A_700 = arith.constant 1.000000e-10 : f32
        %max3A_701 = vector.broadcast %max3A_700 : f32 to vector<16xf32>
        %max3A_702 = arith.maximumf %get3A_696, %max3A_701 : vector<16xf32>
        %mul3A_703 = arith.mulf %exp3A_699, %select_n3A_679 : vector<16xf32>
        %mul3A_704 = arith.mulf %select_n3A_678, %max3A_702 : vector<16xf32>
        %gt3A_705 = arith.cmpf ogt, %mul3A_703, %mul3A_704 : vector<16xf32>
        %select_n3A_706 = arith.select %gt3A_705, %exp3A_699, %select_n3A_678 : vector<16xi1>, vector<16xf32>
        %select_n3A_707 = arith.select %gt3A_705, %max3A_702, %select_n3A_679 : vector<16xi1>, vector<16xf32>
        %select_n3A_708 = arith.select %gt3A_705, %add3A_683, %select_n3A_680 : vector<16xi1>, vector<16xi32>
        %add3A_709 = arith.constant 16 : i32
        %add3A_710 = vector.broadcast %add3A_709 : i32 to vector<16xi32>
        %add3A_711 = arith.addi %add3A_683, %add3A_710 : vector<16xi32>
        %scan3A_712 = arith.constant 3 : i32
        %scan3A_713 = arith.addi %scan3A_627, %scan3A_712 : i32
        %mul3A_714 = arith.constant 10000 : i32
        %mul3A_715 = arith.muli %mul3A_590, %mul3A_714 : i32
        %mul3A_716 = arith.constant 16 : i32
        %mul3A_717 = arith.muli %scan3A_713, %mul3A_716 : i32
        %add3A_718 = arith.addi %mul3A_715, %mul3A_717 : i32
        %get3A_719 = arith.index_cast %add3A_718 : i32 to index
        %get3A_720 = tpu.vector_load %arg6[%get3A_719] {strides = array<i32>} : memref<100000xf32, #tpu.memory_space<vmem>>, vector<16xf32>,
        %mul3A_721 = arith.constant 16 : i32
        %mul3A_722 = arith.muli %scan3A_713, %mul3A_721 : i32
        %get3A_723 = arith.index_cast %mul3A_722 : i32 to index
        %get3A_724 = tpu.vector_load %arg7[%get3A_723] {strides = array<i32>} : memref<10000xf32, #tpu.memory_space<vmem>>, vector<16xf32>,
        %mul3A_725 = arith.mulf %get3A_720, %mul3A_78 : vector<16xf32>
        %sub3A_726 = arith.subf %mul3A_725, %mul3A_80 : vector<16xf32>
        %exp3A_727 = math.exp %sub3A_726 : vector<16xf32>
        %max3A_728 = arith.constant 1.000000e-10 : f32
        %max3A_729 = vector.broadcast %max3A_728 : f32 to vector<16xf32>
        %max3A_730 = arith.maximumf %get3A_724, %max3A_729 : vector<16xf32>
        %mul3A_731 = arith.mulf %exp3A_727, %select_n3A_707 : vector<16xf32>
        %mul3A_732 = arith.mulf %select_n3A_706, %max3A_730 : vector<16xf32>
        %gt3A_733 = arith.cmpf ogt, %mul3A_731, %mul3A_732 : vector<16xf32>
        %select_n3A_734 = arith.select %gt3A_733, %exp3A_727, %select_n3A_706 : vector<16xi1>, vector<16xf32>
        %select_n3A_735 = arith.select %gt3A_733, %max3A_730, %select_n3A_707 : vector<16xi1>, vector<16xf32>
        %select_n3A_736 = arith.select %gt3A_733, %add3A_711, %select_n3A_708 : vector<16xi1>, vector<16xi32>
        %add3A_737 = arith.constant 16 : i32
        %add3A_738 = vector.broadcast %add3A_737 : i32 to vector<16xi32>
        %add3A_739 = arith.addi %add3A_711, %add3A_738 : vector<16xi32>
        %scan3A_740 = arith.constant 4 : i32
        %scan3A_741 = arith.addi %scan3A_627, %scan3A_740 : i32
        %mul3A_742 = arith.constant 10000 : i32
        %mul3A_743 = arith.muli %mul3A_590, %mul3A_742 : i32
        %mul3A_744 = arith.constant 16 : i32
        %mul3A_745 = arith.muli %scan3A_741, %mul3A_744 : i32
        %add3A_746 = arith.addi %mul3A_743, %mul3A_745 : i32
        %get3A_747 = arith.index_cast %add3A_746 : i32 to index
        %get3A_748 = tpu.vector_load %arg6[%get3A_747] {strides = array<i32>} : memref<100000xf32, #tpu.memory_space<vmem>>, vector<16xf32>,
        %mul3A_749 = arith.constant 16 : i32
        %mul3A_750 = arith.muli %scan3A_741, %mul3A_749 : i32
        %get3A_751 = arith.index_cast %mul3A_750 : i32 to index
        %get3A_752 = tpu.vector_load %arg7[%get3A_751] {strides = array<i32>} : memref<10000xf32, #tpu.memory_space<vmem>>, vector<16xf32>,
        %mul3A_753 = arith.mulf %get3A_748, %mul3A_78 : vector<16xf32>
        %sub3A_754 = arith.subf %mul3A_753, %mul3A_80 : vector<16xf32>
        %exp3A_755 = math.exp %sub3A_754 : vector<16xf32>
        %max3A_756 = arith.constant 1.000000e-10 : f32
        %max3A_757 = vector.broadcast %max3A_756 : f32 to vector<16xf32>
        %max3A_758 = arith.maximumf %get3A_752, %max3A_757 : vector<16xf32>
        %mul3A_759 = arith.mulf %exp3A_755, %select_n3A_735 : vector<16xf32>
        %mul3A_760 = arith.mulf %select_n3A_734, %max3A_758 : vector<16xf32>
        %gt3A_761 = arith.cmpf ogt, %mul3A_759, %mul3A_760 : vector<16xf32>
        %select_n3A_762 = arith.select %gt3A_761, %exp3A_755, %select_n3A_734 : vector<16xi1>, vector<16xf32>
        %select_n3A_763 = arith.select %gt3A_761, %max3A_758, %select_n3A_735 : vector<16xi1>, vector<16xf32>
        %select_n3A_764 = arith.select %gt3A_761, %add3A_739, %select_n3A_736 : vector<16xi1>, vector<16xi32>
        %add3A_765 = arith.constant 16 : i32
        %add3A_766 = vector.broadcast %add3A_765 : i32 to vector<16xi32>
        %add3A_767 = arith.addi %add3A_739, %add3A_766 : vector<16xi32>
        scf.yield %select_n3A_762, %select_n3A_763, %select_n3A_764, %add3A_767 : vector<16xf32>, vector<16xf32>, vector<16xi32>, vector<16xi32>
      }
      %scan3A_601 = arith.constant 625 : i32
      %add3A_602 = arith.constant 2 : i32
      %add3A_603 = arith.addi %mul3A_590, %add3A_602 : i32
      %lt3A = arith.constant 10 : i32
      %lt3A_604 = arith.cmpi slt, %add3A_603, %lt3A : i32
      %convert_element_type3A = arith.extui %lt3A_604 : i1 to i32
      %cond3A = arith.constant 0 : i32
      %cond3A_605 = arith.cmpi ne, %convert_element_type3A, %cond3A : i32
      scf.if %cond3A_605 {
        %add3A_627 = arith.constant 2 : i32
        %add3A_628 = arith.addi %mul3A_590, %add3A_627 : i32
        %mul3A_629 = arith.constant 10000 : i32
        %mul3A_630 = arith.muli %add3A_628, %mul3A_629 : i32
        %dma_start3A_631 = tpu.memref_slice %arg4[%add3A_8, %mul3A_630] : memref<128x100000xf32, #tpu.memory_space<hbm>> -> memref<1x10000xf32, #tpu.memory_space<hbm>>
        %dma_start3A_632 = tpu.memref_squeeze %dma_start3A_631 : memref<1x10000xf32, #tpu.memory_space<hbm>> -> memref<10000xf32, #tpu.memory_space<hbm>>
        %dma_start3A_633 = tpu.memref_slice %arg4[%add3A_8, %mul3A_630] : memref<128x100000xf32, #tpu.memory_space<hbm>> -> memref<1x10000xf32, #tpu.memory_space<hbm>>
        %dma_start3A_634 = tpu.memref_squeeze %dma_start3A_633 : memref<1x10000xf32, #tpu.memory_space<hbm>> -> memref<10000xf32, #tpu.memory_space<hbm>>
        tpu.enqueue_dma source(%dma_start3A_634 : memref<10000xf32, #tpu.memory_space<hbm>>) target(%arg7 : memref<10000xf32, #tpu.memory_space<vmem>>) target_semaphore(%arg11 : memref<!tpu.dma_semaphore, #tpu.memory_space<semaphore_mem>>)
      } else {
      }
      %dma_wait3A_606 = arith.constant 0 : i32
      %dma_wait3A_607 = tpu.memref_slice %arg4[%add3A_8, %dma_wait3A_606] : memref<128x100000xf32, #tpu.memory_space<hbm>> -> memref<1x10000xf32, #tpu.memory_space<hbm>>
      %dma_wait3A_608 = tpu.memref_squeeze %dma_wait3A_607 : memref<1x10000xf32, #tpu.memory_space<hbm>> -> memref<10000xf32, #tpu.memory_space<hbm>>
      %dma_wait3A_609 = arith.constant 0 : i32
      %dma_wait3A_610 = tpu.memref_slice %arg4[%add3A_8, %dma_wait3A_609] : memref<128x100000xf32, #tpu.memory_space<hbm>> -> memref<1x10000xf32, #tpu.memory_space<hbm>>
      %dma_wait3A_611 = tpu.memref_squeeze %dma_wait3A_610 : memref<1x10000xf32, #tpu.memory_space<hbm>> -> memref<10000xf32, #tpu.memory_space<hbm>>
      tpu.wait_dma2 semaphore(%arg12 : memref<!tpu.dma_semaphore, #tpu.memory_space<semaphore_mem>>) src(%dma_wait3A_611 : memref<10000xf32, #tpu.memory_space<hbm>>) dst(%arg8 : memref<10000xf32, #tpu.memory_space<vmem>>)
      %add3A_612 = arith.constant 1 : i32
      %add3A_613 = arith.addi %mul3A_590, %add3A_612 : i32
      %scan3A_614 = arith.constant 0 : i32
      %scan3A_615 = arith.constant 625 : i32
      %scan3A_616 = arith.addi %scan3A_614, %scan3A_615 : i32
      %scan3A_617 = arith.constant 5 : i32
      %scan3A_618:4 = scf.for %scan3A_627 = %scan3A_614 to %scan3A_616 step %scan3A_617 iter_args(%scan3A_628 = %scan3A_600#0, %scan3A_629 = %scan3A_600#1, %scan3A_630 = %scan3A_600#2, %scan3A_631 = %scan3A_600#3) -> (vector<16xf32>, vector<16xf32>, vector<16xi32>, vector<16xi32>)  : i32 {
        %mul3A_632 = arith.constant 10000 : i32
        %mul3A_633 = arith.muli %add3A_613, %mul3A_632 : i32
        %mul3A_634 = arith.constant 16 : i32
        %mul3A_635 = arith.muli %scan3A_627, %mul3A_634 : i32
        %add3A_636 = arith.addi %mul3A_633, %mul3A_635 : i32
        %get3A_637 = arith.index_cast %add3A_636 : i32 to index
        %get3A_638 = tpu.vector_load %arg6[%get3A_637] {strides = array<i32>} : memref<100000xf32, #tpu.memory_space<vmem>>, vector<16xf32>,
        %mul3A_639 = arith.constant 16 : i32
        %mul3A_640 = arith.muli %scan3A_627, %mul3A_639 : i32
        %get3A_641 = arith.index_cast %mul3A_640 : i32 to index
        %get3A_642 = tpu.vector_load %arg8[%get3A_641] {strides = array<i32>} : memref<10000xf32, #tpu.memory_space<vmem>>, vector<16xf32>,
        %mul3A_643 = arith.mulf %get3A_638, %mul3A_78 : vector<16xf32>
        %sub3A_644 = arith.subf %mul3A_643, %mul3A_80 : vector<16xf32>
        %exp3A = math.exp %sub3A_644 : vector<16xf32>
        %max3A = arith.constant 1.000000e-10 : f32
        %max3A_645 = vector.broadcast %max3A : f32 to vector<16xf32>
        %max3A_646 = arith.maximumf %get3A_642, %max3A_645 : vector<16xf32>
        %mul3A_647 = arith.mulf %exp3A, %scan3A_629 : vector<16xf32>
        %mul3A_648 = arith.mulf %scan3A_628, %max3A_646 : vector<16xf32>
        %gt3A_649 = arith.cmpf ogt, %mul3A_647, %mul3A_648 : vector<16xf32>
        %select_n3A_650 = arith.select %gt3A_649, %exp3A, %scan3A_628 : vector<16xi1>, vector<16xf32>
        %select_n3A_651 = arith.select %gt3A_649, %max3A_646, %scan3A_629 : vector<16xi1>, vector<16xf32>
        %select_n3A_652 = arith.select %gt3A_649, %scan3A_631, %scan3A_630 : vector<16xi1>, vector<16xi32>
        %add3A_653 = arith.constant 16 : i32
        %add3A_654 = vector.broadcast %add3A_653 : i32 to vector<16xi32>
        %add3A_655 = arith.addi %scan3A_631, %add3A_654 : vector<16xi32>
        %scan3A_656 = arith.constant 1 : i32
        %scan3A_657 = arith.addi %scan3A_627, %scan3A_656 : i32
        %mul3A_658 = arith.constant 10000 : i32
        %mul3A_659 = arith.muli %add3A_613, %mul3A_658 : i32
        %mul3A_660 = arith.constant 16 : i32
        %mul3A_661 = arith.muli %scan3A_657, %mul3A_660 : i32
        %add3A_662 = arith.addi %mul3A_659, %mul3A_661 : i32
        %get3A_663 = arith.index_cast %add3A_662 : i32 to index
        %get3A_664 = tpu.vector_load %arg6[%get3A_663] {strides = array<i32>} : memref<100000xf32, #tpu.memory_space<vmem>>, vector<16xf32>,
        %mul3A_665 = arith.constant 16 : i32
        %mul3A_666 = arith.muli %scan3A_657, %mul3A_665 : i32
        %get3A_667 = arith.index_cast %mul3A_666 : i32 to index
        %get3A_668 = tpu.vector_load %arg8[%get3A_667] {strides = array<i32>} : memref<10000xf32, #tpu.memory_space<vmem>>, vector<16xf32>,
        %mul3A_669 = arith.mulf %get3A_664, %mul3A_78 : vector<16xf32>
        %sub3A_670 = arith.subf %mul3A_669, %mul3A_80 : vector<16xf32>
        %exp3A_671 = math.exp %sub3A_670 : vector<16xf32>
        %max3A_672 = arith.constant 1.000000e-10 : f32
        %max3A_673 = vector.broadcast %max3A_672 : f32 to vector<16xf32>
        %max3A_674 = arith.maximumf %get3A_668, %max3A_673 : vector<16xf32>
        %mul3A_675 = arith.mulf %exp3A_671, %select_n3A_651 : vector<16xf32>
        %mul3A_676 = arith.mulf %select_n3A_650, %max3A_674 : vector<16xf32>
        %gt3A_677 = arith.cmpf ogt, %mul3A_675, %mul3A_676 : vector<16xf32>
        %select_n3A_678 = arith.select %gt3A_677, %exp3A_671, %select_n3A_650 : vector<16xi1>, vector<16xf32>
        %select_n3A_679 = arith.select %gt3A_677, %max3A_674, %select_n3A_651 : vector<16xi1>, vector<16xf32>
        %select_n3A_680 = arith.select %gt3A_677, %add3A_655, %select_n3A_652 : vector<16xi1>, vector<16xi32>
        %add3A_681 = arith.constant 16 : i32
        %add3A_682 = vector.broadcast %add3A_681 : i32 to vector<16xi32>
        %add3A_683 = arith.addi %add3A_655, %add3A_682 : vector<16xi32>
        %scan3A_684 = arith.constant 2 : i32
        %scan3A_685 = arith.addi %scan3A_627, %scan3A_684 : i32
        %mul3A_686 = arith.constant 10000 : i32
        %mul3A_687 = arith.muli %add3A_613, %mul3A_686 : i32
        %mul3A_688 = arith.constant 16 : i32
        %mul3A_689 = arith.muli %scan3A_685, %mul3A_688 : i32
        %add3A_690 = arith.addi %mul3A_687, %mul3A_689 : i32
        %get3A_691 = arith.index_cast %add3A_690 : i32 to index
        %get3A_692 = tpu.vector_load %arg6[%get3A_691] {strides = array<i32>} : memref<100000xf32, #tpu.memory_space<vmem>>, vector<16xf32>,
        %mul3A_693 = arith.constant 16 : i32
        %mul3A_694 = arith.muli %scan3A_685, %mul3A_693 : i32
        %get3A_695 = arith.index_cast %mul3A_694 : i32 to index
        %get3A_696 = tpu.vector_load %arg8[%get3A_695] {strides = array<i32>} : memref<10000xf32, #tpu.memory_space<vmem>>, vector<16xf32>,
        %mul3A_697 = arith.mulf %get3A_692, %mul3A_78 : vector<16xf32>
        %sub3A_698 = arith.subf %mul3A_697, %mul3A_80 : vector<16xf32>
        %exp3A_699 = math.exp %sub3A_698 : vector<16xf32>
        %max3A_700 = arith.constant 1.000000e-10 : f32
        %max3A_701 = vector.broadcast %max3A_700 : f32 to vector<16xf32>
        %max3A_702 = arith.maximumf %get3A_696, %max3A_701 : vector<16xf32>
        %mul3A_703 = arith.mulf %exp3A_699, %select_n3A_679 : vector<16xf32>
        %mul3A_704 = arith.mulf %select_n3A_678, %max3A_702 : vector<16xf32>
        %gt3A_705 = arith.cmpf ogt, %mul3A_703, %mul3A_704 : vector<16xf32>
        %select_n3A_706 = arith.select %gt3A_705, %exp3A_699, %select_n3A_678 : vector<16xi1>, vector<16xf32>
        %select_n3A_707 = arith.select %gt3A_705, %max3A_702, %select_n3A_679 : vector<16xi1>, vector<16xf32>
        %select_n3A_708 = arith.select %gt3A_705, %add3A_683, %select_n3A_680 : vector<16xi1>, vector<16xi32>
        %add3A_709 = arith.constant 16 : i32
        %add3A_710 = vector.broadcast %add3A_709 : i32 to vector<16xi32>
        %add3A_711 = arith.addi %add3A_683, %add3A_710 : vector<16xi32>
        %scan3A_712 = arith.constant 3 : i32
        %scan3A_713 = arith.addi %scan3A_627, %scan3A_712 : i32
        %mul3A_714 = arith.constant 10000 : i32
        %mul3A_715 = arith.muli %add3A_613, %mul3A_714 : i32
        %mul3A_716 = arith.constant 16 : i32
        %mul3A_717 = arith.muli %scan3A_713, %mul3A_716 : i32
        %add3A_718 = arith.addi %mul3A_715, %mul3A_717 : i32
        %get3A_719 = arith.index_cast %add3A_718 : i32 to index
        %get3A_720 = tpu.vector_load %arg6[%get3A_719] {strides = array<i32>} : memref<100000xf32, #tpu.memory_space<vmem>>, vector<16xf32>,
        %mul3A_721 = arith.constant 16 : i32
        %mul3A_722 = arith.muli %scan3A_713, %mul3A_721 : i32
        %get3A_723 = arith.index_cast %mul3A_722 : i32 to index
        %get3A_724 = tpu.vector_load %arg8[%get3A_723] {strides = array<i32>} : memref<10000xf32, #tpu.memory_space<vmem>>, vector<16xf32>,
        %mul3A_725 = arith.mulf %get3A_720, %mul3A_78 : vector<16xf32>
        %sub3A_726 = arith.subf %mul3A_725, %mul3A_80 : vector<16xf32>
        %exp3A_727 = math.exp %sub3A_726 : vector<16xf32>
        %max3A_728 = arith.constant 1.000000e-10 : f32
        %max3A_729 = vector.broadcast %max3A_728 : f32 to vector<16xf32>
        %max3A_730 = arith.maximumf %get3A_724, %max3A_729 : vector<16xf32>
        %mul3A_731 = arith.mulf %exp3A_727, %select_n3A_707 : vector<16xf32>
        %mul3A_732 = arith.mulf %select_n3A_706, %max3A_730 : vector<16xf32>
        %gt3A_733 = arith.cmpf ogt, %mul3A_731, %mul3A_732 : vector<16xf32>
        %select_n3A_734 = arith.select %gt3A_733, %exp3A_727, %select_n3A_706 : vector<16xi1>, vector<16xf32>
        %select_n3A_735 = arith.select %gt3A_733, %max3A_730, %select_n3A_707 : vector<16xi1>, vector<16xf32>
        %select_n3A_736 = arith.select %gt3A_733, %add3A_711, %select_n3A_708 : vector<16xi1>, vector<16xi32>
        %add3A_737 = arith.constant 16 : i32
        %add3A_738 = vector.broadcast %add3A_737 : i32 to vector<16xi32>
        %add3A_739 = arith.addi %add3A_711, %add3A_738 : vector<16xi32>
        %scan3A_740 = arith.constant 4 : i32
        %scan3A_741 = arith.addi %scan3A_627, %scan3A_740 : i32
        %mul3A_742 = arith.constant 10000 : i32
        %mul3A_743 = arith.muli %add3A_613, %mul3A_742 : i32
        %mul3A_744 = arith.constant 16 : i32
        %mul3A_745 = arith.muli %scan3A_741, %mul3A_744 : i32
        %add3A_746 = arith.addi %mul3A_743, %mul3A_745 : i32
        %get3A_747 = arith.index_cast %add3A_746 : i32 to index
        %get3A_748 = tpu.vector_load %arg6[%get3A_747] {strides = array<i32>} : memref<100000xf32, #tpu.memory_space<vmem>>, vector<16xf32>,
        %mul3A_749 = arith.constant 16 : i32
        %mul3A_750 = arith.muli %scan3A_741, %mul3A_749 : i32
        %get3A_751 = arith.index_cast %mul3A_750 : i32 to index
        %get3A_752 = tpu.vector_load %arg8[%get3A_751] {strides = array<i32>} : memref<10000xf32, #tpu.memory_space<vmem>>, vector<16xf32>,
        %mul3A_753 = arith.mulf %get3A_748, %mul3A_78 : vector<16xf32>
        %sub3A_754 = arith.subf %mul3A_753, %mul3A_80 : vector<16xf32>
        %exp3A_755 = math.exp %sub3A_754 : vector<16xf32>
        %max3A_756 = arith.constant 1.000000e-10 : f32
        %max3A_757 = vector.broadcast %max3A_756 : f32 to vector<16xf32>
        %max3A_758 = arith.maximumf %get3A_752, %max3A_757 : vector<16xf32>
        %mul3A_759 = arith.mulf %exp3A_755, %select_n3A_735 : vector<16xf32>
        %mul3A_760 = arith.mulf %select_n3A_734, %max3A_758 : vector<16xf32>
        %gt3A_761 = arith.cmpf ogt, %mul3A_759, %mul3A_760 : vector<16xf32>
        %select_n3A_762 = arith.select %gt3A_761, %exp3A_755, %select_n3A_734 : vector<16xi1>, vector<16xf32>
        %select_n3A_763 = arith.select %gt3A_761, %max3A_758, %select_n3A_735 : vector<16xi1>, vector<16xf32>
        %select_n3A_764 = arith.select %gt3A_761, %add3A_739, %select_n3A_736 : vector<16xi1>, vector<16xi32>
        %add3A_765 = arith.constant 16 : i32
        %add3A_766 = vector.broadcast %add3A_765 : i32 to vector<16xi32>
        %add3A_767 = arith.addi %add3A_739, %add3A_766 : vector<16xi32>
        scf.yield %select_n3A_762, %select_n3A_763, %select_n3A_764, %add3A_767 : vector<16xf32>, vector<16xf32>, vector<16xi32>, vector<16xi32>
      }
      %scan3A_619 = arith.constant 625 : i32
      %add3A_620 = arith.constant 3 : i32
      %add3A_621 = arith.addi %mul3A_590, %add3A_620 : i32
      %lt3A_622 = arith.constant 10 : i32
      %lt3A_623 = arith.cmpi slt, %add3A_621, %lt3A_622 : i32
      %convert_element_type3A_624 = arith.extui %lt3A_623 : i1 to i32
      %cond3A_625 = arith.constant 0 : i32
      %cond3A_626 = arith.cmpi ne, %convert_element_type3A_624, %cond3A_625 : i32
      scf.if %cond3A_626 {
        %add3A_627 = arith.constant 3 : i32
        %add3A_628 = arith.addi %mul3A_590, %add3A_627 : i32
        %mul3A_629 = arith.constant 10000 : i32
        %mul3A_630 = arith.muli %add3A_628, %mul3A_629 : i32
        %dma_start3A_631 = tpu.memref_slice %arg4[%add3A_8, %mul3A_630] : memref<128x100000xf32, #tpu.memory_space<hbm>> -> memref<1x10000xf32, #tpu.memory_space<hbm>>
        %dma_start3A_632 = tpu.memref_squeeze %dma_start3A_631 : memref<1x10000xf32, #tpu.memory_space<hbm>> -> memref<10000xf32, #tpu.memory_space<hbm>>
        %dma_start3A_633 = tpu.memref_slice %arg4[%add3A_8, %mul3A_630] : memref<128x100000xf32, #tpu.memory_space<hbm>> -> memref<1x10000xf32, #tpu.memory_space<hbm>>
        %dma_start3A_634 = tpu.memref_squeeze %dma_start3A_633 : memref<1x10000xf32, #tpu.memory_space<hbm>> -> memref<10000xf32, #tpu.memory_space<hbm>>
        tpu.enqueue_dma source(%dma_start3A_634 : memref<10000xf32, #tpu.memory_space<hbm>>) target(%arg8 : memref<10000xf32, #tpu.memory_space<vmem>>) target_semaphore(%arg12 : memref<!tpu.dma_semaphore, #tpu.memory_space<semaphore_mem>>)
      } else {
      }
      scf.yield %scan3A_618#0, %scan3A_618#1, %scan3A_618#2, %scan3A_618#3 : vector<16xf32>, vector<16xf32>, vector<16xi32>, vector<16xi32>
    }
    %scan3A_92 = arith.constant 5 : i32
    %bitcast3A_93 = vector.bitcast %scan3A_91#1 : vector<16xf32> to vector<16xi32>
    %sub3A_94 = arith.constant 2129859011 : i32
    %sub3A_95 = vector.broadcast %sub3A_94 : i32 to vector<16xi32>
    %sub3A_96 = arith.subi %sub3A_95, %bitcast3A_93 : vector<16xi32>
    %bitcast3A_97 = vector.bitcast %sub3A_96 : vector<16xi32> to vector<16xf32>
    %mul3A_98 = arith.mulf %scan3A_91#1, %bitcast3A_97 : vector<16xf32>
    %sub3A_99 = arith.constant 2.000000e+00 : f32
    %sub3A_100 = vector.broadcast %sub3A_99 : f32 to vector<16xf32>
    %sub3A_101 = arith.subf %sub3A_100, %mul3A_98 : vector<16xf32>
    %mul3A_102 = arith.mulf %bitcast3A_97, %sub3A_101 : vector<16xf32>
    %mul3A_103 = arith.mulf %scan3A_91#1, %mul3A_102 : vector<16xf32>
    %sub3A_104 = arith.constant 2.000000e+00 : f32
    %sub3A_105 = vector.broadcast %sub3A_104 : f32 to vector<16xf32>
    %sub3A_106 = arith.subf %sub3A_105, %mul3A_103 : vector<16xf32>
    %mul3A_107 = arith.mulf %mul3A_102, %sub3A_106 : vector<16xf32>
    %mul3A_108 = arith.mulf %scan3A_91#1, %mul3A_107 : vector<16xf32>
    %sub3A_109 = arith.constant 2.000000e+00 : f32
    %sub3A_110 = vector.broadcast %sub3A_109 : f32 to vector<16xf32>
    %sub3A_111 = arith.subf %sub3A_110, %mul3A_108 : vector<16xf32>
    %mul3A_112 = arith.mulf %mul3A_107, %sub3A_111 : vector<16xf32>
    %mul3A_113 = arith.mulf %scan3A_91#1, %mul3A_112 : vector<16xf32>
    %sub3A_114 = arith.constant 2.000000e+00 : f32
    %sub3A_115 = vector.broadcast %sub3A_114 : f32 to vector<16xf32>
    %sub3A_116 = arith.subf %sub3A_115, %mul3A_113 : vector<16xf32>
    %mul3A_117 = arith.mulf %mul3A_112, %sub3A_116 : vector<16xf32>
    %mul3A_118 = arith.mulf %scan3A_91#0, %mul3A_117 : vector<16xf32>
    %reduce_max3A_119 = arith.constant true
    %reduce_max3A_120 = vector.broadcast %reduce_max3A_119 : i1 to vector<16xi1>
    %reduce_max3A_121 = tpu.scan <max>, %mul3A_118 masked %reduce_max3A_120 : vector<16xf32>, vector<16xi1> -> vector<16xf32>
    %reduce_max3A_122 = vector.extract %reduce_max3A_121[15] : f32 from vector<16xf32>
    %eq3A_123 = vector.broadcast %reduce_max3A_122 : f32 to vector<16xf32>
    %eq3A_124 = arith.cmpf oeq, %mul3A_118, %eq3A_123 : vector<16xf32>
    %jit3A_125 = arith.constant 2147483647 : i32
    %broadcast_in_dim3A_126 = vector.broadcast %jit3A_125 : i32 to vector<16xi32>
    %select_n3A_127 = arith.select %eq3A_124, %scan3A_91#2, %broadcast_in_dim3A_126 : vector<16xi1>, vector<16xi32>
    %reduce_min3A_128 = arith.constant true
    %reduce_min3A_129 = vector.broadcast %reduce_min3A_128 : i1 to vector<16xi1>
    %reduce_min3A_130 = arith.constant -2147483648 : i32
    %reduce_min3A_131 = vector.broadcast %reduce_min3A_130 : i32 to vector<16xi32>
    %reduce_min3A_132 = arith.xori %select_n3A_127, %reduce_min3A_131 : vector<16xi32>
    %reduce_min3A_133 = tpu.scan <min>, %reduce_min3A_132 masked %reduce_min3A_129 : vector<16xi32>, vector<16xi1> -> vector<16xi32>
    %reduce_min3A_134 = arith.xori %reduce_min3A_133, %reduce_min3A_131 : vector<16xi32>
    %reduce_min3A_135 = vector.extract %reduce_min3A_134[15] : i32 from vector<16xi32>
    %select_n3A_136 = arith.select %gt3A_51, %reduce_min3A_135, %reduce_min3A_40 : i32
    %eq3A_137 = arith.constant 0 : i32
    %eq3A_138 = vector.broadcast %eq3A_137 : i32 to vector<16xi32>
    %eq3A_139 = arith.cmpi eq, %iota3A, %eq3A_138 : vector<16xi32>
    %broadcast_in_dim3A_140 = vector.broadcast %select_n3A_136 : i32 to vector<16xi32>
    %select_n3A_141 = arith.select %eq3A_139, %broadcast_in_dim3A_140, %broadcast_in_dim3A_4 : vector<16xi1>, vector<16xi32>
    %mul3A_142 = arith.constant 4 : i32
    %mul3A_143 = arith.muli %add3A, %mul3A_142 : i32
    %add3A_144 = arith.constant 1 : i32
    %add3A_145 = arith.addi %mul3A_143, %add3A_144 : i32
    %dma_start3A_146 = arith.constant 0 : i32
    %dma_start3A_147 = tpu.memref_slice %arg4[%add3A_145, %dma_start3A_146] : memref<128x100000xf32, #tpu.memory_space<hbm>> -> memref<1x10000xf32, #tpu.memory_space<hbm>>
    %dma_start3A_148 = tpu.memref_squeeze %dma_start3A_147 : memref<1x10000xf32, #tpu.memory_space<hbm>> -> memref<10000xf32, #tpu.memory_space<hbm>>
    %dma_start3A_149 = arith.constant 0 : i32
    %dma_start3A_150 = tpu.memref_slice %arg4[%add3A_145, %dma_start3A_149] : memref<128x100000xf32, #tpu.memory_space<hbm>> -> memref<1x10000xf32, #tpu.memory_space<hbm>>
    %dma_start3A_151 = tpu.memref_squeeze %dma_start3A_150 : memref<1x10000xf32, #tpu.memory_space<hbm>> -> memref<10000xf32, #tpu.memory_space<hbm>>
    tpu.enqueue_dma source(%dma_start3A_151 : memref<10000xf32, #tpu.memory_space<hbm>>) target(%arg7 : memref<10000xf32, #tpu.memory_space<vmem>>) target_semaphore(%arg11 : memref<!tpu.dma_semaphore, #tpu.memory_space<semaphore_mem>>)
    %dma_start3A_152 = arith.constant 10000 : i32
    %dma_start3A_153 = tpu.memref_slice %arg4[%add3A_145, %dma_start3A_152] : memref<128x100000xf32, #tpu.memory_space<hbm>> -> memref<1x10000xf32, #tpu.memory_space<hbm>>
    %dma_start3A_154 = tpu.memref_squeeze %dma_start3A_153 : memref<1x10000xf32, #tpu.memory_space<hbm>> -> memref<10000xf32, #tpu.memory_space<hbm>>
    %dma_start3A_155 = arith.constant 10000 : i32
    %dma_start3A_156 = tpu.memref_slice %arg4[%add3A_145, %dma_start3A_155] : memref<128x100000xf32, #tpu.memory_space<hbm>> -> memref<1x10000xf32, #tpu.memory_space<hbm>>
    %dma_start3A_157 = tpu.memref_squeeze %dma_start3A_156 : memref<1x10000xf32, #tpu.memory_space<hbm>> -> memref<10000xf32, #tpu.memory_space<hbm>>
    tpu.enqueue_dma source(%dma_start3A_157 : memref<10000xf32, #tpu.memory_space<hbm>>) target(%arg8 : memref<10000xf32, #tpu.memory_space<vmem>>) target_semaphore(%arg12 : memref<!tpu.dma_semaphore, #tpu.memory_space<semaphore_mem>>)
    "tpu.region"() ({
      %run_scoped3A = tpu.sem_alloc : memref<!tpu.dma_semaphore, #tpu.memory_space<semaphore_mem>>
      %dma_start3A_584 = arith.constant 0 : i32
      %dma_start3A_585 = tpu.memref_slice %arg2[%add3A_145, %dma_start3A_584] : memref<128x100000xf32, #tpu.memory_space<hbm>> -> memref<1x100000xf32, #tpu.memory_space<hbm>>
      %dma_start3A_586 = tpu.memref_squeeze %dma_start3A_585 : memref<1x100000xf32, #tpu.memory_space<hbm>> -> memref<100000xf32, #tpu.memory_space<hbm>>
      %dma_start3A_587 = arith.constant 0 : i32
      %dma_start3A_588 = tpu.memref_slice %arg2[%add3A_145, %dma_start3A_587] : memref<128x100000xf32, #tpu.memory_space<hbm>> -> memref<1x100000xf32, #tpu.memory_space<hbm>>
      %dma_start3A_589 = tpu.memref_squeeze %dma_start3A_588 : memref<1x100000xf32, #tpu.memory_space<hbm>> -> memref<100000xf32, #tpu.memory_space<hbm>>
      tpu.enqueue_dma source(%dma_start3A_589 : memref<100000xf32, #tpu.memory_space<hbm>>) target(%arg6 : memref<100000xf32, #tpu.memory_space<vmem>>) target_semaphore(%run_scoped3A : memref<!tpu.dma_semaphore, #tpu.memory_space<semaphore_mem>>)
      %dma_wait3A = arith.constant 0 : i32
      %dma_wait3A_590 = tpu.memref_slice %arg2[%add3A_145, %dma_wait3A] : memref<128x100000xf32, #tpu.memory_space<hbm>> -> memref<1x100000xf32, #tpu.memory_space<hbm>>
      %dma_wait3A_591 = tpu.memref_squeeze %dma_wait3A_590 : memref<1x100000xf32, #tpu.memory_space<hbm>> -> memref<100000xf32, #tpu.memory_space<hbm>>
      %dma_wait3A_592 = arith.constant 0 : i32
      %dma_wait3A_593 = tpu.memref_slice %arg2[%add3A_145, %dma_wait3A_592] : memref<128x100000xf32, #tpu.memory_space<hbm>> -> memref<1x100000xf32, #tpu.memory_space<hbm>>
      %dma_wait3A_594 = tpu.memref_squeeze %dma_wait3A_593 : memref<1x100000xf32, #tpu.memory_space<hbm>> -> memref<100000xf32, #tpu.memory_space<hbm>>
      tpu.wait_dma2 semaphore(%run_scoped3A : memref<!tpu.dma_semaphore, #tpu.memory_space<semaphore_mem>>) src(%dma_wait3A_594 : memref<100000xf32, #tpu.memory_space<hbm>>) dst(%arg6 : memref<100000xf32, #tpu.memory_space<vmem>>)
      tpu.yield
    }) : () -> ()
    %broadcast_in_dim3A_158 = arith.constant 0xFF800000 : f32
    %broadcast_in_dim3A_159 = vector.broadcast %broadcast_in_dim3A_158 : f32 to vector<16xf32>
    %broadcast_in_dim3A_160 = arith.constant 0 : i32
    %broadcast_in_dim3A_161 = vector.broadcast %broadcast_in_dim3A_160 : i32 to vector<16xi32>
    %scan3A_162 = arith.constant 0 : i32
    %scan3A_163 = arith.constant 6250 : i32
    %scan3A_164 = arith.addi %scan3A_162, %scan3A_163 : i32
    %scan3A_165 = arith.constant 10 : i32
    %scan3A_166:3 = scf.for %scan3A_584 = %scan3A_162 to %scan3A_164 step %scan3A_165 iter_args(%scan3A_585 = %broadcast_in_dim3A_159, %scan3A_586 = %broadcast_in_dim3A_161, %scan3A_587 = %iota3A) -> (vector<16xf32>, vector<16xi32>, vector<16xi32>)  : i32 {
      %mul3A_588 = arith.constant 16 : i32
      %mul3A_589 = arith.muli %scan3A_584, %mul3A_588 : i32
      %get3A_590 = arith.index_cast %mul3A_589 : i32 to index
      %get3A_591 = tpu.vector_load %arg6[%get3A_590] {strides = array<i32>} : memref<100000xf32, #tpu.memory_space<vmem>>, vector<16xf32>,
      %gt3A_592 = arith.cmpf ogt, %get3A_591, %scan3A_585 : vector<16xf32>
      %select_n3A_593 = arith.select %gt3A_592, %scan3A_587, %scan3A_586 : vector<16xi1>, vector<16xi32>
      %max3A = arith.maximumf %scan3A_585, %get3A_591 : vector<16xf32>
      %add3A_594 = arith.constant 16 : i32
      %add3A_595 = vector.broadcast %add3A_594 : i32 to vector<16xi32>
      %add3A_596 = arith.addi %scan3A_587, %add3A_595 : vector<16xi32>
      %scan3A_597 = arith.constant 1 : i32
      %scan3A_598 = arith.addi %scan3A_584, %scan3A_597 : i32
      %mul3A_599 = arith.constant 16 : i32
      %mul3A_600 = arith.muli %scan3A_598, %mul3A_599 : i32
      %get3A_601 = arith.index_cast %mul3A_600 : i32 to index
      %get3A_602 = tpu.vector_load %arg6[%get3A_601] {strides = array<i32>} : memref<100000xf32, #tpu.memory_space<vmem>>, vector<16xf32>,
      %gt3A_603 = arith.cmpf ogt, %get3A_602, %max3A : vector<16xf32>
      %select_n3A_604 = arith.select %gt3A_603, %add3A_596, %select_n3A_593 : vector<16xi1>, vector<16xi32>
      %max3A_605 = arith.maximumf %max3A, %get3A_602 : vector<16xf32>
      %add3A_606 = arith.constant 16 : i32
      %add3A_607 = vector.broadcast %add3A_606 : i32 to vector<16xi32>
      %add3A_608 = arith.addi %add3A_596, %add3A_607 : vector<16xi32>
      %scan3A_609 = arith.constant 2 : i32
      %scan3A_610 = arith.addi %scan3A_584, %scan3A_609 : i32
      %mul3A_611 = arith.constant 16 : i32
      %mul3A_612 = arith.muli %scan3A_610, %mul3A_611 : i32
      %get3A_613 = arith.index_cast %mul3A_612 : i32 to index
      %get3A_614 = tpu.vector_load %arg6[%get3A_613] {strides = array<i32>} : memref<100000xf32, #tpu.memory_space<vmem>>, vector<16xf32>,
      %gt3A_615 = arith.cmpf ogt, %get3A_614, %max3A_605 : vector<16xf32>
      %select_n3A_616 = arith.select %gt3A_615, %add3A_608, %select_n3A_604 : vector<16xi1>, vector<16xi32>
      %max3A_617 = arith.maximumf %max3A_605, %get3A_614 : vector<16xf32>
      %add3A_618 = arith.constant 16 : i32
      %add3A_619 = vector.broadcast %add3A_618 : i32 to vector<16xi32>
      %add3A_620 = arith.addi %add3A_608, %add3A_619 : vector<16xi32>
      %scan3A_621 = arith.constant 3 : i32
      %scan3A_622 = arith.addi %scan3A_584, %scan3A_621 : i32
      %mul3A_623 = arith.constant 16 : i32
      %mul3A_624 = arith.muli %scan3A_622, %mul3A_623 : i32
      %get3A_625 = arith.index_cast %mul3A_624 : i32 to index
      %get3A_626 = tpu.vector_load %arg6[%get3A_625] {strides = array<i32>} : memref<100000xf32, #tpu.memory_space<vmem>>, vector<16xf32>,
      %gt3A_627 = arith.cmpf ogt, %get3A_626, %max3A_617 : vector<16xf32>
      %select_n3A_628 = arith.select %gt3A_627, %add3A_620, %select_n3A_616 : vector<16xi1>, vector<16xi32>
      %max3A_629 = arith.maximumf %max3A_617, %get3A_626 : vector<16xf32>
      %add3A_630 = arith.constant 16 : i32
      %add3A_631 = vector.broadcast %add3A_630 : i32 to vector<16xi32>
      %add3A_632 = arith.addi %add3A_620, %add3A_631 : vector<16xi32>
      %scan3A_633 = arith.constant 4 : i32
      %scan3A_634 = arith.addi %scan3A_584, %scan3A_633 : i32
      %mul3A_635 = arith.constant 16 : i32
      %mul3A_636 = arith.muli %scan3A_634, %mul3A_635 : i32
      %get3A_637 = arith.index_cast %mul3A_636 : i32 to index
      %get3A_638 = tpu.vector_load %arg6[%get3A_637] {strides = array<i32>} : memref<100000xf32, #tpu.memory_space<vmem>>, vector<16xf32>,
      %gt3A_639 = arith.cmpf ogt, %get3A_638, %max3A_629 : vector<16xf32>
      %select_n3A_640 = arith.select %gt3A_639, %add3A_632, %select_n3A_628 : vector<16xi1>, vector<16xi32>
      %max3A_641 = arith.maximumf %max3A_629, %get3A_638 : vector<16xf32>
      %add3A_642 = arith.constant 16 : i32
      %add3A_643 = vector.broadcast %add3A_642 : i32 to vector<16xi32>
      %add3A_644 = arith.addi %add3A_632, %add3A_643 : vector<16xi32>
      %scan3A_645 = arith.constant 5 : i32
      %scan3A_646 = arith.addi %scan3A_584, %scan3A_645 : i32
      %mul3A_647 = arith.constant 16 : i32
      %mul3A_648 = arith.muli %scan3A_646, %mul3A_647 : i32
      %get3A_649 = arith.index_cast %mul3A_648 : i32 to index
      %get3A_650 = tpu.vector_load %arg6[%get3A_649] {strides = array<i32>} : memref<100000xf32, #tpu.memory_space<vmem>>, vector<16xf32>,
      %gt3A_651 = arith.cmpf ogt, %get3A_650, %max3A_641 : vector<16xf32>
      %select_n3A_652 = arith.select %gt3A_651, %add3A_644, %select_n3A_640 : vector<16xi1>, vector<16xi32>
      %max3A_653 = arith.maximumf %max3A_641, %get3A_650 : vector<16xf32>
      %add3A_654 = arith.constant 16 : i32
      %add3A_655 = vector.broadcast %add3A_654 : i32 to vector<16xi32>
      %add3A_656 = arith.addi %add3A_644, %add3A_655 : vector<16xi32>
      %scan3A_657 = arith.constant 6 : i32
      %scan3A_658 = arith.addi %scan3A_584, %scan3A_657 : i32
      %mul3A_659 = arith.constant 16 : i32
      %mul3A_660 = arith.muli %scan3A_658, %mul3A_659 : i32
      %get3A_661 = arith.index_cast %mul3A_660 : i32 to index
      %get3A_662 = tpu.vector_load %arg6[%get3A_661] {strides = array<i32>} : memref<100000xf32, #tpu.memory_space<vmem>>, vector<16xf32>,
      %gt3A_663 = arith.cmpf ogt, %get3A_662, %max3A_653 : vector<16xf32>
      %select_n3A_664 = arith.select %gt3A_663, %add3A_656, %select_n3A_652 : vector<16xi1>, vector<16xi32>
      %max3A_665 = arith.maximumf %max3A_653, %get3A_662 : vector<16xf32>
      %add3A_666 = arith.constant 16 : i32
      %add3A_667 = vector.broadcast %add3A_666 : i32 to vector<16xi32>
      %add3A_668 = arith.addi %add3A_656, %add3A_667 : vector<16xi32>
      %scan3A_669 = arith.constant 7 : i32
      %scan3A_670 = arith.addi %scan3A_584, %scan3A_669 : i32
      %mul3A_671 = arith.constant 16 : i32
      %mul3A_672 = arith.muli %scan3A_670, %mul3A_671 : i32
      %get3A_673 = arith.index_cast %mul3A_672 : i32 to index
      %get3A_674 = tpu.vector_load %arg6[%get3A_673] {strides = array<i32>} : memref<100000xf32, #tpu.memory_space<vmem>>, vector<16xf32>,
      %gt3A_675 = arith.cmpf ogt, %get3A_674, %max3A_665 : vector<16xf32>
      %select_n3A_676 = arith.select %gt3A_675, %add3A_668, %select_n3A_664 : vector<16xi1>, vector<16xi32>
      %max3A_677 = arith.maximumf %max3A_665, %get3A_674 : vector<16xf32>
      %add3A_678 = arith.constant 16 : i32
      %add3A_679 = vector.broadcast %add3A_678 : i32 to vector<16xi32>
      %add3A_680 = arith.addi %add3A_668, %add3A_679 : vector<16xi32>
      %scan3A_681 = arith.constant 8 : i32
      %scan3A_682 = arith.addi %scan3A_584, %scan3A_681 : i32
      %mul3A_683 = arith.constant 16 : i32
      %mul3A_684 = arith.muli %scan3A_682, %mul3A_683 : i32
      %get3A_685 = arith.index_cast %mul3A_684 : i32 to index
      %get3A_686 = tpu.vector_load %arg6[%get3A_685] {strides = array<i32>} : memref<100000xf32, #tpu.memory_space<vmem>>, vector<16xf32>,
      %gt3A_687 = arith.cmpf ogt, %get3A_686, %max3A_677 : vector<16xf32>
      %select_n3A_688 = arith.select %gt3A_687, %add3A_680, %select_n3A_676 : vector<16xi1>, vector<16xi32>
      %max3A_689 = arith.maximumf %max3A_677, %get3A_686 : vector<16xf32>
      %add3A_690 = arith.constant 16 : i32
      %add3A_691 = vector.broadcast %add3A_690 : i32 to vector<16xi32>
      %add3A_692 = arith.addi %add3A_680, %add3A_691 : vector<16xi32>
      %scan3A_693 = arith.constant 9 : i32
      %scan3A_694 = arith.addi %scan3A_584, %scan3A_693 : i32
      %mul3A_695 = arith.constant 16 : i32
      %mul3A_696 = arith.muli %scan3A_694, %mul3A_695 : i32
      %get3A_697 = arith.index_cast %mul3A_696 : i32 to index
      %get3A_698 = tpu.vector_load %arg6[%get3A_697] {strides = array<i32>} : memref<100000xf32, #tpu.memory_space<vmem>>, vector<16xf32>,
      %gt3A_699 = arith.cmpf ogt, %get3A_698, %max3A_689 : vector<16xf32>
      %select_n3A_700 = arith.select %gt3A_699, %add3A_692, %select_n3A_688 : vector<16xi1>, vector<16xi32>
      %max3A_701 = arith.maximumf %max3A_689, %get3A_698 : vector<16xf32>
      %add3A_702 = arith.constant 16 : i32
      %add3A_703 = vector.broadcast %add3A_702 : i32 to vector<16xi32>
      %add3A_704 = arith.addi %add3A_692, %add3A_703 : vector<16xi32>
      scf.yield %max3A_701, %select_n3A_700, %add3A_704 : vector<16xf32>, vector<16xi32>, vector<16xi32>
    }
    %scan3A_167 = arith.constant 6250 : i32
    %reduce_max3A_168 = arith.constant true
    %reduce_max3A_169 = vector.broadcast %reduce_max3A_168 : i1 to vector<16xi1>
    %reduce_max3A_170 = tpu.scan <max>, %scan3A_166#0 masked %reduce_max3A_169 : vector<16xf32>, vector<16xi1> -> vector<16xf32>
    %reduce_max3A_171 = vector.extract %reduce_max3A_170[15] : f32 from vector<16xf32>
    %eq3A_172 = vector.broadcast %reduce_max3A_171 : f32 to vector<16xf32>
    %eq3A_173 = arith.cmpf oeq, %scan3A_166#0, %eq3A_172 : vector<16xf32>
    %jit3A_174 = arith.constant 2147483647 : i32
    %broadcast_in_dim3A_175 = vector.broadcast %jit3A_174 : i32 to vector<16xi32>
    %select_n3A_176 = arith.select %eq3A_173, %scan3A_166#1, %broadcast_in_dim3A_175 : vector<16xi1>, vector<16xi32>
    %reduce_min3A_177 = arith.constant true
    %reduce_min3A_178 = vector.broadcast %reduce_min3A_177 : i1 to vector<16xi1>
    %reduce_min3A_179 = arith.constant -2147483648 : i32
    %reduce_min3A_180 = vector.broadcast %reduce_min3A_179 : i32 to vector<16xi32>
    %reduce_min3A_181 = arith.xori %select_n3A_176, %reduce_min3A_180 : vector<16xi32>
    %reduce_min3A_182 = tpu.scan <min>, %reduce_min3A_181 masked %reduce_min3A_178 : vector<16xi32>, vector<16xi1> -> vector<16xi32>
    %reduce_min3A_183 = arith.xori %reduce_min3A_182, %reduce_min3A_180 : vector<16xi32>
    %reduce_min3A_184 = vector.extract %reduce_min3A_183[15] : i32 from vector<16xi32>
    %eq3A_185 = arith.constant 1 : i32
    %eq3A_186 = vector.broadcast %eq3A_185 : i32 to vector<16xi32>
    %eq3A_187 = arith.cmpi eq, %iota3A, %eq3A_186 : vector<16xi32>
    %jit3A_188 = arith.constant 0xFF800000 : f32
    %broadcast_in_dim3A_189 = vector.broadcast %jit3A_188 : f32 to vector<16xf32>
    %select_n3A_190 = arith.select %eq3A_187, %get3A_3, %broadcast_in_dim3A_189 : vector<16xi1>, vector<16xf32>
    %reduce_max3A_191 = arith.constant true
    %reduce_max3A_192 = vector.broadcast %reduce_max3A_191 : i1 to vector<16xi1>
    %reduce_max3A_193 = tpu.scan <max>, %select_n3A_190 masked %reduce_max3A_192 : vector<16xf32>, vector<16xi1> -> vector<16xf32>
    %reduce_max3A_194 = vector.extract %reduce_max3A_193[15] : f32 from vector<16xf32>
    %gt3A_195 = arith.constant 0.000000e+00 : f32
    %gt3A_196 = arith.cmpf ogt, %reduce_max3A_194, %gt3A_195 : f32
    %broadcast_in_dim3A_197 = vector.broadcast %reduce_max3A_194 : f32 to vector<16xf32>
    %broadcast_in_dim3A_198 = arith.constant 1.000000e+00 : f32
    %broadcast_in_dim3A_199 = vector.broadcast %broadcast_in_dim3A_198 : f32 to vector<16xf32>
    %select_n3A_200 = arith.select %gt3A_196, %broadcast_in_dim3A_197, %broadcast_in_dim3A_199 : vector<16xf32>
    %bitcast3A_201 = vector.bitcast %select_n3A_200 : vector<16xf32> to vector<16xi32>
    %sub3A_202 = arith.constant 2129859011 : i32
    %sub3A_203 = vector.broadcast %sub3A_202 : i32 to vector<16xi32>
    %sub3A_204 = arith.subi %sub3A_203, %bitcast3A_201 : vector<16xi32>
    %bitcast3A_205 = vector.bitcast %sub3A_204 : vector<16xi32> to vector<16xf32>
    %mul3A_206 = arith.mulf %select_n3A_200, %bitcast3A_205 : vector<16xf32>
    %sub3A_207 = arith.constant 2.000000e+00 : f32
    %sub3A_208 = vector.broadcast %sub3A_207 : f32 to vector<16xf32>
    %sub3A_209 = arith.subf %sub3A_208, %mul3A_206 : vector<16xf32>
    %mul3A_210 = arith.mulf %bitcast3A_205, %sub3A_209 : vector<16xf32>
    %mul3A_211 = arith.mulf %select_n3A_200, %mul3A_210 : vector<16xf32>
    %sub3A_212 = arith.constant 2.000000e+00 : f32
    %sub3A_213 = vector.broadcast %sub3A_212 : f32 to vector<16xf32>
    %sub3A_214 = arith.subf %sub3A_213, %mul3A_211 : vector<16xf32>
    %mul3A_215 = arith.mulf %mul3A_210, %sub3A_214 : vector<16xf32>
    %mul3A_216 = arith.mulf %select_n3A_200, %mul3A_215 : vector<16xf32>
    %sub3A_217 = arith.constant 2.000000e+00 : f32
    %sub3A_218 = vector.broadcast %sub3A_217 : f32 to vector<16xf32>
    %sub3A_219 = arith.subf %sub3A_218, %mul3A_216 : vector<16xf32>
    %mul3A_220 = arith.mulf %mul3A_215, %sub3A_219 : vector<16xf32>
    %mul3A_221 = arith.mulf %select_n3A_200, %mul3A_220 : vector<16xf32>
    %sub3A_222 = arith.constant 2.000000e+00 : f32
    %sub3A_223 = vector.broadcast %sub3A_222 : f32 to vector<16xf32>
    %sub3A_224 = arith.subf %sub3A_223, %mul3A_221 : vector<16xf32>
    %mul3A_225 = arith.mulf %mul3A_220, %sub3A_224 : vector<16xf32>
    %broadcast_in_dim3A_226 = vector.broadcast %reduce_max3A_171 : f32 to vector<16xf32>
    %mul3A_227 = arith.mulf %broadcast_in_dim3A_226, %mul3A_225 : vector<16xf32>
    %broadcast_in_dim3A_228 = arith.constant -1.000000e+00 : f32
    %broadcast_in_dim3A_229 = vector.broadcast %broadcast_in_dim3A_228 : f32 to vector<16xf32>
    %broadcast_in_dim3A_230 = arith.constant 1.000000e+00 : f32
    %broadcast_in_dim3A_231 = vector.broadcast %broadcast_in_dim3A_230 : f32 to vector<16xf32>
    %broadcast_in_dim3A_232 = arith.constant 0 : i32
    %broadcast_in_dim3A_233 = vector.broadcast %broadcast_in_dim3A_232 : i32 to vector<16xi32>
    %scan3A_234 = arith.constant 0 : i32
    %scan3A_235 = arith.constant 5 : i32
    %scan3A_236 = arith.addi %scan3A_234, %scan3A_235 : i32
    %scan3A_237 = arith.constant 1 : i32
    %scan3A_238:4 = scf.for %scan3A_584 = %scan3A_234 to %scan3A_236 step %scan3A_237 iter_args(%scan3A_585 = %broadcast_in_dim3A_229, %scan3A_586 = %broadcast_in_dim3A_231, %scan3A_587 = %broadcast_in_dim3A_233, %scan3A_588 = %iota3A) -> (vector<16xf32>, vector<16xf32>, vector<16xi32>, vector<16xi32>)  : i32 {
      %mul3A_589 = arith.constant 2 : i32
      %mul3A_590 = arith.muli %mul3A_589, %scan3A_584 : i32
      %dma_wait3A = arith.constant 0 : i32
      %dma_wait3A_591 = tpu.memref_slice %arg4[%add3A_145, %dma_wait3A] : memref<128x100000xf32, #tpu.memory_space<hbm>> -> memref<1x10000xf32, #tpu.memory_space<hbm>>
      %dma_wait3A_592 = tpu.memref_squeeze %dma_wait3A_591 : memref<1x10000xf32, #tpu.memory_space<hbm>> -> memref<10000xf32, #tpu.memory_space<hbm>>
      %dma_wait3A_593 = arith.constant 0 : i32
      %dma_wait3A_594 = tpu.memref_slice %arg4[%add3A_145, %dma_wait3A_593] : memref<128x100000xf32, #tpu.memory_space<hbm>> -> memref<1x10000xf32, #tpu.memory_space<hbm>>
      %dma_wait3A_595 = tpu.memref_squeeze %dma_wait3A_594 : memref<1x10000xf32, #tpu.memory_space<hbm>> -> memref<10000xf32, #tpu.memory_space<hbm>>
      tpu.wait_dma2 semaphore(%arg11 : memref<!tpu.dma_semaphore, #tpu.memory_space<semaphore_mem>>) src(%dma_wait3A_595 : memref<10000xf32, #tpu.memory_space<hbm>>) dst(%arg7 : memref<10000xf32, #tpu.memory_space<vmem>>)
      %scan3A_596 = arith.constant 0 : i32
      %scan3A_597 = arith.constant 625 : i32
      %scan3A_598 = arith.addi %scan3A_596, %scan3A_597 : i32
      %scan3A_599 = arith.constant 5 : i32
      %scan3A_600:4 = scf.for %scan3A_627 = %scan3A_596 to %scan3A_598 step %scan3A_599 iter_args(%scan3A_628 = %scan3A_585, %scan3A_629 = %scan3A_586, %scan3A_630 = %scan3A_587, %scan3A_631 = %scan3A_588) -> (vector<16xf32>, vector<16xf32>, vector<16xi32>, vector<16xi32>)  : i32 {
        %mul3A_632 = arith.constant 10000 : i32
        %mul3A_633 = arith.muli %mul3A_590, %mul3A_632 : i32
        %mul3A_634 = arith.constant 16 : i32
        %mul3A_635 = arith.muli %scan3A_627, %mul3A_634 : i32
        %add3A_636 = arith.addi %mul3A_633, %mul3A_635 : i32
        %get3A_637 = arith.index_cast %add3A_636 : i32 to index
        %get3A_638 = tpu.vector_load %arg6[%get3A_637] {strides = array<i32>} : memref<100000xf32, #tpu.memory_space<vmem>>, vector<16xf32>,
        %mul3A_639 = arith.constant 16 : i32
        %mul3A_640 = arith.muli %scan3A_627, %mul3A_639 : i32
        %get3A_641 = arith.index_cast %mul3A_640 : i32 to index
        %get3A_642 = tpu.vector_load %arg7[%get3A_641] {strides = array<i32>} : memref<10000xf32, #tpu.memory_space<vmem>>, vector<16xf32>,
        %mul3A_643 = arith.mulf %get3A_638, %mul3A_225 : vector<16xf32>
        %sub3A_644 = arith.subf %mul3A_643, %mul3A_227 : vector<16xf32>
        %exp3A = math.exp %sub3A_644 : vector<16xf32>
        %max3A = arith.constant 1.000000e-10 : f32
        %max3A_645 = vector.broadcast %max3A : f32 to vector<16xf32>
        %max3A_646 = arith.maximumf %get3A_642, %max3A_645 : vector<16xf32>
        %mul3A_647 = arith.mulf %exp3A, %scan3A_629 : vector<16xf32>
        %mul3A_648 = arith.mulf %scan3A_628, %max3A_646 : vector<16xf32>
        %gt3A_649 = arith.cmpf ogt, %mul3A_647, %mul3A_648 : vector<16xf32>
        %select_n3A_650 = arith.select %gt3A_649, %exp3A, %scan3A_628 : vector<16xi1>, vector<16xf32>
        %select_n3A_651 = arith.select %gt3A_649, %max3A_646, %scan3A_629 : vector<16xi1>, vector<16xf32>
        %select_n3A_652 = arith.select %gt3A_649, %scan3A_631, %scan3A_630 : vector<16xi1>, vector<16xi32>
        %add3A_653 = arith.constant 16 : i32
        %add3A_654 = vector.broadcast %add3A_653 : i32 to vector<16xi32>
        %add3A_655 = arith.addi %scan3A_631, %add3A_654 : vector<16xi32>
        %scan3A_656 = arith.constant 1 : i32
        %scan3A_657 = arith.addi %scan3A_627, %scan3A_656 : i32
        %mul3A_658 = arith.constant 10000 : i32
        %mul3A_659 = arith.muli %mul3A_590, %mul3A_658 : i32
        %mul3A_660 = arith.constant 16 : i32
        %mul3A_661 = arith.muli %scan3A_657, %mul3A_660 : i32
        %add3A_662 = arith.addi %mul3A_659, %mul3A_661 : i32
        %get3A_663 = arith.index_cast %add3A_662 : i32 to index
        %get3A_664 = tpu.vector_load %arg6[%get3A_663] {strides = array<i32>} : memref<100000xf32, #tpu.memory_space<vmem>>, vector<16xf32>,
        %mul3A_665 = arith.constant 16 : i32
        %mul3A_666 = arith.muli %scan3A_657, %mul3A_665 : i32
        %get3A_667 = arith.index_cast %mul3A_666 : i32 to index
        %get3A_668 = tpu.vector_load %arg7[%get3A_667] {strides = array<i32>} : memref<10000xf32, #tpu.memory_space<vmem>>, vector<16xf32>,
        %mul3A_669 = arith.mulf %get3A_664, %mul3A_225 : vector<16xf32>
        %sub3A_670 = arith.subf %mul3A_669, %mul3A_227 : vector<16xf32>
        %exp3A_671 = math.exp %sub3A_670 : vector<16xf32>
        %max3A_672 = arith.constant 1.000000e-10 : f32
        %max3A_673 = vector.broadcast %max3A_672 : f32 to vector<16xf32>
        %max3A_674 = arith.maximumf %get3A_668, %max3A_673 : vector<16xf32>
        %mul3A_675 = arith.mulf %exp3A_671, %select_n3A_651 : vector<16xf32>
        %mul3A_676 = arith.mulf %select_n3A_650, %max3A_674 : vector<16xf32>
        %gt3A_677 = arith.cmpf ogt, %mul3A_675, %mul3A_676 : vector<16xf32>
        %select_n3A_678 = arith.select %gt3A_677, %exp3A_671, %select_n3A_650 : vector<16xi1>, vector<16xf32>
        %select_n3A_679 = arith.select %gt3A_677, %max3A_674, %select_n3A_651 : vector<16xi1>, vector<16xf32>
        %select_n3A_680 = arith.select %gt3A_677, %add3A_655, %select_n3A_652 : vector<16xi1>, vector<16xi32>
        %add3A_681 = arith.constant 16 : i32
        %add3A_682 = vector.broadcast %add3A_681 : i32 to vector<16xi32>
        %add3A_683 = arith.addi %add3A_655, %add3A_682 : vector<16xi32>
        %scan3A_684 = arith.constant 2 : i32
        %scan3A_685 = arith.addi %scan3A_627, %scan3A_684 : i32
        %mul3A_686 = arith.constant 10000 : i32
        %mul3A_687 = arith.muli %mul3A_590, %mul3A_686 : i32
        %mul3A_688 = arith.constant 16 : i32
        %mul3A_689 = arith.muli %scan3A_685, %mul3A_688 : i32
        %add3A_690 = arith.addi %mul3A_687, %mul3A_689 : i32
        %get3A_691 = arith.index_cast %add3A_690 : i32 to index
        %get3A_692 = tpu.vector_load %arg6[%get3A_691] {strides = array<i32>} : memref<100000xf32, #tpu.memory_space<vmem>>, vector<16xf32>,
        %mul3A_693 = arith.constant 16 : i32
        %mul3A_694 = arith.muli %scan3A_685, %mul3A_693 : i32
        %get3A_695 = arith.index_cast %mul3A_694 : i32 to index
        %get3A_696 = tpu.vector_load %arg7[%get3A_695] {strides = array<i32>} : memref<10000xf32, #tpu.memory_space<vmem>>, vector<16xf32>,
        %mul3A_697 = arith.mulf %get3A_692, %mul3A_225 : vector<16xf32>
        %sub3A_698 = arith.subf %mul3A_697, %mul3A_227 : vector<16xf32>
        %exp3A_699 = math.exp %sub3A_698 : vector<16xf32>
        %max3A_700 = arith.constant 1.000000e-10 : f32
        %max3A_701 = vector.broadcast %max3A_700 : f32 to vector<16xf32>
        %max3A_702 = arith.maximumf %get3A_696, %max3A_701 : vector<16xf32>
        %mul3A_703 = arith.mulf %exp3A_699, %select_n3A_679 : vector<16xf32>
        %mul3A_704 = arith.mulf %select_n3A_678, %max3A_702 : vector<16xf32>
        %gt3A_705 = arith.cmpf ogt, %mul3A_703, %mul3A_704 : vector<16xf32>
        %select_n3A_706 = arith.select %gt3A_705, %exp3A_699, %select_n3A_678 : vector<16xi1>, vector<16xf32>
        %select_n3A_707 = arith.select %gt3A_705, %max3A_702, %select_n3A_679 : vector<16xi1>, vector<16xf32>
        %select_n3A_708 = arith.select %gt3A_705, %add3A_683, %select_n3A_680 : vector<16xi1>, vector<16xi32>
        %add3A_709 = arith.constant 16 : i32
        %add3A_710 = vector.broadcast %add3A_709 : i32 to vector<16xi32>
        %add3A_711 = arith.addi %add3A_683, %add3A_710 : vector<16xi32>
        %scan3A_712 = arith.constant 3 : i32
        %scan3A_713 = arith.addi %scan3A_627, %scan3A_712 : i32
        %mul3A_714 = arith.constant 10000 : i32
        %mul3A_715 = arith.muli %mul3A_590, %mul3A_714 : i32
        %mul3A_716 = arith.constant 16 : i32
        %mul3A_717 = arith.muli %scan3A_713, %mul3A_716 : i32
        %add3A_718 = arith.addi %mul3A_715, %mul3A_717 : i32
        %get3A_719 = arith.index_cast %add3A_718 : i32 to index
        %get3A_720 = tpu.vector_load %arg6[%get3A_719] {strides = array<i32>} : memref<100000xf32, #tpu.memory_space<vmem>>, vector<16xf32>,
        %mul3A_721 = arith.constant 16 : i32
        %mul3A_722 = arith.muli %scan3A_713, %mul3A_721 : i32
        %get3A_723 = arith.index_cast %mul3A_722 : i32 to index
        %get3A_724 = tpu.vector_load %arg7[%get3A_723] {strides = array<i32>} : memref<10000xf32, #tpu.memory_space<vmem>>, vector<16xf32>,
        %mul3A_725 = arith.mulf %get3A_720, %mul3A_225 : vector<16xf32>
        %sub3A_726 = arith.subf %mul3A_725, %mul3A_227 : vector<16xf32>
        %exp3A_727 = math.exp %sub3A_726 : vector<16xf32>
        %max3A_728 = arith.constant 1.000000e-10 : f32
        %max3A_729 = vector.broadcast %max3A_728 : f32 to vector<16xf32>
        %max3A_730 = arith.maximumf %get3A_724, %max3A_729 : vector<16xf32>
        %mul3A_731 = arith.mulf %exp3A_727, %select_n3A_707 : vector<16xf32>
        %mul3A_732 = arith.mulf %select_n3A_706, %max3A_730 : vector<16xf32>
        %gt3A_733 = arith.cmpf ogt, %mul3A_731, %mul3A_732 : vector<16xf32>
        %select_n3A_734 = arith.select %gt3A_733, %exp3A_727, %select_n3A_706 : vector<16xi1>, vector<16xf32>
        %select_n3A_735 = arith.select %gt3A_733, %max3A_730, %select_n3A_707 : vector<16xi1>, vector<16xf32>
        %select_n3A_736 = arith.select %gt3A_733, %add3A_711, %select_n3A_708 : vector<16xi1>, vector<16xi32>
        %add3A_737 = arith.constant 16 : i32
        %add3A_738 = vector.broadcast %add3A_737 : i32 to vector<16xi32>
        %add3A_739 = arith.addi %add3A_711, %add3A_738 : vector<16xi32>
        %scan3A_740 = arith.constant 4 : i32
        %scan3A_741 = arith.addi %scan3A_627, %scan3A_740 : i32
        %mul3A_742 = arith.constant 10000 : i32
        %mul3A_743 = arith.muli %mul3A_590, %mul3A_742 : i32
        %mul3A_744 = arith.constant 16 : i32
        %mul3A_745 = arith.muli %scan3A_741, %mul3A_744 : i32
        %add3A_746 = arith.addi %mul3A_743, %mul3A_745 : i32
        %get3A_747 = arith.index_cast %add3A_746 : i32 to index
        %get3A_748 = tpu.vector_load %arg6[%get3A_747] {strides = array<i32>} : memref<100000xf32, #tpu.memory_space<vmem>>, vector<16xf32>,
        %mul3A_749 = arith.constant 16 : i32
        %mul3A_750 = arith.muli %scan3A_741, %mul3A_749 : i32
        %get3A_751 = arith.index_cast %mul3A_750 : i32 to index
        %get3A_752 = tpu.vector_load %arg7[%get3A_751] {strides = array<i32>} : memref<10000xf32, #tpu.memory_space<vmem>>, vector<16xf32>,
        %mul3A_753 = arith.mulf %get3A_748, %mul3A_225 : vector<16xf32>
        %sub3A_754 = arith.subf %mul3A_753, %mul3A_227 : vector<16xf32>
        %exp3A_755 = math.exp %sub3A_754 : vector<16xf32>
        %max3A_756 = arith.constant 1.000000e-10 : f32
        %max3A_757 = vector.broadcast %max3A_756 : f32 to vector<16xf32>
        %max3A_758 = arith.maximumf %get3A_752, %max3A_757 : vector<16xf32>
        %mul3A_759 = arith.mulf %exp3A_755, %select_n3A_735 : vector<16xf32>
        %mul3A_760 = arith.mulf %select_n3A_734, %max3A_758 : vector<16xf32>
        %gt3A_761 = arith.cmpf ogt, %mul3A_759, %mul3A_760 : vector<16xf32>
        %select_n3A_762 = arith.select %gt3A_761, %exp3A_755, %select_n3A_734 : vector<16xi1>, vector<16xf32>
        %select_n3A_763 = arith.select %gt3A_761, %max3A_758, %select_n3A_735 : vector<16xi1>, vector<16xf32>
        %select_n3A_764 = arith.select %gt3A_761, %add3A_739, %select_n3A_736 : vector<16xi1>, vector<16xi32>
        %add3A_765 = arith.constant 16 : i32
        %add3A_766 = vector.broadcast %add3A_765 : i32 to vector<16xi32>
        %add3A_767 = arith.addi %add3A_739, %add3A_766 : vector<16xi32>
        scf.yield %select_n3A_762, %select_n3A_763, %select_n3A_764, %add3A_767 : vector<16xf32>, vector<16xf32>, vector<16xi32>, vector<16xi32>
      }
      %scan3A_601 = arith.constant 625 : i32
      %add3A_602 = arith.constant 2 : i32
      %add3A_603 = arith.addi %mul3A_590, %add3A_602 : i32
      %lt3A = arith.constant 10 : i32
      %lt3A_604 = arith.cmpi slt, %add3A_603, %lt3A : i32
      %convert_element_type3A = arith.extui %lt3A_604 : i1 to i32
      %cond3A = arith.constant 0 : i32
      %cond3A_605 = arith.cmpi ne, %convert_element_type3A, %cond3A : i32
      scf.if %cond3A_605 {
        %add3A_627 = arith.constant 2 : i32
        %add3A_628 = arith.addi %mul3A_590, %add3A_627 : i32
        %mul3A_629 = arith.constant 10000 : i32
        %mul3A_630 = arith.muli %add3A_628, %mul3A_629 : i32
        %dma_start3A_631 = tpu.memref_slice %arg4[%add3A_145, %mul3A_630] : memref<128x100000xf32, #tpu.memory_space<hbm>> -> memref<1x10000xf32, #tpu.memory_space<hbm>>
        %dma_start3A_632 = tpu.memref_squeeze %dma_start3A_631 : memref<1x10000xf32, #tpu.memory_space<hbm>> -> memref<10000xf32, #tpu.memory_space<hbm>>
        %dma_start3A_633 = tpu.memref_slice %arg4[%add3A_145, %mul3A_630] : memref<128x100000xf32, #tpu.memory_space<hbm>> -> memref<1x10000xf32, #tpu.memory_space<hbm>>
        %dma_start3A_634 = tpu.memref_squeeze %dma_start3A_633 : memref<1x10000xf32, #tpu.memory_space<hbm>> -> memref<10000xf32, #tpu.memory_space<hbm>>
        tpu.enqueue_dma source(%dma_start3A_634 : memref<10000xf32, #tpu.memory_space<hbm>>) target(%arg7 : memref<10000xf32, #tpu.memory_space<vmem>>) target_semaphore(%arg11 : memref<!tpu.dma_semaphore, #tpu.memory_space<semaphore_mem>>)
      } else {
      }
      %dma_wait3A_606 = arith.constant 0 : i32
      %dma_wait3A_607 = tpu.memref_slice %arg4[%add3A_145, %dma_wait3A_606] : memref<128x100000xf32, #tpu.memory_space<hbm>> -> memref<1x10000xf32, #tpu.memory_space<hbm>>
      %dma_wait3A_608 = tpu.memref_squeeze %dma_wait3A_607 : memref<1x10000xf32, #tpu.memory_space<hbm>> -> memref<10000xf32, #tpu.memory_space<hbm>>
      %dma_wait3A_609 = arith.constant 0 : i32
      %dma_wait3A_610 = tpu.memref_slice %arg4[%add3A_145, %dma_wait3A_609] : memref<128x100000xf32, #tpu.memory_space<hbm>> -> memref<1x10000xf32, #tpu.memory_space<hbm>>
      %dma_wait3A_611 = tpu.memref_squeeze %dma_wait3A_610 : memref<1x10000xf32, #tpu.memory_space<hbm>> -> memref<10000xf32, #tpu.memory_space<hbm>>
      tpu.wait_dma2 semaphore(%arg12 : memref<!tpu.dma_semaphore, #tpu.memory_space<semaphore_mem>>) src(%dma_wait3A_611 : memref<10000xf32, #tpu.memory_space<hbm>>) dst(%arg8 : memref<10000xf32, #tpu.memory_space<vmem>>)
      %add3A_612 = arith.constant 1 : i32
      %add3A_613 = arith.addi %mul3A_590, %add3A_612 : i32
      %scan3A_614 = arith.constant 0 : i32
      %scan3A_615 = arith.constant 625 : i32
      %scan3A_616 = arith.addi %scan3A_614, %scan3A_615 : i32
      %scan3A_617 = arith.constant 5 : i32
      %scan3A_618:4 = scf.for %scan3A_627 = %scan3A_614 to %scan3A_616 step %scan3A_617 iter_args(%scan3A_628 = %scan3A_600#0, %scan3A_629 = %scan3A_600#1, %scan3A_630 = %scan3A_600#2, %scan3A_631 = %scan3A_600#3) -> (vector<16xf32>, vector<16xf32>, vector<16xi32>, vector<16xi32>)  : i32 {
        %mul3A_632 = arith.constant 10000 : i32
        %mul3A_633 = arith.muli %add3A_613, %mul3A_632 : i32
        %mul3A_634 = arith.constant 16 : i32
        %mul3A_635 = arith.muli %scan3A_627, %mul3A_634 : i32
        %add3A_636 = arith.addi %mul3A_633, %mul3A_635 : i32
        %get3A_637 = arith.index_cast %add3A_636 : i32 to index
        %get3A_638 = tpu.vector_load %arg6[%get3A_637] {strides = array<i32>} : memref<100000xf32, #tpu.memory_space<vmem>>, vector<16xf32>,
        %mul3A_639 = arith.constant 16 : i32
        %mul3A_640 = arith.muli %scan3A_627, %mul3A_639 : i32
        %get3A_641 = arith.index_cast %mul3A_640 : i32 to index
        %get3A_642 = tpu.vector_load %arg8[%get3A_641] {strides = array<i32>} : memref<10000xf32, #tpu.memory_space<vmem>>, vector<16xf32>,
        %mul3A_643 = arith.mulf %get3A_638, %mul3A_225 : vector<16xf32>
        %sub3A_644 = arith.subf %mul3A_643, %mul3A_227 : vector<16xf32>
        %exp3A = math.exp %sub3A_644 : vector<16xf32>
        %max3A = arith.constant 1.000000e-10 : f32
        %max3A_645 = vector.broadcast %max3A : f32 to vector<16xf32>
        %max3A_646 = arith.maximumf %get3A_642, %max3A_645 : vector<16xf32>
        %mul3A_647 = arith.mulf %exp3A, %scan3A_629 : vector<16xf32>
        %mul3A_648 = arith.mulf %scan3A_628, %max3A_646 : vector<16xf32>
        %gt3A_649 = arith.cmpf ogt, %mul3A_647, %mul3A_648 : vector<16xf32>
        %select_n3A_650 = arith.select %gt3A_649, %exp3A, %scan3A_628 : vector<16xi1>, vector<16xf32>
        %select_n3A_651 = arith.select %gt3A_649, %max3A_646, %scan3A_629 : vector<16xi1>, vector<16xf32>
        %select_n3A_652 = arith.select %gt3A_649, %scan3A_631, %scan3A_630 : vector<16xi1>, vector<16xi32>
        %add3A_653 = arith.constant 16 : i32
        %add3A_654 = vector.broadcast %add3A_653 : i32 to vector<16xi32>
        %add3A_655 = arith.addi %scan3A_631, %add3A_654 : vector<16xi32>
        %scan3A_656 = arith.constant 1 : i32
        %scan3A_657 = arith.addi %scan3A_627, %scan3A_656 : i32
        %mul3A_658 = arith.constant 10000 : i32
        %mul3A_659 = arith.muli %add3A_613, %mul3A_658 : i32
        %mul3A_660 = arith.constant 16 : i32
        %mul3A_661 = arith.muli %scan3A_657, %mul3A_660 : i32
        %add3A_662 = arith.addi %mul3A_659, %mul3A_661 : i32
        %get3A_663 = arith.index_cast %add3A_662 : i32 to index
        %get3A_664 = tpu.vector_load %arg6[%get3A_663] {strides = array<i32>} : memref<100000xf32, #tpu.memory_space<vmem>>, vector<16xf32>,
        %mul3A_665 = arith.constant 16 : i32
        %mul3A_666 = arith.muli %scan3A_657, %mul3A_665 : i32
        %get3A_667 = arith.index_cast %mul3A_666 : i32 to index
        %get3A_668 = tpu.vector_load %arg8[%get3A_667] {strides = array<i32>} : memref<10000xf32, #tpu.memory_space<vmem>>, vector<16xf32>,
        %mul3A_669 = arith.mulf %get3A_664, %mul3A_225 : vector<16xf32>
        %sub3A_670 = arith.subf %mul3A_669, %mul3A_227 : vector<16xf32>
        %exp3A_671 = math.exp %sub3A_670 : vector<16xf32>
        %max3A_672 = arith.constant 1.000000e-10 : f32
        %max3A_673 = vector.broadcast %max3A_672 : f32 to vector<16xf32>
        %max3A_674 = arith.maximumf %get3A_668, %max3A_673 : vector<16xf32>
        %mul3A_675 = arith.mulf %exp3A_671, %select_n3A_651 : vector<16xf32>
        %mul3A_676 = arith.mulf %select_n3A_650, %max3A_674 : vector<16xf32>
        %gt3A_677 = arith.cmpf ogt, %mul3A_675, %mul3A_676 : vector<16xf32>
        %select_n3A_678 = arith.select %gt3A_677, %exp3A_671, %select_n3A_650 : vector<16xi1>, vector<16xf32>
        %select_n3A_679 = arith.select %gt3A_677, %max3A_674, %select_n3A_651 : vector<16xi1>, vector<16xf32>
        %select_n3A_680 = arith.select %gt3A_677, %add3A_655, %select_n3A_652 : vector<16xi1>, vector<16xi32>
        %add3A_681 = arith.constant 16 : i32
        %add3A_682 = vector.broadcast %add3A_681 : i32 to vector<16xi32>
        %add3A_683 = arith.addi %add3A_655, %add3A_682 : vector<16xi32>
        %scan3A_684 = arith.constant 2 : i32
        %scan3A_685 = arith.addi %scan3A_627, %scan3A_684 : i32
        %mul3A_686 = arith.constant 10000 : i32
        %mul3A_687 = arith.muli %add3A_613, %mul3A_686 : i32
        %mul3A_688 = arith.constant 16 : i32
        %mul3A_689 = arith.muli %scan3A_685, %mul3A_688 : i32
        %add3A_690 = arith.addi %mul3A_687, %mul3A_689 : i32
        %get3A_691 = arith.index_cast %add3A_690 : i32 to index
        %get3A_692 = tpu.vector_load %arg6[%get3A_691] {strides = array<i32>} : memref<100000xf32, #tpu.memory_space<vmem>>, vector<16xf32>,
        %mul3A_693 = arith.constant 16 : i32
        %mul3A_694 = arith.muli %scan3A_685, %mul3A_693 : i32
        %get3A_695 = arith.index_cast %mul3A_694 : i32 to index
        %get3A_696 = tpu.vector_load %arg8[%get3A_695] {strides = array<i32>} : memref<10000xf32, #tpu.memory_space<vmem>>, vector<16xf32>,
        %mul3A_697 = arith.mulf %get3A_692, %mul3A_225 : vector<16xf32>
        %sub3A_698 = arith.subf %mul3A_697, %mul3A_227 : vector<16xf32>
        %exp3A_699 = math.exp %sub3A_698 : vector<16xf32>
        %max3A_700 = arith.constant 1.000000e-10 : f32
        %max3A_701 = vector.broadcast %max3A_700 : f32 to vector<16xf32>
        %max3A_702 = arith.maximumf %get3A_696, %max3A_701 : vector<16xf32>
        %mul3A_703 = arith.mulf %exp3A_699, %select_n3A_679 : vector<16xf32>
        %mul3A_704 = arith.mulf %select_n3A_678, %max3A_702 : vector<16xf32>
        %gt3A_705 = arith.cmpf ogt, %mul3A_703, %mul3A_704 : vector<16xf32>
        %select_n3A_706 = arith.select %gt3A_705, %exp3A_699, %select_n3A_678 : vector<16xi1>, vector<16xf32>
        %select_n3A_707 = arith.select %gt3A_705, %max3A_702, %select_n3A_679 : vector<16xi1>, vector<16xf32>
        %select_n3A_708 = arith.select %gt3A_705, %add3A_683, %select_n3A_680 : vector<16xi1>, vector<16xi32>
        %add3A_709 = arith.constant 16 : i32
        %add3A_710 = vector.broadcast %add3A_709 : i32 to vector<16xi32>
        %add3A_711 = arith.addi %add3A_683, %add3A_710 : vector<16xi32>
        %scan3A_712 = arith.constant 3 : i32
        %scan3A_713 = arith.addi %scan3A_627, %scan3A_712 : i32
        %mul3A_714 = arith.constant 10000 : i32
        %mul3A_715 = arith.muli %add3A_613, %mul3A_714 : i32
        %mul3A_716 = arith.constant 16 : i32
        %mul3A_717 = arith.muli %scan3A_713, %mul3A_716 : i32
        %add3A_718 = arith.addi %mul3A_715, %mul3A_717 : i32
        %get3A_719 = arith.index_cast %add3A_718 : i32 to index
        %get3A_720 = tpu.vector_load %arg6[%get3A_719] {strides = array<i32>} : memref<100000xf32, #tpu.memory_space<vmem>>, vector<16xf32>,
        %mul3A_721 = arith.constant 16 : i32
        %mul3A_722 = arith.muli %scan3A_713, %mul3A_721 : i32
        %get3A_723 = arith.index_cast %mul3A_722 : i32 to index
        %get3A_724 = tpu.vector_load %arg8[%get3A_723] {strides = array<i32>} : memref<10000xf32, #tpu.memory_space<vmem>>, vector<16xf32>,
        %mul3A_725 = arith.mulf %get3A_720, %mul3A_225 : vector<16xf32>
        %sub3A_726 = arith.subf %mul3A_725, %mul3A_227 : vector<16xf32>
        %exp3A_727 = math.exp %sub3A_726 : vector<16xf32>
        %max3A_728 = arith.constant 1.000000e-10 : f32
        %max3A_729 = vector.broadcast %max3A_728 : f32 to vector<16xf32>
        %max3A_730 = arith.maximumf %get3A_724, %max3A_729 : vector<16xf32>
        %mul3A_731 = arith.mulf %exp3A_727, %select_n3A_707 : vector<16xf32>
        %mul3A_732 = arith.mulf %select_n3A_706, %max3A_730 : vector<16xf32>
        %gt3A_733 = arith.cmpf ogt, %mul3A_731, %mul3A_732 : vector<16xf32>
        %select_n3A_734 = arith.select %gt3A_733, %exp3A_727, %select_n3A_706 : vector<16xi1>, vector<16xf32>
        %select_n3A_735 = arith.select %gt3A_733, %max3A_730, %select_n3A_707 : vector<16xi1>, vector<16xf32>
        %select_n3A_736 = arith.select %gt3A_733, %add3A_711, %select_n3A_708 : vector<16xi1>, vector<16xi32>
        %add3A_737 = arith.constant 16 : i32
        %add3A_738 = vector.broadcast %add3A_737 : i32 to vector<16xi32>
        %add3A_739 = arith.addi %add3A_711, %add3A_738 : vector<16xi32>
        %scan3A_740 = arith.constant 4 : i32
        %scan3A_741 = arith.addi %scan3A_627, %scan3A_740 : i32
        %mul3A_742 = arith.constant 10000 : i32
        %mul3A_743 = arith.muli %add3A_613, %mul3A_742 : i32
        %mul3A_744 = arith.constant 16 : i32
        %mul3A_745 = arith.muli %scan3A_741, %mul3A_744 : i32
        %add3A_746 = arith.addi %mul3A_743, %mul3A_745 : i32
        %get3A_747 = arith.index_cast %add3A_746 : i32 to index
        %get3A_748 = tpu.vector_load %arg6[%get3A_747] {strides = array<i32>} : memref<100000xf32, #tpu.memory_space<vmem>>, vector<16xf32>,
        %mul3A_749 = arith.constant 16 : i32
        %mul3A_750 = arith.muli %scan3A_741, %mul3A_749 : i32
        %get3A_751 = arith.index_cast %mul3A_750 : i32 to index
        %get3A_752 = tpu.vector_load %arg8[%get3A_751] {strides = array<i32>} : memref<10000xf32, #tpu.memory_space<vmem>>, vector<16xf32>,
        %mul3A_753 = arith.mulf %get3A_748, %mul3A_225 : vector<16xf32>
        %sub3A_754 = arith.subf %mul3A_753, %mul3A_227 : vector<16xf32>
        %exp3A_755 = math.exp %sub3A_754 : vector<16xf32>
        %max3A_756 = arith.constant 1.000000e-10 : f32
        %max3A_757 = vector.broadcast %max3A_756 : f32 to vector<16xf32>
        %max3A_758 = arith.maximumf %get3A_752, %max3A_757 : vector<16xf32>
        %mul3A_759 = arith.mulf %exp3A_755, %select_n3A_735 : vector<16xf32>
        %mul3A_760 = arith.mulf %select_n3A_734, %max3A_758 : vector<16xf32>
        %gt3A_761 = arith.cmpf ogt, %mul3A_759, %mul3A_760 : vector<16xf32>
        %select_n3A_762 = arith.select %gt3A_761, %exp3A_755, %select_n3A_734 : vector<16xi1>, vector<16xf32>
        %select_n3A_763 = arith.select %gt3A_761, %max3A_758, %select_n3A_735 : vector<16xi1>, vector<16xf32>
        %select_n3A_764 = arith.select %gt3A_761, %add3A_739, %select_n3A_736 : vector<16xi1>, vector<16xi32>
        %add3A_765 = arith.constant 16 : i32
        %add3A_766 = vector.broadcast %add3A_765 : i32 to vector<16xi32>
        %add3A_767 = arith.addi %add3A_739, %add3A_766 : vector<16xi32>
        scf.yield %select_n3A_762, %select_n3A_763, %select_n3A_764, %add3A_767 : vector<16xf32>, vector<16xf32>, vector<16xi32>, vector<16xi32>
      }
      %scan3A_619 = arith.constant 625 : i32
      %add3A_620 = arith.constant 3 : i32
      %add3A_621 = arith.addi %mul3A_590, %add3A_620 : i32
      %lt3A_622 = arith.constant 10 : i32
      %lt3A_623 = arith.cmpi slt, %add3A_621, %lt3A_622 : i32
      %convert_element_type3A_624 = arith.extui %lt3A_623 : i1 to i32
      %cond3A_625 = arith.constant 0 : i32
      %cond3A_626 = arith.cmpi ne, %convert_element_type3A_624, %cond3A_625 : i32
      scf.if %cond3A_626 {
        %add3A_627 = arith.constant 3 : i32
        %add3A_628 = arith.addi %mul3A_590, %add3A_627 : i32
        %mul3A_629 = arith.constant 10000 : i32
        %mul3A_630 = arith.muli %add3A_628, %mul3A_629 : i32
        %dma_start3A_631 = tpu.memref_slice %arg4[%add3A_145, %mul3A_630] : memref<128x100000xf32, #tpu.memory_space<hbm>> -> memref<1x10000xf32, #tpu.memory_space<hbm>>
        %dma_start3A_632 = tpu.memref_squeeze %dma_start3A_631 : memref<1x10000xf32, #tpu.memory_space<hbm>> -> memref<10000xf32, #tpu.memory_space<hbm>>
        %dma_start3A_633 = tpu.memref_slice %arg4[%add3A_145, %mul3A_630] : memref<128x100000xf32, #tpu.memory_space<hbm>> -> memref<1x10000xf32, #tpu.memory_space<hbm>>
        %dma_start3A_634 = tpu.memref_squeeze %dma_start3A_633 : memref<1x10000xf32, #tpu.memory_space<hbm>> -> memref<10000xf32, #tpu.memory_space<hbm>>
        tpu.enqueue_dma source(%dma_start3A_634 : memref<10000xf32, #tpu.memory_space<hbm>>) target(%arg8 : memref<10000xf32, #tpu.memory_space<vmem>>) target_semaphore(%arg12 : memref<!tpu.dma_semaphore, #tpu.memory_space<semaphore_mem>>)
      } else {
      }
      scf.yield %scan3A_618#0, %scan3A_618#1, %scan3A_618#2, %scan3A_618#3 : vector<16xf32>, vector<16xf32>, vector<16xi32>, vector<16xi32>
    }
    %scan3A_239 = arith.constant 5 : i32
    %bitcast3A_240 = vector.bitcast %scan3A_238#1 : vector<16xf32> to vector<16xi32>
    %sub3A_241 = arith.constant 2129859011 : i32
    %sub3A_242 = vector.broadcast %sub3A_241 : i32 to vector<16xi32>
    %sub3A_243 = arith.subi %sub3A_242, %bitcast3A_240 : vector<16xi32>
    %bitcast3A_244 = vector.bitcast %sub3A_243 : vector<16xi32> to vector<16xf32>
    %mul3A_245 = arith.mulf %scan3A_238#1, %bitcast3A_244 : vector<16xf32>
    %sub3A_246 = arith.constant 2.000000e+00 : f32
    %sub3A_247 = vector.broadcast %sub3A_246 : f32 to vector<16xf32>
    %sub3A_248 = arith.subf %sub3A_247, %mul3A_245 : vector<16xf32>
    %mul3A_249 = arith.mulf %bitcast3A_244, %sub3A_248 : vector<16xf32>
    %mul3A_250 = arith.mulf %scan3A_238#1, %mul3A_249 : vector<16xf32>
    %sub3A_251 = arith.constant 2.000000e+00 : f32
    %sub3A_252 = vector.broadcast %sub3A_251 : f32 to vector<16xf32>
    %sub3A_253 = arith.subf %sub3A_252, %mul3A_250 : vector<16xf32>
    %mul3A_254 = arith.mulf %mul3A_249, %sub3A_253 : vector<16xf32>
    %mul3A_255 = arith.mulf %scan3A_238#1, %mul3A_254 : vector<16xf32>
    %sub3A_256 = arith.constant 2.000000e+00 : f32
    %sub3A_257 = vector.broadcast %sub3A_256 : f32 to vector<16xf32>
    %sub3A_258 = arith.subf %sub3A_257, %mul3A_255 : vector<16xf32>
    %mul3A_259 = arith.mulf %mul3A_254, %sub3A_258 : vector<16xf32>
    %mul3A_260 = arith.mulf %scan3A_238#1, %mul3A_259 : vector<16xf32>
    %sub3A_261 = arith.constant 2.000000e+00 : f32
    %sub3A_262 = vector.broadcast %sub3A_261 : f32 to vector<16xf32>
    %sub3A_263 = arith.subf %sub3A_262, %mul3A_260 : vector<16xf32>
    %mul3A_264 = arith.mulf %mul3A_259, %sub3A_263 : vector<16xf32>
    %mul3A_265 = arith.mulf %scan3A_238#0, %mul3A_264 : vector<16xf32>
    %reduce_max3A_266 = arith.constant true
    %reduce_max3A_267 = vector.broadcast %reduce_max3A_266 : i1 to vector<16xi1>
    %reduce_max3A_268 = tpu.scan <max>, %mul3A_265 masked %reduce_max3A_267 : vector<16xf32>, vector<16xi1> -> vector<16xf32>
    %reduce_max3A_269 = vector.extract %reduce_max3A_268[15] : f32 from vector<16xf32>
    %eq3A_270 = vector.broadcast %reduce_max3A_269 : f32 to vector<16xf32>
    %eq3A_271 = arith.cmpf oeq, %mul3A_265, %eq3A_270 : vector<16xf32>
    %jit3A_272 = arith.constant 2147483647 : i32
    %broadcast_in_dim3A_273 = vector.broadcast %jit3A_272 : i32 to vector<16xi32>
    %select_n3A_274 = arith.select %eq3A_271, %scan3A_238#2, %broadcast_in_dim3A_273 : vector<16xi1>, vector<16xi32>
    %reduce_min3A_275 = arith.constant true
    %reduce_min3A_276 = vector.broadcast %reduce_min3A_275 : i1 to vector<16xi1>
    %reduce_min3A_277 = arith.constant -2147483648 : i32
    %reduce_min3A_278 = vector.broadcast %reduce_min3A_277 : i32 to vector<16xi32>
    %reduce_min3A_279 = arith.xori %select_n3A_274, %reduce_min3A_278 : vector<16xi32>
    %reduce_min3A_280 = tpu.scan <min>, %reduce_min3A_279 masked %reduce_min3A_276 : vector<16xi32>, vector<16xi1> -> vector<16xi32>
    %reduce_min3A_281 = arith.xori %reduce_min3A_280, %reduce_min3A_278 : vector<16xi32>
    %reduce_min3A_282 = vector.extract %reduce_min3A_281[15] : i32 from vector<16xi32>
    %select_n3A_283 = arith.select %gt3A_196, %reduce_min3A_282, %reduce_min3A_184 : i32
    %eq3A_284 = arith.constant 1 : i32
    %eq3A_285 = vector.broadcast %eq3A_284 : i32 to vector<16xi32>
    %eq3A_286 = arith.cmpi eq, %iota3A, %eq3A_285 : vector<16xi32>
    %broadcast_in_dim3A_287 = vector.broadcast %select_n3A_283 : i32 to vector<16xi32>
    %select_n3A_288 = arith.select %eq3A_286, %broadcast_in_dim3A_287, %select_n3A_141 : vector<16xi1>, vector<16xi32>
    %mul3A_289 = arith.constant 4 : i32
    %mul3A_290 = arith.muli %add3A, %mul3A_289 : i32
    %add3A_291 = arith.constant 2 : i32
    %add3A_292 = arith.addi %mul3A_290, %add3A_291 : i32
    %dma_start3A_293 = arith.constant 0 : i32
    %dma_start3A_294 = tpu.memref_slice %arg4[%add3A_292, %dma_start3A_293] : memref<128x100000xf32, #tpu.memory_space<hbm>> -> memref<1x10000xf32, #tpu.memory_space<hbm>>
    %dma_start3A_295 = tpu.memref_squeeze %dma_start3A_294 : memref<1x10000xf32, #tpu.memory_space<hbm>> -> memref<10000xf32, #tpu.memory_space<hbm>>
    %dma_start3A_296 = arith.constant 0 : i32
    %dma_start3A_297 = tpu.memref_slice %arg4[%add3A_292, %dma_start3A_296] : memref<128x100000xf32, #tpu.memory_space<hbm>> -> memref<1x10000xf32, #tpu.memory_space<hbm>>
    %dma_start3A_298 = tpu.memref_squeeze %dma_start3A_297 : memref<1x10000xf32, #tpu.memory_space<hbm>> -> memref<10000xf32, #tpu.memory_space<hbm>>
    tpu.enqueue_dma source(%dma_start3A_298 : memref<10000xf32, #tpu.memory_space<hbm>>) target(%arg7 : memref<10000xf32, #tpu.memory_space<vmem>>) target_semaphore(%arg11 : memref<!tpu.dma_semaphore, #tpu.memory_space<semaphore_mem>>)
    %dma_start3A_299 = arith.constant 10000 : i32
    %dma_start3A_300 = tpu.memref_slice %arg4[%add3A_292, %dma_start3A_299] : memref<128x100000xf32, #tpu.memory_space<hbm>> -> memref<1x10000xf32, #tpu.memory_space<hbm>>
    %dma_start3A_301 = tpu.memref_squeeze %dma_start3A_300 : memref<1x10000xf32, #tpu.memory_space<hbm>> -> memref<10000xf32, #tpu.memory_space<hbm>>
    %dma_start3A_302 = arith.constant 10000 : i32
    %dma_start3A_303 = tpu.memref_slice %arg4[%add3A_292, %dma_start3A_302] : memref<128x100000xf32, #tpu.memory_space<hbm>> -> memref<1x10000xf32, #tpu.memory_space<hbm>>
    %dma_start3A_304 = tpu.memref_squeeze %dma_start3A_303 : memref<1x10000xf32, #tpu.memory_space<hbm>> -> memref<10000xf32, #tpu.memory_space<hbm>>
    tpu.enqueue_dma source(%dma_start3A_304 : memref<10000xf32, #tpu.memory_space<hbm>>) target(%arg8 : memref<10000xf32, #tpu.memory_space<vmem>>) target_semaphore(%arg12 : memref<!tpu.dma_semaphore, #tpu.memory_space<semaphore_mem>>)
    "tpu.region"() ({
      %run_scoped3A = tpu.sem_alloc : memref<!tpu.dma_semaphore, #tpu.memory_space<semaphore_mem>>
      %dma_start3A_584 = arith.constant 0 : i32
      %dma_start3A_585 = tpu.memref_slice %arg2[%add3A_292, %dma_start3A_584] : memref<128x100000xf32, #tpu.memory_space<hbm>> -> memref<1x100000xf32, #tpu.memory_space<hbm>>
      %dma_start3A_586 = tpu.memref_squeeze %dma_start3A_585 : memref<1x100000xf32, #tpu.memory_space<hbm>> -> memref<100000xf32, #tpu.memory_space<hbm>>
      %dma_start3A_587 = arith.constant 0 : i32
      %dma_start3A_588 = tpu.memref_slice %arg2[%add3A_292, %dma_start3A_587] : memref<128x100000xf32, #tpu.memory_space<hbm>> -> memref<1x100000xf32, #tpu.memory_space<hbm>>
      %dma_start3A_589 = tpu.memref_squeeze %dma_start3A_588 : memref<1x100000xf32, #tpu.memory_space<hbm>> -> memref<100000xf32, #tpu.memory_space<hbm>>
      tpu.enqueue_dma source(%dma_start3A_589 : memref<100000xf32, #tpu.memory_space<hbm>>) target(%arg6 : memref<100000xf32, #tpu.memory_space<vmem>>) target_semaphore(%run_scoped3A : memref<!tpu.dma_semaphore, #tpu.memory_space<semaphore_mem>>)
      %dma_wait3A = arith.constant 0 : i32
      %dma_wait3A_590 = tpu.memref_slice %arg2[%add3A_292, %dma_wait3A] : memref<128x100000xf32, #tpu.memory_space<hbm>> -> memref<1x100000xf32, #tpu.memory_space<hbm>>
      %dma_wait3A_591 = tpu.memref_squeeze %dma_wait3A_590 : memref<1x100000xf32, #tpu.memory_space<hbm>> -> memref<100000xf32, #tpu.memory_space<hbm>>
      %dma_wait3A_592 = arith.constant 0 : i32
      %dma_wait3A_593 = tpu.memref_slice %arg2[%add3A_292, %dma_wait3A_592] : memref<128x100000xf32, #tpu.memory_space<hbm>> -> memref<1x100000xf32, #tpu.memory_space<hbm>>
      %dma_wait3A_594 = tpu.memref_squeeze %dma_wait3A_593 : memref<1x100000xf32, #tpu.memory_space<hbm>> -> memref<100000xf32, #tpu.memory_space<hbm>>
      tpu.wait_dma2 semaphore(%run_scoped3A : memref<!tpu.dma_semaphore, #tpu.memory_space<semaphore_mem>>) src(%dma_wait3A_594 : memref<100000xf32, #tpu.memory_space<hbm>>) dst(%arg6 : memref<100000xf32, #tpu.memory_space<vmem>>)
      tpu.yield
    }) : () -> ()
    %broadcast_in_dim3A_305 = arith.constant 0xFF800000 : f32
    %broadcast_in_dim3A_306 = vector.broadcast %broadcast_in_dim3A_305 : f32 to vector<16xf32>
    %broadcast_in_dim3A_307 = arith.constant 0 : i32
    %broadcast_in_dim3A_308 = vector.broadcast %broadcast_in_dim3A_307 : i32 to vector<16xi32>
    %scan3A_309 = arith.constant 0 : i32
    %scan3A_310 = arith.constant 6250 : i32
    %scan3A_311 = arith.addi %scan3A_309, %scan3A_310 : i32
    %scan3A_312 = arith.constant 10 : i32
    %scan3A_313:3 = scf.for %scan3A_584 = %scan3A_309 to %scan3A_311 step %scan3A_312 iter_args(%scan3A_585 = %broadcast_in_dim3A_306, %scan3A_586 = %broadcast_in_dim3A_308, %scan3A_587 = %iota3A) -> (vector<16xf32>, vector<16xi32>, vector<16xi32>)  : i32 {
      %mul3A_588 = arith.constant 16 : i32
      %mul3A_589 = arith.muli %scan3A_584, %mul3A_588 : i32
      %get3A_590 = arith.index_cast %mul3A_589 : i32 to index
      %get3A_591 = tpu.vector_load %arg6[%get3A_590] {strides = array<i32>} : memref<100000xf32, #tpu.memory_space<vmem>>, vector<16xf32>,
      %gt3A_592 = arith.cmpf ogt, %get3A_591, %scan3A_585 : vector<16xf32>
      %select_n3A_593 = arith.select %gt3A_592, %scan3A_587, %scan3A_586 : vector<16xi1>, vector<16xi32>
      %max3A = arith.maximumf %scan3A_585, %get3A_591 : vector<16xf32>
      %add3A_594 = arith.constant 16 : i32
      %add3A_595 = vector.broadcast %add3A_594 : i32 to vector<16xi32>
      %add3A_596 = arith.addi %scan3A_587, %add3A_595 : vector<16xi32>
      %scan3A_597 = arith.constant 1 : i32
      %scan3A_598 = arith.addi %scan3A_584, %scan3A_597 : i32
      %mul3A_599 = arith.constant 16 : i32
      %mul3A_600 = arith.muli %scan3A_598, %mul3A_599 : i32
      %get3A_601 = arith.index_cast %mul3A_600 : i32 to index
      %get3A_602 = tpu.vector_load %arg6[%get3A_601] {strides = array<i32>} : memref<100000xf32, #tpu.memory_space<vmem>>, vector<16xf32>,
      %gt3A_603 = arith.cmpf ogt, %get3A_602, %max3A : vector<16xf32>
      %select_n3A_604 = arith.select %gt3A_603, %add3A_596, %select_n3A_593 : vector<16xi1>, vector<16xi32>
      %max3A_605 = arith.maximumf %max3A, %get3A_602 : vector<16xf32>
      %add3A_606 = arith.constant 16 : i32
      %add3A_607 = vector.broadcast %add3A_606 : i32 to vector<16xi32>
      %add3A_608 = arith.addi %add3A_596, %add3A_607 : vector<16xi32>
      %scan3A_609 = arith.constant 2 : i32
      %scan3A_610 = arith.addi %scan3A_584, %scan3A_609 : i32
      %mul3A_611 = arith.constant 16 : i32
      %mul3A_612 = arith.muli %scan3A_610, %mul3A_611 : i32
      %get3A_613 = arith.index_cast %mul3A_612 : i32 to index
      %get3A_614 = tpu.vector_load %arg6[%get3A_613] {strides = array<i32>} : memref<100000xf32, #tpu.memory_space<vmem>>, vector<16xf32>,
      %gt3A_615 = arith.cmpf ogt, %get3A_614, %max3A_605 : vector<16xf32>
      %select_n3A_616 = arith.select %gt3A_615, %add3A_608, %select_n3A_604 : vector<16xi1>, vector<16xi32>
      %max3A_617 = arith.maximumf %max3A_605, %get3A_614 : vector<16xf32>
      %add3A_618 = arith.constant 16 : i32
      %add3A_619 = vector.broadcast %add3A_618 : i32 to vector<16xi32>
      %add3A_620 = arith.addi %add3A_608, %add3A_619 : vector<16xi32>
      %scan3A_621 = arith.constant 3 : i32
      %scan3A_622 = arith.addi %scan3A_584, %scan3A_621 : i32
      %mul3A_623 = arith.constant 16 : i32
      %mul3A_624 = arith.muli %scan3A_622, %mul3A_623 : i32
      %get3A_625 = arith.index_cast %mul3A_624 : i32 to index
      %get3A_626 = tpu.vector_load %arg6[%get3A_625] {strides = array<i32>} : memref<100000xf32, #tpu.memory_space<vmem>>, vector<16xf32>,
      %gt3A_627 = arith.cmpf ogt, %get3A_626, %max3A_617 : vector<16xf32>
      %select_n3A_628 = arith.select %gt3A_627, %add3A_620, %select_n3A_616 : vector<16xi1>, vector<16xi32>
      %max3A_629 = arith.maximumf %max3A_617, %get3A_626 : vector<16xf32>
      %add3A_630 = arith.constant 16 : i32
      %add3A_631 = vector.broadcast %add3A_630 : i32 to vector<16xi32>
      %add3A_632 = arith.addi %add3A_620, %add3A_631 : vector<16xi32>
      %scan3A_633 = arith.constant 4 : i32
      %scan3A_634 = arith.addi %scan3A_584, %scan3A_633 : i32
      %mul3A_635 = arith.constant 16 : i32
      %mul3A_636 = arith.muli %scan3A_634, %mul3A_635 : i32
      %get3A_637 = arith.index_cast %mul3A_636 : i32 to index
      %get3A_638 = tpu.vector_load %arg6[%get3A_637] {strides = array<i32>} : memref<100000xf32, #tpu.memory_space<vmem>>, vector<16xf32>,
      %gt3A_639 = arith.cmpf ogt, %get3A_638, %max3A_629 : vector<16xf32>
      %select_n3A_640 = arith.select %gt3A_639, %add3A_632, %select_n3A_628 : vector<16xi1>, vector<16xi32>
      %max3A_641 = arith.maximumf %max3A_629, %get3A_638 : vector<16xf32>
      %add3A_642 = arith.constant 16 : i32
      %add3A_643 = vector.broadcast %add3A_642 : i32 to vector<16xi32>
      %add3A_644 = arith.addi %add3A_632, %add3A_643 : vector<16xi32>
      %scan3A_645 = arith.constant 5 : i32
      %scan3A_646 = arith.addi %scan3A_584, %scan3A_645 : i32
      %mul3A_647 = arith.constant 16 : i32
      %mul3A_648 = arith.muli %scan3A_646, %mul3A_647 : i32
      %get3A_649 = arith.index_cast %mul3A_648 : i32 to index
      %get3A_650 = tpu.vector_load %arg6[%get3A_649] {strides = array<i32>} : memref<100000xf32, #tpu.memory_space<vmem>>, vector<16xf32>,
      %gt3A_651 = arith.cmpf ogt, %get3A_650, %max3A_641 : vector<16xf32>
      %select_n3A_652 = arith.select %gt3A_651, %add3A_644, %select_n3A_640 : vector<16xi1>, vector<16xi32>
      %max3A_653 = arith.maximumf %max3A_641, %get3A_650 : vector<16xf32>
      %add3A_654 = arith.constant 16 : i32
      %add3A_655 = vector.broadcast %add3A_654 : i32 to vector<16xi32>
      %add3A_656 = arith.addi %add3A_644, %add3A_655 : vector<16xi32>
      %scan3A_657 = arith.constant 6 : i32
      %scan3A_658 = arith.addi %scan3A_584, %scan3A_657 : i32
      %mul3A_659 = arith.constant 16 : i32
      %mul3A_660 = arith.muli %scan3A_658, %mul3A_659 : i32
      %get3A_661 = arith.index_cast %mul3A_660 : i32 to index
      %get3A_662 = tpu.vector_load %arg6[%get3A_661] {strides = array<i32>} : memref<100000xf32, #tpu.memory_space<vmem>>, vector<16xf32>,
      %gt3A_663 = arith.cmpf ogt, %get3A_662, %max3A_653 : vector<16xf32>
      %select_n3A_664 = arith.select %gt3A_663, %add3A_656, %select_n3A_652 : vector<16xi1>, vector<16xi32>
      %max3A_665 = arith.maximumf %max3A_653, %get3A_662 : vector<16xf32>
      %add3A_666 = arith.constant 16 : i32
      %add3A_667 = vector.broadcast %add3A_666 : i32 to vector<16xi32>
      %add3A_668 = arith.addi %add3A_656, %add3A_667 : vector<16xi32>
      %scan3A_669 = arith.constant 7 : i32
      %scan3A_670 = arith.addi %scan3A_584, %scan3A_669 : i32
      %mul3A_671 = arith.constant 16 : i32
      %mul3A_672 = arith.muli %scan3A_670, %mul3A_671 : i32
      %get3A_673 = arith.index_cast %mul3A_672 : i32 to index
      %get3A_674 = tpu.vector_load %arg6[%get3A_673] {strides = array<i32>} : memref<100000xf32, #tpu.memory_space<vmem>>, vector<16xf32>,
      %gt3A_675 = arith.cmpf ogt, %get3A_674, %max3A_665 : vector<16xf32>
      %select_n3A_676 = arith.select %gt3A_675, %add3A_668, %select_n3A_664 : vector<16xi1>, vector<16xi32>
      %max3A_677 = arith.maximumf %max3A_665, %get3A_674 : vector<16xf32>
      %add3A_678 = arith.constant 16 : i32
      %add3A_679 = vector.broadcast %add3A_678 : i32 to vector<16xi32>
      %add3A_680 = arith.addi %add3A_668, %add3A_679 : vector<16xi32>
      %scan3A_681 = arith.constant 8 : i32
      %scan3A_682 = arith.addi %scan3A_584, %scan3A_681 : i32
      %mul3A_683 = arith.constant 16 : i32
      %mul3A_684 = arith.muli %scan3A_682, %mul3A_683 : i32
      %get3A_685 = arith.index_cast %mul3A_684 : i32 to index
      %get3A_686 = tpu.vector_load %arg6[%get3A_685] {strides = array<i32>} : memref<100000xf32, #tpu.memory_space<vmem>>, vector<16xf32>,
      %gt3A_687 = arith.cmpf ogt, %get3A_686, %max3A_677 : vector<16xf32>
      %select_n3A_688 = arith.select %gt3A_687, %add3A_680, %select_n3A_676 : vector<16xi1>, vector<16xi32>
      %max3A_689 = arith.maximumf %max3A_677, %get3A_686 : vector<16xf32>
      %add3A_690 = arith.constant 16 : i32
      %add3A_691 = vector.broadcast %add3A_690 : i32 to vector<16xi32>
      %add3A_692 = arith.addi %add3A_680, %add3A_691 : vector<16xi32>
      %scan3A_693 = arith.constant 9 : i32
      %scan3A_694 = arith.addi %scan3A_584, %scan3A_693 : i32
      %mul3A_695 = arith.constant 16 : i32
      %mul3A_696 = arith.muli %scan3A_694, %mul3A_695 : i32
      %get3A_697 = arith.index_cast %mul3A_696 : i32 to index
      %get3A_698 = tpu.vector_load %arg6[%get3A_697] {strides = array<i32>} : memref<100000xf32, #tpu.memory_space<vmem>>, vector<16xf32>,
      %gt3A_699 = arith.cmpf ogt, %get3A_698, %max3A_689 : vector<16xf32>
      %select_n3A_700 = arith.select %gt3A_699, %add3A_692, %select_n3A_688 : vector<16xi1>, vector<16xi32>
      %max3A_701 = arith.maximumf %max3A_689, %get3A_698 : vector<16xf32>
      %add3A_702 = arith.constant 16 : i32
      %add3A_703 = vector.broadcast %add3A_702 : i32 to vector<16xi32>
      %add3A_704 = arith.addi %add3A_692, %add3A_703 : vector<16xi32>
      scf.yield %max3A_701, %select_n3A_700, %add3A_704 : vector<16xf32>, vector<16xi32>, vector<16xi32>
    }
    %scan3A_314 = arith.constant 6250 : i32
    %reduce_max3A_315 = arith.constant true
    %reduce_max3A_316 = vector.broadcast %reduce_max3A_315 : i1 to vector<16xi1>
    %reduce_max3A_317 = tpu.scan <max>, %scan3A_313#0 masked %reduce_max3A_316 : vector<16xf32>, vector<16xi1> -> vector<16xf32>
    %reduce_max3A_318 = vector.extract %reduce_max3A_317[15] : f32 from vector<16xf32>
    %eq3A_319 = vector.broadcast %reduce_max3A_318 : f32 to vector<16xf32>
    %eq3A_320 = arith.cmpf oeq, %scan3A_313#0, %eq3A_319 : vector<16xf32>
    %jit3A_321 = arith.constant 2147483647 : i32
    %broadcast_in_dim3A_322 = vector.broadcast %jit3A_321 : i32 to vector<16xi32>
    %select_n3A_323 = arith.select %eq3A_320, %scan3A_313#1, %broadcast_in_dim3A_322 : vector<16xi1>, vector<16xi32>
    %reduce_min3A_324 = arith.constant true
    %reduce_min3A_325 = vector.broadcast %reduce_min3A_324 : i1 to vector<16xi1>
    %reduce_min3A_326 = arith.constant -2147483648 : i32
    %reduce_min3A_327 = vector.broadcast %reduce_min3A_326 : i32 to vector<16xi32>
    %reduce_min3A_328 = arith.xori %select_n3A_323, %reduce_min3A_327 : vector<16xi32>
    %reduce_min3A_329 = tpu.scan <min>, %reduce_min3A_328 masked %reduce_min3A_325 : vector<16xi32>, vector<16xi1> -> vector<16xi32>
    %reduce_min3A_330 = arith.xori %reduce_min3A_329, %reduce_min3A_327 : vector<16xi32>
    %reduce_min3A_331 = vector.extract %reduce_min3A_330[15] : i32 from vector<16xi32>
    %eq3A_332 = arith.constant 2 : i32
    %eq3A_333 = vector.broadcast %eq3A_332 : i32 to vector<16xi32>
    %eq3A_334 = arith.cmpi eq, %iota3A, %eq3A_333 : vector<16xi32>
    %jit3A_335 = arith.constant 0xFF800000 : f32
    %broadcast_in_dim3A_336 = vector.broadcast %jit3A_335 : f32 to vector<16xf32>
    %select_n3A_337 = arith.select %eq3A_334, %get3A_3, %broadcast_in_dim3A_336 : vector<16xi1>, vector<16xf32>
    %reduce_max3A_338 = arith.constant true
    %reduce_max3A_339 = vector.broadcast %reduce_max3A_338 : i1 to vector<16xi1>
    %reduce_max3A_340 = tpu.scan <max>, %select_n3A_337 masked %reduce_max3A_339 : vector<16xf32>, vector<16xi1> -> vector<16xf32>
    %reduce_max3A_341 = vector.extract %reduce_max3A_340[15] : f32 from vector<16xf32>
    %gt3A_342 = arith.constant 0.000000e+00 : f32
    %gt3A_343 = arith.cmpf ogt, %reduce_max3A_341, %gt3A_342 : f32
    %broadcast_in_dim3A_344 = vector.broadcast %reduce_max3A_341 : f32 to vector<16xf32>
    %broadcast_in_dim3A_345 = arith.constant 1.000000e+00 : f32
    %broadcast_in_dim3A_346 = vector.broadcast %broadcast_in_dim3A_345 : f32 to vector<16xf32>
    %select_n3A_347 = arith.select %gt3A_343, %broadcast_in_dim3A_344, %broadcast_in_dim3A_346 : vector<16xf32>
    %bitcast3A_348 = vector.bitcast %select_n3A_347 : vector<16xf32> to vector<16xi32>
    %sub3A_349 = arith.constant 2129859011 : i32
    %sub3A_350 = vector.broadcast %sub3A_349 : i32 to vector<16xi32>
    %sub3A_351 = arith.subi %sub3A_350, %bitcast3A_348 : vector<16xi32>
    %bitcast3A_352 = vector.bitcast %sub3A_351 : vector<16xi32> to vector<16xf32>
    %mul3A_353 = arith.mulf %select_n3A_347, %bitcast3A_352 : vector<16xf32>
    %sub3A_354 = arith.constant 2.000000e+00 : f32
    %sub3A_355 = vector.broadcast %sub3A_354 : f32 to vector<16xf32>
    %sub3A_356 = arith.subf %sub3A_355, %mul3A_353 : vector<16xf32>
    %mul3A_357 = arith.mulf %bitcast3A_352, %sub3A_356 : vector<16xf32>
    %mul3A_358 = arith.mulf %select_n3A_347, %mul3A_357 : vector<16xf32>
    %sub3A_359 = arith.constant 2.000000e+00 : f32
    %sub3A_360 = vector.broadcast %sub3A_359 : f32 to vector<16xf32>
    %sub3A_361 = arith.subf %sub3A_360, %mul3A_358 : vector<16xf32>
    %mul3A_362 = arith.mulf %mul3A_357, %sub3A_361 : vector<16xf32>
    %mul3A_363 = arith.mulf %select_n3A_347, %mul3A_362 : vector<16xf32>
    %sub3A_364 = arith.constant 2.000000e+00 : f32
    %sub3A_365 = vector.broadcast %sub3A_364 : f32 to vector<16xf32>
    %sub3A_366 = arith.subf %sub3A_365, %mul3A_363 : vector<16xf32>
    %mul3A_367 = arith.mulf %mul3A_362, %sub3A_366 : vector<16xf32>
    %mul3A_368 = arith.mulf %select_n3A_347, %mul3A_367 : vector<16xf32>
    %sub3A_369 = arith.constant 2.000000e+00 : f32
    %sub3A_370 = vector.broadcast %sub3A_369 : f32 to vector<16xf32>
    %sub3A_371 = arith.subf %sub3A_370, %mul3A_368 : vector<16xf32>
    %mul3A_372 = arith.mulf %mul3A_367, %sub3A_371 : vector<16xf32>
    %broadcast_in_dim3A_373 = vector.broadcast %reduce_max3A_318 : f32 to vector<16xf32>
    %mul3A_374 = arith.mulf %broadcast_in_dim3A_373, %mul3A_372 : vector<16xf32>
    %broadcast_in_dim3A_375 = arith.constant -1.000000e+00 : f32
    %broadcast_in_dim3A_376 = vector.broadcast %broadcast_in_dim3A_375 : f32 to vector<16xf32>
    %broadcast_in_dim3A_377 = arith.constant 1.000000e+00 : f32
    %broadcast_in_dim3A_378 = vector.broadcast %broadcast_in_dim3A_377 : f32 to vector<16xf32>
    %broadcast_in_dim3A_379 = arith.constant 0 : i32
    %broadcast_in_dim3A_380 = vector.broadcast %broadcast_in_dim3A_379 : i32 to vector<16xi32>
    %scan3A_381 = arith.constant 0 : i32
    %scan3A_382 = arith.constant 5 : i32
    %scan3A_383 = arith.addi %scan3A_381, %scan3A_382 : i32
    %scan3A_384 = arith.constant 1 : i32
    %scan3A_385:4 = scf.for %scan3A_584 = %scan3A_381 to %scan3A_383 step %scan3A_384 iter_args(%scan3A_585 = %broadcast_in_dim3A_376, %scan3A_586 = %broadcast_in_dim3A_378, %scan3A_587 = %broadcast_in_dim3A_380, %scan3A_588 = %iota3A) -> (vector<16xf32>, vector<16xf32>, vector<16xi32>, vector<16xi32>)  : i32 {
      %mul3A_589 = arith.constant 2 : i32
      %mul3A_590 = arith.muli %mul3A_589, %scan3A_584 : i32
      %dma_wait3A = arith.constant 0 : i32
      %dma_wait3A_591 = tpu.memref_slice %arg4[%add3A_292, %dma_wait3A] : memref<128x100000xf32, #tpu.memory_space<hbm>> -> memref<1x10000xf32, #tpu.memory_space<hbm>>
      %dma_wait3A_592 = tpu.memref_squeeze %dma_wait3A_591 : memref<1x10000xf32, #tpu.memory_space<hbm>> -> memref<10000xf32, #tpu.memory_space<hbm>>
      %dma_wait3A_593 = arith.constant 0 : i32
      %dma_wait3A_594 = tpu.memref_slice %arg4[%add3A_292, %dma_wait3A_593] : memref<128x100000xf32, #tpu.memory_space<hbm>> -> memref<1x10000xf32, #tpu.memory_space<hbm>>
      %dma_wait3A_595 = tpu.memref_squeeze %dma_wait3A_594 : memref<1x10000xf32, #tpu.memory_space<hbm>> -> memref<10000xf32, #tpu.memory_space<hbm>>
      tpu.wait_dma2 semaphore(%arg11 : memref<!tpu.dma_semaphore, #tpu.memory_space<semaphore_mem>>) src(%dma_wait3A_595 : memref<10000xf32, #tpu.memory_space<hbm>>) dst(%arg7 : memref<10000xf32, #tpu.memory_space<vmem>>)
      %scan3A_596 = arith.constant 0 : i32
      %scan3A_597 = arith.constant 625 : i32
      %scan3A_598 = arith.addi %scan3A_596, %scan3A_597 : i32
      %scan3A_599 = arith.constant 5 : i32
      %scan3A_600:4 = scf.for %scan3A_627 = %scan3A_596 to %scan3A_598 step %scan3A_599 iter_args(%scan3A_628 = %scan3A_585, %scan3A_629 = %scan3A_586, %scan3A_630 = %scan3A_587, %scan3A_631 = %scan3A_588) -> (vector<16xf32>, vector<16xf32>, vector<16xi32>, vector<16xi32>)  : i32 {
        %mul3A_632 = arith.constant 10000 : i32
        %mul3A_633 = arith.muli %mul3A_590, %mul3A_632 : i32
        %mul3A_634 = arith.constant 16 : i32
        %mul3A_635 = arith.muli %scan3A_627, %mul3A_634 : i32
        %add3A_636 = arith.addi %mul3A_633, %mul3A_635 : i32
        %get3A_637 = arith.index_cast %add3A_636 : i32 to index
        %get3A_638 = tpu.vector_load %arg6[%get3A_637] {strides = array<i32>} : memref<100000xf32, #tpu.memory_space<vmem>>, vector<16xf32>,
        %mul3A_639 = arith.constant 16 : i32
        %mul3A_640 = arith.muli %scan3A_627, %mul3A_639 : i32
        %get3A_641 = arith.index_cast %mul3A_640 : i32 to index
        %get3A_642 = tpu.vector_load %arg7[%get3A_641] {strides = array<i32>} : memref<10000xf32, #tpu.memory_space<vmem>>, vector<16xf32>,
        %mul3A_643 = arith.mulf %get3A_638, %mul3A_372 : vector<16xf32>
        %sub3A_644 = arith.subf %mul3A_643, %mul3A_374 : vector<16xf32>
        %exp3A = math.exp %sub3A_644 : vector<16xf32>
        %max3A = arith.constant 1.000000e-10 : f32
        %max3A_645 = vector.broadcast %max3A : f32 to vector<16xf32>
        %max3A_646 = arith.maximumf %get3A_642, %max3A_645 : vector<16xf32>
        %mul3A_647 = arith.mulf %exp3A, %scan3A_629 : vector<16xf32>
        %mul3A_648 = arith.mulf %scan3A_628, %max3A_646 : vector<16xf32>
        %gt3A_649 = arith.cmpf ogt, %mul3A_647, %mul3A_648 : vector<16xf32>
        %select_n3A_650 = arith.select %gt3A_649, %exp3A, %scan3A_628 : vector<16xi1>, vector<16xf32>
        %select_n3A_651 = arith.select %gt3A_649, %max3A_646, %scan3A_629 : vector<16xi1>, vector<16xf32>
        %select_n3A_652 = arith.select %gt3A_649, %scan3A_631, %scan3A_630 : vector<16xi1>, vector<16xi32>
        %add3A_653 = arith.constant 16 : i32
        %add3A_654 = vector.broadcast %add3A_653 : i32 to vector<16xi32>
        %add3A_655 = arith.addi %scan3A_631, %add3A_654 : vector<16xi32>
        %scan3A_656 = arith.constant 1 : i32
        %scan3A_657 = arith.addi %scan3A_627, %scan3A_656 : i32
        %mul3A_658 = arith.constant 10000 : i32
        %mul3A_659 = arith.muli %mul3A_590, %mul3A_658 : i32
        %mul3A_660 = arith.constant 16 : i32
        %mul3A_661 = arith.muli %scan3A_657, %mul3A_660 : i32
        %add3A_662 = arith.addi %mul3A_659, %mul3A_661 : i32
        %get3A_663 = arith.index_cast %add3A_662 : i32 to index
        %get3A_664 = tpu.vector_load %arg6[%get3A_663] {strides = array<i32>} : memref<100000xf32, #tpu.memory_space<vmem>>, vector<16xf32>,
        %mul3A_665 = arith.constant 16 : i32
        %mul3A_666 = arith.muli %scan3A_657, %mul3A_665 : i32
        %get3A_667 = arith.index_cast %mul3A_666 : i32 to index
        %get3A_668 = tpu.vector_load %arg7[%get3A_667] {strides = array<i32>} : memref<10000xf32, #tpu.memory_space<vmem>>, vector<16xf32>,
        %mul3A_669 = arith.mulf %get3A_664, %mul3A_372 : vector<16xf32>
        %sub3A_670 = arith.subf %mul3A_669, %mul3A_374 : vector<16xf32>
        %exp3A_671 = math.exp %sub3A_670 : vector<16xf32>
        %max3A_672 = arith.constant 1.000000e-10 : f32
        %max3A_673 = vector.broadcast %max3A_672 : f32 to vector<16xf32>
        %max3A_674 = arith.maximumf %get3A_668, %max3A_673 : vector<16xf32>
        %mul3A_675 = arith.mulf %exp3A_671, %select_n3A_651 : vector<16xf32>
        %mul3A_676 = arith.mulf %select_n3A_650, %max3A_674 : vector<16xf32>
        %gt3A_677 = arith.cmpf ogt, %mul3A_675, %mul3A_676 : vector<16xf32>
        %select_n3A_678 = arith.select %gt3A_677, %exp3A_671, %select_n3A_650 : vector<16xi1>, vector<16xf32>
        %select_n3A_679 = arith.select %gt3A_677, %max3A_674, %select_n3A_651 : vector<16xi1>, vector<16xf32>
        %select_n3A_680 = arith.select %gt3A_677, %add3A_655, %select_n3A_652 : vector<16xi1>, vector<16xi32>
        %add3A_681 = arith.constant 16 : i32
        %add3A_682 = vector.broadcast %add3A_681 : i32 to vector<16xi32>
        %add3A_683 = arith.addi %add3A_655, %add3A_682 : vector<16xi32>
        %scan3A_684 = arith.constant 2 : i32
        %scan3A_685 = arith.addi %scan3A_627, %scan3A_684 : i32
        %mul3A_686 = arith.constant 10000 : i32
        %mul3A_687 = arith.muli %mul3A_590, %mul3A_686 : i32
        %mul3A_688 = arith.constant 16 : i32
        %mul3A_689 = arith.muli %scan3A_685, %mul3A_688 : i32
        %add3A_690 = arith.addi %mul3A_687, %mul3A_689 : i32
        %get3A_691 = arith.index_cast %add3A_690 : i32 to index
        %get3A_692 = tpu.vector_load %arg6[%get3A_691] {strides = array<i32>} : memref<100000xf32, #tpu.memory_space<vmem>>, vector<16xf32>,
        %mul3A_693 = arith.constant 16 : i32
        %mul3A_694 = arith.muli %scan3A_685, %mul3A_693 : i32
        %get3A_695 = arith.index_cast %mul3A_694 : i32 to index
        %get3A_696 = tpu.vector_load %arg7[%get3A_695] {strides = array<i32>} : memref<10000xf32, #tpu.memory_space<vmem>>, vector<16xf32>,
        %mul3A_697 = arith.mulf %get3A_692, %mul3A_372 : vector<16xf32>
        %sub3A_698 = arith.subf %mul3A_697, %mul3A_374 : vector<16xf32>
        %exp3A_699 = math.exp %sub3A_698 : vector<16xf32>
        %max3A_700 = arith.constant 1.000000e-10 : f32
        %max3A_701 = vector.broadcast %max3A_700 : f32 to vector<16xf32>
        %max3A_702 = arith.maximumf %get3A_696, %max3A_701 : vector<16xf32>
        %mul3A_703 = arith.mulf %exp3A_699, %select_n3A_679 : vector<16xf32>
        %mul3A_704 = arith.mulf %select_n3A_678, %max3A_702 : vector<16xf32>
        %gt3A_705 = arith.cmpf ogt, %mul3A_703, %mul3A_704 : vector<16xf32>
        %select_n3A_706 = arith.select %gt3A_705, %exp3A_699, %select_n3A_678 : vector<16xi1>, vector<16xf32>
        %select_n3A_707 = arith.select %gt3A_705, %max3A_702, %select_n3A_679 : vector<16xi1>, vector<16xf32>
        %select_n3A_708 = arith.select %gt3A_705, %add3A_683, %select_n3A_680 : vector<16xi1>, vector<16xi32>
        %add3A_709 = arith.constant 16 : i32
        %add3A_710 = vector.broadcast %add3A_709 : i32 to vector<16xi32>
        %add3A_711 = arith.addi %add3A_683, %add3A_710 : vector<16xi32>
        %scan3A_712 = arith.constant 3 : i32
        %scan3A_713 = arith.addi %scan3A_627, %scan3A_712 : i32
        %mul3A_714 = arith.constant 10000 : i32
        %mul3A_715 = arith.muli %mul3A_590, %mul3A_714 : i32
        %mul3A_716 = arith.constant 16 : i32
        %mul3A_717 = arith.muli %scan3A_713, %mul3A_716 : i32
        %add3A_718 = arith.addi %mul3A_715, %mul3A_717 : i32
        %get3A_719 = arith.index_cast %add3A_718 : i32 to index
        %get3A_720 = tpu.vector_load %arg6[%get3A_719] {strides = array<i32>} : memref<100000xf32, #tpu.memory_space<vmem>>, vector<16xf32>,
        %mul3A_721 = arith.constant 16 : i32
        %mul3A_722 = arith.muli %scan3A_713, %mul3A_721 : i32
        %get3A_723 = arith.index_cast %mul3A_722 : i32 to index
        %get3A_724 = tpu.vector_load %arg7[%get3A_723] {strides = array<i32>} : memref<10000xf32, #tpu.memory_space<vmem>>, vector<16xf32>,
        %mul3A_725 = arith.mulf %get3A_720, %mul3A_372 : vector<16xf32>
        %sub3A_726 = arith.subf %mul3A_725, %mul3A_374 : vector<16xf32>
        %exp3A_727 = math.exp %sub3A_726 : vector<16xf32>
        %max3A_728 = arith.constant 1.000000e-10 : f32
        %max3A_729 = vector.broadcast %max3A_728 : f32 to vector<16xf32>
        %max3A_730 = arith.maximumf %get3A_724, %max3A_729 : vector<16xf32>
        %mul3A_731 = arith.mulf %exp3A_727, %select_n3A_707 : vector<16xf32>
        %mul3A_732 = arith.mulf %select_n3A_706, %max3A_730 : vector<16xf32>
        %gt3A_733 = arith.cmpf ogt, %mul3A_731, %mul3A_732 : vector<16xf32>
        %select_n3A_734 = arith.select %gt3A_733, %exp3A_727, %select_n3A_706 : vector<16xi1>, vector<16xf32>
        %select_n3A_735 = arith.select %gt3A_733, %max3A_730, %select_n3A_707 : vector<16xi1>, vector<16xf32>
        %select_n3A_736 = arith.select %gt3A_733, %add3A_711, %select_n3A_708 : vector<16xi1>, vector<16xi32>
        %add3A_737 = arith.constant 16 : i32
        %add3A_738 = vector.broadcast %add3A_737 : i32 to vector<16xi32>
        %add3A_739 = arith.addi %add3A_711, %add3A_738 : vector<16xi32>
        %scan3A_740 = arith.constant 4 : i32
        %scan3A_741 = arith.addi %scan3A_627, %scan3A_740 : i32
        %mul3A_742 = arith.constant 10000 : i32
        %mul3A_743 = arith.muli %mul3A_590, %mul3A_742 : i32
        %mul3A_744 = arith.constant 16 : i32
        %mul3A_745 = arith.muli %scan3A_741, %mul3A_744 : i32
        %add3A_746 = arith.addi %mul3A_743, %mul3A_745 : i32
        %get3A_747 = arith.index_cast %add3A_746 : i32 to index
        %get3A_748 = tpu.vector_load %arg6[%get3A_747] {strides = array<i32>} : memref<100000xf32, #tpu.memory_space<vmem>>, vector<16xf32>,
        %mul3A_749 = arith.constant 16 : i32
        %mul3A_750 = arith.muli %scan3A_741, %mul3A_749 : i32
        %get3A_751 = arith.index_cast %mul3A_750 : i32 to index
        %get3A_752 = tpu.vector_load %arg7[%get3A_751] {strides = array<i32>} : memref<10000xf32, #tpu.memory_space<vmem>>, vector<16xf32>,
        %mul3A_753 = arith.mulf %get3A_748, %mul3A_372 : vector<16xf32>
        %sub3A_754 = arith.subf %mul3A_753, %mul3A_374 : vector<16xf32>
        %exp3A_755 = math.exp %sub3A_754 : vector<16xf32>
        %max3A_756 = arith.constant 1.000000e-10 : f32
        %max3A_757 = vector.broadcast %max3A_756 : f32 to vector<16xf32>
        %max3A_758 = arith.maximumf %get3A_752, %max3A_757 : vector<16xf32>
        %mul3A_759 = arith.mulf %exp3A_755, %select_n3A_735 : vector<16xf32>
        %mul3A_760 = arith.mulf %select_n3A_734, %max3A_758 : vector<16xf32>
        %gt3A_761 = arith.cmpf ogt, %mul3A_759, %mul3A_760 : vector<16xf32>
        %select_n3A_762 = arith.select %gt3A_761, %exp3A_755, %select_n3A_734 : vector<16xi1>, vector<16xf32>
        %select_n3A_763 = arith.select %gt3A_761, %max3A_758, %select_n3A_735 : vector<16xi1>, vector<16xf32>
        %select_n3A_764 = arith.select %gt3A_761, %add3A_739, %select_n3A_736 : vector<16xi1>, vector<16xi32>
        %add3A_765 = arith.constant 16 : i32
        %add3A_766 = vector.broadcast %add3A_765 : i32 to vector<16xi32>
        %add3A_767 = arith.addi %add3A_739, %add3A_766 : vector<16xi32>
        scf.yield %select_n3A_762, %select_n3A_763, %select_n3A_764, %add3A_767 : vector<16xf32>, vector<16xf32>, vector<16xi32>, vector<16xi32>
      }
      %scan3A_601 = arith.constant 625 : i32
      %add3A_602 = arith.constant 2 : i32
      %add3A_603 = arith.addi %mul3A_590, %add3A_602 : i32
      %lt3A = arith.constant 10 : i32
      %lt3A_604 = arith.cmpi slt, %add3A_603, %lt3A : i32
      %convert_element_type3A = arith.extui %lt3A_604 : i1 to i32
      %cond3A = arith.constant 0 : i32
      %cond3A_605 = arith.cmpi ne, %convert_element_type3A, %cond3A : i32
      scf.if %cond3A_605 {
        %add3A_627 = arith.constant 2 : i32
        %add3A_628 = arith.addi %mul3A_590, %add3A_627 : i32
        %mul3A_629 = arith.constant 10000 : i32
        %mul3A_630 = arith.muli %add3A_628, %mul3A_629 : i32
        %dma_start3A_631 = tpu.memref_slice %arg4[%add3A_292, %mul3A_630] : memref<128x100000xf32, #tpu.memory_space<hbm>> -> memref<1x10000xf32, #tpu.memory_space<hbm>>
        %dma_start3A_632 = tpu.memref_squeeze %dma_start3A_631 : memref<1x10000xf32, #tpu.memory_space<hbm>> -> memref<10000xf32, #tpu.memory_space<hbm>>
        %dma_start3A_633 = tpu.memref_slice %arg4[%add3A_292, %mul3A_630] : memref<128x100000xf32, #tpu.memory_space<hbm>> -> memref<1x10000xf32, #tpu.memory_space<hbm>>
        %dma_start3A_634 = tpu.memref_squeeze %dma_start3A_633 : memref<1x10000xf32, #tpu.memory_space<hbm>> -> memref<10000xf32, #tpu.memory_space<hbm>>
        tpu.enqueue_dma source(%dma_start3A_634 : memref<10000xf32, #tpu.memory_space<hbm>>) target(%arg7 : memref<10000xf32, #tpu.memory_space<vmem>>) target_semaphore(%arg11 : memref<!tpu.dma_semaphore, #tpu.memory_space<semaphore_mem>>)
      } else {
      }
      %dma_wait3A_606 = arith.constant 0 : i32
      %dma_wait3A_607 = tpu.memref_slice %arg4[%add3A_292, %dma_wait3A_606] : memref<128x100000xf32, #tpu.memory_space<hbm>> -> memref<1x10000xf32, #tpu.memory_space<hbm>>
      %dma_wait3A_608 = tpu.memref_squeeze %dma_wait3A_607 : memref<1x10000xf32, #tpu.memory_space<hbm>> -> memref<10000xf32, #tpu.memory_space<hbm>>
      %dma_wait3A_609 = arith.constant 0 : i32
      %dma_wait3A_610 = tpu.memref_slice %arg4[%add3A_292, %dma_wait3A_609] : memref<128x100000xf32, #tpu.memory_space<hbm>> -> memref<1x10000xf32, #tpu.memory_space<hbm>>
      %dma_wait3A_611 = tpu.memref_squeeze %dma_wait3A_610 : memref<1x10000xf32, #tpu.memory_space<hbm>> -> memref<10000xf32, #tpu.memory_space<hbm>>
      tpu.wait_dma2 semaphore(%arg12 : memref<!tpu.dma_semaphore, #tpu.memory_space<semaphore_mem>>) src(%dma_wait3A_611 : memref<10000xf32, #tpu.memory_space<hbm>>) dst(%arg8 : memref<10000xf32, #tpu.memory_space<vmem>>)
      %add3A_612 = arith.constant 1 : i32
      %add3A_613 = arith.addi %mul3A_590, %add3A_612 : i32
      %scan3A_614 = arith.constant 0 : i32
      %scan3A_615 = arith.constant 625 : i32
      %scan3A_616 = arith.addi %scan3A_614, %scan3A_615 : i32
      %scan3A_617 = arith.constant 5 : i32
      %scan3A_618:4 = scf.for %scan3A_627 = %scan3A_614 to %scan3A_616 step %scan3A_617 iter_args(%scan3A_628 = %scan3A_600#0, %scan3A_629 = %scan3A_600#1, %scan3A_630 = %scan3A_600#2, %scan3A_631 = %scan3A_600#3) -> (vector<16xf32>, vector<16xf32>, vector<16xi32>, vector<16xi32>)  : i32 {
        %mul3A_632 = arith.constant 10000 : i32
        %mul3A_633 = arith.muli %add3A_613, %mul3A_632 : i32
        %mul3A_634 = arith.constant 16 : i32
        %mul3A_635 = arith.muli %scan3A_627, %mul3A_634 : i32
        %add3A_636 = arith.addi %mul3A_633, %mul3A_635 : i32
        %get3A_637 = arith.index_cast %add3A_636 : i32 to index
        %get3A_638 = tpu.vector_load %arg6[%get3A_637] {strides = array<i32>} : memref<100000xf32, #tpu.memory_space<vmem>>, vector<16xf32>,
        %mul3A_639 = arith.constant 16 : i32
        %mul3A_640 = arith.muli %scan3A_627, %mul3A_639 : i32
        %get3A_641 = arith.index_cast %mul3A_640 : i32 to index
        %get3A_642 = tpu.vector_load %arg8[%get3A_641] {strides = array<i32>} : memref<10000xf32, #tpu.memory_space<vmem>>, vector<16xf32>,
        %mul3A_643 = arith.mulf %get3A_638, %mul3A_372 : vector<16xf32>
        %sub3A_644 = arith.subf %mul3A_643, %mul3A_374 : vector<16xf32>
        %exp3A = math.exp %sub3A_644 : vector<16xf32>
        %max3A = arith.constant 1.000000e-10 : f32
        %max3A_645 = vector.broadcast %max3A : f32 to vector<16xf32>
        %max3A_646 = arith.maximumf %get3A_642, %max3A_645 : vector<16xf32>
        %mul3A_647 = arith.mulf %exp3A, %scan3A_629 : vector<16xf32>
        %mul3A_648 = arith.mulf %scan3A_628, %max3A_646 : vector<16xf32>
        %gt3A_649 = arith.cmpf ogt, %mul3A_647, %mul3A_648 : vector<16xf32>
        %select_n3A_650 = arith.select %gt3A_649, %exp3A, %scan3A_628 : vector<16xi1>, vector<16xf32>
        %select_n3A_651 = arith.select %gt3A_649, %max3A_646, %scan3A_629 : vector<16xi1>, vector<16xf32>
        %select_n3A_652 = arith.select %gt3A_649, %scan3A_631, %scan3A_630 : vector<16xi1>, vector<16xi32>
        %add3A_653 = arith.constant 16 : i32
        %add3A_654 = vector.broadcast %add3A_653 : i32 to vector<16xi32>
        %add3A_655 = arith.addi %scan3A_631, %add3A_654 : vector<16xi32>
        %scan3A_656 = arith.constant 1 : i32
        %scan3A_657 = arith.addi %scan3A_627, %scan3A_656 : i32
        %mul3A_658 = arith.constant 10000 : i32
        %mul3A_659 = arith.muli %add3A_613, %mul3A_658 : i32
        %mul3A_660 = arith.constant 16 : i32
        %mul3A_661 = arith.muli %scan3A_657, %mul3A_660 : i32
        %add3A_662 = arith.addi %mul3A_659, %mul3A_661 : i32
        %get3A_663 = arith.index_cast %add3A_662 : i32 to index
        %get3A_664 = tpu.vector_load %arg6[%get3A_663] {strides = array<i32>} : memref<100000xf32, #tpu.memory_space<vmem>>, vector<16xf32>,
        %mul3A_665 = arith.constant 16 : i32
        %mul3A_666 = arith.muli %scan3A_657, %mul3A_665 : i32
        %get3A_667 = arith.index_cast %mul3A_666 : i32 to index
        %get3A_668 = tpu.vector_load %arg8[%get3A_667] {strides = array<i32>} : memref<10000xf32, #tpu.memory_space<vmem>>, vector<16xf32>,
        %mul3A_669 = arith.mulf %get3A_664, %mul3A_372 : vector<16xf32>
        %sub3A_670 = arith.subf %mul3A_669, %mul3A_374 : vector<16xf32>
        %exp3A_671 = math.exp %sub3A_670 : vector<16xf32>
        %max3A_672 = arith.constant 1.000000e-10 : f32
        %max3A_673 = vector.broadcast %max3A_672 : f32 to vector<16xf32>
        %max3A_674 = arith.maximumf %get3A_668, %max3A_673 : vector<16xf32>
        %mul3A_675 = arith.mulf %exp3A_671, %select_n3A_651 : vector<16xf32>
        %mul3A_676 = arith.mulf %select_n3A_650, %max3A_674 : vector<16xf32>
        %gt3A_677 = arith.cmpf ogt, %mul3A_675, %mul3A_676 : vector<16xf32>
        %select_n3A_678 = arith.select %gt3A_677, %exp3A_671, %select_n3A_650 : vector<16xi1>, vector<16xf32>
        %select_n3A_679 = arith.select %gt3A_677, %max3A_674, %select_n3A_651 : vector<16xi1>, vector<16xf32>
        %select_n3A_680 = arith.select %gt3A_677, %add3A_655, %select_n3A_652 : vector<16xi1>, vector<16xi32>
        %add3A_681 = arith.constant 16 : i32
        %add3A_682 = vector.broadcast %add3A_681 : i32 to vector<16xi32>
        %add3A_683 = arith.addi %add3A_655, %add3A_682 : vector<16xi32>
        %scan3A_684 = arith.constant 2 : i32
        %scan3A_685 = arith.addi %scan3A_627, %scan3A_684 : i32
        %mul3A_686 = arith.constant 10000 : i32
        %mul3A_687 = arith.muli %add3A_613, %mul3A_686 : i32
        %mul3A_688 = arith.constant 16 : i32
        %mul3A_689 = arith.muli %scan3A_685, %mul3A_688 : i32
        %add3A_690 = arith.addi %mul3A_687, %mul3A_689 : i32
        %get3A_691 = arith.index_cast %add3A_690 : i32 to index
        %get3A_692 = tpu.vector_load %arg6[%get3A_691] {strides = array<i32>} : memref<100000xf32, #tpu.memory_space<vmem>>, vector<16xf32>,
        %mul3A_693 = arith.constant 16 : i32
        %mul3A_694 = arith.muli %scan3A_685, %mul3A_693 : i32
        %get3A_695 = arith.index_cast %mul3A_694 : i32 to index
        %get3A_696 = tpu.vector_load %arg8[%get3A_695] {strides = array<i32>} : memref<10000xf32, #tpu.memory_space<vmem>>, vector<16xf32>,
        %mul3A_697 = arith.mulf %get3A_692, %mul3A_372 : vector<16xf32>
        %sub3A_698 = arith.subf %mul3A_697, %mul3A_374 : vector<16xf32>
        %exp3A_699 = math.exp %sub3A_698 : vector<16xf32>
        %max3A_700 = arith.constant 1.000000e-10 : f32
        %max3A_701 = vector.broadcast %max3A_700 : f32 to vector<16xf32>
        %max3A_702 = arith.maximumf %get3A_696, %max3A_701 : vector<16xf32>
        %mul3A_703 = arith.mulf %exp3A_699, %select_n3A_679 : vector<16xf32>
        %mul3A_704 = arith.mulf %select_n3A_678, %max3A_702 : vector<16xf32>
        %gt3A_705 = arith.cmpf ogt, %mul3A_703, %mul3A_704 : vector<16xf32>
        %select_n3A_706 = arith.select %gt3A_705, %exp3A_699, %select_n3A_678 : vector<16xi1>, vector<16xf32>
        %select_n3A_707 = arith.select %gt3A_705, %max3A_702, %select_n3A_679 : vector<16xi1>, vector<16xf32>
        %select_n3A_708 = arith.select %gt3A_705, %add3A_683, %select_n3A_680 : vector<16xi1>, vector<16xi32>
        %add3A_709 = arith.constant 16 : i32
        %add3A_710 = vector.broadcast %add3A_709 : i32 to vector<16xi32>
        %add3A_711 = arith.addi %add3A_683, %add3A_710 : vector<16xi32>
        %scan3A_712 = arith.constant 3 : i32
        %scan3A_713 = arith.addi %scan3A_627, %scan3A_712 : i32
        %mul3A_714 = arith.constant 10000 : i32
        %mul3A_715 = arith.muli %add3A_613, %mul3A_714 : i32
        %mul3A_716 = arith.constant 16 : i32
        %mul3A_717 = arith.muli %scan3A_713, %mul3A_716 : i32
        %add3A_718 = arith.addi %mul3A_715, %mul3A_717 : i32
        %get3A_719 = arith.index_cast %add3A_718 : i32 to index
        %get3A_720 = tpu.vector_load %arg6[%get3A_719] {strides = array<i32>} : memref<100000xf32, #tpu.memory_space<vmem>>, vector<16xf32>,
        %mul3A_721 = arith.constant 16 : i32
        %mul3A_722 = arith.muli %scan3A_713, %mul3A_721 : i32
        %get3A_723 = arith.index_cast %mul3A_722 : i32 to index
        %get3A_724 = tpu.vector_load %arg8[%get3A_723] {strides = array<i32>} : memref<10000xf32, #tpu.memory_space<vmem>>, vector<16xf32>,
        %mul3A_725 = arith.mulf %get3A_720, %mul3A_372 : vector<16xf32>
        %sub3A_726 = arith.subf %mul3A_725, %mul3A_374 : vector<16xf32>
        %exp3A_727 = math.exp %sub3A_726 : vector<16xf32>
        %max3A_728 = arith.constant 1.000000e-10 : f32
        %max3A_729 = vector.broadcast %max3A_728 : f32 to vector<16xf32>
        %max3A_730 = arith.maximumf %get3A_724, %max3A_729 : vector<16xf32>
        %mul3A_731 = arith.mulf %exp3A_727, %select_n3A_707 : vector<16xf32>
        %mul3A_732 = arith.mulf %select_n3A_706, %max3A_730 : vector<16xf32>
        %gt3A_733 = arith.cmpf ogt, %mul3A_731, %mul3A_732 : vector<16xf32>
        %select_n3A_734 = arith.select %gt3A_733, %exp3A_727, %select_n3A_706 : vector<16xi1>, vector<16xf32>
        %select_n3A_735 = arith.select %gt3A_733, %max3A_730, %select_n3A_707 : vector<16xi1>, vector<16xf32>
        %select_n3A_736 = arith.select %gt3A_733, %add3A_711, %select_n3A_708 : vector<16xi1>, vector<16xi32>
        %add3A_737 = arith.constant 16 : i32
        %add3A_738 = vector.broadcast %add3A_737 : i32 to vector<16xi32>
        %add3A_739 = arith.addi %add3A_711, %add3A_738 : vector<16xi32>
        %scan3A_740 = arith.constant 4 : i32
        %scan3A_741 = arith.addi %scan3A_627, %scan3A_740 : i32
        %mul3A_742 = arith.constant 10000 : i32
        %mul3A_743 = arith.muli %add3A_613, %mul3A_742 : i32
        %mul3A_744 = arith.constant 16 : i32
        %mul3A_745 = arith.muli %scan3A_741, %mul3A_744 : i32
        %add3A_746 = arith.addi %mul3A_743, %mul3A_745 : i32
        %get3A_747 = arith.index_cast %add3A_746 : i32 to index
        %get3A_748 = tpu.vector_load %arg6[%get3A_747] {strides = array<i32>} : memref<100000xf32, #tpu.memory_space<vmem>>, vector<16xf32>,
        %mul3A_749 = arith.constant 16 : i32
        %mul3A_750 = arith.muli %scan3A_741, %mul3A_749 : i32
        %get3A_751 = arith.index_cast %mul3A_750 : i32 to index
        %get3A_752 = tpu.vector_load %arg8[%get3A_751] {strides = array<i32>} : memref<10000xf32, #tpu.memory_space<vmem>>, vector<16xf32>,
        %mul3A_753 = arith.mulf %get3A_748, %mul3A_372 : vector<16xf32>
        %sub3A_754 = arith.subf %mul3A_753, %mul3A_374 : vector<16xf32>
        %exp3A_755 = math.exp %sub3A_754 : vector<16xf32>
        %max3A_756 = arith.constant 1.000000e-10 : f32
        %max3A_757 = vector.broadcast %max3A_756 : f32 to vector<16xf32>
        %max3A_758 = arith.maximumf %get3A_752, %max3A_757 : vector<16xf32>
        %mul3A_759 = arith.mulf %exp3A_755, %select_n3A_735 : vector<16xf32>
        %mul3A_760 = arith.mulf %select_n3A_734, %max3A_758 : vector<16xf32>
        %gt3A_761 = arith.cmpf ogt, %mul3A_759, %mul3A_760 : vector<16xf32>
        %select_n3A_762 = arith.select %gt3A_761, %exp3A_755, %select_n3A_734 : vector<16xi1>, vector<16xf32>
        %select_n3A_763 = arith.select %gt3A_761, %max3A_758, %select_n3A_735 : vector<16xi1>, vector<16xf32>
        %select_n3A_764 = arith.select %gt3A_761, %add3A_739, %select_n3A_736 : vector<16xi1>, vector<16xi32>
        %add3A_765 = arith.constant 16 : i32
        %add3A_766 = vector.broadcast %add3A_765 : i32 to vector<16xi32>
        %add3A_767 = arith.addi %add3A_739, %add3A_766 : vector<16xi32>
        scf.yield %select_n3A_762, %select_n3A_763, %select_n3A_764, %add3A_767 : vector<16xf32>, vector<16xf32>, vector<16xi32>, vector<16xi32>
      }
      %scan3A_619 = arith.constant 625 : i32
      %add3A_620 = arith.constant 3 : i32
      %add3A_621 = arith.addi %mul3A_590, %add3A_620 : i32
      %lt3A_622 = arith.constant 10 : i32
      %lt3A_623 = arith.cmpi slt, %add3A_621, %lt3A_622 : i32
      %convert_element_type3A_624 = arith.extui %lt3A_623 : i1 to i32
      %cond3A_625 = arith.constant 0 : i32
      %cond3A_626 = arith.cmpi ne, %convert_element_type3A_624, %cond3A_625 : i32
      scf.if %cond3A_626 {
        %add3A_627 = arith.constant 3 : i32
        %add3A_628 = arith.addi %mul3A_590, %add3A_627 : i32
        %mul3A_629 = arith.constant 10000 : i32
        %mul3A_630 = arith.muli %add3A_628, %mul3A_629 : i32
        %dma_start3A_631 = tpu.memref_slice %arg4[%add3A_292, %mul3A_630] : memref<128x100000xf32, #tpu.memory_space<hbm>> -> memref<1x10000xf32, #tpu.memory_space<hbm>>
        %dma_start3A_632 = tpu.memref_squeeze %dma_start3A_631 : memref<1x10000xf32, #tpu.memory_space<hbm>> -> memref<10000xf32, #tpu.memory_space<hbm>>
        %dma_start3A_633 = tpu.memref_slice %arg4[%add3A_292, %mul3A_630] : memref<128x100000xf32, #tpu.memory_space<hbm>> -> memref<1x10000xf32, #tpu.memory_space<hbm>>
        %dma_start3A_634 = tpu.memref_squeeze %dma_start3A_633 : memref<1x10000xf32, #tpu.memory_space<hbm>> -> memref<10000xf32, #tpu.memory_space<hbm>>
        tpu.enqueue_dma source(%dma_start3A_634 : memref<10000xf32, #tpu.memory_space<hbm>>) target(%arg8 : memref<10000xf32, #tpu.memory_space<vmem>>) target_semaphore(%arg12 : memref<!tpu.dma_semaphore, #tpu.memory_space<semaphore_mem>>)
      } else {
      }
      scf.yield %scan3A_618#0, %scan3A_618#1, %scan3A_618#2, %scan3A_618#3 : vector<16xf32>, vector<16xf32>, vector<16xi32>, vector<16xi32>
    }
    %scan3A_386 = arith.constant 5 : i32
    %bitcast3A_387 = vector.bitcast %scan3A_385#1 : vector<16xf32> to vector<16xi32>
    %sub3A_388 = arith.constant 2129859011 : i32
    %sub3A_389 = vector.broadcast %sub3A_388 : i32 to vector<16xi32>
    %sub3A_390 = arith.subi %sub3A_389, %bitcast3A_387 : vector<16xi32>
    %bitcast3A_391 = vector.bitcast %sub3A_390 : vector<16xi32> to vector<16xf32>
    %mul3A_392 = arith.mulf %scan3A_385#1, %bitcast3A_391 : vector<16xf32>
    %sub3A_393 = arith.constant 2.000000e+00 : f32
    %sub3A_394 = vector.broadcast %sub3A_393 : f32 to vector<16xf32>
    %sub3A_395 = arith.subf %sub3A_394, %mul3A_392 : vector<16xf32>
    %mul3A_396 = arith.mulf %bitcast3A_391, %sub3A_395 : vector<16xf32>
    %mul3A_397 = arith.mulf %scan3A_385#1, %mul3A_396 : vector<16xf32>
    %sub3A_398 = arith.constant 2.000000e+00 : f32
    %sub3A_399 = vector.broadcast %sub3A_398 : f32 to vector<16xf32>
    %sub3A_400 = arith.subf %sub3A_399, %mul3A_397 : vector<16xf32>
    %mul3A_401 = arith.mulf %mul3A_396, %sub3A_400 : vector<16xf32>
    %mul3A_402 = arith.mulf %scan3A_385#1, %mul3A_401 : vector<16xf32>
    %sub3A_403 = arith.constant 2.000000e+00 : f32
    %sub3A_404 = vector.broadcast %sub3A_403 : f32 to vector<16xf32>
    %sub3A_405 = arith.subf %sub3A_404, %mul3A_402 : vector<16xf32>
    %mul3A_406 = arith.mulf %mul3A_401, %sub3A_405 : vector<16xf32>
    %mul3A_407 = arith.mulf %scan3A_385#1, %mul3A_406 : vector<16xf32>
    %sub3A_408 = arith.constant 2.000000e+00 : f32
    %sub3A_409 = vector.broadcast %sub3A_408 : f32 to vector<16xf32>
    %sub3A_410 = arith.subf %sub3A_409, %mul3A_407 : vector<16xf32>
    %mul3A_411 = arith.mulf %mul3A_406, %sub3A_410 : vector<16xf32>
    %mul3A_412 = arith.mulf %scan3A_385#0, %mul3A_411 : vector<16xf32>
    %reduce_max3A_413 = arith.constant true
    %reduce_max3A_414 = vector.broadcast %reduce_max3A_413 : i1 to vector<16xi1>
    %reduce_max3A_415 = tpu.scan <max>, %mul3A_412 masked %reduce_max3A_414 : vector<16xf32>, vector<16xi1> -> vector<16xf32>
    %reduce_max3A_416 = vector.extract %reduce_max3A_415[15] : f32 from vector<16xf32>
    %eq3A_417 = vector.broadcast %reduce_max3A_416 : f32 to vector<16xf32>
    %eq3A_418 = arith.cmpf oeq, %mul3A_412, %eq3A_417 : vector<16xf32>
    %jit3A_419 = arith.constant 2147483647 : i32
    %broadcast_in_dim3A_420 = vector.broadcast %jit3A_419 : i32 to vector<16xi32>
    %select_n3A_421 = arith.select %eq3A_418, %scan3A_385#2, %broadcast_in_dim3A_420 : vector<16xi1>, vector<16xi32>
    %reduce_min3A_422 = arith.constant true
    %reduce_min3A_423 = vector.broadcast %reduce_min3A_422 : i1 to vector<16xi1>
    %reduce_min3A_424 = arith.constant -2147483648 : i32
    %reduce_min3A_425 = vector.broadcast %reduce_min3A_424 : i32 to vector<16xi32>
    %reduce_min3A_426 = arith.xori %select_n3A_421, %reduce_min3A_425 : vector<16xi32>
    %reduce_min3A_427 = tpu.scan <min>, %reduce_min3A_426 masked %reduce_min3A_423 : vector<16xi32>, vector<16xi1> -> vector<16xi32>
    %reduce_min3A_428 = arith.xori %reduce_min3A_427, %reduce_min3A_425 : vector<16xi32>
    %reduce_min3A_429 = vector.extract %reduce_min3A_428[15] : i32 from vector<16xi32>
    %select_n3A_430 = arith.select %gt3A_343, %reduce_min3A_429, %reduce_min3A_331 : i32
    %eq3A_431 = arith.constant 2 : i32
    %eq3A_432 = vector.broadcast %eq3A_431 : i32 to vector<16xi32>
    %eq3A_433 = arith.cmpi eq, %iota3A, %eq3A_432 : vector<16xi32>
    %broadcast_in_dim3A_434 = vector.broadcast %select_n3A_430 : i32 to vector<16xi32>
    %select_n3A_435 = arith.select %eq3A_433, %broadcast_in_dim3A_434, %select_n3A_288 : vector<16xi1>, vector<16xi32>
    %mul3A_436 = arith.constant 4 : i32
    %mul3A_437 = arith.muli %add3A, %mul3A_436 : i32
    %add3A_438 = arith.constant 3 : i32
    %add3A_439 = arith.addi %mul3A_437, %add3A_438 : i32
    %dma_start3A_440 = arith.constant 0 : i32
    %dma_start3A_441 = tpu.memref_slice %arg4[%add3A_439, %dma_start3A_440] : memref<128x100000xf32, #tpu.memory_space<hbm>> -> memref<1x10000xf32, #tpu.memory_space<hbm>>
    %dma_start3A_442 = tpu.memref_squeeze %dma_start3A_441 : memref<1x10000xf32, #tpu.memory_space<hbm>> -> memref<10000xf32, #tpu.memory_space<hbm>>
    %dma_start3A_443 = arith.constant 0 : i32
    %dma_start3A_444 = tpu.memref_slice %arg4[%add3A_439, %dma_start3A_443] : memref<128x100000xf32, #tpu.memory_space<hbm>> -> memref<1x10000xf32, #tpu.memory_space<hbm>>
    %dma_start3A_445 = tpu.memref_squeeze %dma_start3A_444 : memref<1x10000xf32, #tpu.memory_space<hbm>> -> memref<10000xf32, #tpu.memory_space<hbm>>
    tpu.enqueue_dma source(%dma_start3A_445 : memref<10000xf32, #tpu.memory_space<hbm>>) target(%arg7 : memref<10000xf32, #tpu.memory_space<vmem>>) target_semaphore(%arg11 : memref<!tpu.dma_semaphore, #tpu.memory_space<semaphore_mem>>)
    %dma_start3A_446 = arith.constant 10000 : i32
    %dma_start3A_447 = tpu.memref_slice %arg4[%add3A_439, %dma_start3A_446] : memref<128x100000xf32, #tpu.memory_space<hbm>> -> memref<1x10000xf32, #tpu.memory_space<hbm>>
    %dma_start3A_448 = tpu.memref_squeeze %dma_start3A_447 : memref<1x10000xf32, #tpu.memory_space<hbm>> -> memref<10000xf32, #tpu.memory_space<hbm>>
    %dma_start3A_449 = arith.constant 10000 : i32
    %dma_start3A_450 = tpu.memref_slice %arg4[%add3A_439, %dma_start3A_449] : memref<128x100000xf32, #tpu.memory_space<hbm>> -> memref<1x10000xf32, #tpu.memory_space<hbm>>
    %dma_start3A_451 = tpu.memref_squeeze %dma_start3A_450 : memref<1x10000xf32, #tpu.memory_space<hbm>> -> memref<10000xf32, #tpu.memory_space<hbm>>
    tpu.enqueue_dma source(%dma_start3A_451 : memref<10000xf32, #tpu.memory_space<hbm>>) target(%arg8 : memref<10000xf32, #tpu.memory_space<vmem>>) target_semaphore(%arg12 : memref<!tpu.dma_semaphore, #tpu.memory_space<semaphore_mem>>)
    "tpu.region"() ({
      %run_scoped3A = tpu.sem_alloc : memref<!tpu.dma_semaphore, #tpu.memory_space<semaphore_mem>>
      %dma_start3A_584 = arith.constant 0 : i32
      %dma_start3A_585 = tpu.memref_slice %arg2[%add3A_439, %dma_start3A_584] : memref<128x100000xf32, #tpu.memory_space<hbm>> -> memref<1x100000xf32, #tpu.memory_space<hbm>>
      %dma_start3A_586 = tpu.memref_squeeze %dma_start3A_585 : memref<1x100000xf32, #tpu.memory_space<hbm>> -> memref<100000xf32, #tpu.memory_space<hbm>>
      %dma_start3A_587 = arith.constant 0 : i32
      %dma_start3A_588 = tpu.memref_slice %arg2[%add3A_439, %dma_start3A_587] : memref<128x100000xf32, #tpu.memory_space<hbm>> -> memref<1x100000xf32, #tpu.memory_space<hbm>>
      %dma_start3A_589 = tpu.memref_squeeze %dma_start3A_588 : memref<1x100000xf32, #tpu.memory_space<hbm>> -> memref<100000xf32, #tpu.memory_space<hbm>>
      tpu.enqueue_dma source(%dma_start3A_589 : memref<100000xf32, #tpu.memory_space<hbm>>) target(%arg6 : memref<100000xf32, #tpu.memory_space<vmem>>) target_semaphore(%run_scoped3A : memref<!tpu.dma_semaphore, #tpu.memory_space<semaphore_mem>>)
      %dma_wait3A = arith.constant 0 : i32
      %dma_wait3A_590 = tpu.memref_slice %arg2[%add3A_439, %dma_wait3A] : memref<128x100000xf32, #tpu.memory_space<hbm>> -> memref<1x100000xf32, #tpu.memory_space<hbm>>
      %dma_wait3A_591 = tpu.memref_squeeze %dma_wait3A_590 : memref<1x100000xf32, #tpu.memory_space<hbm>> -> memref<100000xf32, #tpu.memory_space<hbm>>
      %dma_wait3A_592 = arith.constant 0 : i32
      %dma_wait3A_593 = tpu.memref_slice %arg2[%add3A_439, %dma_wait3A_592] : memref<128x100000xf32, #tpu.memory_space<hbm>> -> memref<1x100000xf32, #tpu.memory_space<hbm>>
      %dma_wait3A_594 = tpu.memref_squeeze %dma_wait3A_593 : memref<1x100000xf32, #tpu.memory_space<hbm>> -> memref<100000xf32, #tpu.memory_space<hbm>>
      tpu.wait_dma2 semaphore(%run_scoped3A : memref<!tpu.dma_semaphore, #tpu.memory_space<semaphore_mem>>) src(%dma_wait3A_594 : memref<100000xf32, #tpu.memory_space<hbm>>) dst(%arg6 : memref<100000xf32, #tpu.memory_space<vmem>>)
      tpu.yield
    }) : () -> ()
    %broadcast_in_dim3A_452 = arith.constant 0xFF800000 : f32
    %broadcast_in_dim3A_453 = vector.broadcast %broadcast_in_dim3A_452 : f32 to vector<16xf32>
    %broadcast_in_dim3A_454 = arith.constant 0 : i32
    %broadcast_in_dim3A_455 = vector.broadcast %broadcast_in_dim3A_454 : i32 to vector<16xi32>
    %scan3A_456 = arith.constant 0 : i32
    %scan3A_457 = arith.constant 6250 : i32
    %scan3A_458 = arith.addi %scan3A_456, %scan3A_457 : i32
    %scan3A_459 = arith.constant 10 : i32
    %scan3A_460:3 = scf.for %scan3A_584 = %scan3A_456 to %scan3A_458 step %scan3A_459 iter_args(%scan3A_585 = %broadcast_in_dim3A_453, %scan3A_586 = %broadcast_in_dim3A_455, %scan3A_587 = %iota3A) -> (vector<16xf32>, vector<16xi32>, vector<16xi32>)  : i32 {
      %mul3A_588 = arith.constant 16 : i32
      %mul3A_589 = arith.muli %scan3A_584, %mul3A_588 : i32
      %get3A_590 = arith.index_cast %mul3A_589 : i32 to index
      %get3A_591 = tpu.vector_load %arg6[%get3A_590] {strides = array<i32>} : memref<100000xf32, #tpu.memory_space<vmem>>, vector<16xf32>,
      %gt3A_592 = arith.cmpf ogt, %get3A_591, %scan3A_585 : vector<16xf32>
      %select_n3A_593 = arith.select %gt3A_592, %scan3A_587, %scan3A_586 : vector<16xi1>, vector<16xi32>
      %max3A = arith.maximumf %scan3A_585, %get3A_591 : vector<16xf32>
      %add3A_594 = arith.constant 16 : i32
      %add3A_595 = vector.broadcast %add3A_594 : i32 to vector<16xi32>
      %add3A_596 = arith.addi %scan3A_587, %add3A_595 : vector<16xi32>
      %scan3A_597 = arith.constant 1 : i32
      %scan3A_598 = arith.addi %scan3A_584, %scan3A_597 : i32
      %mul3A_599 = arith.constant 16 : i32
      %mul3A_600 = arith.muli %scan3A_598, %mul3A_599 : i32
      %get3A_601 = arith.index_cast %mul3A_600 : i32 to index
      %get3A_602 = tpu.vector_load %arg6[%get3A_601] {strides = array<i32>} : memref<100000xf32, #tpu.memory_space<vmem>>, vector<16xf32>,
      %gt3A_603 = arith.cmpf ogt, %get3A_602, %max3A : vector<16xf32>
      %select_n3A_604 = arith.select %gt3A_603, %add3A_596, %select_n3A_593 : vector<16xi1>, vector<16xi32>
      %max3A_605 = arith.maximumf %max3A, %get3A_602 : vector<16xf32>
      %add3A_606 = arith.constant 16 : i32
      %add3A_607 = vector.broadcast %add3A_606 : i32 to vector<16xi32>
      %add3A_608 = arith.addi %add3A_596, %add3A_607 : vector<16xi32>
      %scan3A_609 = arith.constant 2 : i32
      %scan3A_610 = arith.addi %scan3A_584, %scan3A_609 : i32
      %mul3A_611 = arith.constant 16 : i32
      %mul3A_612 = arith.muli %scan3A_610, %mul3A_611 : i32
      %get3A_613 = arith.index_cast %mul3A_612 : i32 to index
      %get3A_614 = tpu.vector_load %arg6[%get3A_613] {strides = array<i32>} : memref<100000xf32, #tpu.memory_space<vmem>>, vector<16xf32>,
      %gt3A_615 = arith.cmpf ogt, %get3A_614, %max3A_605 : vector<16xf32>
      %select_n3A_616 = arith.select %gt3A_615, %add3A_608, %select_n3A_604 : vector<16xi1>, vector<16xi32>
      %max3A_617 = arith.maximumf %max3A_605, %get3A_614 : vector<16xf32>
      %add3A_618 = arith.constant 16 : i32
      %add3A_619 = vector.broadcast %add3A_618 : i32 to vector<16xi32>
      %add3A_620 = arith.addi %add3A_608, %add3A_619 : vector<16xi32>
      %scan3A_621 = arith.constant 3 : i32
      %scan3A_622 = arith.addi %scan3A_584, %scan3A_621 : i32
      %mul3A_623 = arith.constant 16 : i32
      %mul3A_624 = arith.muli %scan3A_622, %mul3A_623 : i32
      %get3A_625 = arith.index_cast %mul3A_624 : i32 to index
      %get3A_626 = tpu.vector_load %arg6[%get3A_625] {strides = array<i32>} : memref<100000xf32, #tpu.memory_space<vmem>>, vector<16xf32>,
      %gt3A_627 = arith.cmpf ogt, %get3A_626, %max3A_617 : vector<16xf32>
      %select_n3A_628 = arith.select %gt3A_627, %add3A_620, %select_n3A_616 : vector<16xi1>, vector<16xi32>
      %max3A_629 = arith.maximumf %max3A_617, %get3A_626 : vector<16xf32>
      %add3A_630 = arith.constant 16 : i32
      %add3A_631 = vector.broadcast %add3A_630 : i32 to vector<16xi32>
      %add3A_632 = arith.addi %add3A_620, %add3A_631 : vector<16xi32>
      %scan3A_633 = arith.constant 4 : i32
      %scan3A_634 = arith.addi %scan3A_584, %scan3A_633 : i32
      %mul3A_635 = arith.constant 16 : i32
      %mul3A_636 = arith.muli %scan3A_634, %mul3A_635 : i32
      %get3A_637 = arith.index_cast %mul3A_636 : i32 to index
      %get3A_638 = tpu.vector_load %arg6[%get3A_637] {strides = array<i32>} : memref<100000xf32, #tpu.memory_space<vmem>>, vector<16xf32>,
      %gt3A_639 = arith.cmpf ogt, %get3A_638, %max3A_629 : vector<16xf32>
      %select_n3A_640 = arith.select %gt3A_639, %add3A_632, %select_n3A_628 : vector<16xi1>, vector<16xi32>
      %max3A_641 = arith.maximumf %max3A_629, %get3A_638 : vector<16xf32>
      %add3A_642 = arith.constant 16 : i32
      %add3A_643 = vector.broadcast %add3A_642 : i32 to vector<16xi32>
      %add3A_644 = arith.addi %add3A_632, %add3A_643 : vector<16xi32>
      %scan3A_645 = arith.constant 5 : i32
      %scan3A_646 = arith.addi %scan3A_584, %scan3A_645 : i32
      %mul3A_647 = arith.constant 16 : i32
      %mul3A_648 = arith.muli %scan3A_646, %mul3A_647 : i32
      %get3A_649 = arith.index_cast %mul3A_648 : i32 to index
      %get3A_650 = tpu.vector_load %arg6[%get3A_649] {strides = array<i32>} : memref<100000xf32, #tpu.memory_space<vmem>>, vector<16xf32>,
      %gt3A_651 = arith.cmpf ogt, %get3A_650, %max3A_641 : vector<16xf32>
      %select_n3A_652 = arith.select %gt3A_651, %add3A_644, %select_n3A_640 : vector<16xi1>, vector<16xi32>
      %max3A_653 = arith.maximumf %max3A_641, %get3A_650 : vector<16xf32>
      %add3A_654 = arith.constant 16 : i32
      %add3A_655 = vector.broadcast %add3A_654 : i32 to vector<16xi32>
      %add3A_656 = arith.addi %add3A_644, %add3A_655 : vector<16xi32>
      %scan3A_657 = arith.constant 6 : i32
      %scan3A_658 = arith.addi %scan3A_584, %scan3A_657 : i32
      %mul3A_659 = arith.constant 16 : i32
      %mul3A_660 = arith.muli %scan3A_658, %mul3A_659 : i32
      %get3A_661 = arith.index_cast %mul3A_660 : i32 to index
      %get3A_662 = tpu.vector_load %arg6[%get3A_661] {strides = array<i32>} : memref<100000xf32, #tpu.memory_space<vmem>>, vector<16xf32>,
      %gt3A_663 = arith.cmpf ogt, %get3A_662, %max3A_653 : vector<16xf32>
      %select_n3A_664 = arith.select %gt3A_663, %add3A_656, %select_n3A_652 : vector<16xi1>, vector<16xi32>
      %max3A_665 = arith.maximumf %max3A_653, %get3A_662 : vector<16xf32>
      %add3A_666 = arith.constant 16 : i32
      %add3A_667 = vector.broadcast %add3A_666 : i32 to vector<16xi32>
      %add3A_668 = arith.addi %add3A_656, %add3A_667 : vector<16xi32>
      %scan3A_669 = arith.constant 7 : i32
      %scan3A_670 = arith.addi %scan3A_584, %scan3A_669 : i32
      %mul3A_671 = arith.constant 16 : i32
      %mul3A_672 = arith.muli %scan3A_670, %mul3A_671 : i32
      %get3A_673 = arith.index_cast %mul3A_672 : i32 to index
      %get3A_674 = tpu.vector_load %arg6[%get3A_673] {strides = array<i32>} : memref<100000xf32, #tpu.memory_space<vmem>>, vector<16xf32>,
      %gt3A_675 = arith.cmpf ogt, %get3A_674, %max3A_665 : vector<16xf32>
      %select_n3A_676 = arith.select %gt3A_675, %add3A_668, %select_n3A_664 : vector<16xi1>, vector<16xi32>
      %max3A_677 = arith.maximumf %max3A_665, %get3A_674 : vector<16xf32>
      %add3A_678 = arith.constant 16 : i32
      %add3A_679 = vector.broadcast %add3A_678 : i32 to vector<16xi32>
      %add3A_680 = arith.addi %add3A_668, %add3A_679 : vector<16xi32>
      %scan3A_681 = arith.constant 8 : i32
      %scan3A_682 = arith.addi %scan3A_584, %scan3A_681 : i32
      %mul3A_683 = arith.constant 16 : i32
      %mul3A_684 = arith.muli %scan3A_682, %mul3A_683 : i32
      %get3A_685 = arith.index_cast %mul3A_684 : i32 to index
      %get3A_686 = tpu.vector_load %arg6[%get3A_685] {strides = array<i32>} : memref<100000xf32, #tpu.memory_space<vmem>>, vector<16xf32>,
      %gt3A_687 = arith.cmpf ogt, %get3A_686, %max3A_677 : vector<16xf32>
      %select_n3A_688 = arith.select %gt3A_687, %add3A_680, %select_n3A_676 : vector<16xi1>, vector<16xi32>
      %max3A_689 = arith.maximumf %max3A_677, %get3A_686 : vector<16xf32>
      %add3A_690 = arith.constant 16 : i32
      %add3A_691 = vector.broadcast %add3A_690 : i32 to vector<16xi32>
      %add3A_692 = arith.addi %add3A_680, %add3A_691 : vector<16xi32>
      %scan3A_693 = arith.constant 9 : i32
      %scan3A_694 = arith.addi %scan3A_584, %scan3A_693 : i32
      %mul3A_695 = arith.constant 16 : i32
      %mul3A_696 = arith.muli %scan3A_694, %mul3A_695 : i32
      %get3A_697 = arith.index_cast %mul3A_696 : i32 to index
      %get3A_698 = tpu.vector_load %arg6[%get3A_697] {strides = array<i32>} : memref<100000xf32, #tpu.memory_space<vmem>>, vector<16xf32>,
      %gt3A_699 = arith.cmpf ogt, %get3A_698, %max3A_689 : vector<16xf32>
      %select_n3A_700 = arith.select %gt3A_699, %add3A_692, %select_n3A_688 : vector<16xi1>, vector<16xi32>
      %max3A_701 = arith.maximumf %max3A_689, %get3A_698 : vector<16xf32>
      %add3A_702 = arith.constant 16 : i32
      %add3A_703 = vector.broadcast %add3A_702 : i32 to vector<16xi32>
      %add3A_704 = arith.addi %add3A_692, %add3A_703 : vector<16xi32>
      scf.yield %max3A_701, %select_n3A_700, %add3A_704 : vector<16xf32>, vector<16xi32>, vector<16xi32>
    }
    %scan3A_461 = arith.constant 6250 : i32
    %reduce_max3A_462 = arith.constant true
    %reduce_max3A_463 = vector.broadcast %reduce_max3A_462 : i1 to vector<16xi1>
    %reduce_max3A_464 = tpu.scan <max>, %scan3A_460#0 masked %reduce_max3A_463 : vector<16xf32>, vector<16xi1> -> vector<16xf32>
    %reduce_max3A_465 = vector.extract %reduce_max3A_464[15] : f32 from vector<16xf32>
    %eq3A_466 = vector.broadcast %reduce_max3A_465 : f32 to vector<16xf32>
    %eq3A_467 = arith.cmpf oeq, %scan3A_460#0, %eq3A_466 : vector<16xf32>
    %jit3A_468 = arith.constant 2147483647 : i32
    %broadcast_in_dim3A_469 = vector.broadcast %jit3A_468 : i32 to vector<16xi32>
    %select_n3A_470 = arith.select %eq3A_467, %scan3A_460#1, %broadcast_in_dim3A_469 : vector<16xi1>, vector<16xi32>
    %reduce_min3A_471 = arith.constant true
    %reduce_min3A_472 = vector.broadcast %reduce_min3A_471 : i1 to vector<16xi1>
    %reduce_min3A_473 = arith.constant -2147483648 : i32
    %reduce_min3A_474 = vector.broadcast %reduce_min3A_473 : i32 to vector<16xi32>
    %reduce_min3A_475 = arith.xori %select_n3A_470, %reduce_min3A_474 : vector<16xi32>
    %reduce_min3A_476 = tpu.scan <min>, %reduce_min3A_475 masked %reduce_min3A_472 : vector<16xi32>, vector<16xi1> -> vector<16xi32>
    %reduce_min3A_477 = arith.xori %reduce_min3A_476, %reduce_min3A_474 : vector<16xi32>
    %reduce_min3A_478 = vector.extract %reduce_min3A_477[15] : i32 from vector<16xi32>
    %eq3A_479 = arith.constant 3 : i32
    %eq3A_480 = vector.broadcast %eq3A_479 : i32 to vector<16xi32>
    %eq3A_481 = arith.cmpi eq, %iota3A, %eq3A_480 : vector<16xi32>
    %jit3A_482 = arith.constant 0xFF800000 : f32
    %broadcast_in_dim3A_483 = vector.broadcast %jit3A_482 : f32 to vector<16xf32>
    %select_n3A_484 = arith.select %eq3A_481, %get3A_3, %broadcast_in_dim3A_483 : vector<16xi1>, vector<16xf32>
    %reduce_max3A_485 = arith.constant true
    %reduce_max3A_486 = vector.broadcast %reduce_max3A_485 : i1 to vector<16xi1>
    %reduce_max3A_487 = tpu.scan <max>, %select_n3A_484 masked %reduce_max3A_486 : vector<16xf32>, vector<16xi1> -> vector<16xf32>
    %reduce_max3A_488 = vector.extract %reduce_max3A_487[15] : f32 from vector<16xf32>
    %gt3A_489 = arith.constant 0.000000e+00 : f32
    %gt3A_490 = arith.cmpf ogt, %reduce_max3A_488, %gt3A_489 : f32
    %broadcast_in_dim3A_491 = vector.broadcast %reduce_max3A_488 : f32 to vector<16xf32>
    %broadcast_in_dim3A_492 = arith.constant 1.000000e+00 : f32
    %broadcast_in_dim3A_493 = vector.broadcast %broadcast_in_dim3A_492 : f32 to vector<16xf32>
    %select_n3A_494 = arith.select %gt3A_490, %broadcast_in_dim3A_491, %broadcast_in_dim3A_493 : vector<16xf32>
    %bitcast3A_495 = vector.bitcast %select_n3A_494 : vector<16xf32> to vector<16xi32>
    %sub3A_496 = arith.constant 2129859011 : i32
    %sub3A_497 = vector.broadcast %sub3A_496 : i32 to vector<16xi32>
    %sub3A_498 = arith.subi %sub3A_497, %bitcast3A_495 : vector<16xi32>
    %bitcast3A_499 = vector.bitcast %sub3A_498 : vector<16xi32> to vector<16xf32>
    %mul3A_500 = arith.mulf %select_n3A_494, %bitcast3A_499 : vector<16xf32>
    %sub3A_501 = arith.constant 2.000000e+00 : f32
    %sub3A_502 = vector.broadcast %sub3A_501 : f32 to vector<16xf32>
    %sub3A_503 = arith.subf %sub3A_502, %mul3A_500 : vector<16xf32>
    %mul3A_504 = arith.mulf %bitcast3A_499, %sub3A_503 : vector<16xf32>
    %mul3A_505 = arith.mulf %select_n3A_494, %mul3A_504 : vector<16xf32>
    %sub3A_506 = arith.constant 2.000000e+00 : f32
    %sub3A_507 = vector.broadcast %sub3A_506 : f32 to vector<16xf32>
    %sub3A_508 = arith.subf %sub3A_507, %mul3A_505 : vector<16xf32>
    %mul3A_509 = arith.mulf %mul3A_504, %sub3A_508 : vector<16xf32>
    %mul3A_510 = arith.mulf %select_n3A_494, %mul3A_509 : vector<16xf32>
    %sub3A_511 = arith.constant 2.000000e+00 : f32
    %sub3A_512 = vector.broadcast %sub3A_511 : f32 to vector<16xf32>
    %sub3A_513 = arith.subf %sub3A_512, %mul3A_510 : vector<16xf32>
    %mul3A_514 = arith.mulf %mul3A_509, %sub3A_513 : vector<16xf32>
    %mul3A_515 = arith.mulf %select_n3A_494, %mul3A_514 : vector<16xf32>
    %sub3A_516 = arith.constant 2.000000e+00 : f32
    %sub3A_517 = vector.broadcast %sub3A_516 : f32 to vector<16xf32>
    %sub3A_518 = arith.subf %sub3A_517, %mul3A_515 : vector<16xf32>
    %mul3A_519 = arith.mulf %mul3A_514, %sub3A_518 : vector<16xf32>
    %broadcast_in_dim3A_520 = vector.broadcast %reduce_max3A_465 : f32 to vector<16xf32>
    %mul3A_521 = arith.mulf %broadcast_in_dim3A_520, %mul3A_519 : vector<16xf32>
    %broadcast_in_dim3A_522 = arith.constant -1.000000e+00 : f32
    %broadcast_in_dim3A_523 = vector.broadcast %broadcast_in_dim3A_522 : f32 to vector<16xf32>
    %broadcast_in_dim3A_524 = arith.constant 1.000000e+00 : f32
    %broadcast_in_dim3A_525 = vector.broadcast %broadcast_in_dim3A_524 : f32 to vector<16xf32>
    %broadcast_in_dim3A_526 = arith.constant 0 : i32
    %broadcast_in_dim3A_527 = vector.broadcast %broadcast_in_dim3A_526 : i32 to vector<16xi32>
    %scan3A_528 = arith.constant 0 : i32
    %scan3A_529 = arith.constant 5 : i32
    %scan3A_530 = arith.addi %scan3A_528, %scan3A_529 : i32
    %scan3A_531 = arith.constant 1 : i32
    %scan3A_532:4 = scf.for %scan3A_584 = %scan3A_528 to %scan3A_530 step %scan3A_531 iter_args(%scan3A_585 = %broadcast_in_dim3A_523, %scan3A_586 = %broadcast_in_dim3A_525, %scan3A_587 = %broadcast_in_dim3A_527, %scan3A_588 = %iota3A) -> (vector<16xf32>, vector<16xf32>, vector<16xi32>, vector<16xi32>)  : i32 {
      %mul3A_589 = arith.constant 2 : i32
      %mul3A_590 = arith.muli %mul3A_589, %scan3A_584 : i32
      %dma_wait3A = arith.constant 0 : i32
      %dma_wait3A_591 = tpu.memref_slice %arg4[%add3A_439, %dma_wait3A] : memref<128x100000xf32, #tpu.memory_space<hbm>> -> memref<1x10000xf32, #tpu.memory_space<hbm>>
      %dma_wait3A_592 = tpu.memref_squeeze %dma_wait3A_591 : memref<1x10000xf32, #tpu.memory_space<hbm>> -> memref<10000xf32, #tpu.memory_space<hbm>>
      %dma_wait3A_593 = arith.constant 0 : i32
      %dma_wait3A_594 = tpu.memref_slice %arg4[%add3A_439, %dma_wait3A_593] : memref<128x100000xf32, #tpu.memory_space<hbm>> -> memref<1x10000xf32, #tpu.memory_space<hbm>>
      %dma_wait3A_595 = tpu.memref_squeeze %dma_wait3A_594 : memref<1x10000xf32, #tpu.memory_space<hbm>> -> memref<10000xf32, #tpu.memory_space<hbm>>
      tpu.wait_dma2 semaphore(%arg11 : memref<!tpu.dma_semaphore, #tpu.memory_space<semaphore_mem>>) src(%dma_wait3A_595 : memref<10000xf32, #tpu.memory_space<hbm>>) dst(%arg7 : memref<10000xf32, #tpu.memory_space<vmem>>)
      %scan3A_596 = arith.constant 0 : i32
      %scan3A_597 = arith.constant 625 : i32
      %scan3A_598 = arith.addi %scan3A_596, %scan3A_597 : i32
      %scan3A_599 = arith.constant 5 : i32
      %scan3A_600:4 = scf.for %scan3A_627 = %scan3A_596 to %scan3A_598 step %scan3A_599 iter_args(%scan3A_628 = %scan3A_585, %scan3A_629 = %scan3A_586, %scan3A_630 = %scan3A_587, %scan3A_631 = %scan3A_588) -> (vector<16xf32>, vector<16xf32>, vector<16xi32>, vector<16xi32>)  : i32 {
        %mul3A_632 = arith.constant 10000 : i32
        %mul3A_633 = arith.muli %mul3A_590, %mul3A_632 : i32
        %mul3A_634 = arith.constant 16 : i32
        %mul3A_635 = arith.muli %scan3A_627, %mul3A_634 : i32
        %add3A_636 = arith.addi %mul3A_633, %mul3A_635 : i32
        %get3A_637 = arith.index_cast %add3A_636 : i32 to index
        %get3A_638 = tpu.vector_load %arg6[%get3A_637] {strides = array<i32>} : memref<100000xf32, #tpu.memory_space<vmem>>, vector<16xf32>,
        %mul3A_639 = arith.constant 16 : i32
        %mul3A_640 = arith.muli %scan3A_627, %mul3A_639 : i32
        %get3A_641 = arith.index_cast %mul3A_640 : i32 to index
        %get3A_642 = tpu.vector_load %arg7[%get3A_641] {strides = array<i32>} : memref<10000xf32, #tpu.memory_space<vmem>>, vector<16xf32>,
        %mul3A_643 = arith.mulf %get3A_638, %mul3A_519 : vector<16xf32>
        %sub3A_644 = arith.subf %mul3A_643, %mul3A_521 : vector<16xf32>
        %exp3A = math.exp %sub3A_644 : vector<16xf32>
        %max3A = arith.constant 1.000000e-10 : f32
        %max3A_645 = vector.broadcast %max3A : f32 to vector<16xf32>
        %max3A_646 = arith.maximumf %get3A_642, %max3A_645 : vector<16xf32>
        %mul3A_647 = arith.mulf %exp3A, %scan3A_629 : vector<16xf32>
        %mul3A_648 = arith.mulf %scan3A_628, %max3A_646 : vector<16xf32>
        %gt3A_649 = arith.cmpf ogt, %mul3A_647, %mul3A_648 : vector<16xf32>
        %select_n3A_650 = arith.select %gt3A_649, %exp3A, %scan3A_628 : vector<16xi1>, vector<16xf32>
        %select_n3A_651 = arith.select %gt3A_649, %max3A_646, %scan3A_629 : vector<16xi1>, vector<16xf32>
        %select_n3A_652 = arith.select %gt3A_649, %scan3A_631, %scan3A_630 : vector<16xi1>, vector<16xi32>
        %add3A_653 = arith.constant 16 : i32
        %add3A_654 = vector.broadcast %add3A_653 : i32 to vector<16xi32>
        %add3A_655 = arith.addi %scan3A_631, %add3A_654 : vector<16xi32>
        %scan3A_656 = arith.constant 1 : i32
        %scan3A_657 = arith.addi %scan3A_627, %scan3A_656 : i32
        %mul3A_658 = arith.constant 10000 : i32
        %mul3A_659 = arith.muli %mul3A_590, %mul3A_658 : i32
        %mul3A_660 = arith.constant 16 : i32
        %mul3A_661 = arith.muli %scan3A_657, %mul3A_660 : i32
        %add3A_662 = arith.addi %mul3A_659, %mul3A_661 : i32
        %get3A_663 = arith.index_cast %add3A_662 : i32 to index
        %get3A_664 = tpu.vector_load %arg6[%get3A_663] {strides = array<i32>} : memref<100000xf32, #tpu.memory_space<vmem>>, vector<16xf32>,
        %mul3A_665 = arith.constant 16 : i32
        %mul3A_666 = arith.muli %scan3A_657, %mul3A_665 : i32
        %get3A_667 = arith.index_cast %mul3A_666 : i32 to index
        %get3A_668 = tpu.vector_load %arg7[%get3A_667] {strides = array<i32>} : memref<10000xf32, #tpu.memory_space<vmem>>, vector<16xf32>,
        %mul3A_669 = arith.mulf %get3A_664, %mul3A_519 : vector<16xf32>
        %sub3A_670 = arith.subf %mul3A_669, %mul3A_521 : vector<16xf32>
        %exp3A_671 = math.exp %sub3A_670 : vector<16xf32>
        %max3A_672 = arith.constant 1.000000e-10 : f32
        %max3A_673 = vector.broadcast %max3A_672 : f32 to vector<16xf32>
        %max3A_674 = arith.maximumf %get3A_668, %max3A_673 : vector<16xf32>
        %mul3A_675 = arith.mulf %exp3A_671, %select_n3A_651 : vector<16xf32>
        %mul3A_676 = arith.mulf %select_n3A_650, %max3A_674 : vector<16xf32>
        %gt3A_677 = arith.cmpf ogt, %mul3A_675, %mul3A_676 : vector<16xf32>
        %select_n3A_678 = arith.select %gt3A_677, %exp3A_671, %select_n3A_650 : vector<16xi1>, vector<16xf32>
        %select_n3A_679 = arith.select %gt3A_677, %max3A_674, %select_n3A_651 : vector<16xi1>, vector<16xf32>
        %select_n3A_680 = arith.select %gt3A_677, %add3A_655, %select_n3A_652 : vector<16xi1>, vector<16xi32>
        %add3A_681 = arith.constant 16 : i32
        %add3A_682 = vector.broadcast %add3A_681 : i32 to vector<16xi32>
        %add3A_683 = arith.addi %add3A_655, %add3A_682 : vector<16xi32>
        %scan3A_684 = arith.constant 2 : i32
        %scan3A_685 = arith.addi %scan3A_627, %scan3A_684 : i32
        %mul3A_686 = arith.constant 10000 : i32
        %mul3A_687 = arith.muli %mul3A_590, %mul3A_686 : i32
        %mul3A_688 = arith.constant 16 : i32
        %mul3A_689 = arith.muli %scan3A_685, %mul3A_688 : i32
        %add3A_690 = arith.addi %mul3A_687, %mul3A_689 : i32
        %get3A_691 = arith.index_cast %add3A_690 : i32 to index
        %get3A_692 = tpu.vector_load %arg6[%get3A_691] {strides = array<i32>} : memref<100000xf32, #tpu.memory_space<vmem>>, vector<16xf32>,
        %mul3A_693 = arith.constant 16 : i32
        %mul3A_694 = arith.muli %scan3A_685, %mul3A_693 : i32
        %get3A_695 = arith.index_cast %mul3A_694 : i32 to index
        %get3A_696 = tpu.vector_load %arg7[%get3A_695] {strides = array<i32>} : memref<10000xf32, #tpu.memory_space<vmem>>, vector<16xf32>,
        %mul3A_697 = arith.mulf %get3A_692, %mul3A_519 : vector<16xf32>
        %sub3A_698 = arith.subf %mul3A_697, %mul3A_521 : vector<16xf32>
        %exp3A_699 = math.exp %sub3A_698 : vector<16xf32>
        %max3A_700 = arith.constant 1.000000e-10 : f32
        %max3A_701 = vector.broadcast %max3A_700 : f32 to vector<16xf32>
        %max3A_702 = arith.maximumf %get3A_696, %max3A_701 : vector<16xf32>
        %mul3A_703 = arith.mulf %exp3A_699, %select_n3A_679 : vector<16xf32>
        %mul3A_704 = arith.mulf %select_n3A_678, %max3A_702 : vector<16xf32>
        %gt3A_705 = arith.cmpf ogt, %mul3A_703, %mul3A_704 : vector<16xf32>
        %select_n3A_706 = arith.select %gt3A_705, %exp3A_699, %select_n3A_678 : vector<16xi1>, vector<16xf32>
        %select_n3A_707 = arith.select %gt3A_705, %max3A_702, %select_n3A_679 : vector<16xi1>, vector<16xf32>
        %select_n3A_708 = arith.select %gt3A_705, %add3A_683, %select_n3A_680 : vector<16xi1>, vector<16xi32>
        %add3A_709 = arith.constant 16 : i32
        %add3A_710 = vector.broadcast %add3A_709 : i32 to vector<16xi32>
        %add3A_711 = arith.addi %add3A_683, %add3A_710 : vector<16xi32>
        %scan3A_712 = arith.constant 3 : i32
        %scan3A_713 = arith.addi %scan3A_627, %scan3A_712 : i32
        %mul3A_714 = arith.constant 10000 : i32
        %mul3A_715 = arith.muli %mul3A_590, %mul3A_714 : i32
        %mul3A_716 = arith.constant 16 : i32
        %mul3A_717 = arith.muli %scan3A_713, %mul3A_716 : i32
        %add3A_718 = arith.addi %mul3A_715, %mul3A_717 : i32
        %get3A_719 = arith.index_cast %add3A_718 : i32 to index
        %get3A_720 = tpu.vector_load %arg6[%get3A_719] {strides = array<i32>} : memref<100000xf32, #tpu.memory_space<vmem>>, vector<16xf32>,
        %mul3A_721 = arith.constant 16 : i32
        %mul3A_722 = arith.muli %scan3A_713, %mul3A_721 : i32
        %get3A_723 = arith.index_cast %mul3A_722 : i32 to index
        %get3A_724 = tpu.vector_load %arg7[%get3A_723] {strides = array<i32>} : memref<10000xf32, #tpu.memory_space<vmem>>, vector<16xf32>,
        %mul3A_725 = arith.mulf %get3A_720, %mul3A_519 : vector<16xf32>
        %sub3A_726 = arith.subf %mul3A_725, %mul3A_521 : vector<16xf32>
        %exp3A_727 = math.exp %sub3A_726 : vector<16xf32>
        %max3A_728 = arith.constant 1.000000e-10 : f32
        %max3A_729 = vector.broadcast %max3A_728 : f32 to vector<16xf32>
        %max3A_730 = arith.maximumf %get3A_724, %max3A_729 : vector<16xf32>
        %mul3A_731 = arith.mulf %exp3A_727, %select_n3A_707 : vector<16xf32>
        %mul3A_732 = arith.mulf %select_n3A_706, %max3A_730 : vector<16xf32>
        %gt3A_733 = arith.cmpf ogt, %mul3A_731, %mul3A_732 : vector<16xf32>
        %select_n3A_734 = arith.select %gt3A_733, %exp3A_727, %select_n3A_706 : vector<16xi1>, vector<16xf32>
        %select_n3A_735 = arith.select %gt3A_733, %max3A_730, %select_n3A_707 : vector<16xi1>, vector<16xf32>
        %select_n3A_736 = arith.select %gt3A_733, %add3A_711, %select_n3A_708 : vector<16xi1>, vector<16xi32>
        %add3A_737 = arith.constant 16 : i32
        %add3A_738 = vector.broadcast %add3A_737 : i32 to vector<16xi32>
        %add3A_739 = arith.addi %add3A_711, %add3A_738 : vector<16xi32>
        %scan3A_740 = arith.constant 4 : i32
        %scan3A_741 = arith.addi %scan3A_627, %scan3A_740 : i32
        %mul3A_742 = arith.constant 10000 : i32
        %mul3A_743 = arith.muli %mul3A_590, %mul3A_742 : i32
        %mul3A_744 = arith.constant 16 : i32
        %mul3A_745 = arith.muli %scan3A_741, %mul3A_744 : i32
        %add3A_746 = arith.addi %mul3A_743, %mul3A_745 : i32
        %get3A_747 = arith.index_cast %add3A_746 : i32 to index
        %get3A_748 = tpu.vector_load %arg6[%get3A_747] {strides = array<i32>} : memref<100000xf32, #tpu.memory_space<vmem>>, vector<16xf32>,
        %mul3A_749 = arith.constant 16 : i32
        %mul3A_750 = arith.muli %scan3A_741, %mul3A_749 : i32
        %get3A_751 = arith.index_cast %mul3A_750 : i32 to index
        %get3A_752 = tpu.vector_load %arg7[%get3A_751] {strides = array<i32>} : memref<10000xf32, #tpu.memory_space<vmem>>, vector<16xf32>,
        %mul3A_753 = arith.mulf %get3A_748, %mul3A_519 : vector<16xf32>
        %sub3A_754 = arith.subf %mul3A_753, %mul3A_521 : vector<16xf32>
        %exp3A_755 = math.exp %sub3A_754 : vector<16xf32>
        %max3A_756 = arith.constant 1.000000e-10 : f32
        %max3A_757 = vector.broadcast %max3A_756 : f32 to vector<16xf32>
        %max3A_758 = arith.maximumf %get3A_752, %max3A_757 : vector<16xf32>
        %mul3A_759 = arith.mulf %exp3A_755, %select_n3A_735 : vector<16xf32>
        %mul3A_760 = arith.mulf %select_n3A_734, %max3A_758 : vector<16xf32>
        %gt3A_761 = arith.cmpf ogt, %mul3A_759, %mul3A_760 : vector<16xf32>
        %select_n3A_762 = arith.select %gt3A_761, %exp3A_755, %select_n3A_734 : vector<16xi1>, vector<16xf32>
        %select_n3A_763 = arith.select %gt3A_761, %max3A_758, %select_n3A_735 : vector<16xi1>, vector<16xf32>
        %select_n3A_764 = arith.select %gt3A_761, %add3A_739, %select_n3A_736 : vector<16xi1>, vector<16xi32>
        %add3A_765 = arith.constant 16 : i32
        %add3A_766 = vector.broadcast %add3A_765 : i32 to vector<16xi32>
        %add3A_767 = arith.addi %add3A_739, %add3A_766 : vector<16xi32>
        scf.yield %select_n3A_762, %select_n3A_763, %select_n3A_764, %add3A_767 : vector<16xf32>, vector<16xf32>, vector<16xi32>, vector<16xi32>
      }
      %scan3A_601 = arith.constant 625 : i32
      %add3A_602 = arith.constant 2 : i32
      %add3A_603 = arith.addi %mul3A_590, %add3A_602 : i32
      %lt3A = arith.constant 10 : i32
      %lt3A_604 = arith.cmpi slt, %add3A_603, %lt3A : i32
      %convert_element_type3A = arith.extui %lt3A_604 : i1 to i32
      %cond3A = arith.constant 0 : i32
      %cond3A_605 = arith.cmpi ne, %convert_element_type3A, %cond3A : i32
      scf.if %cond3A_605 {
        %add3A_627 = arith.constant 2 : i32
        %add3A_628 = arith.addi %mul3A_590, %add3A_627 : i32
        %mul3A_629 = arith.constant 10000 : i32
        %mul3A_630 = arith.muli %add3A_628, %mul3A_629 : i32
        %dma_start3A_631 = tpu.memref_slice %arg4[%add3A_439, %mul3A_630] : memref<128x100000xf32, #tpu.memory_space<hbm>> -> memref<1x10000xf32, #tpu.memory_space<hbm>>
        %dma_start3A_632 = tpu.memref_squeeze %dma_start3A_631 : memref<1x10000xf32, #tpu.memory_space<hbm>> -> memref<10000xf32, #tpu.memory_space<hbm>>
        %dma_start3A_633 = tpu.memref_slice %arg4[%add3A_439, %mul3A_630] : memref<128x100000xf32, #tpu.memory_space<hbm>> -> memref<1x10000xf32, #tpu.memory_space<hbm>>
        %dma_start3A_634 = tpu.memref_squeeze %dma_start3A_633 : memref<1x10000xf32, #tpu.memory_space<hbm>> -> memref<10000xf32, #tpu.memory_space<hbm>>
        tpu.enqueue_dma source(%dma_start3A_634 : memref<10000xf32, #tpu.memory_space<hbm>>) target(%arg7 : memref<10000xf32, #tpu.memory_space<vmem>>) target_semaphore(%arg11 : memref<!tpu.dma_semaphore, #tpu.memory_space<semaphore_mem>>)
      } else {
      }
      %dma_wait3A_606 = arith.constant 0 : i32
      %dma_wait3A_607 = tpu.memref_slice %arg4[%add3A_439, %dma_wait3A_606] : memref<128x100000xf32, #tpu.memory_space<hbm>> -> memref<1x10000xf32, #tpu.memory_space<hbm>>
      %dma_wait3A_608 = tpu.memref_squeeze %dma_wait3A_607 : memref<1x10000xf32, #tpu.memory_space<hbm>> -> memref<10000xf32, #tpu.memory_space<hbm>>
      %dma_wait3A_609 = arith.constant 0 : i32
      %dma_wait3A_610 = tpu.memref_slice %arg4[%add3A_439, %dma_wait3A_609] : memref<128x100000xf32, #tpu.memory_space<hbm>> -> memref<1x10000xf32, #tpu.memory_space<hbm>>
      %dma_wait3A_611 = tpu.memref_squeeze %dma_wait3A_610 : memref<1x10000xf32, #tpu.memory_space<hbm>> -> memref<10000xf32, #tpu.memory_space<hbm>>
      tpu.wait_dma2 semaphore(%arg12 : memref<!tpu.dma_semaphore, #tpu.memory_space<semaphore_mem>>) src(%dma_wait3A_611 : memref<10000xf32, #tpu.memory_space<hbm>>) dst(%arg8 : memref<10000xf32, #tpu.memory_space<vmem>>)
      %add3A_612 = arith.constant 1 : i32
      %add3A_613 = arith.addi %mul3A_590, %add3A_612 : i32
      %scan3A_614 = arith.constant 0 : i32
      %scan3A_615 = arith.constant 625 : i32
      %scan3A_616 = arith.addi %scan3A_614, %scan3A_615 : i32
      %scan3A_617 = arith.constant 5 : i32
      %scan3A_618:4 = scf.for %scan3A_627 = %scan3A_614 to %scan3A_616 step %scan3A_617 iter_args(%scan3A_628 = %scan3A_600#0, %scan3A_629 = %scan3A_600#1, %scan3A_630 = %scan3A_600#2, %scan3A_631 = %scan3A_600#3) -> (vector<16xf32>, vector<16xf32>, vector<16xi32>, vector<16xi32>)  : i32 {
        %mul3A_632 = arith.constant 10000 : i32
        %mul3A_633 = arith.muli %add3A_613, %mul3A_632 : i32
        %mul3A_634 = arith.constant 16 : i32
        %mul3A_635 = arith.muli %scan3A_627, %mul3A_634 : i32
        %add3A_636 = arith.addi %mul3A_633, %mul3A_635 : i32
        %get3A_637 = arith.index_cast %add3A_636 : i32 to index
        %get3A_638 = tpu.vector_load %arg6[%get3A_637] {strides = array<i32>} : memref<100000xf32, #tpu.memory_space<vmem>>, vector<16xf32>,
        %mul3A_639 = arith.constant 16 : i32
        %mul3A_640 = arith.muli %scan3A_627, %mul3A_639 : i32
        %get3A_641 = arith.index_cast %mul3A_640 : i32 to index
        %get3A_642 = tpu.vector_load %arg8[%get3A_641] {strides = array<i32>} : memref<10000xf32, #tpu.memory_space<vmem>>, vector<16xf32>,
        %mul3A_643 = arith.mulf %get3A_638, %mul3A_519 : vector<16xf32>
        %sub3A_644 = arith.subf %mul3A_643, %mul3A_521 : vector<16xf32>
        %exp3A = math.exp %sub3A_644 : vector<16xf32>
        %max3A = arith.constant 1.000000e-10 : f32
        %max3A_645 = vector.broadcast %max3A : f32 to vector<16xf32>
        %max3A_646 = arith.maximumf %get3A_642, %max3A_645 : vector<16xf32>
        %mul3A_647 = arith.mulf %exp3A, %scan3A_629 : vector<16xf32>
        %mul3A_648 = arith.mulf %scan3A_628, %max3A_646 : vector<16xf32>
        %gt3A_649 = arith.cmpf ogt, %mul3A_647, %mul3A_648 : vector<16xf32>
        %select_n3A_650 = arith.select %gt3A_649, %exp3A, %scan3A_628 : vector<16xi1>, vector<16xf32>
        %select_n3A_651 = arith.select %gt3A_649, %max3A_646, %scan3A_629 : vector<16xi1>, vector<16xf32>
        %select_n3A_652 = arith.select %gt3A_649, %scan3A_631, %scan3A_630 : vector<16xi1>, vector<16xi32>
        %add3A_653 = arith.constant 16 : i32
        %add3A_654 = vector.broadcast %add3A_653 : i32 to vector<16xi32>
        %add3A_655 = arith.addi %scan3A_631, %add3A_654 : vector<16xi32>
        %scan3A_656 = arith.constant 1 : i32
        %scan3A_657 = arith.addi %scan3A_627, %scan3A_656 : i32
        %mul3A_658 = arith.constant 10000 : i32
        %mul3A_659 = arith.muli %add3A_613, %mul3A_658 : i32
        %mul3A_660 = arith.constant 16 : i32
        %mul3A_661 = arith.muli %scan3A_657, %mul3A_660 : i32
        %add3A_662 = arith.addi %mul3A_659, %mul3A_661 : i32
        %get3A_663 = arith.index_cast %add3A_662 : i32 to index
        %get3A_664 = tpu.vector_load %arg6[%get3A_663] {strides = array<i32>} : memref<100000xf32, #tpu.memory_space<vmem>>, vector<16xf32>,
        %mul3A_665 = arith.constant 16 : i32
        %mul3A_666 = arith.muli %scan3A_657, %mul3A_665 : i32
        %get3A_667 = arith.index_cast %mul3A_666 : i32 to index
        %get3A_668 = tpu.vector_load %arg8[%get3A_667] {strides = array<i32>} : memref<10000xf32, #tpu.memory_space<vmem>>, vector<16xf32>,
        %mul3A_669 = arith.mulf %get3A_664, %mul3A_519 : vector<16xf32>
        %sub3A_670 = arith.subf %mul3A_669, %mul3A_521 : vector<16xf32>
        %exp3A_671 = math.exp %sub3A_670 : vector<16xf32>
        %max3A_672 = arith.constant 1.000000e-10 : f32
        %max3A_673 = vector.broadcast %max3A_672 : f32 to vector<16xf32>
        %max3A_674 = arith.maximumf %get3A_668, %max3A_673 : vector<16xf32>
        %mul3A_675 = arith.mulf %exp3A_671, %select_n3A_651 : vector<16xf32>
        %mul3A_676 = arith.mulf %select_n3A_650, %max3A_674 : vector<16xf32>
        %gt3A_677 = arith.cmpf ogt, %mul3A_675, %mul3A_676 : vector<16xf32>
        %select_n3A_678 = arith.select %gt3A_677, %exp3A_671, %select_n3A_650 : vector<16xi1>, vector<16xf32>
        %select_n3A_679 = arith.select %gt3A_677, %max3A_674, %select_n3A_651 : vector<16xi1>, vector<16xf32>
        %select_n3A_680 = arith.select %gt3A_677, %add3A_655, %select_n3A_652 : vector<16xi1>, vector<16xi32>
        %add3A_681 = arith.constant 16 : i32
        %add3A_682 = vector.broadcast %add3A_681 : i32 to vector<16xi32>
        %add3A_683 = arith.addi %add3A_655, %add3A_682 : vector<16xi32>
        %scan3A_684 = arith.constant 2 : i32
        %scan3A_685 = arith.addi %scan3A_627, %scan3A_684 : i32
        %mul3A_686 = arith.constant 10000 : i32
        %mul3A_687 = arith.muli %add3A_613, %mul3A_686 : i32
        %mul3A_688 = arith.constant 16 : i32
        %mul3A_689 = arith.muli %scan3A_685, %mul3A_688 : i32
        %add3A_690 = arith.addi %mul3A_687, %mul3A_689 : i32
        %get3A_691 = arith.index_cast %add3A_690 : i32 to index
        %get3A_692 = tpu.vector_load %arg6[%get3A_691] {strides = array<i32>} : memref<100000xf32, #tpu.memory_space<vmem>>, vector<16xf32>,
        %mul3A_693 = arith.constant 16 : i32
        %mul3A_694 = arith.muli %scan3A_685, %mul3A_693 : i32
        %get3A_695 = arith.index_cast %mul3A_694 : i32 to index
        %get3A_696 = tpu.vector_load %arg8[%get3A_695] {strides = array<i32>} : memref<10000xf32, #tpu.memory_space<vmem>>, vector<16xf32>,
        %mul3A_697 = arith.mulf %get3A_692, %mul3A_519 : vector<16xf32>
        %sub3A_698 = arith.subf %mul3A_697, %mul3A_521 : vector<16xf32>
        %exp3A_699 = math.exp %sub3A_698 : vector<16xf32>
        %max3A_700 = arith.constant 1.000000e-10 : f32
        %max3A_701 = vector.broadcast %max3A_700 : f32 to vector<16xf32>
        %max3A_702 = arith.maximumf %get3A_696, %max3A_701 : vector<16xf32>
        %mul3A_703 = arith.mulf %exp3A_699, %select_n3A_679 : vector<16xf32>
        %mul3A_704 = arith.mulf %select_n3A_678, %max3A_702 : vector<16xf32>
        %gt3A_705 = arith.cmpf ogt, %mul3A_703, %mul3A_704 : vector<16xf32>
        %select_n3A_706 = arith.select %gt3A_705, %exp3A_699, %select_n3A_678 : vector<16xi1>, vector<16xf32>
        %select_n3A_707 = arith.select %gt3A_705, %max3A_702, %select_n3A_679 : vector<16xi1>, vector<16xf32>
        %select_n3A_708 = arith.select %gt3A_705, %add3A_683, %select_n3A_680 : vector<16xi1>, vector<16xi32>
        %add3A_709 = arith.constant 16 : i32
        %add3A_710 = vector.broadcast %add3A_709 : i32 to vector<16xi32>
        %add3A_711 = arith.addi %add3A_683, %add3A_710 : vector<16xi32>
        %scan3A_712 = arith.constant 3 : i32
        %scan3A_713 = arith.addi %scan3A_627, %scan3A_712 : i32
        %mul3A_714 = arith.constant 10000 : i32
        %mul3A_715 = arith.muli %add3A_613, %mul3A_714 : i32
        %mul3A_716 = arith.constant 16 : i32
        %mul3A_717 = arith.muli %scan3A_713, %mul3A_716 : i32
        %add3A_718 = arith.addi %mul3A_715, %mul3A_717 : i32
        %get3A_719 = arith.index_cast %add3A_718 : i32 to index
        %get3A_720 = tpu.vector_load %arg6[%get3A_719] {strides = array<i32>} : memref<100000xf32, #tpu.memory_space<vmem>>, vector<16xf32>,
        %mul3A_721 = arith.constant 16 : i32
        %mul3A_722 = arith.muli %scan3A_713, %mul3A_721 : i32
        %get3A_723 = arith.index_cast %mul3A_722 : i32 to index
        %get3A_724 = tpu.vector_load %arg8[%get3A_723] {strides = array<i32>} : memref<10000xf32, #tpu.memory_space<vmem>>, vector<16xf32>,
        %mul3A_725 = arith.mulf %get3A_720, %mul3A_519 : vector<16xf32>
        %sub3A_726 = arith.subf %mul3A_725, %mul3A_521 : vector<16xf32>
        %exp3A_727 = math.exp %sub3A_726 : vector<16xf32>
        %max3A_728 = arith.constant 1.000000e-10 : f32
        %max3A_729 = vector.broadcast %max3A_728 : f32 to vector<16xf32>
        %max3A_730 = arith.maximumf %get3A_724, %max3A_729 : vector<16xf32>
        %mul3A_731 = arith.mulf %exp3A_727, %select_n3A_707 : vector<16xf32>
        %mul3A_732 = arith.mulf %select_n3A_706, %max3A_730 : vector<16xf32>
        %gt3A_733 = arith.cmpf ogt, %mul3A_731, %mul3A_732 : vector<16xf32>
        %select_n3A_734 = arith.select %gt3A_733, %exp3A_727, %select_n3A_706 : vector<16xi1>, vector<16xf32>
        %select_n3A_735 = arith.select %gt3A_733, %max3A_730, %select_n3A_707 : vector<16xi1>, vector<16xf32>
        %select_n3A_736 = arith.select %gt3A_733, %add3A_711, %select_n3A_708 : vector<16xi1>, vector<16xi32>
        %add3A_737 = arith.constant 16 : i32
        %add3A_738 = vector.broadcast %add3A_737 : i32 to vector<16xi32>
        %add3A_739 = arith.addi %add3A_711, %add3A_738 : vector<16xi32>
        %scan3A_740 = arith.constant 4 : i32
        %scan3A_741 = arith.addi %scan3A_627, %scan3A_740 : i32
        %mul3A_742 = arith.constant 10000 : i32
        %mul3A_743 = arith.muli %add3A_613, %mul3A_742 : i32
        %mul3A_744 = arith.constant 16 : i32
        %mul3A_745 = arith.muli %scan3A_741, %mul3A_744 : i32
        %add3A_746 = arith.addi %mul3A_743, %mul3A_745 : i32
        %get3A_747 = arith.index_cast %add3A_746 : i32 to index
        %get3A_748 = tpu.vector_load %arg6[%get3A_747] {strides = array<i32>} : memref<100000xf32, #tpu.memory_space<vmem>>, vector<16xf32>,
        %mul3A_749 = arith.constant 16 : i32
        %mul3A_750 = arith.muli %scan3A_741, %mul3A_749 : i32
        %get3A_751 = arith.index_cast %mul3A_750 : i32 to index
        %get3A_752 = tpu.vector_load %arg8[%get3A_751] {strides = array<i32>} : memref<10000xf32, #tpu.memory_space<vmem>>, vector<16xf32>,
        %mul3A_753 = arith.mulf %get3A_748, %mul3A_519 : vector<16xf32>
        %sub3A_754 = arith.subf %mul3A_753, %mul3A_521 : vector<16xf32>
        %exp3A_755 = math.exp %sub3A_754 : vector<16xf32>
        %max3A_756 = arith.constant 1.000000e-10 : f32
        %max3A_757 = vector.broadcast %max3A_756 : f32 to vector<16xf32>
        %max3A_758 = arith.maximumf %get3A_752, %max3A_757 : vector<16xf32>
        %mul3A_759 = arith.mulf %exp3A_755, %select_n3A_735 : vector<16xf32>
        %mul3A_760 = arith.mulf %select_n3A_734, %max3A_758 : vector<16xf32>
        %gt3A_761 = arith.cmpf ogt, %mul3A_759, %mul3A_760 : vector<16xf32>
        %select_n3A_762 = arith.select %gt3A_761, %exp3A_755, %select_n3A_734 : vector<16xi1>, vector<16xf32>
        %select_n3A_763 = arith.select %gt3A_761, %max3A_758, %select_n3A_735 : vector<16xi1>, vector<16xf32>
        %select_n3A_764 = arith.select %gt3A_761, %add3A_739, %select_n3A_736 : vector<16xi1>, vector<16xi32>
        %add3A_765 = arith.constant 16 : i32
        %add3A_766 = vector.broadcast %add3A_765 : i32 to vector<16xi32>
        %add3A_767 = arith.addi %add3A_739, %add3A_766 : vector<16xi32>
        scf.yield %select_n3A_762, %select_n3A_763, %select_n3A_764, %add3A_767 : vector<16xf32>, vector<16xf32>, vector<16xi32>, vector<16xi32>
      }
      %scan3A_619 = arith.constant 625 : i32
      %add3A_620 = arith.constant 3 : i32
      %add3A_621 = arith.addi %mul3A_590, %add3A_620 : i32
      %lt3A_622 = arith.constant 10 : i32
      %lt3A_623 = arith.cmpi slt, %add3A_621, %lt3A_622 : i32
      %convert_element_type3A_624 = arith.extui %lt3A_623 : i1 to i32
      %cond3A_625 = arith.constant 0 : i32
      %cond3A_626 = arith.cmpi ne, %convert_element_type3A_624, %cond3A_625 : i32
      scf.if %cond3A_626 {
        %add3A_627 = arith.constant 3 : i32
        %add3A_628 = arith.addi %mul3A_590, %add3A_627 : i32
        %mul3A_629 = arith.constant 10000 : i32
        %mul3A_630 = arith.muli %add3A_628, %mul3A_629 : i32
        %dma_start3A_631 = tpu.memref_slice %arg4[%add3A_439, %mul3A_630] : memref<128x100000xf32, #tpu.memory_space<hbm>> -> memref<1x10000xf32, #tpu.memory_space<hbm>>
        %dma_start3A_632 = tpu.memref_squeeze %dma_start3A_631 : memref<1x10000xf32, #tpu.memory_space<hbm>> -> memref<10000xf32, #tpu.memory_space<hbm>>
        %dma_start3A_633 = tpu.memref_slice %arg4[%add3A_439, %mul3A_630] : memref<128x100000xf32, #tpu.memory_space<hbm>> -> memref<1x10000xf32, #tpu.memory_space<hbm>>
        %dma_start3A_634 = tpu.memref_squeeze %dma_start3A_633 : memref<1x10000xf32, #tpu.memory_space<hbm>> -> memref<10000xf32, #tpu.memory_space<hbm>>
        tpu.enqueue_dma source(%dma_start3A_634 : memref<10000xf32, #tpu.memory_space<hbm>>) target(%arg8 : memref<10000xf32, #tpu.memory_space<vmem>>) target_semaphore(%arg12 : memref<!tpu.dma_semaphore, #tpu.memory_space<semaphore_mem>>)
      } else {
      }
      scf.yield %scan3A_618#0, %scan3A_618#1, %scan3A_618#2, %scan3A_618#3 : vector<16xf32>, vector<16xf32>, vector<16xi32>, vector<16xi32>
    }
    %scan3A_533 = arith.constant 5 : i32
    %bitcast3A_534 = vector.bitcast %scan3A_532#1 : vector<16xf32> to vector<16xi32>
    %sub3A_535 = arith.constant 2129859011 : i32
    %sub3A_536 = vector.broadcast %sub3A_535 : i32 to vector<16xi32>
    %sub3A_537 = arith.subi %sub3A_536, %bitcast3A_534 : vector<16xi32>
    %bitcast3A_538 = vector.bitcast %sub3A_537 : vector<16xi32> to vector<16xf32>
    %mul3A_539 = arith.mulf %scan3A_532#1, %bitcast3A_538 : vector<16xf32>
    %sub3A_540 = arith.constant 2.000000e+00 : f32
    %sub3A_541 = vector.broadcast %sub3A_540 : f32 to vector<16xf32>
    %sub3A_542 = arith.subf %sub3A_541, %mul3A_539 : vector<16xf32>
    %mul3A_543 = arith.mulf %bitcast3A_538, %sub3A_542 : vector<16xf32>
    %mul3A_544 = arith.mulf %scan3A_532#1, %mul3A_543 : vector<16xf32>
    %sub3A_545 = arith.constant 2.000000e+00 : f32
    %sub3A_546 = vector.broadcast %sub3A_545 : f32 to vector<16xf32>
    %sub3A_547 = arith.subf %sub3A_546, %mul3A_544 : vector<16xf32>
    %mul3A_548 = arith.mulf %mul3A_543, %sub3A_547 : vector<16xf32>
    %mul3A_549 = arith.mulf %scan3A_532#1, %mul3A_548 : vector<16xf32>
    %sub3A_550 = arith.constant 2.000000e+00 : f32
    %sub3A_551 = vector.broadcast %sub3A_550 : f32 to vector<16xf32>
    %sub3A_552 = arith.subf %sub3A_551, %mul3A_549 : vector<16xf32>
    %mul3A_553 = arith.mulf %mul3A_548, %sub3A_552 : vector<16xf32>
    %mul3A_554 = arith.mulf %scan3A_532#1, %mul3A_553 : vector<16xf32>
    %sub3A_555 = arith.constant 2.000000e+00 : f32
    %sub3A_556 = vector.broadcast %sub3A_555 : f32 to vector<16xf32>
    %sub3A_557 = arith.subf %sub3A_556, %mul3A_554 : vector<16xf32>
    %mul3A_558 = arith.mulf %mul3A_553, %sub3A_557 : vector<16xf32>
    %mul3A_559 = arith.mulf %scan3A_532#0, %mul3A_558 : vector<16xf32>
    %reduce_max3A_560 = arith.constant true
    %reduce_max3A_561 = vector.broadcast %reduce_max3A_560 : i1 to vector<16xi1>
    %reduce_max3A_562 = tpu.scan <max>, %mul3A_559 masked %reduce_max3A_561 : vector<16xf32>, vector<16xi1> -> vector<16xf32>
    %reduce_max3A_563 = vector.extract %reduce_max3A_562[15] : f32 from vector<16xf32>
    %eq3A_564 = vector.broadcast %reduce_max3A_563 : f32 to vector<16xf32>
    %eq3A_565 = arith.cmpf oeq, %mul3A_559, %eq3A_564 : vector<16xf32>
    %jit3A_566 = arith.constant 2147483647 : i32
    %broadcast_in_dim3A_567 = vector.broadcast %jit3A_566 : i32 to vector<16xi32>
    %select_n3A_568 = arith.select %eq3A_565, %scan3A_532#2, %broadcast_in_dim3A_567 : vector<16xi1>, vector<16xi32>
    %reduce_min3A_569 = arith.constant true
    %reduce_min3A_570 = vector.broadcast %reduce_min3A_569 : i1 to vector<16xi1>
    %reduce_min3A_571 = arith.constant -2147483648 : i32
    %reduce_min3A_572 = vector.broadcast %reduce_min3A_571 : i32 to vector<16xi32>
    %reduce_min3A_573 = arith.xori %select_n3A_568, %reduce_min3A_572 : vector<16xi32>
    %reduce_min3A_574 = tpu.scan <min>, %reduce_min3A_573 masked %reduce_min3A_570 : vector<16xi32>, vector<16xi1> -> vector<16xi32>
    %reduce_min3A_575 = arith.xori %reduce_min3A_574, %reduce_min3A_572 : vector<16xi32>
    %reduce_min3A_576 = vector.extract %reduce_min3A_575[15] : i32 from vector<16xi32>
    %select_n3A_577 = arith.select %gt3A_490, %reduce_min3A_576, %reduce_min3A_478 : i32
    %eq3A_578 = arith.constant 3 : i32
    %eq3A_579 = vector.broadcast %eq3A_578 : i32 to vector<16xi32>
    %eq3A_580 = arith.cmpi eq, %iota3A, %eq3A_579 : vector<16xi32>
    %broadcast_in_dim3A_581 = vector.broadcast %select_n3A_577 : i32 to vector<16xi32>
    %select_n3A_582 = arith.select %eq3A_580, %broadcast_in_dim3A_581, %select_n3A_435 : vector<16xi1>, vector<16xi32>
    %swap3A = arith.constant 0 : index
    %swap3A_583 = tpu.vector_load %arg10[%swap3A] {strides = array<i32>} : memref<16xi32, #tpu.memory_space<vmem>>, vector<16xi32>,
    tpu.vector_store %arg10[%swap3A], %select_n3A_582 {strides = array<i32>} : memref<16xi32, #tpu.memory_space<vmem>>, vector<16xi32>,
    "tpu.region"() ({
      %run_scoped3A = tpu.sem_alloc : memref<!tpu.dma_semaphore, #tpu.memory_space<semaphore_mem>>
      %dma_start3A_584 = arith.constant 0 : i32
      %dma_start3A_585 = tpu.memref_slice %arg5[%add3A, %dma_start3A_584] : memref<32x16xi32, #tpu.memory_space<hbm>> -> memref<1x16xi32, #tpu.memory_space<hbm>>
      %dma_start3A_586 = tpu.memref_squeeze %dma_start3A_585 : memref<1x16xi32, #tpu.memory_space<hbm>> -> memref<16xi32, #tpu.memory_space<hbm>>
      %dma_start3A_587 = arith.constant 0 : i32
      %dma_start3A_588 = tpu.memref_slice %arg5[%add3A, %dma_start3A_587] : memref<32x16xi32, #tpu.memory_space<hbm>> -> memref<1x16xi32, #tpu.memory_space<hbm>>
      %dma_start3A_589 = tpu.memref_squeeze %dma_start3A_588 : memref<1x16xi32, #tpu.memory_space<hbm>> -> memref<16xi32, #tpu.memory_space<hbm>>
      tpu.enqueue_dma source(%arg10 : memref<16xi32, #tpu.memory_space<vmem>>) target(%dma_start3A_589 : memref<16xi32, #tpu.memory_space<hbm>>) target_semaphore(%run_scoped3A : memref<!tpu.dma_semaphore, #tpu.memory_space<semaphore_mem>>)
      %dma_wait3A = arith.constant 0 : i32
      %dma_wait3A_590 = tpu.memref_slice %arg5[%add3A, %dma_wait3A] : memref<32x16xi32, #tpu.memory_space<hbm>> -> memref<1x16xi32, #tpu.memory_space<hbm>>
      %dma_wait3A_591 = tpu.memref_squeeze %dma_wait3A_590 : memref<1x16xi32, #tpu.memory_space<hbm>> -> memref<16xi32, #tpu.memory_space<hbm>>
      %dma_wait3A_592 = arith.constant 0 : i32
      %dma_wait3A_593 = tpu.memref_slice %arg5[%add3A, %dma_wait3A_592] : memref<32x16xi32, #tpu.memory_space<hbm>> -> memref<1x16xi32, #tpu.memory_space<hbm>>
      %dma_wait3A_594 = tpu.memref_squeeze %dma_wait3A_593 : memref<1x16xi32, #tpu.memory_space<hbm>> -> memref<16xi32, #tpu.memory_space<hbm>>
      tpu.wait_dma2 semaphore(%run_scoped3A : memref<!tpu.dma_semaphore, #tpu.memory_space<semaphore_mem>>) src(%arg10 : memref<16xi32, #tpu.memory_space<vmem>>) dst(%dma_wait3A_594 : memref<16xi32, #tpu.memory_space<hbm>>)
      tpu.yield
    }) : () -> ()
    return
  }
}

</mosaic_0001>

<sc_bundles>
// kernel: _sampler.3.cloned.1.call-start
scs
__scs_entry_jumppad:
0x0: {  	(pc) =	sbr.rel $0x88, $3  }
0x1: {  	(tag) =	ssettag $0x0;
	lr =	simm.s32 $0x1  }
0x2: {  	[smem:$0x3F9E] =	sst lr;
	_ =	strace $0xD0000000  }
0x3: {  	_ = 	snop  }
0x4: {  	_ = 	snop  }
0x5: {  	_ = 	snop  }
0x6: {  	_ = 	snop  }
0x7: {  	_ = 	snop  }
__scs_overlays_trampoline_lowered:
0x8: {  	[smem:$0x3FAD] =	sst s0  }
0x9: {  	[smem:$0x3FAE] =	sst s1  }
0xa: {  	[smem:$0x3FAF] =	sst s2  }
0xb: {  	[smem:$0x3FB0] =	sst s3  }
0xc: {  	[smem:$0x3FB1] =	sst s4  }
0xd: {  	[smem:$0x3FB2] =	sst s5  }
0xe: {  	[smem:$0x3FB3] =	sst s6  }
0xf: {  	[smem:$0x3FB4] =	sst s7  }
0x10: {  	[smem:$0x3FB5] =	sst s8  }
0x11: {  	[smem:$0x3FB6] =	sst s9;
	s0 =	simm.s32 @!p0 $0x0  }
0x12: {  	s1 =	sld [smem:$0x3F9C];
	s0 =	simm.s32 @p0 $0x1  }
0x13: {  	[smem:$0x3FB7] =	sst s0;
	s0 =	simm.s32 @!p1 $0x0  }
0x14: {  	s2 =	sld [smem:$0x3F9B];
	s0 =	simm.s32 @p1 $0x1  }
0x15: {  	[smem:$0x3FB8] =	sst s0;
	s0 =	simm.s32 @!p2 $0x0  }
0x16: {  	s3 =	sld [smem:$0x3FDB];
	s0 =	simm.s32 @p2 $0x1  }
0x17: {  	s4 =	simm.s32 $0x1BF5;
	[smem:$0x3FBA] =	sst s0  }
0x18: {  	s0 =	sld [smem:$0x3F9D];
	_ =	swait.ge [sflag:s4], $0x0  }
0x19: {  	s7 =	sld [smem:$0x3F9E]  }
0x1a: {  	s8 =	sadd.s32 $0xFFFFE003, lr  }
0x1b: {  	s9 =	sadd.s32 $0xFFFFFEF7, lr;
	s5 =	simm.s32 $0xFFFFFFFF;
	p2 =	slt.u32 s8, $0xFFFFF086  }
0x1c: {  	p1 =	slt.u32 s9, $0xF7A;
	s5 =	simm.s32 @!p2 $0x0  }
0x1d: {  	s5 =	simm.s32 @p1 $0x1;
	p0 =	seq.s32 s7, s2  }
0x1e: {  	s7 =	smul.u32 @!p0 $0xF7A, s2;
	p2 =	seq.s32 @!p0 s5, $0x0  }
0x1f: {  	s9 =	smul.u32 $0xF7A, s1;
	s8 =	simm.s32 @!p0 $0x1BF5;
	p2 =	por !p2, p0  }
0x20: {  	[sflag:s8] =	ssyncset.s32 @!p0 $0xFFFFF086;
	s6 =	sadd.s32 @!p0 s3, s7;
	s7 =	simm.s32 @!p0 $0x108  }
0x21: {  	s3 =	sadd.s32 s3, s9;
	s6 =	sadd.s32 @!p0 $0x88, s6;
	s7 =	simm.s32 @p2 $0x1082  }
0x22: {  	[simem:s7], [sflag:s8] =	dma.local @!p0 [hbm:s6], $0xF7A  }
0x23: {  	s9 =	sor.u32 $0xD0000000, s2;
	s6 =	simm.s32 $0x108;
	_ =	swait.ge @!p0 [sflag:s8], $0x0  }
0x24: {  	s3 =	sadd.s32 $0x88, s3;
	s6 =	simm.s32 @!p1 $0x1082;
	[sflag:s4] =	ssyncset.s32 $0xFFFFF086  }
0x25: {  	[simem:s6], [sflag:s4] =	dma.local [hbm:s3], $0xF7A  }
0x26: {  	[smem:$0x3F9E] =	sst s1;
	(tag) =	ssettag s2;
	_ =	strace s9  }
0x27: {  	s1 =	sld [smem:$0x3FAE]  }
0x28: {  	s2 =	sld [smem:$0x3FAF]  }
0x29: {  	s4 =	sld [smem:$0x3FB1]  }
0x2a: {  	p0 =	seq.s32 s5, $0x0;
	s5 =	sld [smem:$0x3FB2]  }
0x2b: {  	s6 =	sld [smem:$0x3FB3]  }
0x2c: {  	s7 =	sld [smem:$0x3FB4]  }
0x2d: {  	s3 =	simm.s32 $0x108;
	s8 =	sld [smem:$0x3FB5]  }
0x2e: {  	s3 =	simm.s32 @!p0 $0x1082;
	s9 =	sld [smem:$0x3FB6]  }
0x2f: {  	lr =	sadd.s32 s0, s3;
	s0 =	sld [smem:$0x3FAD]  }
0x30: {  	s3 =	sld [smem:$0x3FB0]  }
0x31: {  	[smem:$0x3FB9] =	sst s10  }
0x32: {  	s10 =	sld [smem:$0x3FB7];
	_ =	sdelay $0x3  }
0x33: {  	p0 =	seq.s32 s10, $0x1;
	s10 =	sld [smem:$0x3FB9];
	_ =	sdelay $0x3  }
0x34: {  	[smem:$0x3FB9] =	sst s10  }
0x35: {  	s10 =	sld [smem:$0x3FB8];
	_ =	sdelay $0x3  }
0x36: {  	p1 =	seq.s32 s10, $0x1;
	s10 =	sld [smem:$0x3FB9];
	_ =	sdelay $0x3  }
0x37: {  	[smem:$0x3FB9] =	sst s10  }
0x38: {  	s10 =	sld [smem:$0x3FBA]  }
0x39: {  	_ = 	snop;
	(pc) =	sbr.ind lr, $3  }
0x3a: {  	_ = 	snop  }
0x3b: {  	_ = 	snop  }
0x3c: {  	p2 =	seq.s32 s10, $0x1;
	s10 =	sld [smem:$0x3FB9]  }
0x3d: {  	_ =	shalt  }
0x3e: {  	_ =	shalt  }
0x3f: {  	_ =	shalt  }
0x40: {  	_ =	shalt  }
0x41: {  	_ =	shalt  }
0x42: {  	_ =	shalt  }
0x43: {  	_ =	shalt  }
0x44: {  	_ =	shalt  }
0x45: {  	_ =	shalt  }
0x46: {  	_ =	shalt  }
0x47: {  	_ =	shalt  }
0x48: {  	_ =	shalt  }
0x49: {  	_ =	shalt  }
0x4a: {  	_ =	shalt  }
0x4b: {  	_ =	shalt  }
0x4c: {  	_ =	shalt  }
0x4d: {  	_ =	shalt  }
0x4e: {  	_ =	shalt  }
0x4f: {  	_ =	shalt  }
0x50: {  	_ =	shalt  }
0x51: {  	_ =	shalt  }
0x52: {  	_ =	shalt  }
0x53: {  	_ =	shalt  }
0x54: {  	_ =	shalt  }
0x55: {  	_ =	shalt  }
0x56: {  	_ =	shalt  }
0x57: {  	_ =	shalt  }
0x58: {  	_ =	shalt  }
0x59: {  	_ =	shalt  }
0x5a: {  	_ =	shalt  }
0x5b: {  	_ =	shalt  }
0x5c: {  	_ =	shalt  }
0x5d: {  	_ =	shalt  }
0x5e: {  	_ =	shalt  }
0x5f: {  	_ =	shalt  }
0x60: {  	_ =	shalt  }
0x61: {  	_ =	shalt  }
0x62: {  	_ =	shalt  }
0x63: {  	_ =	shalt  }
0x64: {  	_ =	shalt  }
0x65: {  	_ =	shalt  }
0x66: {  	_ =	shalt  }
0x67: {  	_ =	shalt  }
0x68: {  	_ =	shalt  }
0x69: {  	_ =	shalt  }
0x6a: {  	_ =	shalt  }
0x6b: {  	_ =	shalt  }
0x6c: {  	_ =	shalt  }
0x6d: {  	_ =	shalt  }
0x6e: {  	_ =	shalt  }
0x6f: {  	_ =	shalt  }
0x70: {  	_ =	shalt  }
0x71: {  	_ =	shalt  }
0x72: {  	_ =	shalt  }
0x73: {  	_ =	shalt  }
0x74: {  	_ =	shalt  }
0x75: {  	_ =	shalt  }
0x76: {  	_ =	shalt  }
0x77: {  	_ =	shalt  }
0x78: {  	_ =	shalt  }
0x79: {  	_ =	shalt  }
0x7a: {  	_ =	shalt  }
0x7b: {  	_ =	shalt  }
0x7c: {  	_ =	shalt  }
0x7d: {  	_ =	shalt  }
0x7e: {  	_ =	shalt  }
0x7f: {  	_ =	shalt  }
0x80: {  	_ =	shalt  }
0x81: {  	_ =	shalt  }
0x82: {  	_ =	shalt  }
0x83: {  	_ =	shalt  }
0x84: {  	_ =	shalt  }
0x85: {  	_ =	shalt  }
0x86: {  	_ =	shalt  }
0x87: {  	_ =	shalt  }
.Lfunc_end0:
.L_simem_size_0:
called_computation_lowered:
.L_overlay_start_0:
0x88: {  	s2 =	sld [smem:$0x3FD9]  }
0x89: {  	s3 =	sld [smem:$0x3FFE];
	_ =	sdelay $0x1  }
0x8a: {  	s1 =	srdreg.scid  }
0x8b: {  	s0 =	sand.u32 $0x1, s1  }
0x8c: {  	s17 =	sshll.u32 s0, $0xA;
	s2 =	sadd.s32 s3, s2  }
0x8d: {  	s2 =	sadd.s32 s2, s17  }
0x8e: {  	[smem:$0x3FC5] =	sst s2  }
0x8f: {  	_ = 	snop  }
0x90: {  	s2 =	sld [smem:$0x3FC8]  }
0x91: {  	s18 =	sld [smem:$0x3FD0];
	(tm) =	ssettm $0x1  }
0x92: {  	s4 =	sld [smem:$0x3FFB];
	_ =	sdelay $0x3  }
0x93: {  	_ =	strace s4  }
0x94: {  	s4 =	sld [smem:$0x3FFC];
	_ =	sdelay $0x3  }
0x95: {  	_ =	strace s4  }
0x96: {  	s4 =	sld [smem:$0x3FFD];
	_ =	sdelay $0x3  }
0x97: {  	_ =	strace s4  }
0x98: {  	_ =	strace $0x8FFFFFFF  }
0x99: {  	s19 =	sld [smem:$0x3FDB];
	_ =	sdelay $0x1  }
0x9a: {  	s5 =	simm.s32 $_scs_section_size  }
0x9b: {  	s6 =	simm.s32 $_size__tile_overlayer_lowered;
	s7 =	simm.s32 $_tile_overlayer_lowered  }
0x9c: {  	s22 =	simm.s32 $0x1BFF;
	s21 =	sshll.u32 s7, $0x1;
	s4 =	sadd.s32 s5, s19  }
0x9d: {  	s8 =	simm.s32 $0x0;
	s20 =	sshll.u32 s6, $0x1;
	s6 =	sadd.s32 s21, s4  }
0x9e: {  	[timem:s8], [sflag:s22] =	dma.local [hbm:s6], s20  }
0x9f: {  	_ =	swait.ge [sflag:s22], s20  }
0xa0: {  	s5 =	ssub.s32 $0x0, s20;
	[sflag:s22] =	ssyncset.done $0x0  }
0xa1: {  	[sflag:s22] =	ssyncadd.s32 s5;
	_ =	sdelay $0x1  }
0xa2: {  	s23 =	simm.s32 $0x1B8B  }
0xa3: {  	_ =	swait.ge [sflag:s23], $0x1  }
0xa4: {  	[sflag:s23] =	ssyncset.done $0x0  }
0xa5: {  	s25 =	simm.s32 $0x1B8E;
	s24 =	sld [smem:$0x3FFE];
	[sflag:s23] =	ssyncadd.s32 $0xFFFFFFFF  }
0xa6: {  	s26 =	simm.s32 $execute0_lowered;
	[smem:$0x3FD2] =	sst s25  }
0xa7: {  	s6 =	sshll.u32 s26, $0x1;
	_ =	strace $0x80000046;
	[dreg:$0x1] =	wrdreg $0xFFFFFFFF  }
0xa8: {  	s28 =	simm.s32 $_size_execute0_lowered;
	s4 =	sadd.s32 s4, s6;
	[dreg:$0x0] =	wrdreg $0x0  }
0xa9: {  	s6 =	sshll.u32 s28, $0x1;
	[dreg:$0x2] =	wrdreg s4  }
0xaa: {  	[dreg:$0x3] =	wrdreg s6  }
0xab: {  	[dreg:$0x4] =	wrdreg $0xC0  }
0xac: {  	_ =	task [dreg:s8], $0x5FFFF  }
0xad: {  	[dreg:$0x1] =	wrdreg $0xFFFFFFFF  }
0xae: {  	[dreg:$0x0] =	wrdreg $0x60  }
0xaf: {  	[dreg:$0x2] =	wrdreg s24  }
0xb0: {  	[dreg:$0x3] =	wrdreg s2  }
0xb1: {  	[dreg:$0x4] =	wrdreg s18  }
0xb2: {  	[dreg:$0x5] =	wrdreg $0x9  }
0xb3: {  	_ =	task.clear_ibuf [dreg:s8], $0x6FFFF;
	_ =	strace $0x90000046  }
0xb4: {  	s29 =	simm.s32 $0x9;
	_ =	strace $0x80000048  }
0xb5: {  	_ =	swait.ge [sflag:s29], $0x1  }
0xb6: {  	[sflag:s29] =	ssyncadd.s32 $0xFFFFFFFF  }
0xb7: {  	_ =	strace $0x90000048  }
0xb8: {  	_ =	sfence  }
0xb9: {  	s30 =	sld [smem:$0x0];
	_ =	sdelay $0x2  }
0xba: {  	s31 =	sshll.u32 s1, $0xD;
	s1 =	sshrl.u32 s1, $0x2  }
0xbb: {  	s3 =	sand.u32 $0x4000, s31;
	s1 =	sadd.s32 s1, s30  }
0xbc: {  	s0 =	sor.u32 s3, s0;
	s1 =	sshll.u32 s1, $0x11  }
0xbd: {  	s0 =	sor.u32 s1, s0  }
0xbe: {  	s0 =	sadd.s32 $0x8F2B, s0  }
0xbf: {  	[sflag:s0] =	ssyncadd.remote.s32 $0x1  }
0xc0: {  	_ =	sfence.sel $0xFFFF  }
0xc1: {  	[dreg:$0x0] =	wrdreg $0xFFFFFFFF;
	(pc) =	sbr.abs _section_cstart, $3  }
0xc2: {  	[dreg:$0x1] =	wrdreg $0xFFFFFFFF  }
0xc3: {  	_ =	task.clear_ibuf [dreg:s8], $0x2FFFF;
	_ =	strace $0x9FFFFFFF  }
0xc4: {  	(tm) =	ssettm $0x7FFFFFFF  }
0xc5: {  	_ =	shalt  }
tec
execute0_lowered:
.L_overlay_start_1:
0x0: {  	(tag) =	ssettag $0x1  }
0x1: {  	s0 =	rddreg [dreg:$0x0];
	s1 =	srdreg.scid  }
0x2: {  	s3 =	stileid.u32;
	s2 =	rddreg [dreg:$0x2]  }
0x3: {  	s30 =	simm.s32 $0x3;
	s31 =	simm.s32 $0x186A0;
	s29 =	simm.s32 $0x0  }
0x4: {  	s1 =	sand.u32 $0x1, s1;
	s4 =	sshll.u32 s3, $0x1;
	s3 =	simm.s32 $0x0  }
0x5: {  	s6 =	sor.u32 s1, s4;
	[smem:$0x7FF] =	sst s3;
	s4 =	sadd.s32 $0x30DE00, s0  }
0x6: {  	s1 =	ssub.s32 $0x2, s1;
	s0 =	sadd.s32 $0x187400, s0;
	s7 =	smul.u32 $0x61A80, s6  }
0x7: {  	_ =	strace $0x80000047;
	s8 =	sshrl.u32 s1, $0x1;
	s26 =	sshll.u32 s6, $0x1  }
0x8: {  	s11 =	sshll.u32 s6, $0x4;
	s1 =	ssub.s32 s1, s8;
	s21 =	sadd.s32 s2, s26  }
0x9: {  	s2 =	simm.s32 $0x2;
	s10 =	sshrl.u32 s7, $0x3;
	s8 =	sadd.s32 $0x4E20, s7  }
0xa: {  	s9 =	sadd.s32 $0x7530, s7;
	s14 =	sadd.s32 $0x1FBD0, s7;
	s17 =	sadd.s32 $0x35B60, s7  }
0xb: {  	s18 =	sadd.s32 $0x38270, s7;
	s5 =	sadd.s32 s4, s10;
	s23 =	sadd.s32 s0, s10  }
0xc: {  	s12 =	sadd.s32 $0x30D4, s10;
	s25 =	sadd.s32 $0x61A8, s10;
	s10 =	sadd.s32 $0x927C, s10  }
0xd: {  	s22 =	sadd.s32 $0x4E2, s5;
	[dreg:$0x5] =	wrdreg s23;
	s13 =	sadd.s32 s4, s12  }
0xe: {  	s24 =	sadd.s32 $0x35B6, s5;
	s12 =	sadd.s32 s0, s12;
	s15 =	sadd.s32 s4, s25  }
0xf: {  	s16 =	sadd.s32 s0, s25;
	s19 =	sadd.s32 s0, s10;
	[dreg:$0x4] =	wrdreg s22  }
.Ltmp0:
0x10: {  	s20 =	sadd.s32 s4, s10;
	[dreg:$0x6] =	wrdreg s13;
	(pc) =	sbr.rel .LBB2_1-.Ltmp0, $4  }
0x11: {  	s23 =	sadd.s32 $0x50910, s7;
	s25 =	sshrl.u32 s11, $0x2;
	[dreg:$0x7] =	wrdreg s24  }
0x12: {  	vm0 =	vmmov $0x1;
	vm1 =	vcmask $0x308;
	s26 =	sadd.s32 $0x668A, s5;
	s28 =	sadd.s32 $0x975E, s5;
	[dreg:$0x8] =	wrdreg s12  }
0x13: {  	vm2 =	vcmask $0x70C;
	vm3 =	vcmask $0xB10;
	vm4 =	vcmask $0x300;
	s0 =	simm.s32 $0x1;
	s13 =	sadd.s32 $0x1D4C0, s7;
	[dreg:$0x9] =	wrdreg s15  }
0x14: {  	vm5 =	vcmask $0x704;
	vm6 =	vcmask $0xB08;
	vm7 =	vcmask $0xF0C;
	s22 =	sadd.s32 $0x4E200, s7;
	s24 =	smax.u32 s1, $0x1;
	s1 =	simm.s32 $0x1ADB0  }
.LBB2_37:
0x15: {  	v21 =	vsub.s32 $0x7EF311C3, v6  }
0x16: {  	v22 =	vmul.f32 v21, v6;
	_ =	sdelay $0x1  }
0x17: {  	v22 =	vsub.f32 $2.000000000e+00, v22;
	_ =	sdelay $0x1  }
0x18: {  	v21 =	vmul.f32 v21, v22;
	_ =	sdelay $0x1  }
0x19: {  	v22 =	vmul.f32 v21, v6;
	_ =	sdelay $0x1  }
0x1a: {  	v22 =	vsub.f32 $2.000000000e+00, v22;
	_ =	sdelay $0x1  }
0x1b: {  	v21 =	vmul.f32 v22, v21;
	_ =	sdelay $0x1  }
0x1c: {  	v23 =	vsub.s32 $0x7EF311C3, v12;
	v22 =	vmul.f32 v21, v6  }
0x1d: {  	v27 =	vmul.f32 v23, v12  }
0x1e: {  	v22 =	vsub.f32 $2.000000000e+00, v22  }
0x1f: {  	v59 =	vsub.f32 $2.000000000e+00, v27  }
0x20: {  	v21 =	vmul.f32 v22, v21  }
0x21: {  	v22 =	vmul.f32 v23, v59  }
0x22: {  	v60 =	vmul.f32 v21, v6  }
0x23: {  	v23 =	vmul.f32 v22, v12  }
0x24: {  	v6 =	vsub.f32 $2.000000000e+00, v60  }
0x25: {  	v61 =	vsub.f32 $2.000000000e+00, v23  }
0x26: {  	v6 =	vmul.f32 v6, v21  }
0x27: {  	vm8 =	veq.f32 v0, v1;
	v62 =	vxor.u32 $0x80000000, v2;
	v22 =	vmul.f32 v61, v22  }
0x28: {  	v0 =	vnsel vm8, $0xFFFFFFFF, v62;
	v63 =	vmul.f32 v6, v5  }
0x29: {  	(xrf0) =	vmin.scan.msk.u32 $0xffff, v0;
	v27 =	vsub.s32 $0x7EF311C3, v18;
	v23 =	vmul.f32 v22, v12  }
0x2a: {  	v28 =	vmul.f32 v27, v18;
	(xrf0) =	vmax.scan.msk.f32 $0xffff, v63  }
0x2b: {  	v0 =	vsub.f32 $2.000000000e+00, v23  }
0x2c: {  	v29 =	vsub.f32 $2.000000000e+00, v28  }
0x2d: {  	v0 =	vmul.f32 v0, v22  }
0x2e: {  	v2 =	vmul.f32 v27, v29  }
0x2f: {  	v30, _, _ =	vpop (xrf0);
	v32 =	vmul.f32 v0, v12  }
0x30: {  	v34 =	vmul.f32 v2, v18;
	v31, _, _ =	vpop (xrf0)  }
0x31: {  	v12 =	vsub.f32 $2.000000000e+00, v32;
	v33 =	vbroadcast v31, $0xF  }
0x32: {  	v35 =	vxor.u32 $0x80000000, v4;
	v36 =	vsub.f32 $2.000000000e+00, v34  }
0x33: {  	v37 =	vxor.u32 $0x80000000, v9;
	v0 =	vmul.f32 v12, v0;
	vm8 =	veq.f32 v63, v33  }
0x34: {  	v2 =	vmul.f32 v36, v2;
	v1 =	vnsel vm8, $0xFFFFFFFF, v35;
	vm8 =	veq.f32 v7, v8  }
0x35: {  	v0 =	vmul.f32 v0, v11;
	(xrf0) =	vmin.scan.msk.u32 $0xffff, v1;
	v38 =	vnsel vm8, $0xFFFFFFFF, v37  }
0x36: {  	v40 =	vsub.s32 $0x7EF311C3, v26;
	v39 =	vmul.f32 v2, v18;
	(xrf0) =	vmin.scan.msk.u32 $0xffff, v38  }
0x37: {  	v41 =	vmul.f32 v40, v26;
	(xrf0) =	vmax.scan.msk.f32 $0xffff, v0  }
0x38: {  	v1 =	vsub.f32 $2.000000000e+00, v39  }
0x39: {  	v5 =	vsub.f32 $2.000000000e+00, v41  }
0x3a: {  	v1 =	vmul.f32 v1, v2  }
0x3b: {  	v4 =	vmul.f32 v40, v5;
	v42, _, _ =	vpop (xrf0)  }
0x3c: {  	v45 =	vmul.f32 v1, v18;
	v43, _, _ =	vpop (xrf0)  }
0x3d: {  	v46 =	vmul.f32 v4, v26;
	v44, _, _ =	vpop (xrf0)  }
0x3e: {  	v8 =	vsub.f32 $2.000000000e+00, v45;
	v5 =	vbroadcast v44, $0xF  }
0x3f: {  	v47 =	vxor.u32 $0x80000000, v10;
	v48 =	vsub.f32 $2.000000000e+00, v46  }
0x40: {  	v49 =	vxor.u32 $0x80000000, v15;
	v1 =	vmul.f32 v8, v1;
	vm8 =	veq.f32 v0, v5  }
0x41: {  	v4 =	vmul.f32 v48, v4;
	v0 =	vnsel vm8, $0xFFFFFFFF, v47;
	vm8 =	veq.f32 v13, v14  }
0x42: {  	v1 =	vmul.f32 v1, v17;
	(xrf0) =	vmin.scan.msk.u32 $0xffff, v0;
	v50 =	vnsel vm8, $0xFFFFFFFF, v49  }
0x43: {  	v51 =	vmul.f32 v4, v26;
	(xrf0) =	vmin.scan.msk.u32 $0xffff, v50  }
0x44: {  	(xrf0) =	vmax.scan.msk.f32 $0xffff, v1  }
0x45: {  	v0 =	vsub.f32 $2.000000000e+00, v51;
	_ =	sdelay $0x1  }
0x46: {  	v0 =	vmul.f32 v0, v4  }
0x47: {  	v52, _, _ =	vpop (xrf0)  }
0x48: {  	v54 =	vmul.f32 v0, v26;
	v53, _, _ =	vpop (xrf0)  }
0x49: {  	v55, _, _ =	vpop (xrf0)  }
0x4a: {  	v8 =	vsub.f32 $2.000000000e+00, v54;
	v9 =	vbroadcast v55, $0xF;
	_ =	sdelay $0x1  }
0x4b: {  	v56 =	vxor.u32 $0x80000000, v16;
	v0 =	vmul.f32 v8, v0;
	vm8 =	veq.f32 v1, v9  }
0x4c: {  	v57 =	vxor.u32 $0x80000000, v20;
	v1 =	vnsel vm8, $0xFFFFFFFF, v56;
	vm8 =	veq.f32 v19, v3  }
0x4d: {  	v0 =	vmul.f32 v0, v25;
	(xrf0) =	vmin.scan.msk.u32 $0xffff, v1;
	v58 =	vnsel vm8, $0xFFFFFFFF, v57  }
0x4e: {  	(xrf0) =	vmin.scan.msk.u32 $0xffff, v58  }
0x4f: {  	(xrf0) =	vmax.scan.msk.f32 $0xffff, v0;
	_ =	sdelay $0x3  }
0x50: {  	v59, _, _ =	vpop (xrf0)  }
0x51: {  	v60, _, _ =	vpop (xrf0)  }
0x52: {  	v61, _, _ =	vpop (xrf0)  }
0x53: {  	v8 =	vbroadcast v61, $0xF;
	_ =	sdelay $0x1  }
0x54: {  	v62 =	vxor.u32 $0x80000000, v24;
	vm8 =	veq.f32 v0, v8  }
0x55: {  	v0 =	vnsel vm8, $0xFFFFFFFF, v62  }
0x56: {  	(v2sf) =	vpush v30, $0xF;
	(xrf0) =	vmin.scan.msk.u32 $0xffff, v0  }
0x57: {  	(v2sf) =	vpush v42, $0xF  }
0x58: {  	(v2sf) =	vpush v43, $0xF  }
0x59: {  	(v2sf) =	vpush v52, $0xF  }
0x5a: {  	(v2sf) =	vpush v53, $0xF  }
0x5b: {  	(v2sf) =	vpush v59, $0xF  }
0x5c: {  	(v2sf) =	vpush v60, $0xF;
	v0, _, _ =	vpop (xrf0)  }
0x5d: {  	(v2sf) =	vpush v0, $0xF;
	_ =	sdelay $0x7  }
0x5e: {  	s6 =	spop (v2sf)  }
0x5f: {  	s7 =	spop (v2sf)  }
0x60: {  	s10 =	spop (v2sf)  }
0x61: {  	s11 =	spop (v2sf)  }
0x62: {  	s6 =	smov.u32 @p0 s7;
	s12 =	spop (v2sf)  }
0x63: {  	s6 =	sxor.u32 $0x80000000, s6;
	s7 =	spop (v2sf)  }
0x64: {  	v63 =	vmov s6;
	s10 =	smov.u32 @p1 s11;
	s11 =	spop (v2sf)  }
0x65: {  	s10 =	sxor.u32 $0x80000000, s10;
	v0 =	vnsel vm4, $0x0, v63;
	s12 =	smov.u32 @p2 s7;
	s7 =	spop (v2sf)  }
0x66: {  	v0 =	vsel vm5, s10, v0;
	s15 =	sxor.u32 $0x80000000, s12;
	s11 =	smov.u32 @p3 s7  }
0x67: {  	s29 =	sadd.s32 $0x1, s29;
	v0 =	vsel vm6, s15, v0;
	s12 =	sxor.u32 $0x80000000, s11  }
0x68: {  	p0 =	sne.s32 s29, s24;
	v0 =	vsel vm7, s12, v0  }
.Ltmp1:
0x69: {  	s15 =	simm.s32 $0x1D560;
	[tilespmem:$0x1D560] =	vst v0;
	(pc) =	sbr.rel @!p0 .LBB2_38-.Ltmp1, $4  }
0x6a: {  	[hbm4b:s21+s3] =	stream.linear.scatter [tilespmem:s15], [sflag:$0x3], $0x10, $0x38;
	[tilespmem:$0x1D570] =	vst v63  }
0x6b: {  	_ =	swait.ge [sflag:s30], $0x10  }
0x6c: {  	[sflag:s30] =	ssyncset.done $0x0  }
0x6d: {  	[sflag:s30] =	ssyncadd.s32 $0xFFFFFFF0  }
.LBB2_1:
0x6e: {  	s6 =	rddreg [dreg:$0x1];
	s7 =	simm.s32 $0x1D4C0  }
0x6f: {  	[tilespmem:s7], [sflag:$0x3] =	stream.linear.gather [hbm4b:s6+s3], $0x80, $0x38;
	[tilespmem:$0x1D570] =	vst v63  }
0x70: {  	_ =	swait.ge [sflag:s30], $0x80  }
0x71: {  	[sflag:s30] =	ssyncset.done $0x0  }
0x72: {  	[sflag:s30] =	ssyncadd.s32 $0xFFFFFF80  }
0x73: {  	v3 =	vld [tilespmem:s25+$0x1D4C0];
	[tilespmem:s31], [sflag:$0x1] =	stream.linear.gather [hbm4b:s5+s3], $0x2710, $0x38  }
0x74: {  	s11 =	rddreg [dreg:$0x4]  }
0x75: {  	[tilespmem:s1], [sflag:$0x2] =	stream.linear.gather [hbm4b:s11+s3], $0x2710, $0x38;
	[tilespmem:$0x1D570] =	vst v63  }
0x76: {  	s12 =	rddreg [dreg:$0x5]  }
0x77: {  	[tilespmem:s3], [sflag:$0x3] =	stream.linear.gather [hbm4b:s12+s3], $0x186A0, $0x38;
	[tilespmem:$0x1D570] =	vst v63  }
0x78: {  	_ =	swait.ge [sflag:s30], $0x186A0  }
0x79: {  	[sflag:s30] =	ssyncset.done $0x0  }
0x7a: {  	s15 =	simm.s32 $0x50;
	[sflag:s30] =	ssyncadd.s32 $0xFFFE7960  }
0x7b: {  	v1 =	vld [tilespmem:s15+$0xFFFFFFB0]  }
0x7c: {  	v2 =	vld [tilespmem:s15+$0xFFFFFFC0]  }
0x7d: {  	v4 =	vimm.f32 $-Inf;
	v0 =	vlaneseq.u32;
	v5 =	vld [tilespmem:s15+$0xFFFFFFD0]  }
0x7e: {  	v6 =	vimm.s32 $0x0;
	v7 =	vadd.s32 $0x40, v0;
	v8 =	vadd.s32 $0x50, v0;
	v9 =	vld [tilespmem:s15+$0xFFFFFFE0]  }
0x7f: {  	v10 =	vadd.s32 $0x60, v0;
	v11 =	vadd.s32 $0x10, v0;
	v12 =	vadd.s32 $0x20, v0;
	v13 =	vld [tilespmem:s15+$0xFFFFFFF0]  }
0x80: {  	v14 =	vadd.s32 $0x30, v0;
	vm8 =	vgt.f32 v1, v4;
	v1 =	vmax.f32 v4, v1;
	v4 =	vld [tilespmem:s15+$0x0]  }
0x81: {  	v6 =	vsel vm8, v0, v6;
	vm8 =	vgt.f32 v2, v1;
	v1 =	vmax.f32 v1, v2;
	v2 =	vld [tilespmem:s15+$0x10]  }
0x82: {  	v6 =	vsel vm8, v11, v6;
	vm8 =	vgt.f32 v5, v1;
	v1 =	vmax.f32 v1, v5;
	v5 =	vld [tilespmem:s15+$0x20]  }
0x83: {  	v6 =	vsel vm8, v12, v6;
	vm8 =	vgt.f32 v9, v1;
	v1 =	vmax.f32 v1, v9  }
0x84: {  	v63 =	vld [tilespmem:s15+$0x30];
	v6 =	vsel vm8, v14, v6;
	vm8 =	vgt.f32 v13, v1;
	v1 =	vmax.f32 v1, v13  }
0x85: {  	v6 =	vsel vm8, v7, v6;
	vm8 =	vgt.f32 v4, v1;
	v1 =	vmax.f32 v1, v4  }
0x86: {  	v4 =	vsel vm8, v8, v6;
	vm8 =	vgt.f32 v2, v1;
	v1 =	vmax.f32 v1, v2  }
0x87: {  	v2 =	vadd.s32 $0x70, v0;
	v4 =	vsel vm8, v10, v4;
	vm8 =	vgt.f32 v5, v1  }
0x88: {  	v1 =	vmax.f32 v1, v5;
	v4 =	vsel vm8, v2, v4  }
0x89: {  	s6 =	simm.s32 $0x0;
	s7 =	simm.s32 $0xF0;
	v6 =	vld [tilespmem:s15+$0x40];
	vm8 =	vgt.f32 v63, v1;
	v5 =	vmax.f32 v1, v63;
	v2 =	vlaneseq.u32  }
.LBB2_2:
0x8a: {  	v1 =	vld [tilespmem:s7+$0xFFFFFFB0];
	s6 =	sadd.s32 $0xA, s6;
	v0 =	vadd.s32 $0xA0, v0  }
0x8b: {  	v9 =	vadd.s32 $0x80, v2;
	v10 =	vadd.s32 $0x90, v2;
	v7 =	vld [tilespmem:s7+$0xFFFFFFC0];
	v8 =	vadd.s32 $0x70, v0;
	p0 =	slt.u32 s6, $0x1860;
	v2 =	vmovc v0  }
0x8c: {  	v12 =	vadd.s32 $0x40, v0;
	v13 =	vadd.s32 $0x50, v0;
	v14 =	vadd.s32 $0x60, v0;
	v11 =	vld [tilespmem:s7+$0xFFFFFFD0]  }
0x8d: {  	v15 =	vadd.s32 $0x10, v0;
	v16 =	vadd.s32 $0x20, v0;
	v17 =	vadd.s32 $0x30, v0;
	v18 =	vld [tilespmem:s7+$0xFFFFFFE0]  }
0x8e: {  	v4 =	vsel vm8, v9, v4;
	v19 =	vld [tilespmem:s7+$0xFFFFFFF0];
	vm8 =	vgt.f32 v6, v5;
	v5 =	vmax.f32 v5, v6  }
0x8f: {  	vm9 =	vgt.f32 v1, v5;
	v1 =	vmax.f32 v5, v1;
	v5 =	vld [tilespmem:s7+$0x0];
	v4 =	vsel vm8, v10, v4  }
0x90: {  	v4 =	vsel vm9, v0, v4;
	vm8 =	vgt.f32 v7, v1;
	v1 =	vmax.f32 v1, v7;
	v6 =	vld [tilespmem:s7+$0x10]  }
0x91: {  	v4 =	vsel vm8, v15, v4;
	vm8 =	vgt.f32 v11, v1;
	v1 =	vmax.f32 v1, v11;
	v7 =	vld [tilespmem:s7+$0x20]  }
0x92: {  	v4 =	vsel vm8, v16, v4;
	vm8 =	vgt.f32 v18, v1;
	v1 =	vmax.f32 v1, v18;
	v9 =	vld [tilespmem:s7+$0x30]  }
.Ltmp2:
0x93: {  	v4 =	vsel vm8, v17, v4;
	vm8 =	vgt.f32 v19, v1;
	v1 =	vmax.f32 v1, v19;
	(pc) =	sbr.rel @p0 .LBB2_2-.Ltmp2, $4  }
0x94: {  	v4 =	vsel vm8, v12, v4;
	vm8 =	vgt.f32 v5, v1;
	v1 =	vmax.f32 v1, v5  }
0x95: {  	v4 =	vsel vm8, v13, v4;
	vm8 =	vgt.f32 v6, v1;
	v1 =	vmax.f32 v1, v6  }
0x96: {  	v4 =	vsel vm8, v14, v4;
	vm8 =	vgt.f32 v7, v1;
	v1 =	vmax.f32 v1, v7  }
0x97: {  	v4 =	vsel vm8, v8, v4;
	vm8 =	vgt.f32 v9, v1;
	v5 =	vmax.f32 v1, v9;
	v6 =	vld [tilespmem:s7+$0x40];
	s7 =	sadd.s32 $0xA0, s7  }
0x98: {  	_ =	sdelay $0x3  }
0x99: {  	v0 =	vmax.f32 v5, v6  }
0x9a: {  	v1 =	vnsel vm0, $0xFF800000, v3;
	(xrf0) =	vmax.scan.msk.f32 $0xffff, v0  }
0x9b: {  	(xrf0) =	vmax.scan.msk.f32 $0xffff, v1;
	_ =	sdelay $0x4  }
0x9c: {  	v1, _, _ =	vpop (xrf0)  }
0x9d: {  	v7, _, _ =	vpop (xrf0)  }
0x9e: {  	(v2sf) =	vpush v7, $0xF;
	_ =	sdelay $0xe  }
0x9f: {  	s6 =	spop (v2sf)  }
0xa0: {  	v7 =	vbroadcast v7, $0xF;
	p0 =	sgt.f32 s6, $0.0e+00;
	_ =	sdelay $0x1  }
0xa1: {  	v7 =	vpsel !p0, $0x3F800000, v7  }
0xa2: {  	v8 =	vsub.s32 $0x7EF311C3, v7  }
0xa3: {  	v9 =	vmul.f32 v8, v7;
	_ =	sdelay $0x1  }
0xa4: {  	v9 =	vsub.f32 $2.000000000e+00, v9;
	_ =	sdelay $0x1  }
0xa5: {  	v8 =	vmul.f32 v8, v9;
	_ =	sdelay $0x1  }
0xa6: {  	v9 =	vmul.f32 v8, v7;
	_ =	sdelay $0x1  }
0xa7: {  	v9 =	vsub.f32 $2.000000000e+00, v9;
	_ =	sdelay $0x1  }
0xa8: {  	v8 =	vmul.f32 v9, v8;
	_ =	sdelay $0x1  }
0xa9: {  	v9 =	vmul.f32 v8, v7;
	_ =	sdelay $0x1  }
0xaa: {  	v9 =	vsub.f32 $2.000000000e+00, v9;
	_ =	sdelay $0x1  }
0xab: {  	v8 =	vmul.f32 v9, v8;
	_ =	sdelay $0x1  }
0xac: {  	v7 =	vmul.f32 v8, v7;
	_ =	sdelay $0x1  }
0xad: {  	v7 =	vsub.f32 $2.000000000e+00, v7;
	_ =	sdelay $0x1  }
0xae: {  	v1 =	vbroadcast v1, $0xF;
	v7 =	vmul.f32 v7, v8;
	v8 =	vadd.s32 $0x80, v2  }
0xaf: {  	v9 =	vlaneseq.u32;
	v2 =	vadd.s32 $0x90, v2;
	v4 =	vsel vm8, v8, v4  }
0xb0: {  	vm8 =	vgt.f32 v6, v5;
	v6 =	vimm.f32 $1.000000000e+00;
	v8 =	vmul.f32 v1, v7  }
0xb1: {  	s7 =	simm.s32 $0x20;
	s10 =	simm.s32 $0x2750;
	s6 =	simm.s32 $0x0;
	v5 =	vimm.f32 $-1.000000000e+00;
	v2 =	vsel vm8, v2, v4;
	v4 =	vimm.s32 $0x0  }
.LBB2_4:
0xb2: {  	_ =	swait.ge [sflag:s0], $0x2710  }
0xb3: {  	[sflag:s0] =	ssyncset.done $0x0  }
0xb4: {  	[sflag:s0] =	ssyncadd.s32 $0xFFFFD8F0  }
0xb5: {  	v10 =	vld [tilespmem:s7+$0xFFFFFFE0];
	_ =	sdelay $0x3  }
0xb6: {  	v11 =	vld [tilespmem:s7+$0xFFFFFFF0]  }
0xb7: {  	v10 =	vmul.f32 v10, v7;
	_ =	sdelay $0x1  }
0xb8: {  	v10 =	vsub.f32 v10, v8;
	_ =	sdelay $0x1  }
0xb9: {  	v12 =	vld [tilespmem:s7+$0x0];
	v11 =	vmul.f32 v11, v7;
	v10 =	vmul.f32 $1.442695020e+00, v10;
	_ =	sdelay $0x1  }
0xba: {  	v13 =	vld [tilespmem:s7+$0x10];
	v11 =	vsub.f32 v11, v8;
	(erf) = vpow2.f32 v10;
	_ =	sdelay $0x1  }
0xbb: {  	v11 =	vmul.f32 $1.442695020e+00, v11  }
0xbc: {  	s11 =	simm.s32 $0x186C0;
	v10 =	vmul.f32 v12, v7;
	v12 =	vld [tilespmem:s7+$0x20]  }
0xbd: {  	v14 =	vld [tilespmem:s11+$0xFFFFFFE0];
	(erf) = vpow2.f32 v11  }
0xbe: {  	s15 =	sadd.s32 $0x50, s7;
	v11 =	vmul.f32 v13, v7;
	v10 =	vsub.f32 v10, v8  }
0xbf: {  	v15 =	vld [tilespmem:s15+$0xFFFFFFE0]  }
0xc0: {  	v13 =	vld [tilespmem:s11+$0xFFFFFFF0];
	v11 =	vsub.f32 v11, v8;
	v10 =	vmul.f32 $1.442695020e+00, v10  }
0xc1: {  	v12 =	vmul.f32 v12, v7  }
0xc2: {  	v11 =	vmul.f32 $1.442695020e+00, v11;
	(erf) = vpow2.f32 v10;
	v10 =	vmax.f32 v14, $1.000000010e-10;
	v16 =	vpop (erf)  }
0xc3: {  	v17 =	vld [tilespmem:s15+$0xFFFFFFF0];
	v19 =	vmul.f32 v10, v5;
	v18 =	vmul.f32 v16, v6  }
0xc4: {  	v15 =	vmul.f32 v15, v7  }
0xc5: {  	v14 =	vld [tilespmem:s11+$0x0];
	v13 =	vmax.f32 v13, $1.000000010e-10;
	v12 =	vsub.f32 v12, v8;
	vm8 =	vgt.f32 v18, v19  }
0xc6: {  	(erf) = vpow2.f32 v11;
	v11 =	vpop (erf);
	v5 =	vsel vm8, v16, v5;
	v6 =	vsel vm8, v10, v6  }
0xc7: {  	v18 =	vmul.f32 v6, v11;
	v19 =	vmul.f32 v5, v13  }
0xc8: {  	v20 =	vadd.s32 $0x10, v9;
	v17 =	vmul.f32 v17, v7;
	v12 =	vmul.f32 $1.442695020e+00, v12;
	v16 =	vld [tilespmem:s15+$0x0]  }
0xc9: {  	v15 =	vsub.f32 v15, v8;
	v4 =	vsel vm8, v9, v4;
	v10 =	vld [tilespmem:s11+$0x10];
	vm8 =	vgt.f32 v18, v19  }
0xca: {  	v14 =	vmax.f32 v14, $1.000000010e-10;
	(erf) = vpow2.f32 v12;
	v5 =	vsel vm8, v11, v5  }
0xcb: {  	v15 =	vmul.f32 $1.442695020e+00, v15;
	v12 =	vld [tilespmem:s11+$0x20];
	v6 =	vsel vm8, v13, v6;
	v11 =	vpop (erf);
	v19 =	vmul.f32 v5, v14  }
0xcc: {  	v62 =	vadd.s32 $0x20, v9;
	v13 =	vsub.f32 v17, v8;
	v17 =	vld [tilespmem:s15+$0x10];
	v18 =	vmul.f32 v6, v11  }
0xcd: {  	(erf) = vpow2.f32 v15;
	v4 =	vsel vm8, v20, v4;
	v16 =	vmul.f32 v16, v7  }
0xce: {  	s11 =	simm.s32 $0x18710;
	v21 =	vmax.f32 v10, $1.000000010e-10;
	v13 =	vmul.f32 $1.442695020e+00, v13;
	vm8 =	vgt.f32 v18, v19  }
0xcf: {  	v10 =	vld [tilespmem:s11+$0xFFFFFFE0];
	v5 =	vsel vm8, v11, v5;
	v14 =	vsel vm8, v14, v6;
	v18 =	vsel vm8, v62, v4;
	v19 =	vpop (erf)  }
0xd0: {  	v4 =	vsub.f32 v16, v8;
	v11 =	vld [tilespmem:s15+$0x20];
	v22 =	vmul.f32 v5, v21;
	v63 =	vmul.f32 v14, v19  }
0xd1: {  	v6 =	vmax.f32 v12, $1.000000010e-10;
	(erf) = vpow2.f32 v13;
	v16 =	vmul.f32 v17, v7  }
0xd2: {  	v17 =	vadd.s32 $0x30, v9;
	v15 =	vmul.f32 $1.442695020e+00, v4;
	vm8 =	vgt.f32 v63, v22  }
0xd3: {  	s12 =	simm.s32 $0x5;
	s15 =	sadd.s32 $0x50, s15;
	v4 =	vld [tilespmem:s11+$0xFFFFFFF0];
	v13 =	vsel vm8, v19, v5;
	v12 =	vsel vm8, v21, v14;
	v5 =	vsel vm8, v17, v18;
	v14 =	vpop (erf)  }
.LBB2_5:
0xd4: {  	v17 =	vld [tilespmem:s15+$0xFFFFFFE0];
	v16 =	vsub.f32 v16, v8;
	v21 =	vmul.f32 v12, v14;
	v19 =	vmul.f32 v13, v6  }
0xd5: {  	v11 =	vmul.f32 v11, v7;
	v20 =	vadd.s32 $0x40, v9;
	v10 =	vmax.f32 v10, $1.000000010e-10  }
0xd6: {  	v16 =	vmul.f32 $1.442695020e+00, v16;
	(erf) = vpow2.f32 v15;
	vm8 =	vgt.f32 v21, v19  }
0xd7: {  	s12 =	sadd.s32 $0x5, s12;
	v15 =	vld [tilespmem:s11+$0x0];
	v18 =	vpop (erf);
	v13 =	vsel vm8, v14, v13;
	v6 =	vsel vm8, v6, v12;
	v5 =	vsel vm8, v20, v5  }
0xd8: {  	p1 =	slt.u32 s12, $0x26C;
	v11 =	vsub.f32 v11, v8;
	v12 =	vld [tilespmem:s15+$0xFFFFFFF0];
	v20 =	vmul.f32 v18, v6;
	v19 =	vmul.f32 v10, v13  }
0xd9: {  	v9 =	vadd.s32 $0x50, v9;
	v4 =	vmax.f32 v4, $1.000000010e-10;
	v17 =	vmul.f32 v17, v7  }
0xda: {  	v11 =	vmul.f32 $1.442695020e+00, v11;
	vm8 =	vgt.f32 v20, v19;
	(erf) = vpow2.f32 v16  }
0xdb: {  	v13 =	vsel vm8, v18, v13;
	v6 =	vsel vm8, v10, v6;
	v5 =	vsel vm8, v9, v5;
	v10 =	vld [tilespmem:s11+$0x10];
	v14 =	vpop (erf)  }
0xdc: {  	v16 =	vsub.f32 v17, v8;
	v17 =	vld [tilespmem:s15+$0x0];
	v18 =	vmul.f32 v6, v14;
	v19 =	vmul.f32 v13, v4  }
0xdd: {  	v20 =	vadd.s32 $0x10, v9;
	v15 =	vmax.f32 v15, $1.000000010e-10;
	v12 =	vmul.f32 v12, v7  }
0xde: {  	v16 =	vmul.f32 $1.442695020e+00, v16;
	vm8 =	vgt.f32 v18, v19;
	(erf) = vpow2.f32 v11  }
0xdf: {  	v13 =	vsel vm8, v14, v13;
	v4 =	vsel vm8, v4, v6;
	v5 =	vsel vm8, v20, v5;
	v6 =	vld [tilespmem:s11+$0x20];
	v14 =	vpop (erf)  }
0xe0: {  	v11 =	vsub.f32 v12, v8;
	v12 =	vld [tilespmem:s15+$0x10];
	v23 =	vmul.f32 v4, v14;
	v19 =	vmul.f32 v13, v15  }
0xe1: {  	v20 =	vadd.s32 $0x20, v9;
	v21 =	vmax.f32 v10, $1.000000010e-10;
	v17 =	vmul.f32 v17, v7  }
0xe2: {  	v22 =	vmul.f32 $1.442695020e+00, v11;
	(erf) = vpow2.f32 v16;
	vm8 =	vgt.f32 v23, v19  }
.Ltmp3:
0xe3: {  	s11 =	sadd.s32 $0x50, s11;
	v11 =	vld [tilespmem:s15+$0x20];
	v13 =	vsel vm8, v14, v13;
	v14 =	vsel vm8, v15, v4;
	v5 =	vsel vm8, v20, v5;
	v18 =	vpop (erf);
	(pc) =	sbr.rel @p1 .LBB2_5-.Ltmp3, $4  }
0xe4: {  	v4 =	vsub.f32 v17, v8;
	v10 =	vld [tilespmem:s11+$0xFFFFFFE0];
	v17 =	vmul.f32 v14, v18;
	v19 =	vmul.f32 v13, v21  }
0xe5: {  	v20 =	vadd.s32 $0x30, v9;
	v6 =	vmax.f32 v6, $1.000000010e-10;
	v16 =	vmul.f32 v12, v7  }
0xe6: {  	v15 =	vmul.f32 $1.442695020e+00, v4;
	(erf) = vpow2.f32 v22;
	vm8 =	vgt.f32 v17, v19  }
0xe7: {  	s15 =	sadd.s32 $0x50, s15;
	v4 =	vld [tilespmem:s11+$0xFFFFFFF0];
	v13 =	vsel vm8, v18, v13;
	v12 =	vsel vm8, v21, v14;
	v5 =	vsel vm8, v20, v5;
	v14 =	vpop (erf)  }
0xe8: {  	v11 =	vmul.f32 v11, v7  }
0xe9: {  	v16 =	vsub.f32 v16, v8  }
0xea: {  	v11 =	vsub.f32 v11, v8  }
0xeb: {  	v16 =	vmul.f32 $1.442695020e+00, v16  }
0xec: {  	(erf) = vpow2.f32 v15;
	v11 =	vmul.f32 $1.442695020e+00, v11  }
0xed: {  	(erf) = vpow2.f32 v16  }
0xee: {  	(erf) = vpow2.f32 v11;
	_ =	sdelay $0x2  }
0xef: {  	p1 =	seq.s32 s6, $0x4;
	v16 =	vmul.f32 v13, v6  }
0xf0: {  	s12 =	smul.u32 @!p1 $0x4E20, s6  }
0xf1: {  	v15 =	vmul.f32 v12, v14;
	v11 =	vpop (erf)  }
0xf2: {  	v18 =	vld [tilespmem:s11+$0x0];
	s12 =	sadd.s32 @!p1 s12, s8;
	v17 =	vpop (erf)  }
0xf3: {  	s12 =	sshrl.u32 @!p1 s12, $0x3;
	vm8 =	vgt.f32 v15, v16;
	v15 =	vld [tilespmem:s11+$0x10];
	v16 =	vpop (erf)  }
0xf4: {  	v10 =	vmax.f32 v10, $1.000000010e-10;
	s15 =	simm.s32 @!p1 $0x186A0;
	v13 =	vsel vm8, v14, v13;
	v6 =	vsel vm8, v6, v12;
	v12 =	vld [tilespmem:s11+$0x20];
	s11 =	sadd.s32 @!p1 s4, s12;
	s12 =	simm.s32 @!p1 $0x0;
	v14 =	vpop (erf)  }
0xf5: {  	v20 =	vmul.f32 v10, v13;
	[tilespmem:s15], [sflag:$0x1] =	stream.linear.gather @!p1 [hbm4b:s11+s12], $0x2710, $0x38;
	v19 =	vmul.f32 v11, v6;
	v21 =	vpop (erf);
	[tilespmem:$0x1D570] =	vst v63  }
0xf6: {  	_ =	swait.ge [sflag:s2], $0x2710  }
0xf7: {  	vm9 =	vgt.f32 v19, v20;
	[sflag:s2] =	ssyncset.done $0x0  }
0xf8: {  	v4 =	vmax.f32 v4, $1.000000010e-10;
	v11 =	vsel vm9, v11, v13;
	v6 =	vsel vm9, v10, v6;
	[sflag:s2] =	ssyncadd.s32 $0xFFFFD8F0  }
0xf9: {  	v10 =	vmul.f32 v6, v17;
	v13 =	vmul.f32 v11, v4;
	v19 =	vld [tilespmem:s10+$0xFFFFFFC0];
	_ =	sdelay $0x1  }
0xfa: {  	vm10 =	vgt.f32 v10, v13  }
0xfb: {  	v4 =	vsel vm10, v4, v6;
	v13 =	vld [tilespmem:s10+$0xFFFFFFD0]  }
0xfc: {  	v6 =	vmax.f32 v18, $1.000000010e-10;
	v10 =	vsel vm10, v17, v11;
	v11 =	vmul.f32 v4, v16  }
0xfd: {  	v17 =	vmul.f32 v10, v6;
	v18 =	vmul.f32 v19, v7  }
0xfe: {  	v15 =	vmax.f32 v15, $1.000000010e-10;
	v19 =	vadd.s32 $0x40, v9;
	v9 =	vadd.s32 $0x50, v9  }
0xff: {  	v5 =	vsel vm8, v19, v5;
	vm8 =	vgt.f32 v11, v17;
	v11 =	vsub.f32 v18, v8  }
0x100: {  	v10 =	vsel vm8, v16, v10;
	v16 =	vld [tilespmem:s10+$0xFFFFFFE0];
	v4 =	vsel vm8, v6, v4;
	v6 =	vmul.f32 v13, v7  }
0x101: {  	v5 =	vsel vm9, v9, v5;
	v18 =	vadd.s32 $0x10, v9;
	v11 =	vmul.f32 $1.442695020e+00, v11  }
0x102: {  	v13 =	vmul.f32 v4, v14;
	v17 =	vmul.f32 v10, v15;
	v5 =	vsel vm10, v18, v5  }
0x103: {  	v18 =	vadd.s32 $0x20, v9;
	v6 =	vsub.f32 v6, v8;
	(erf) = vpow2.f32 v11  }
0x104: {  	v12 =	vmax.f32 v12, $1.000000010e-10;
	v5 =	vsel vm8, v18, v5;
	vm15 =	vgt.f32 v13, v17  }
0x105: {  	v11 =	vld [tilespmem:s10+$0xFFFFFFF0];
	v4 =	vsel vm15, v15, v4;
	v6 =	vmul.f32 $1.442695020e+00, v6;
	v13 =	vmul.f32 v16, v7  }
0x106: {  	s12 =	simm.s32 $0x1ADD0;
	v17 =	vadd.s32 $0x30, v9;
	v10 =	vsel vm15, v14, v10;
	v15 =	vld [tilespmem:s10+$0x0];
	v14 =	vmul.f32 v4, v21  }
0x107: {  	v16 =	vmul.f32 v10, v12;
	(erf) = vpow2.f32 v6;
	v6 =	vld [tilespmem:s12+$0xFFFFFFE0];
	v13 =	vsub.f32 v13, v8  }
0x108: {  	s15 =	sadd.s32 $0x50, s10;
	v18 =	vld [tilespmem:s12+$0xFFFFFFF0];
	v5 =	vsel vm15, v17, v5  }
0x109: {  	vm8 =	vgt.f32 v14, v16;
	v14 =	vld [tilespmem:s15+$0xFFFFFFC0];
	v16 =	vadd.s32 $0x40, v9;
	v13 =	vmul.f32 $1.442695020e+00, v13  }
0x10a: {  	v5 =	vsel vm8, v16, v5;
	v16 =	vld [tilespmem:s15+$0xFFFFFFD0];
	v11 =	vmul.f32 v11, v7  }
0x10b: {  	v12 =	vsel vm8, v12, v4;
	v4 =	vmul.f32 v15, v7;
	(erf) = vpow2.f32 v13  }
0x10c: {  	v10 =	vsel vm8, v21, v10;
	v11 =	vsub.f32 v11, v8;
	v6 =	vmax.f32 v6, $1.000000010e-10;
	v15 =	vpop (erf)  }
0x10d: {  	v59 =	vsub.f32 v4, v8;
	v19 =	vmul.f32 v6, v10;
	v17 =	vmul.f32 v15, v12  }
0x10e: {  	v4 =	vadd.s32 $0x50, v9;
	v9 =	vmul.f32 v14, v7;
	v11 =	vmul.f32 $1.442695020e+00, v11  }
0x10f: {  	v13 =	vld [tilespmem:s12+$0x0];
	v14 =	vmax.f32 v18, $1.000000010e-10;
	v16 =	vmul.f32 v16, v7;
	vm8 =	vgt.f32 v17, v19  }
0x110: {  	(erf) = vpow2.f32 v11;
	v10 =	vsel vm8, v15, v10;
	v6 =	vsel vm8, v6, v12;
	v12 =	vpop (erf)  }
0x111: {  	v18 =	vmul.f32 v6, v12;
	v19 =	vmul.f32 v10, v14  }
0x112: {  	v9 =	vsub.f32 v9, v8;
	v11 =	vld [tilespmem:s12+$0x10];
	v17 =	vmul.f32 $1.442695020e+00, v59  }
0x113: {  	v16 =	vsub.f32 v16, v8;
	v5 =	vsel vm8, v4, v5;
	v15 =	vld [tilespmem:s15+$0xFFFFFFE0];
	vm8 =	vgt.f32 v18, v19  }
0x114: {  	v13 =	vmax.f32 v13, $1.000000010e-10;
	(erf) = vpow2.f32 v17;
	v6 =	vsel vm8, v14, v6;
	v14 =	vpop (erf)  }
0x115: {  	v9 =	vmul.f32 $1.442695020e+00, v9;
	v10 =	vsel vm8, v12, v10;
	v18 =	vmul.f32 v6, v14  }
0x116: {  	v60 =	vadd.s32 $0x10, v4;
	v61 =	vadd.s32 $0x20, v4;
	v17 =	vld [tilespmem:s15+$0xFFFFFFF0];
	v19 =	vmul.f32 v10, v13  }
0x117: {  	v16 =	vmul.f32 $1.442695020e+00, v16;
	(erf) = vpow2.f32 v9;
	v62 =	vmax.f32 v11, $1.000000010e-10;
	v12 =	vld [tilespmem:s12+$0x20]  }
0x118: {  	v5 =	vsel vm8, v60, v5;
	v15 =	vmul.f32 v15, v7;
	vm8 =	vgt.f32 v18, v19  }
0x119: {  	s11 =	simm.s32 $0x1AE20;
	v9 =	vld [tilespmem:s15+$0x0];
	(erf) = vpow2.f32 v16;
	v14 =	vsel vm8, v14, v10;
	v13 =	vsel vm8, v13, v6;
	v18 =	vpop (erf)  }
0x11a: {  	v11 =	vld [tilespmem:s11+$0xFFFFFFE0];
	v6 =	vsub.f32 v15, v8;
	v63 =	vmul.f32 v14, v62;
	v19 =	vmul.f32 v13, v18  }
0x11b: {  	v5 =	vsel vm8, v61, v5;
	v15 =	vmul.f32 v17, v7;
	v17 =	vadd.s32 $0x30, v4  }
0x11c: {  	v10 =	vmax.f32 v12, $1.000000010e-10;
	v12 =	vmul.f32 $1.442695020e+00, v6;
	vm8 =	vgt.f32 v19, v63  }
0x11d: {  	s15 =	sadd.s32 $0x50, s15;
	s12 =	simm.s32 $0x5;
	v6 =	vld [tilespmem:s11+$0xFFFFFFF0];
	v16 =	vpop (erf);
	v14 =	vsel vm8, v18, v14;
	v13 =	vsel vm8, v62, v13;
	v5 =	vsel vm8, v17, v5  }
.LBB2_7:
0x11e: {  	v17 =	vld [tilespmem:s15+$0xFFFFFFC0];
	v15 =	vsub.f32 v15, v8;
	v21 =	vmul.f32 v13, v16;
	v19 =	vmul.f32 v14, v10  }
0x11f: {  	v9 =	vmul.f32 v9, v7;
	v20 =	vadd.s32 $0x40, v4;
	v11 =	vmax.f32 v11, $1.000000010e-10  }
0x120: {  	v15 =	vmul.f32 $1.442695020e+00, v15;
	(erf) = vpow2.f32 v12;
	vm8 =	vgt.f32 v21, v19  }
0x121: {  	s12 =	sadd.s32 $0x5, s12;
	v12 =	vld [tilespmem:s11+$0x0];
	v18 =	vpop (erf);
	v14 =	vsel vm8, v16, v14;
	v10 =	vsel vm8, v10, v13;
	v5 =	vsel vm8, v20, v5  }
0x122: {  	p2 =	slt.u32 s12, $0x26C;
	v9 =	vsub.f32 v9, v8;
	v13 =	vld [tilespmem:s15+$0xFFFFFFD0];
	v16 =	vmul.f32 v18, v10;
	v19 =	vmul.f32 v11, v14  }
0x123: {  	v4 =	vadd.s32 $0x50, v4;
	v6 =	vmax.f32 v6, $1.000000010e-10;
	v17 =	vmul.f32 v17, v7  }
0x124: {  	v9 =	vmul.f32 $1.442695020e+00, v9;
	vm8 =	vgt.f32 v16, v19;
	(erf) = vpow2.f32 v15  }
0x125: {  	v14 =	vsel vm8, v18, v14;
	v10 =	vsel vm8, v11, v10;
	v5 =	vsel vm8, v4, v5;
	v11 =	vld [tilespmem:s11+$0x10];
	v15 =	vpop (erf)  }
0x126: {  	v16 =	vsub.f32 v17, v8;
	v17 =	vld [tilespmem:s15+$0xFFFFFFE0];
	v18 =	vmul.f32 v10, v15;
	v19 =	vmul.f32 v14, v6  }
0x127: {  	v20 =	vadd.s32 $0x10, v4;
	v12 =	vmax.f32 v12, $1.000000010e-10;
	v13 =	vmul.f32 v13, v7  }
0x128: {  	v16 =	vmul.f32 $1.442695020e+00, v16;
	vm8 =	vgt.f32 v18, v19;
	(erf) = vpow2.f32 v9  }
0x129: {  	v14 =	vsel vm8, v15, v14;
	v6 =	vsel vm8, v6, v10;
	v5 =	vsel vm8, v20, v5;
	v10 =	vld [tilespmem:s11+$0x20];
	v15 =	vpop (erf)  }
0x12a: {  	v9 =	vsub.f32 v13, v8;
	v13 =	vld [tilespmem:s15+$0xFFFFFFF0];
	v23 =	vmul.f32 v6, v15;
	v19 =	vmul.f32 v14, v12  }
0x12b: {  	v20 =	vadd.s32 $0x20, v4;
	v21 =	vmax.f32 v11, $1.000000010e-10;
	v17 =	vmul.f32 v17, v7  }
0x12c: {  	v22 =	vmul.f32 $1.442695020e+00, v9;
	(erf) = vpow2.f32 v16;
	vm8 =	vgt.f32 v23, v19  }
.Ltmp4:
0x12d: {  	s11 =	sadd.s32 $0x50, s11;
	v9 =	vld [tilespmem:s15+$0x0];
	v14 =	vsel vm8, v15, v14;
	v16 =	vsel vm8, v12, v6;
	v5 =	vsel vm8, v20, v5;
	v18 =	vpop (erf);
	(pc) =	sbr.rel @p2 .LBB2_7-.Ltmp4, $4  }
0x12e: {  	v6 =	vsub.f32 v17, v8;
	v11 =	vld [tilespmem:s11+$0xFFFFFFE0];
	v17 =	vmul.f32 v16, v18;
	v19 =	vmul.f32 v14, v21  }
0x12f: {  	v20 =	vadd.s32 $0x30, v4;
	v10 =	vmax.f32 v10, $1.000000010e-10;
	v15 =	vmul.f32 v13, v7  }
0x130: {  	v12 =	vmul.f32 $1.442695020e+00, v6;
	(erf) = vpow2.f32 v22;
	vm8 =	vgt.f32 v17, v19  }
0x131: {  	s15 =	sadd.s32 $0x50, s15;
	v6 =	vld [tilespmem:s11+$0xFFFFFFF0];
	v14 =	vsel vm8, v18, v14;
	v13 =	vsel vm8, v21, v16;
	v5 =	vsel vm8, v20, v5;
	v16 =	vpop (erf)  }
0x132: {  	v17 =	vmul.f32 v13, v16;
	v18 =	vmul.f32 v14, v10  }
0x133: {  	v15 =	vsub.f32 v15, v8;
	v9 =	vmul.f32 v9, v7  }
0x134: {  	(erf) = vpow2.f32 v12;
	v11 =	vmax.f32 v11, $1.000000010e-10;
	vm8 =	vgt.f32 v17, v18  }
0x135: {  	v51 =	vmul.f32 $1.442695020e+00, v15;
	v52 =	vpop (erf);
	v53 =	vsel vm8, v16, v14;
	v10 =	vsel vm8, v10, v13  }
0x136: {  	v13 =	vmul.f32 v52, v10;
	v16 =	vmul.f32 v11, v53  }
0x137: {  	v9 =	vsub.f32 v9, v8  }
0x138: {  	v54 =	vld [tilespmem:s11+$0x0];
	v6 =	vmax.f32 v6, $1.000000010e-10;
	(erf) = vpow2.f32 v51;
	vm9 =	vgt.f32 v13, v16  }
0x139: {  	v9 =	vmul.f32 $1.442695020e+00, v9;
	v55 =	vsel vm9, v52, v53;
	v10 =	vsel vm9, v11, v10;
	v11 =	vpop (erf)  }
0x13a: {  	v56 =	vmul.f32 v10, v11;
	v14 =	vmul.f32 v55, v6;
	_ =	sdelay $0x1  }
0x13b: {  	v57 =	vld [tilespmem:s11+$0x10];
	(erf) = vpow2.f32 v9;
	vm10 =	vgt.f32 v56, v14  }
0x13c: {  	v9 =	vmax.f32 v54, $1.000000010e-10;
	v11 =	vsel vm10, v11, v55;
	v6 =	vsel vm10, v6, v10;
	v10 =	vpop (erf)  }
0x13d: {  	v60 =	vld [tilespmem:s11+$0x20];
	v58 =	vmul.f32 v6, v10;
	v59 =	vmul.f32 v11, v9;
	_ =	sdelay $0x1  }
0x13e: {  	vm11 =	vgt.f32 v58, v59  }
0x13f: {  	v61 =	vmax.f32 v57, $1.000000010e-10;
	v10 =	vsel vm11, v10, v11;
	v6 =	vsel vm11, v9, v6;
	v9 =	vpop (erf)  }
0x140: {  	v62 =	vmul.f32 v6, v9;
	v15 =	vmul.f32 v10, v61  }
0x141: {  	v63 =	vmax.f32 v60, $1.000000010e-10;
	v11 =	vadd.s32 $0x40, v4  }
0x142: {  	v5 =	vsel vm8, v11, v5;
	v11 =	vadd.s32 $0x50, v4;
	vm8 =	vgt.f32 v62, v15  }
0x143: {  	v4 =	vsel vm9, v11, v5;
	v5 =	vsel vm8, v9, v10;
	v6 =	vsel vm8, v61, v6;
	v9 =	vpop (erf)  }
.Ltmp5:
0x144: {  	v10 =	vadd.s32 $0x10, v11;
	v12 =	vmul.f32 v6, v9;
	v14 =	vmul.f32 v5, v63;
	(pc) =	sbr.rel @p1 .LBB2_10-.Ltmp5, $4  }
0x145: {  	v4 =	vsel vm10, v10, v4;
	v10 =	vadd.s32 $0x20, v11  }
0x146: {  	v4 =	vsel vm11, v10, v4;
	v10 =	vadd.s32 $0x30, v11;
	vm15 =	vgt.f32 v12, v14  }
0x147: {  	v4 =	vsel vm8, v10, v4;
	v10 =	vadd.s32 $0x40, v11;
	v5 =	vsel vm15, v9, v5  }
0x148: {  	v6 =	vsel vm15, v63, v6;
	v4 =	vsel vm15, v10, v4;
	v9 =	vadd.s32 $0x50, v11  }
0x149: {  	s11 =	smul.u32 $0x4E20, s6  }
.Ltmp6:
0x14a: {  	_ = 	snop;
	(pc) =	sbr.rel .LBB2_4-.Ltmp6, $4  }
0x14b: {  	s11 =	sadd.s32 s11, s9  }
0x14c: {  	s6 =	sadd.s32 $0x1, s6;
	s11 =	sshrl.u32 s11, $0x3  }
0x14d: {  	s7 =	sadd.s32 $0x4E20, s7;
	s10 =	sadd.s32 $0x4E20, s10;
	s11 =	sadd.s32 s4, s11  }
0x14e: {  	[tilespmem:s1], [sflag:$0x2] =	stream.linear.gather [hbm4b:s11+s3], $0x2710, $0x38;
	[tilespmem:$0x1D570] =	vst v63  }
.LBB2_10:
0x14f: {  	s6 =	rddreg [dreg:$0x6]  }
0x150: {  	[tilespmem:s31], [sflag:$0x1] =	stream.linear.gather [hbm4b:s6+s3], $0x2710, $0x38;
	[tilespmem:$0x1D570] =	vst v63  }
0x151: {  	s12 =	rddreg [dreg:$0x7]  }
0x152: {  	[tilespmem:s1], [sflag:$0x2] =	stream.linear.gather [hbm4b:s12+s3], $0x2710, $0x38;
	[tilespmem:$0x1D570] =	vst v63  }
0x153: {  	s15 =	rddreg [dreg:$0x8]  }
0x154: {  	[tilespmem:s3], [sflag:$0x3] =	stream.linear.gather [hbm4b:s15+s3], $0x186A0, $0x38;
	[tilespmem:$0x1D570] =	vst v63  }
0x155: {  	_ =	swait.ge [sflag:s30], $0x186A0  }
0x156: {  	[sflag:s30] =	ssyncset.done $0x0  }
0x157: {  	s7 =	simm.s32 $0x50;
	[sflag:s30] =	ssyncadd.s32 $0xFFFE7960  }
0x158: {  	v8 =	vld [tilespmem:s7+$0xFFFFFFB0]  }
0x159: {  	v9 =	vld [tilespmem:s7+$0xFFFFFFC0]  }
0x15a: {  	v10 =	vimm.f32 $-Inf;
	v7 =	vlaneseq.u32;
	v11 =	vld [tilespmem:s7+$0xFFFFFFD0]  }
0x15b: {  	v12 =	vimm.s32 $0x0;
	v13 =	vadd.s32 $0x40, v7;
	v14 =	vadd.s32 $0x50, v7;
	v15 =	vld [tilespmem:s7+$0xFFFFFFE0]  }
0x15c: {  	v16 =	vadd.s32 $0x60, v7;
	v17 =	vadd.s32 $0x10, v7;
	v18 =	vadd.s32 $0x20, v7;
	v19 =	vld [tilespmem:s7+$0xFFFFFFF0]  }
0x15d: {  	v20 =	vadd.s32 $0x30, v7;
	vm8 =	vgt.f32 v8, v10;
	v8 =	vmax.f32 v10, v8;
	v10 =	vld [tilespmem:s7+$0x0]  }
0x15e: {  	v12 =	vsel vm8, v7, v12;
	vm8 =	vgt.f32 v9, v8;
	v8 =	vmax.f32 v8, v9;
	v9 =	vld [tilespmem:s7+$0x10]  }
0x15f: {  	v12 =	vsel vm8, v17, v12;
	vm8 =	vgt.f32 v11, v8;
	v8 =	vmax.f32 v8, v11;
	v11 =	vld [tilespmem:s7+$0x20]  }
0x160: {  	v12 =	vsel vm8, v18, v12;
	vm8 =	vgt.f32 v15, v8;
	v8 =	vmax.f32 v8, v15  }
0x161: {  	v15 =	vld [tilespmem:s7+$0x30];
	v12 =	vsel vm8, v20, v12;
	vm8 =	vgt.f32 v19, v8;
	v8 =	vmax.f32 v8, v19  }
0x162: {  	v12 =	vsel vm8, v13, v12;
	vm8 =	vgt.f32 v10, v8;
	v8 =	vmax.f32 v8, v10  }
0x163: {  	v10 =	vsel vm8, v14, v12;
	vm8 =	vgt.f32 v9, v8;
	v8 =	vmax.f32 v8, v9  }
0x164: {  	v9 =	vadd.s32 $0x70, v7;
	v10 =	vsel vm8, v16, v10;
	vm8 =	vgt.f32 v11, v8  }
0x165: {  	v8 =	vmax.f32 v8, v11;
	v10 =	vsel vm8, v9, v10  }
0x166: {  	s6 =	simm.s32 $0x0;
	v12 =	vld [tilespmem:s7+$0x40];
	s7 =	simm.s32 $0xF0;
	vm8 =	vgt.f32 v15, v8;
	v11 =	vmax.f32 v8, v15;
	v9 =	vlaneseq.u32  }
.LBB2_11:
0x167: {  	v8 =	vld [tilespmem:s7+$0xFFFFFFB0];
	s6 =	sadd.s32 $0xA, s6;
	v7 =	vadd.s32 $0xA0, v7  }
0x168: {  	v15 =	vadd.s32 $0x80, v9;
	v16 =	vadd.s32 $0x90, v9;
	v13 =	vld [tilespmem:s7+$0xFFFFFFC0];
	v14 =	vadd.s32 $0x70, v7;
	p1 =	slt.u32 s6, $0x1860;
	v9 =	vmovc v7  }
0x169: {  	v18 =	vadd.s32 $0x40, v7;
	v19 =	vadd.s32 $0x50, v7;
	v20 =	vadd.s32 $0x60, v7;
	v17 =	vld [tilespmem:s7+$0xFFFFFFD0]  }
0x16a: {  	v21 =	vadd.s32 $0x10, v7;
	v22 =	vadd.s32 $0x20, v7;
	v23 =	vadd.s32 $0x30, v7;
	v24 =	vld [tilespmem:s7+$0xFFFFFFE0]  }
0x16b: {  	v10 =	vsel vm8, v15, v10;
	v25 =	vld [tilespmem:s7+$0xFFFFFFF0];
	vm8 =	vgt.f32 v12, v11;
	v11 =	vmax.f32 v11, v12  }
0x16c: {  	vm9 =	vgt.f32 v8, v11;
	v8 =	vmax.f32 v11, v8;
	v11 =	vld [tilespmem:s7+$0x0];
	v10 =	vsel vm8, v16, v10  }
0x16d: {  	v10 =	vsel vm9, v7, v10;
	vm8 =	vgt.f32 v13, v8;
	v8 =	vmax.f32 v8, v13;
	v12 =	vld [tilespmem:s7+$0x10]  }
0x16e: {  	v10 =	vsel vm8, v21, v10;
	vm8 =	vgt.f32 v17, v8;
	v8 =	vmax.f32 v8, v17;
	v13 =	vld [tilespmem:s7+$0x20]  }
0x16f: {  	v10 =	vsel vm8, v22, v10;
	vm8 =	vgt.f32 v24, v8;
	v8 =	vmax.f32 v8, v24;
	v15 =	vld [tilespmem:s7+$0x30]  }
.Ltmp7:
0x170: {  	v10 =	vsel vm8, v23, v10;
	vm8 =	vgt.f32 v25, v8;
	v8 =	vmax.f32 v8, v25;
	(pc) =	sbr.rel @p1 .LBB2_11-.Ltmp7, $4  }
0x171: {  	v10 =	vsel vm8, v18, v10;
	vm8 =	vgt.f32 v11, v8;
	v8 =	vmax.f32 v8, v11  }
0x172: {  	v10 =	vsel vm8, v19, v10;
	vm8 =	vgt.f32 v12, v8;
	v8 =	vmax.f32 v8, v12  }
0x173: {  	v10 =	vsel vm8, v20, v10;
	vm8 =	vgt.f32 v13, v8;
	v8 =	vmax.f32 v8, v13  }
0x174: {  	v10 =	vsel vm8, v14, v10;
	vm8 =	vgt.f32 v15, v8;
	v11 =	vmax.f32 v8, v15;
	v12 =	vld [tilespmem:s7+$0x40];
	s7 =	sadd.s32 $0xA0, s7  }
0x175: {  	_ =	sdelay $0x3  }
0x176: {  	v7 =	vmax.f32 v11, v12  }
0x177: {  	v8 =	vsel vm1, $0xFF800000, v3;
	(xrf0) =	vmax.scan.msk.f32 $0xffff, v7  }
0x178: {  	(xrf0) =	vmax.scan.msk.f32 $0xffff, v8;
	_ =	sdelay $0x4  }
0x179: {  	v8, _, _ =	vpop (xrf0)  }
0x17a: {  	v13, _, _ =	vpop (xrf0)  }
0x17b: {  	(v2sf) =	vpush v13, $0xF;
	_ =	sdelay $0xe  }
0x17c: {  	s6 =	spop (v2sf)  }
0x17d: {  	v13 =	vbroadcast v13, $0xF;
	p1 =	sgt.f32 s6, $0.0e+00;
	_ =	sdelay $0x1  }
0x17e: {  	v13 =	vpsel !p1, $0x3F800000, v13  }
0x17f: {  	v14 =	vsub.s32 $0x7EF311C3, v13  }
0x180: {  	v15 =	vmul.f32 v14, v13;
	_ =	sdelay $0x1  }
0x181: {  	v15 =	vsub.f32 $2.000000000e+00, v15;
	_ =	sdelay $0x1  }
0x182: {  	v14 =	vmul.f32 v14, v15;
	_ =	sdelay $0x1  }
0x183: {  	v15 =	vmul.f32 v14, v13;
	_ =	sdelay $0x1  }
0x184: {  	v15 =	vsub.f32 $2.000000000e+00, v15;
	_ =	sdelay $0x1  }
0x185: {  	v14 =	vmul.f32 v15, v14;
	_ =	sdelay $0x1  }
0x186: {  	v15 =	vmul.f32 v14, v13;
	_ =	sdelay $0x1  }
0x187: {  	v15 =	vsub.f32 $2.000000000e+00, v15;
	_ =	sdelay $0x1  }
0x188: {  	v14 =	vmul.f32 v15, v14;
	_ =	sdelay $0x1  }
0x189: {  	v13 =	vmul.f32 v14, v13;
	_ =	sdelay $0x1  }
0x18a: {  	v13 =	vsub.f32 $2.000000000e+00, v13;
	_ =	sdelay $0x1  }
0x18b: {  	v8 =	vbroadcast v8, $0xF;
	v13 =	vmul.f32 v13, v14;
	v14 =	vadd.s32 $0x80, v9  }
0x18c: {  	v15 =	vlaneseq.u32;
	v9 =	vadd.s32 $0x90, v9;
	v10 =	vsel vm8, v14, v10  }
0x18d: {  	vm8 =	vgt.f32 v12, v11;
	v12 =	vimm.f32 $1.000000000e+00;
	v14 =	vmul.f32 v8, v13  }
0x18e: {  	s7 =	simm.s32 $0x20;
	s10 =	simm.s32 $0x2750;
	s6 =	simm.s32 $0x0;
	v11 =	vimm.f32 $-1.000000000e+00;
	v9 =	vsel vm8, v9, v10;
	v10 =	vimm.s32 $0x0  }
.LBB2_13:
0x18f: {  	_ =	swait.ge [sflag:s0], $0x2710  }
0x190: {  	[sflag:s0] =	ssyncset.done $0x0  }
0x191: {  	[sflag:s0] =	ssyncadd.s32 $0xFFFFD8F0  }
0x192: {  	v16 =	vld [tilespmem:s7+$0xFFFFFFE0];
	_ =	sdelay $0x3  }
0x193: {  	v17 =	vld [tilespmem:s7+$0xFFFFFFF0]  }
0x194: {  	v16 =	vmul.f32 v16, v13;
	_ =	sdelay $0x1  }
0x195: {  	v16 =	vsub.f32 v16, v14  }
0x196: {  	v18 =	vld [tilespmem:s7+$0x0]  }
0x197: {  	v17 =	vmul.f32 v17, v13;
	v16 =	vmul.f32 $1.442695020e+00, v16;
	_ =	sdelay $0x1  }
0x198: {  	v19 =	vld [tilespmem:s7+$0x10];
	v17 =	vsub.f32 v17, v14;
	(erf) = vpow2.f32 v16  }
0x199: {  	s11 =	simm.s32 $0x186C0  }
0x19a: {  	s15 =	sadd.s32 $0x50, s7;
	v20 =	vld [tilespmem:s11+$0xFFFFFFE0];
	v17 =	vmul.f32 $1.442695020e+00, v17;
	v16 =	vmul.f32 v18, v13  }
0x19b: {  	v21 =	vld [tilespmem:s15+$0xFFFFFFE0]  }
0x19c: {  	v18 =	vld [tilespmem:s7+$0x20];
	(erf) = vpow2.f32 v17;
	v16 =	vsub.f32 v16, v14  }
0x19d: {  	v17 =	vmul.f32 v19, v13  }
0x19e: {  	v16 =	vmul.f32 $1.442695020e+00, v16  }
0x19f: {  	v19 =	vld [tilespmem:s11+$0xFFFFFFF0];
	v17 =	vsub.f32 v17, v14  }
0x1a0: {  	v21 =	vmul.f32 v21, v13;
	(erf) = vpow2.f32 v16  }
0x1a1: {  	v18 =	vmul.f32 v18, v13;
	v17 =	vmul.f32 $1.442695020e+00, v17;
	v16 =	vmax.f32 v20, $1.000000010e-10;
	v22 =	vpop (erf)  }
0x1a2: {  	v23 =	vld [tilespmem:s15+$0xFFFFFFF0];
	v25 =	vmul.f32 v16, v11;
	v24 =	vmul.f32 v22, v12  }
0x1a3: {  	v21 =	vsub.f32 v21, v14;
	v18 =	vsub.f32 v18, v14  }
0x1a4: {  	v20 =	vld [tilespmem:s11+$0x0];
	v19 =	vmax.f32 v19, $1.000000010e-10;
	(erf) = vpow2.f32 v17;
	vm8 =	vgt.f32 v24, v25  }
0x1a5: {  	v18 =	vmul.f32 $1.442695020e+00, v18;
	v17 =	vpop (erf);
	v11 =	vsel vm8, v22, v11;
	v12 =	vsel vm8, v16, v12  }
0x1a6: {  	v26 =	vadd.s32 $0x10, v15;
	v22 =	vld [tilespmem:s15+$0x0];
	v57 =	vmul.f32 v12, v17;
	v58 =	vmul.f32 v11, v19  }
0x1a7: {  	v61 =	vadd.s32 $0x20, v15;
	v23 =	vmul.f32 v23, v13;
	v21 =	vmul.f32 $1.442695020e+00, v21;
	v16 =	vld [tilespmem:s11+$0x10]  }
0x1a8: {  	(erf) = vpow2.f32 v18;
	v10 =	vsel vm8, v15, v10;
	vm8 =	vgt.f32 v57, v58  }
0x1a9: {  	v20 =	vmax.f32 v20, $1.000000010e-10;
	v18 =	vld [tilespmem:s11+$0x20];
	v11 =	vsel vm8, v17, v11;
	v12 =	vsel vm8, v19, v12;
	v17 =	vpop (erf)  }
0x1aa: {  	v19 =	vsub.f32 v23, v14;
	v23 =	vld [tilespmem:s15+$0x10];
	v59 =	vmul.f32 v12, v17;
	v60 =	vmul.f32 v11, v20  }
0x1ab: {  	(erf) = vpow2.f32 v21;
	v10 =	vsel vm8, v26, v10;
	v22 =	vmul.f32 v22, v13  }
0x1ac: {  	s11 =	simm.s32 $0x18710;
	v27 =	vmax.f32 v16, $1.000000010e-10;
	v19 =	vmul.f32 $1.442695020e+00, v19;
	vm8 =	vgt.f32 v59, v60  }
0x1ad: {  	v62 =	vpop (erf);
	v16 =	vld [tilespmem:s11+$0xFFFFFFE0];
	v11 =	vsel vm8, v17, v11;
	v20 =	vsel vm8, v20, v12;
	v24 =	vsel vm8, v61, v10  }
0x1ae: {  	v10 =	vsub.f32 v22, v14;
	v17 =	vld [tilespmem:s15+$0x20];
	v63 =	vmul.f32 v20, v62;
	v28 =	vmul.f32 v11, v27  }
0x1af: {  	v12 =	vmax.f32 v18, $1.000000010e-10;
	(erf) = vpow2.f32 v19;
	v22 =	vmul.f32 v23, v13  }
0x1b0: {  	v23 =	vadd.s32 $0x30, v15;
	v21 =	vmul.f32 $1.442695020e+00, v10;
	vm8 =	vgt.f32 v63, v28  }
0x1b1: {  	s12 =	simm.s32 $0x5;
	s15 =	sadd.s32 $0x50, s15;
	v10 =	vld [tilespmem:s11+$0xFFFFFFF0];
	v19 =	vsel vm8, v62, v11;
	v18 =	vsel vm8, v27, v20;
	v11 =	vsel vm8, v23, v24;
	v20 =	vpop (erf)  }
.LBB2_14:
0x1b2: {  	v23 =	vld [tilespmem:s15+$0xFFFFFFE0];
	v22 =	vsub.f32 v22, v14;
	v27 =	vmul.f32 v18, v20;
	v25 =	vmul.f32 v19, v12  }
0x1b3: {  	v17 =	vmul.f32 v17, v13;
	v26 =	vadd.s32 $0x40, v15;
	v16 =	vmax.f32 v16, $1.000000010e-10  }
0x1b4: {  	v22 =	vmul.f32 $1.442695020e+00, v22;
	(erf) = vpow2.f32 v21;
	vm8 =	vgt.f32 v27, v25  }
0x1b5: {  	s12 =	sadd.s32 $0x5, s12;
	v21 =	vld [tilespmem:s11+$0x0];
	v24 =	vpop (erf);
	v19 =	vsel vm8, v20, v19;
	v12 =	vsel vm8, v12, v18;
	v11 =	vsel vm8, v26, v11  }
0x1b6: {  	p2 =	slt.u32 s12, $0x26C;
	v17 =	vsub.f32 v17, v14;
	v18 =	vld [tilespmem:s15+$0xFFFFFFF0];
	v26 =	vmul.f32 v24, v12;
	v25 =	vmul.f32 v16, v19  }
0x1b7: {  	v15 =	vadd.s32 $0x50, v15;
	v10 =	vmax.f32 v10, $1.000000010e-10;
	v23 =	vmul.f32 v23, v13  }
0x1b8: {  	v17 =	vmul.f32 $1.442695020e+00, v17;
	vm8 =	vgt.f32 v26, v25;
	(erf) = vpow2.f32 v22  }
0x1b9: {  	v19 =	vsel vm8, v24, v19;
	v12 =	vsel vm8, v16, v12;
	v11 =	vsel vm8, v15, v11;
	v16 =	vld [tilespmem:s11+$0x10];
	v20 =	vpop (erf)  }
0x1ba: {  	v22 =	vsub.f32 v23, v14;
	v23 =	vld [tilespmem:s15+$0x0];
	v24 =	vmul.f32 v12, v20;
	v25 =	vmul.f32 v19, v10  }
0x1bb: {  	v26 =	vadd.s32 $0x10, v15;
	v21 =	vmax.f32 v21, $1.000000010e-10;
	v18 =	vmul.f32 v18, v13  }
0x1bc: {  	v22 =	vmul.f32 $1.442695020e+00, v22;
	vm8 =	vgt.f32 v24, v25;
	(erf) = vpow2.f32 v17  }
0x1bd: {  	v19 =	vsel vm8, v20, v19;
	v10 =	vsel vm8, v10, v12;
	v11 =	vsel vm8, v26, v11;
	v12 =	vld [tilespmem:s11+$0x20];
	v20 =	vpop (erf)  }
0x1be: {  	v17 =	vsub.f32 v18, v14;
	v18 =	vld [tilespmem:s15+$0x10];
	v29 =	vmul.f32 v10, v20;
	v25 =	vmul.f32 v19, v21  }
0x1bf: {  	v26 =	vadd.s32 $0x20, v15;
	v27 =	vmax.f32 v16, $1.000000010e-10;
	v23 =	vmul.f32 v23, v13  }
0x1c0: {  	v28 =	vmul.f32 $1.442695020e+00, v17;
	(erf) = vpow2.f32 v22;
	vm8 =	vgt.f32 v29, v25  }
.Ltmp8:
0x1c1: {  	s11 =	sadd.s32 $0x50, s11;
	v17 =	vld [tilespmem:s15+$0x20];
	v19 =	vsel vm8, v20, v19;
	v20 =	vsel vm8, v21, v10;
	v11 =	vsel vm8, v26, v11;
	v24 =	vpop (erf);
	(pc) =	sbr.rel @p2 .LBB2_14-.Ltmp8, $4  }
0x1c2: {  	v10 =	vsub.f32 v23, v14;
	v16 =	vld [tilespmem:s11+$0xFFFFFFE0];
	v23 =	vmul.f32 v20, v24;
	v25 =	vmul.f32 v19, v27  }
0x1c3: {  	v26 =	vadd.s32 $0x30, v15;
	v12 =	vmax.f32 v12, $1.000000010e-10;
	v22 =	vmul.f32 v18, v13  }
0x1c4: {  	v21 =	vmul.f32 $1.442695020e+00, v10;
	(erf) = vpow2.f32 v28;
	vm8 =	vgt.f32 v23, v25  }
0x1c5: {  	s15 =	sadd.s32 $0x50, s15;
	v10 =	vld [tilespmem:s11+$0xFFFFFFF0];
	v19 =	vsel vm8, v24, v19;
	v18 =	vsel vm8, v27, v20;
	v11 =	vsel vm8, v26, v11;
	v20 =	vpop (erf)  }
0x1c6: {  	v17 =	vmul.f32 v17, v13  }
0x1c7: {  	v22 =	vsub.f32 v22, v14  }
0x1c8: {  	v17 =	vsub.f32 v17, v14  }
0x1c9: {  	v22 =	vmul.f32 $1.442695020e+00, v22  }
0x1ca: {  	(erf) = vpow2.f32 v21;
	v17 =	vmul.f32 $1.442695020e+00, v17  }
0x1cb: {  	(erf) = vpow2.f32 v22  }
0x1cc: {  	(erf) = vpow2.f32 v17;
	_ =	sdelay $0x2  }
0x1cd: {  	p2 =	seq.s32 s6, $0x4;
	v22 =	vmul.f32 v19, v12  }
0x1ce: {  	s12 =	smul.u32 @!p2 $0x4E20, s6  }
0x1cf: {  	v21 =	vmul.f32 v18, v20;
	v17 =	vpop (erf)  }
0x1d0: {  	v24 =	vld [tilespmem:s11+$0x0];
	s12 =	sadd.s32 @!p2 s12, s13;
	v23 =	vpop (erf)  }
0x1d1: {  	s12 =	sshrl.u32 @!p2 s12, $0x3;
	vm8 =	vgt.f32 v21, v22;
	v21 =	vld [tilespmem:s11+$0x10];
	v22 =	vpop (erf)  }
0x1d2: {  	v16 =	vmax.f32 v16, $1.000000010e-10;
	s15 =	simm.s32 @!p2 $0x186A0;
	v19 =	vsel vm8, v20, v19;
	v12 =	vsel vm8, v12, v18;
	v18 =	vld [tilespmem:s11+$0x20];
	s11 =	sadd.s32 @!p2 s4, s12;
	s12 =	simm.s32 @!p2 $0x0;
	v20 =	vpop (erf)  }
0x1d3: {  	v26 =	vmul.f32 v16, v19;
	[tilespmem:s15], [sflag:$0x1] =	stream.linear.gather @!p2 [hbm4b:s11+s12], $0x2710, $0x38;
	v25 =	vmul.f32 v17, v12;
	v27 =	vpop (erf);
	[tilespmem:$0x1D570] =	vst v63  }
0x1d4: {  	_ =	swait.ge [sflag:s2], $0x2710  }
0x1d5: {  	vm9 =	vgt.f32 v25, v26;
	[sflag:s2] =	ssyncset.done $0x0  }
0x1d6: {  	v10 =	vmax.f32 v10, $1.000000010e-10;
	v17 =	vsel vm9, v17, v19;
	v12 =	vsel vm9, v16, v12;
	[sflag:s2] =	ssyncadd.s32 $0xFFFFD8F0  }
0x1d7: {  	v16 =	vmul.f32 v12, v23;
	v19 =	vmul.f32 v17, v10;
	v46 =	vld [tilespmem:s10+$0xFFFFFFC0];
	_ =	sdelay $0x1  }
0x1d8: {  	vm10 =	vgt.f32 v16, v19  }
0x1d9: {  	v10 =	vsel vm10, v10, v12;
	v12 =	vmax.f32 v24, $1.000000010e-10;
	v16 =	vsel vm10, v23, v17;
	v19 =	vld [tilespmem:s10+$0xFFFFFFD0]  }
0x1da: {  	v17 =	vmul.f32 v10, v22;
	v23 =	vmul.f32 v16, v12  }
0x1db: {  	v48 =	vadd.s32 $0x40, v15;
	v47 =	vmul.f32 v46, v13  }
0x1dc: {  	v15 =	vadd.s32 $0x50, v15;
	v11 =	vsel vm8, v48, v11;
	vm8 =	vgt.f32 v17, v23  }
0x1dd: {  	v21 =	vmax.f32 v21, $1.000000010e-10;
	v16 =	vsel vm8, v22, v16;
	v22 =	vld [tilespmem:s10+$0xFFFFFFE0];
	v17 =	vsub.f32 v47, v14  }
0x1de: {  	v10 =	vsel vm8, v12, v10;
	v23 =	vmul.f32 v16, v21;
	v12 =	vmul.f32 v19, v13  }
0x1df: {  	v49 =	vadd.s32 $0x10, v15;
	v19 =	vmul.f32 v10, v20;
	v17 =	vmul.f32 $1.442695020e+00, v17  }
0x1e0: {  	v50 =	vadd.s32 $0x20, v15;
	v11 =	vsel vm9, v15, v11;
	v12 =	vsub.f32 v12, v14  }
0x1e1: {  	v18 =	vmax.f32 v18, $1.000000010e-10;
	vm15 =	vgt.f32 v19, v23;
	(erf) = vpow2.f32 v17  }
0x1e2: {  	v19 =	vmul.f32 v22, v13;
	v10 =	vsel vm15, v21, v10;
	v12 =	vmul.f32 $1.442695020e+00, v12;
	v17 =	vld [tilespmem:s10+$0xFFFFFFF0]  }
0x1e3: {  	s12 =	simm.s32 $0x1ADD0;
	v11 =	vsel vm10, v49, v11;
	v16 =	vsel vm15, v20, v16;
	v21 =	vld [tilespmem:s10+$0x0];
	v20 =	vmul.f32 v10, v27  }
0x1e4: {  	v22 =	vmul.f32 v16, v18;
	v19 =	vsub.f32 v19, v14;
	(erf) = vpow2.f32 v12;
	v12 =	vld [tilespmem:s12+$0xFFFFFFE0]  }
0x1e5: {  	v11 =	vsel vm8, v50, v11;
	v23 =	vadd.s32 $0x30, v15  }
0x1e6: {  	s15 =	sadd.s32 $0x50, s10;
	v51 =	vld [tilespmem:s12+$0xFFFFFFF0];
	v11 =	vsel vm15, v23, v11;
	vm8 =	vgt.f32 v20, v22;
	v19 =	vmul.f32 $1.442695020e+00, v19  }
0x1e7: {  	v20 =	vld [tilespmem:s15+$0xFFFFFFC0];
	v22 =	vadd.s32 $0x40, v15;
	v16 =	vsel vm8, v27, v16;
	v17 =	vmul.f32 v17, v13  }
0x1e8: {  	v18 =	vsel vm8, v18, v10;
	v11 =	vsel vm8, v22, v11;
	v22 =	vld [tilespmem:s15+$0xFFFFFFD0];
	v10 =	vmul.f32 v21, v13  }
0x1e9: {  	(erf) = vpow2.f32 v19;
	v12 =	vmax.f32 v12, $1.000000010e-10;
	v17 =	vsub.f32 v17, v14  }
0x1ea: {  	v52 =	vmul.f32 v12, v16;
	v21 =	vpop (erf)  }
0x1eb: {  	v19 =	vld [tilespmem:s12+$0x0];
	v53 =	vsub.f32 v10, v14;
	v17 =	vmul.f32 $1.442695020e+00, v17;
	v23 =	vmul.f32 v21, v18  }
0x1ec: {  	v10 =	vadd.s32 $0x50, v15;
	v15 =	vmul.f32 v20, v13;
	v20 =	vmax.f32 v51, $1.000000010e-10  }
0x1ed: {  	v22 =	vmul.f32 v22, v13;
	(erf) = vpow2.f32 v17;
	vm8 =	vgt.f32 v23, v52  }
0x1ee: {  	v23 =	vmul.f32 $1.442695020e+00, v53;
	v16 =	vsel vm8, v21, v16;
	v12 =	vsel vm8, v12, v18;
	v18 =	vpop (erf)  }
0x1ef: {  	v56 =	vadd.s32 $0x10, v10;
	v17 =	vld [tilespmem:s12+$0x10];
	v54 =	vmul.f32 v12, v18;
	v55 =	vmul.f32 v16, v20  }
0x1f0: {  	v15 =	vsub.f32 v15, v14;
	v19 =	vmax.f32 v19, $1.000000010e-10;
	v22 =	vsub.f32 v22, v14;
	v21 =	vld [tilespmem:s15+$0xFFFFFFE0]  }
0x1f1: {  	v11 =	vsel vm8, v10, v11;
	(erf) = vpow2.f32 v23;
	vm8 =	vgt.f32 v54, v55  }
0x1f2: {  	v15 =	vmul.f32 $1.442695020e+00, v15;
	v16 =	vsel vm8, v18, v16;
	v12 =	vsel vm8, v20, v12;
	v20 =	vpop (erf)  }
0x1f3: {  	v59 =	vadd.s32 $0x20, v10;
	v23 =	vld [tilespmem:s15+$0xFFFFFFF0];
	v57 =	vmul.f32 v12, v20;
	v58 =	vmul.f32 v16, v19  }
0x1f4: {  	v22 =	vmul.f32 $1.442695020e+00, v22;
	(erf) = vpow2.f32 v15;
	v60 =	vmax.f32 v17, $1.000000010e-10;
	v18 =	vld [tilespmem:s12+$0x20]  }
0x1f5: {  	v11 =	vsel vm8, v56, v11;
	v21 =	vmul.f32 v21, v13;
	vm8 =	vgt.f32 v57, v58  }
0x1f6: {  	s11 =	simm.s32 $0x1AE20;
	v15 =	vld [tilespmem:s15+$0x0];
	(erf) = vpow2.f32 v22;
	v61 =	vpop (erf);
	v20 =	vsel vm8, v20, v16;
	v19 =	vsel vm8, v19, v12  }
0x1f7: {  	v17 =	vld [tilespmem:s11+$0xFFFFFFE0];
	v12 =	vsub.f32 v21, v14;
	v62 =	vmul.f32 v19, v61;
	v63 =	vmul.f32 v20, v60  }
0x1f8: {  	v11 =	vsel vm8, v59, v11;
	v21 =	vmul.f32 v23, v13;
	v23 =	vadd.s32 $0x30, v10  }
0x1f9: {  	v16 =	vmax.f32 v18, $1.000000010e-10;
	v18 =	vmul.f32 $1.442695020e+00, v12;
	vm8 =	vgt.f32 v62, v63  }
0x1fa: {  	s15 =	sadd.s32 $0x50, s15;
	s12 =	simm.s32 $0x5;
	v12 =	vld [tilespmem:s11+$0xFFFFFFF0];
	v22 =	vpop (erf);
	v20 =	vsel vm8, v61, v20;
	v19 =	vsel vm8, v60, v19;
	v11 =	vsel vm8, v23, v11  }
.LBB2_16:
0x1fb: {  	v23 =	vld [tilespmem:s15+$0xFFFFFFC0];
	v21 =	vsub.f32 v21, v14;
	v27 =	vmul.f32 v19, v22;
	v25 =	vmul.f32 v20, v16  }
0x1fc: {  	v15 =	vmul.f32 v15, v13;
	v26 =	vadd.s32 $0x40, v10;
	v17 =	vmax.f32 v17, $1.000000010e-10  }
0x1fd: {  	v21 =	vmul.f32 $1.442695020e+00, v21;
	(erf) = vpow2.f32 v18;
	vm8 =	vgt.f32 v27, v25  }
0x1fe: {  	s12 =	sadd.s32 $0x5, s12;
	v18 =	vld [tilespmem:s11+$0x0];
	v24 =	vpop (erf);
	v20 =	vsel vm8, v22, v20;
	v16 =	vsel vm8, v16, v19;
	v11 =	vsel vm8, v26, v11  }
0x1ff: {  	p3 =	slt.u32 s12, $0x26C;
	v15 =	vsub.f32 v15, v14;
	v19 =	vld [tilespmem:s15+$0xFFFFFFD0];
	v22 =	vmul.f32 v24, v16;
	v25 =	vmul.f32 v17, v20  }
0x200: {  	v10 =	vadd.s32 $0x50, v10;
	v12 =	vmax.f32 v12, $1.000000010e-10;
	v23 =	vmul.f32 v23, v13  }
0x201: {  	v15 =	vmul.f32 $1.442695020e+00, v15;
	vm8 =	vgt.f32 v22, v25;
	(erf) = vpow2.f32 v21  }
0x202: {  	v20 =	vsel vm8, v24, v20;
	v16 =	vsel vm8, v17, v16;
	v11 =	vsel vm8, v10, v11;
	v17 =	vld [tilespmem:s11+$0x10];
	v21 =	vpop (erf)  }
0x203: {  	v22 =	vsub.f32 v23, v14;
	v23 =	vld [tilespmem:s15+$0xFFFFFFE0];
	v24 =	vmul.f32 v16, v21;
	v25 =	vmul.f32 v20, v12  }
0x204: {  	v26 =	vadd.s32 $0x10, v10;
	v18 =	vmax.f32 v18, $1.000000010e-10;
	v19 =	vmul.f32 v19, v13  }
0x205: {  	v22 =	vmul.f32 $1.442695020e+00, v22;
	vm8 =	vgt.f32 v24, v25;
	(erf) = vpow2.f32 v15  }
0x206: {  	v20 =	vsel vm8, v21, v20;
	v12 =	vsel vm8, v12, v16;
	v11 =	vsel vm8, v26, v11;
	v16 =	vld [tilespmem:s11+$0x20];
	v21 =	vpop (erf)  }
0x207: {  	v15 =	vsub.f32 v19, v14;
	v19 =	vld [tilespmem:s15+$0xFFFFFFF0];
	v29 =	vmul.f32 v12, v21;
	v25 =	vmul.f32 v20, v18  }
0x208: {  	v26 =	vadd.s32 $0x20, v10;
	v27 =	vmax.f32 v17, $1.000000010e-10;
	v23 =	vmul.f32 v23, v13  }
0x209: {  	v28 =	vmul.f32 $1.442695020e+00, v15;
	(erf) = vpow2.f32 v22;
	vm8 =	vgt.f32 v29, v25  }
.Ltmp9:
0x20a: {  	s11 =	sadd.s32 $0x50, s11;
	v15 =	vld [tilespmem:s15+$0x0];
	v20 =	vsel vm8, v21, v20;
	v22 =	vsel vm8, v18, v12;
	v11 =	vsel vm8, v26, v11;
	v24 =	vpop (erf);
	(pc) =	sbr.rel @p3 .LBB2_16-.Ltmp9, $4  }
0x20b: {  	v12 =	vsub.f32 v23, v14;
	v17 =	vld [tilespmem:s11+$0xFFFFFFE0];
	v23 =	vmul.f32 v22, v24;
	v25 =	vmul.f32 v20, v27  }
0x20c: {  	v26 =	vadd.s32 $0x30, v10;
	v16 =	vmax.f32 v16, $1.000000010e-10;
	v21 =	vmul.f32 v19, v13  }
0x20d: {  	v18 =	vmul.f32 $1.442695020e+00, v12;
	(erf) = vpow2.f32 v28;
	vm8 =	vgt.f32 v23, v25  }
0x20e: {  	s15 =	sadd.s32 $0x50, s15;
	v12 =	vld [tilespmem:s11+$0xFFFFFFF0];
	v20 =	vsel vm8, v24, v20;
	v19 =	vsel vm8, v27, v22;
	v11 =	vsel vm8, v26, v11;
	v22 =	vpop (erf)  }
0x20f: {  	v23 =	vmul.f32 v19, v22;
	v24 =	vmul.f32 v20, v16  }
0x210: {  	v21 =	vsub.f32 v21, v14;
	v15 =	vmul.f32 v15, v13  }
0x211: {  	(erf) = vpow2.f32 v18;
	v17 =	vmax.f32 v17, $1.000000010e-10;
	vm8 =	vgt.f32 v23, v24  }
0x212: {  	v51 =	vmul.f32 $1.442695020e+00, v21;
	v52 =	vpop (erf);
	v53 =	vsel vm8, v22, v20;
	v16 =	vsel vm8, v16, v19  }
0x213: {  	v19 =	vmul.f32 v52, v16;
	v22 =	vmul.f32 v17, v53  }
0x214: {  	v15 =	vsub.f32 v15, v14  }
0x215: {  	v54 =	vld [tilespmem:s11+$0x0];
	v12 =	vmax.f32 v12, $1.000000010e-10;
	(erf) = vpow2.f32 v51;
	vm9 =	vgt.f32 v19, v22  }
0x216: {  	v15 =	vmul.f32 $1.442695020e+00, v15;
	v55 =	vsel vm9, v52, v53;
	v16 =	vsel vm9, v17, v16;
	v17 =	vpop (erf)  }
0x217: {  	v56 =	vmul.f32 v16, v17;
	v20 =	vmul.f32 v55, v12;
	_ =	sdelay $0x1  }
0x218: {  	v57 =	vld [tilespmem:s11+$0x10];
	(erf) = vpow2.f32 v15;
	vm10 =	vgt.f32 v56, v20  }
0x219: {  	v15 =	vmax.f32 v54, $1.000000010e-10;
	v17 =	vsel vm10, v17, v55;
	v12 =	vsel vm10, v12, v16;
	v16 =	vpop (erf)  }
0x21a: {  	v60 =	vld [tilespmem:s11+$0x20];
	v58 =	vmul.f32 v12, v16;
	v59 =	vmul.f32 v17, v15;
	_ =	sdelay $0x1  }
0x21b: {  	vm11 =	vgt.f32 v58, v59  }
0x21c: {  	v61 =	vmax.f32 v57, $1.000000010e-10;
	v16 =	vsel vm11, v16, v17;
	v12 =	vsel vm11, v15, v12;
	v15 =	vpop (erf)  }
0x21d: {  	v62 =	vmul.f32 v12, v15;
	v21 =	vmul.f32 v16, v61  }
0x21e: {  	v63 =	vmax.f32 v60, $1.000000010e-10;
	v17 =	vadd.s32 $0x40, v10  }
0x21f: {  	v11 =	vsel vm8, v17, v11;
	v17 =	vadd.s32 $0x50, v10;
	vm8 =	vgt.f32 v62, v21  }
0x220: {  	v10 =	vsel vm9, v17, v11;
	v11 =	vsel vm8, v15, v16;
	v12 =	vsel vm8, v61, v12;
	v15 =	vpop (erf)  }
.Ltmp10:
0x221: {  	v16 =	vadd.s32 $0x10, v17;
	v18 =	vmul.f32 v12, v15;
	v20 =	vmul.f32 v11, v63;
	(pc) =	sbr.rel @p2 .LBB2_19-.Ltmp10, $4  }
0x222: {  	v10 =	vsel vm10, v16, v10;
	v16 =	vadd.s32 $0x20, v17  }
0x223: {  	v10 =	vsel vm11, v16, v10;
	v16 =	vadd.s32 $0x30, v17;
	vm15 =	vgt.f32 v18, v20  }
0x224: {  	v10 =	vsel vm8, v16, v10;
	v16 =	vadd.s32 $0x40, v17;
	v11 =	vsel vm15, v15, v11  }
0x225: {  	v12 =	vsel vm15, v63, v12;
	v10 =	vsel vm15, v16, v10;
	v15 =	vadd.s32 $0x50, v17  }
0x226: {  	s11 =	smul.u32 $0x4E20, s6  }
.Ltmp11:
0x227: {  	_ = 	snop;
	(pc) =	sbr.rel .LBB2_13-.Ltmp11, $4  }
0x228: {  	s11 =	sadd.s32 s11, s14  }
0x229: {  	s6 =	sadd.s32 $0x1, s6;
	s11 =	sshrl.u32 s11, $0x3  }
0x22a: {  	s7 =	sadd.s32 $0x4E20, s7;
	s10 =	sadd.s32 $0x4E20, s10;
	s11 =	sadd.s32 s4, s11  }
0x22b: {  	[tilespmem:s1], [sflag:$0x2] =	stream.linear.gather [hbm4b:s11+s3], $0x2710, $0x38;
	[tilespmem:$0x1D570] =	vst v63  }
.LBB2_19:
0x22c: {  	s6 =	rddreg [dreg:$0x9]  }
0x22d: {  	[tilespmem:s31], [sflag:$0x1] =	stream.linear.gather [hbm4b:s6+s3], $0x2710, $0x38;
	[tilespmem:$0x1D570] =	vst v63  }
0x22e: {  	_ = 	snop  }
0x22f: {  	[tilespmem:s1], [sflag:$0x2] =	stream.linear.gather [hbm4b:s26+s3], $0x2710, $0x38;
	[tilespmem:$0x1D570] =	vst v63  }
0x230: {  	_ = 	snop  }
0x231: {  	[tilespmem:s3], [sflag:$0x3] =	stream.linear.gather [hbm4b:s16+s3], $0x186A0, $0x38;
	[tilespmem:$0x1D570] =	vst v63  }
0x232: {  	_ =	swait.ge [sflag:s30], $0x186A0  }
0x233: {  	[sflag:s30] =	ssyncset.done $0x0  }
0x234: {  	s7 =	simm.s32 $0x50;
	[sflag:s30] =	ssyncadd.s32 $0xFFFE7960  }
0x235: {  	v14 =	vld [tilespmem:s7+$0xFFFFFFB0]  }
0x236: {  	v15 =	vld [tilespmem:s7+$0xFFFFFFC0]  }
0x237: {  	v16 =	vimm.f32 $-Inf;
	v13 =	vlaneseq.u32;
	v17 =	vld [tilespmem:s7+$0xFFFFFFD0]  }
0x238: {  	v18 =	vimm.s32 $0x0;
	v19 =	vadd.s32 $0x40, v13;
	v20 =	vadd.s32 $0x50, v13;
	v21 =	vld [tilespmem:s7+$0xFFFFFFE0]  }
0x239: {  	v22 =	vadd.s32 $0x60, v13;
	v23 =	vadd.s32 $0x10, v13;
	v24 =	vadd.s32 $0x20, v13;
	v25 =	vld [tilespmem:s7+$0xFFFFFFF0]  }
0x23a: {  	v26 =	vadd.s32 $0x30, v13;
	vm8 =	vgt.f32 v14, v16;
	v14 =	vmax.f32 v16, v14;
	v16 =	vld [tilespmem:s7+$0x0]  }
0x23b: {  	v18 =	vsel vm8, v13, v18;
	vm8 =	vgt.f32 v15, v14;
	v14 =	vmax.f32 v14, v15;
	v15 =	vld [tilespmem:s7+$0x10]  }
0x23c: {  	v18 =	vsel vm8, v23, v18;
	vm8 =	vgt.f32 v17, v14;
	v14 =	vmax.f32 v14, v17;
	v17 =	vld [tilespmem:s7+$0x20]  }
0x23d: {  	v18 =	vsel vm8, v24, v18;
	vm8 =	vgt.f32 v21, v14;
	v14 =	vmax.f32 v14, v21  }
0x23e: {  	v63 =	vld [tilespmem:s7+$0x30];
	v18 =	vsel vm8, v26, v18;
	vm8 =	vgt.f32 v25, v14;
	v14 =	vmax.f32 v14, v25  }
0x23f: {  	v18 =	vsel vm8, v19, v18;
	vm8 =	vgt.f32 v16, v14;
	v14 =	vmax.f32 v14, v16  }
0x240: {  	v16 =	vsel vm8, v20, v18;
	vm8 =	vgt.f32 v15, v14;
	v14 =	vmax.f32 v14, v15  }
0x241: {  	v15 =	vadd.s32 $0x70, v13;
	v16 =	vsel vm8, v22, v16;
	vm8 =	vgt.f32 v17, v14  }
0x242: {  	v14 =	vmax.f32 v14, v17;
	v16 =	vsel vm8, v15, v16  }
0x243: {  	s6 =	simm.s32 $0x0;
	v18 =	vld [tilespmem:s7+$0x40];
	s7 =	simm.s32 $0xF0;
	vm8 =	vgt.f32 v63, v14;
	v17 =	vmax.f32 v14, v63;
	v15 =	vlaneseq.u32  }
.LBB2_20:
0x244: {  	v14 =	vld [tilespmem:s7+$0xFFFFFFB0];
	s6 =	sadd.s32 $0xA, s6;
	v13 =	vadd.s32 $0xA0, v13  }
0x245: {  	v21 =	vadd.s32 $0x80, v15;
	v22 =	vadd.s32 $0x90, v15;
	v19 =	vld [tilespmem:s7+$0xFFFFFFC0];
	v20 =	vadd.s32 $0x70, v13;
	p2 =	slt.u32 s6, $0x1860;
	v15 =	vmovc v13  }
0x246: {  	v24 =	vadd.s32 $0x40, v13;
	v25 =	vadd.s32 $0x50, v13;
	v26 =	vadd.s32 $0x60, v13;
	v23 =	vld [tilespmem:s7+$0xFFFFFFD0]  }
0x247: {  	v27 =	vadd.s32 $0x10, v13;
	v28 =	vadd.s32 $0x20, v13;
	v29 =	vadd.s32 $0x30, v13;
	v30 =	vld [tilespmem:s7+$0xFFFFFFE0]  }
0x248: {  	v16 =	vsel vm8, v21, v16;
	v31 =	vld [tilespmem:s7+$0xFFFFFFF0];
	vm8 =	vgt.f32 v18, v17;
	v17 =	vmax.f32 v17, v18  }
0x249: {  	vm9 =	vgt.f32 v14, v17;
	v14 =	vmax.f32 v17, v14;
	v17 =	vld [tilespmem:s7+$0x0];
	v16 =	vsel vm8, v22, v16  }
0x24a: {  	v16 =	vsel vm9, v13, v16;
	vm8 =	vgt.f32 v19, v14;
	v14 =	vmax.f32 v14, v19;
	v18 =	vld [tilespmem:s7+$0x10]  }
0x24b: {  	v16 =	vsel vm8, v27, v16;
	vm8 =	vgt.f32 v23, v14;
	v14 =	vmax.f32 v14, v23;
	v19 =	vld [tilespmem:s7+$0x20]  }
0x24c: {  	v16 =	vsel vm8, v28, v16;
	vm8 =	vgt.f32 v30, v14;
	v14 =	vmax.f32 v14, v30;
	v21 =	vld [tilespmem:s7+$0x30]  }
.Ltmp12:
0x24d: {  	v16 =	vsel vm8, v29, v16;
	vm8 =	vgt.f32 v31, v14;
	v14 =	vmax.f32 v14, v31;
	(pc) =	sbr.rel @p2 .LBB2_20-.Ltmp12, $4  }
0x24e: {  	v16 =	vsel vm8, v24, v16;
	vm8 =	vgt.f32 v17, v14;
	v14 =	vmax.f32 v14, v17  }
0x24f: {  	v16 =	vsel vm8, v25, v16;
	vm8 =	vgt.f32 v18, v14;
	v14 =	vmax.f32 v14, v18  }
0x250: {  	v16 =	vsel vm8, v26, v16;
	vm8 =	vgt.f32 v19, v14;
	v14 =	vmax.f32 v14, v19  }
0x251: {  	v16 =	vsel vm8, v20, v16;
	vm8 =	vgt.f32 v21, v14;
	v17 =	vmax.f32 v14, v21;
	v18 =	vld [tilespmem:s7+$0x40];
	s7 =	sadd.s32 $0xA0, s7  }
0x252: {  	_ =	sdelay $0x3  }
0x253: {  	v13 =	vmax.f32 v17, v18  }
0x254: {  	v14 =	vsel vm2, $0xFF800000, v3;
	(xrf0) =	vmax.scan.msk.f32 $0xffff, v13  }
0x255: {  	(xrf0) =	vmax.scan.msk.f32 $0xffff, v14;
	_ =	sdelay $0x4  }
0x256: {  	v14, _, _ =	vpop (xrf0)  }
0x257: {  	v19, _, _ =	vpop (xrf0)  }
0x258: {  	(v2sf) =	vpush v19, $0xF;
	_ =	sdelay $0xe  }
0x259: {  	s6 =	spop (v2sf)  }
0x25a: {  	v19 =	vbroadcast v19, $0xF;
	p2 =	sgt.f32 s6, $0.0e+00;
	_ =	sdelay $0x1  }
0x25b: {  	v19 =	vpsel !p2, $0x3F800000, v19  }
0x25c: {  	v20 =	vsub.s32 $0x7EF311C3, v19  }
0x25d: {  	v21 =	vmul.f32 v20, v19;
	_ =	sdelay $0x1  }
0x25e: {  	v21 =	vsub.f32 $2.000000000e+00, v21;
	_ =	sdelay $0x1  }
0x25f: {  	v20 =	vmul.f32 v20, v21;
	_ =	sdelay $0x1  }
0x260: {  	v21 =	vmul.f32 v20, v19;
	_ =	sdelay $0x1  }
0x261: {  	v21 =	vsub.f32 $2.000000000e+00, v21;
	_ =	sdelay $0x1  }
0x262: {  	v20 =	vmul.f32 v21, v20;
	_ =	sdelay $0x1  }
0x263: {  	v21 =	vmul.f32 v20, v19;
	_ =	sdelay $0x1  }
0x264: {  	v21 =	vsub.f32 $2.000000000e+00, v21;
	_ =	sdelay $0x1  }
0x265: {  	v20 =	vmul.f32 v21, v20;
	_ =	sdelay $0x1  }
0x266: {  	v19 =	vmul.f32 v20, v19;
	_ =	sdelay $0x1  }
0x267: {  	v19 =	vsub.f32 $2.000000000e+00, v19;
	_ =	sdelay $0x1  }
0x268: {  	v14 =	vbroadcast v14, $0xF;
	v19 =	vmul.f32 v19, v20;
	v20 =	vadd.s32 $0x80, v15  }
0x269: {  	v21 =	vlaneseq.u32;
	v15 =	vadd.s32 $0x90, v15;
	v16 =	vsel vm8, v20, v16  }
0x26a: {  	vm8 =	vgt.f32 v18, v17;
	v18 =	vimm.f32 $1.000000000e+00;
	v20 =	vmul.f32 v14, v19  }
0x26b: {  	s7 =	simm.s32 $0x20;
	s10 =	simm.s32 $0x2750;
	s6 =	simm.s32 $0x0;
	v17 =	vimm.f32 $-1.000000000e+00;
	v15 =	vsel vm8, v15, v16;
	v16 =	vimm.s32 $0x0  }
.LBB2_22:
0x26c: {  	_ =	swait.ge [sflag:s0], $0x2710  }
0x26d: {  	[sflag:s0] =	ssyncset.done $0x0  }
0x26e: {  	[sflag:s0] =	ssyncadd.s32 $0xFFFFD8F0  }
0x26f: {  	v22 =	vld [tilespmem:s7+$0xFFFFFFE0];
	_ =	sdelay $0x3  }
0x270: {  	v23 =	vld [tilespmem:s7+$0xFFFFFFF0]  }
0x271: {  	v22 =	vmul.f32 v22, v19;
	_ =	sdelay $0x1  }
0x272: {  	v22 =	vsub.f32 v22, v20;
	_ =	sdelay $0x1  }
0x273: {  	v24 =	vld [tilespmem:s7+$0x0];
	v23 =	vmul.f32 v23, v19;
	v22 =	vmul.f32 $1.442695020e+00, v22;
	_ =	sdelay $0x1  }
0x274: {  	v25 =	vld [tilespmem:s7+$0x10];
	v23 =	vsub.f32 v23, v20;
	(erf) = vpow2.f32 v22;
	_ =	sdelay $0x1  }
0x275: {  	v23 =	vmul.f32 $1.442695020e+00, v23  }
0x276: {  	s11 =	simm.s32 $0x186C0;
	v22 =	vmul.f32 v24, v19;
	v24 =	vld [tilespmem:s7+$0x20]  }
0x277: {  	v26 =	vld [tilespmem:s11+$0xFFFFFFE0];
	(erf) = vpow2.f32 v23  }
0x278: {  	s15 =	sadd.s32 $0x50, s7;
	v23 =	vmul.f32 v25, v19;
	v22 =	vsub.f32 v22, v20  }
0x279: {  	v27 =	vld [tilespmem:s15+$0xFFFFFFE0]  }
0x27a: {  	v25 =	vld [tilespmem:s11+$0xFFFFFFF0];
	v23 =	vsub.f32 v23, v20;
	v22 =	vmul.f32 $1.442695020e+00, v22  }
0x27b: {  	v24 =	vmul.f32 v24, v19  }
0x27c: {  	v23 =	vmul.f32 $1.442695020e+00, v23;
	(erf) = vpow2.f32 v22;
	v22 =	vmax.f32 v26, $1.000000010e-10;
	v28 =	vpop (erf)  }
0x27d: {  	v29 =	vld [tilespmem:s15+$0xFFFFFFF0];
	v31 =	vmul.f32 v22, v17;
	v30 =	vmul.f32 v28, v18  }
0x27e: {  	v27 =	vmul.f32 v27, v19  }
0x27f: {  	v26 =	vld [tilespmem:s11+$0x0];
	v25 =	vmax.f32 v25, $1.000000010e-10;
	v24 =	vsub.f32 v24, v20;
	vm8 =	vgt.f32 v30, v31  }
0x280: {  	(erf) = vpow2.f32 v23;
	v23 =	vpop (erf);
	v17 =	vsel vm8, v28, v17;
	v18 =	vsel vm8, v22, v18  }
0x281: {  	v30 =	vmul.f32 v18, v23;
	v31 =	vmul.f32 v17, v25  }
0x282: {  	v32 =	vadd.s32 $0x10, v21;
	v29 =	vmul.f32 v29, v19;
	v24 =	vmul.f32 $1.442695020e+00, v24;
	v28 =	vld [tilespmem:s15+$0x0]  }
0x283: {  	v27 =	vsub.f32 v27, v20;
	v16 =	vsel vm8, v21, v16;
	v22 =	vld [tilespmem:s11+$0x10];
	vm8 =	vgt.f32 v30, v31  }
0x284: {  	v26 =	vmax.f32 v26, $1.000000010e-10;
	(erf) = vpow2.f32 v24;
	v17 =	vsel vm8, v23, v17  }
0x285: {  	v27 =	vmul.f32 $1.442695020e+00, v27;
	v24 =	vld [tilespmem:s11+$0x20];
	v18 =	vsel vm8, v25, v18;
	v23 =	vpop (erf);
	v31 =	vmul.f32 v17, v26  }
0x286: {  	v62 =	vadd.s32 $0x20, v21;
	v25 =	vsub.f32 v29, v20;
	v29 =	vld [tilespmem:s15+$0x10];
	v30 =	vmul.f32 v18, v23  }
0x287: {  	(erf) = vpow2.f32 v27;
	v16 =	vsel vm8, v32, v16;
	v28 =	vmul.f32 v28, v19  }
0x288: {  	s11 =	simm.s32 $0x18710;
	v33 =	vmax.f32 v22, $1.000000010e-10;
	v25 =	vmul.f32 $1.442695020e+00, v25;
	vm8 =	vgt.f32 v30, v31  }
0x289: {  	v22 =	vld [tilespmem:s11+$0xFFFFFFE0];
	v17 =	vsel vm8, v23, v17;
	v26 =	vsel vm8, v26, v18;
	v30 =	vsel vm8, v62, v16;
	v31 =	vpop (erf)  }
0x28a: {  	v16 =	vsub.f32 v28, v20;
	v23 =	vld [tilespmem:s15+$0x20];
	v34 =	vmul.f32 v17, v33;
	v63 =	vmul.f32 v26, v31  }
0x28b: {  	v18 =	vmax.f32 v24, $1.000000010e-10;
	(erf) = vpow2.f32 v25;
	v28 =	vmul.f32 v29, v19  }
0x28c: {  	v29 =	vadd.s32 $0x30, v21;
	v27 =	vmul.f32 $1.442695020e+00, v16;
	vm8 =	vgt.f32 v63, v34  }
0x28d: {  	s12 =	simm.s32 $0x5;
	s15 =	sadd.s32 $0x50, s15;
	v16 =	vld [tilespmem:s11+$0xFFFFFFF0];
	v25 =	vsel vm8, v31, v17;
	v24 =	vsel vm8, v33, v26;
	v17 =	vsel vm8, v29, v30;
	v26 =	vpop (erf)  }
.LBB2_23:
0x28e: {  	v29 =	vld [tilespmem:s15+$0xFFFFFFE0];
	v28 =	vsub.f32 v28, v20;
	v33 =	vmul.f32 v24, v26;
	v31 =	vmul.f32 v25, v18  }
0x28f: {  	v23 =	vmul.f32 v23, v19;
	v32 =	vadd.s32 $0x40, v21;
	v22 =	vmax.f32 v22, $1.000000010e-10  }
0x290: {  	v28 =	vmul.f32 $1.442695020e+00, v28;
	(erf) = vpow2.f32 v27;
	vm8 =	vgt.f32 v33, v31  }
0x291: {  	s12 =	sadd.s32 $0x5, s12;
	v27 =	vld [tilespmem:s11+$0x0];
	v30 =	vpop (erf);
	v25 =	vsel vm8, v26, v25;
	v18 =	vsel vm8, v18, v24;
	v17 =	vsel vm8, v32, v17  }
0x292: {  	p3 =	slt.u32 s12, $0x26C;
	v23 =	vsub.f32 v23, v20;
	v24 =	vld [tilespmem:s15+$0xFFFFFFF0];
	v32 =	vmul.f32 v30, v18;
	v31 =	vmul.f32 v22, v25  }
0x293: {  	v21 =	vadd.s32 $0x50, v21;
	v16 =	vmax.f32 v16, $1.000000010e-10;
	v29 =	vmul.f32 v29, v19  }
0x294: {  	v23 =	vmul.f32 $1.442695020e+00, v23;
	vm8 =	vgt.f32 v32, v31;
	(erf) = vpow2.f32 v28  }
0x295: {  	v25 =	vsel vm8, v30, v25;
	v18 =	vsel vm8, v22, v18;
	v17 =	vsel vm8, v21, v17;
	v22 =	vld [tilespmem:s11+$0x10];
	v26 =	vpop (erf)  }
0x296: {  	v28 =	vsub.f32 v29, v20;
	v29 =	vld [tilespmem:s15+$0x0];
	v30 =	vmul.f32 v18, v26;
	v31 =	vmul.f32 v25, v16  }
0x297: {  	v32 =	vadd.s32 $0x10, v21;
	v27 =	vmax.f32 v27, $1.000000010e-10;
	v24 =	vmul.f32 v24, v19  }
0x298: {  	v28 =	vmul.f32 $1.442695020e+00, v28;
	vm8 =	vgt.f32 v30, v31;
	(erf) = vpow2.f32 v23  }
0x299: {  	v25 =	vsel vm8, v26, v25;
	v16 =	vsel vm8, v16, v18;
	v17 =	vsel vm8, v32, v17;
	v18 =	vld [tilespmem:s11+$0x20];
	v26 =	vpop (erf)  }
0x29a: {  	v23 =	vsub.f32 v24, v20;
	v24 =	vld [tilespmem:s15+$0x10];
	v35 =	vmul.f32 v16, v26;
	v31 =	vmul.f32 v25, v27  }
0x29b: {  	v32 =	vadd.s32 $0x20, v21;
	v33 =	vmax.f32 v22, $1.000000010e-10;
	v29 =	vmul.f32 v29, v19  }
0x29c: {  	v34 =	vmul.f32 $1.442695020e+00, v23;
	(erf) = vpow2.f32 v28;
	vm8 =	vgt.f32 v35, v31  }
.Ltmp13:
0x29d: {  	s11 =	sadd.s32 $0x50, s11;
	v23 =	vld [tilespmem:s15+$0x20];
	v25 =	vsel vm8, v26, v25;
	v26 =	vsel vm8, v27, v16;
	v17 =	vsel vm8, v32, v17;
	v30 =	vpop (erf);
	(pc) =	sbr.rel @p3 .LBB2_23-.Ltmp13, $4  }
0x29e: {  	v16 =	vsub.f32 v29, v20;
	v22 =	vld [tilespmem:s11+$0xFFFFFFE0];
	v29 =	vmul.f32 v26, v30;
	v31 =	vmul.f32 v25, v33  }
0x29f: {  	v32 =	vadd.s32 $0x30, v21;
	v18 =	vmax.f32 v18, $1.000000010e-10;
	v28 =	vmul.f32 v24, v19  }
0x2a0: {  	v27 =	vmul.f32 $1.442695020e+00, v16;
	(erf) = vpow2.f32 v34;
	vm8 =	vgt.f32 v29, v31  }
0x2a1: {  	s15 =	sadd.s32 $0x50, s15;
	v16 =	vld [tilespmem:s11+$0xFFFFFFF0];
	v25 =	vsel vm8, v30, v25;
	v24 =	vsel vm8, v33, v26;
	v17 =	vsel vm8, v32, v17;
	v26 =	vpop (erf)  }
0x2a2: {  	v23 =	vmul.f32 v23, v19  }
0x2a3: {  	v28 =	vsub.f32 v28, v20  }
0x2a4: {  	v23 =	vsub.f32 v23, v20  }
0x2a5: {  	v28 =	vmul.f32 $1.442695020e+00, v28  }
0x2a6: {  	(erf) = vpow2.f32 v27;
	v23 =	vmul.f32 $1.442695020e+00, v23  }
0x2a7: {  	(erf) = vpow2.f32 v28  }
0x2a8: {  	(erf) = vpow2.f32 v23;
	_ =	sdelay $0x2  }
0x2a9: {  	p3 =	seq.s32 s6, $0x4;
	v28 =	vmul.f32 v25, v18  }
0x2aa: {  	s12 =	smul.u32 @!p3 $0x4E20, s6  }
0x2ab: {  	v27 =	vmul.f32 v24, v26;
	v23 =	vpop (erf)  }
0x2ac: {  	v30 =	vld [tilespmem:s11+$0x0];
	s12 =	sadd.s32 @!p3 s12, s17;
	v29 =	vpop (erf)  }
0x2ad: {  	s12 =	sshrl.u32 @!p3 s12, $0x3;
	vm8 =	vgt.f32 v27, v28;
	v27 =	vld [tilespmem:s11+$0x10];
	v28 =	vpop (erf)  }
0x2ae: {  	v22 =	vmax.f32 v22, $1.000000010e-10;
	s15 =	simm.s32 @!p3 $0x186A0;
	v25 =	vsel vm8, v26, v25;
	v18 =	vsel vm8, v18, v24;
	v24 =	vld [tilespmem:s11+$0x20];
	s11 =	sadd.s32 @!p3 s4, s12;
	s12 =	simm.s32 @!p3 $0x0;
	v26 =	vpop (erf)  }
0x2af: {  	v32 =	vmul.f32 v22, v25;
	[tilespmem:s15], [sflag:$0x1] =	stream.linear.gather @!p3 [hbm4b:s11+s12], $0x2710, $0x38;
	v31 =	vmul.f32 v23, v18;
	v33 =	vpop (erf);
	[tilespmem:$0x1D570] =	vst v63  }
0x2b0: {  	_ =	swait.ge [sflag:s2], $0x2710  }
0x2b1: {  	vm9 =	vgt.f32 v31, v32;
	[sflag:s2] =	ssyncset.done $0x0  }
0x2b2: {  	v16 =	vmax.f32 v16, $1.000000010e-10;
	v23 =	vsel vm9, v23, v25;
	v18 =	vsel vm9, v22, v18;
	[sflag:s2] =	ssyncadd.s32 $0xFFFFD8F0  }
0x2b3: {  	v22 =	vmul.f32 v18, v29;
	v25 =	vmul.f32 v23, v16;
	v31 =	vld [tilespmem:s10+$0xFFFFFFC0];
	_ =	sdelay $0x1  }
0x2b4: {  	vm10 =	vgt.f32 v22, v25  }
0x2b5: {  	v16 =	vsel vm10, v16, v18;
	v25 =	vld [tilespmem:s10+$0xFFFFFFD0]  }
0x2b6: {  	v18 =	vmax.f32 v30, $1.000000010e-10;
	v22 =	vsel vm10, v29, v23;
	v23 =	vmul.f32 v16, v28  }
0x2b7: {  	v29 =	vmul.f32 v22, v18;
	v30 =	vmul.f32 v31, v19  }
0x2b8: {  	v27 =	vmax.f32 v27, $1.000000010e-10;
	v31 =	vadd.s32 $0x40, v21;
	v21 =	vadd.s32 $0x50, v21  }
0x2b9: {  	v17 =	vsel vm8, v31, v17;
	vm8 =	vgt.f32 v23, v29;
	v23 =	vsub.f32 v30, v20  }
0x2ba: {  	v22 =	vsel vm8, v28, v22;
	v28 =	vld [tilespmem:s10+$0xFFFFFFE0];
	v16 =	vsel vm8, v18, v16;
	v18 =	vmul.f32 v25, v19  }
0x2bb: {  	v17 =	vsel vm9, v21, v17;
	v30 =	vadd.s32 $0x10, v21;
	v23 =	vmul.f32 $1.442695020e+00, v23  }
0x2bc: {  	v25 =	vmul.f32 v16, v26;
	v29 =	vmul.f32 v22, v27;
	v17 =	vsel vm10, v30, v17  }
0x2bd: {  	v30 =	vadd.s32 $0x20, v21;
	v18 =	vsub.f32 v18, v20;
	(erf) = vpow2.f32 v23  }
0x2be: {  	v24 =	vmax.f32 v24, $1.000000010e-10;
	v17 =	vsel vm8, v30, v17;
	vm15 =	vgt.f32 v25, v29  }
0x2bf: {  	v23 =	vld [tilespmem:s10+$0xFFFFFFF0];
	v16 =	vsel vm15, v27, v16;
	v18 =	vmul.f32 $1.442695020e+00, v18;
	v25 =	vmul.f32 v28, v19  }
0x2c0: {  	s12 =	simm.s32 $0x1ADD0;
	v29 =	vadd.s32 $0x30, v21;
	v22 =	vsel vm15, v26, v22;
	v27 =	vld [tilespmem:s10+$0x0];
	v26 =	vmul.f32 v16, v33  }
0x2c1: {  	v28 =	vmul.f32 v22, v24;
	(erf) = vpow2.f32 v18;
	v18 =	vld [tilespmem:s12+$0xFFFFFFE0];
	v25 =	vsub.f32 v25, v20  }
0x2c2: {  	s15 =	sadd.s32 $0x50, s10;
	v30 =	vld [tilespmem:s12+$0xFFFFFFF0];
	v17 =	vsel vm15, v29, v17  }
0x2c3: {  	vm8 =	vgt.f32 v26, v28;
	v26 =	vld [tilespmem:s15+$0xFFFFFFC0];
	v28 =	vadd.s32 $0x40, v21;
	v25 =	vmul.f32 $1.442695020e+00, v25  }
0x2c4: {  	v17 =	vsel vm8, v28, v17;
	v28 =	vld [tilespmem:s15+$0xFFFFFFD0];
	v23 =	vmul.f32 v23, v19  }
0x2c5: {  	v24 =	vsel vm8, v24, v16;
	v16 =	vmul.f32 v27, v19;
	(erf) = vpow2.f32 v25  }
0x2c6: {  	v22 =	vsel vm8, v33, v22;
	v23 =	vsub.f32 v23, v20;
	v18 =	vmax.f32 v18, $1.000000010e-10;
	v27 =	vpop (erf)  }
0x2c7: {  	v59 =	vsub.f32 v16, v20;
	v31 =	vmul.f32 v18, v22;
	v29 =	vmul.f32 v27, v24  }
0x2c8: {  	v16 =	vadd.s32 $0x50, v21;
	v21 =	vmul.f32 v26, v19;
	v23 =	vmul.f32 $1.442695020e+00, v23  }
0x2c9: {  	v25 =	vld [tilespmem:s12+$0x0];
	v26 =	vmax.f32 v30, $1.000000010e-10;
	v28 =	vmul.f32 v28, v19;
	vm8 =	vgt.f32 v29, v31  }
0x2ca: {  	(erf) = vpow2.f32 v23;
	v22 =	vsel vm8, v27, v22;
	v18 =	vsel vm8, v18, v24;
	v24 =	vpop (erf)  }
0x2cb: {  	v30 =	vmul.f32 v18, v24;
	v31 =	vmul.f32 v22, v26  }
0x2cc: {  	v21 =	vsub.f32 v21, v20;
	v23 =	vld [tilespmem:s12+$0x10];
	v29 =	vmul.f32 $1.442695020e+00, v59  }
0x2cd: {  	v28 =	vsub.f32 v28, v20;
	v17 =	vsel vm8, v16, v17;
	v27 =	vld [tilespmem:s15+$0xFFFFFFE0];
	vm8 =	vgt.f32 v30, v31  }
0x2ce: {  	v25 =	vmax.f32 v25, $1.000000010e-10;
	(erf) = vpow2.f32 v29;
	v18 =	vsel vm8, v26, v18;
	v26 =	vpop (erf)  }
0x2cf: {  	v21 =	vmul.f32 $1.442695020e+00, v21;
	v22 =	vsel vm8, v24, v22;
	v30 =	vmul.f32 v18, v26  }
0x2d0: {  	v60 =	vadd.s32 $0x10, v16;
	v61 =	vadd.s32 $0x20, v16;
	v29 =	vld [tilespmem:s15+$0xFFFFFFF0];
	v31 =	vmul.f32 v22, v25  }
0x2d1: {  	v28 =	vmul.f32 $1.442695020e+00, v28;
	(erf) = vpow2.f32 v21;
	v62 =	vmax.f32 v23, $1.000000010e-10;
	v24 =	vld [tilespmem:s12+$0x20]  }
0x2d2: {  	v17 =	vsel vm8, v60, v17;
	v27 =	vmul.f32 v27, v19;
	vm8 =	vgt.f32 v30, v31  }
0x2d3: {  	s11 =	simm.s32 $0x1AE20;
	v21 =	vld [tilespmem:s15+$0x0];
	(erf) = vpow2.f32 v28;
	v26 =	vsel vm8, v26, v22;
	v25 =	vsel vm8, v25, v18;
	v30 =	vpop (erf)  }
0x2d4: {  	v23 =	vld [tilespmem:s11+$0xFFFFFFE0];
	v18 =	vsub.f32 v27, v20;
	v63 =	vmul.f32 v26, v62;
	v31 =	vmul.f32 v25, v30  }
0x2d5: {  	v17 =	vsel vm8, v61, v17;
	v27 =	vmul.f32 v29, v19;
	v29 =	vadd.s32 $0x30, v16  }
0x2d6: {  	v22 =	vmax.f32 v24, $1.000000010e-10;
	v24 =	vmul.f32 $1.442695020e+00, v18;
	vm8 =	vgt.f32 v31, v63  }
0x2d7: {  	s15 =	sadd.s32 $0x50, s15;
	s12 =	simm.s32 $0x5;
	v18 =	vld [tilespmem:s11+$0xFFFFFFF0];
	v28 =	vpop (erf);
	v26 =	vsel vm8, v30, v26;
	v25 =	vsel vm8, v62, v25;
	v17 =	vsel vm8, v29, v17  }
.LBB2_25:
0x2d8: {  	v29 =	vld [tilespmem:s15+$0xFFFFFFC0];
	v27 =	vsub.f32 v27, v20;
	v33 =	vmul.f32 v25, v28;
	v31 =	vmul.f32 v26, v22  }
0x2d9: {  	v21 =	vmul.f32 v21, v19;
	v32 =	vadd.s32 $0x40, v16;
	v23 =	vmax.f32 v23, $1.000000010e-10  }
0x2da: {  	v27 =	vmul.f32 $1.442695020e+00, v27;
	(erf) = vpow2.f32 v24;
	vm8 =	vgt.f32 v33, v31  }
0x2db: {  	s12 =	sadd.s32 $0x5, s12;
	v24 =	vld [tilespmem:s11+$0x0];
	v30 =	vpop (erf);
	v26 =	vsel vm8, v28, v26;
	v22 =	vsel vm8, v22, v25;
	v17 =	vsel vm8, v32, v17  }
0x2dc: {  	p4 =	slt.u32 s12, $0x26C;
	v21 =	vsub.f32 v21, v20;
	v25 =	vld [tilespmem:s15+$0xFFFFFFD0];
	v28 =	vmul.f32 v30, v22;
	v31 =	vmul.f32 v23, v26  }
0x2dd: {  	v16 =	vadd.s32 $0x50, v16;
	v18 =	vmax.f32 v18, $1.000000010e-10;
	v29 =	vmul.f32 v29, v19  }
0x2de: {  	v21 =	vmul.f32 $1.442695020e+00, v21;
	vm8 =	vgt.f32 v28, v31;
	(erf) = vpow2.f32 v27  }
0x2df: {  	v26 =	vsel vm8, v30, v26;
	v22 =	vsel vm8, v23, v22;
	v17 =	vsel vm8, v16, v17;
	v23 =	vld [tilespmem:s11+$0x10];
	v27 =	vpop (erf)  }
0x2e0: {  	v28 =	vsub.f32 v29, v20;
	v29 =	vld [tilespmem:s15+$0xFFFFFFE0];
	v30 =	vmul.f32 v22, v27;
	v31 =	vmul.f32 v26, v18  }
0x2e1: {  	v32 =	vadd.s32 $0x10, v16;
	v24 =	vmax.f32 v24, $1.000000010e-10;
	v25 =	vmul.f32 v25, v19  }
0x2e2: {  	v28 =	vmul.f32 $1.442695020e+00, v28;
	vm8 =	vgt.f32 v30, v31;
	(erf) = vpow2.f32 v21  }
0x2e3: {  	v26 =	vsel vm8, v27, v26;
	v18 =	vsel vm8, v18, v22;
	v17 =	vsel vm8, v32, v17;
	v22 =	vld [tilespmem:s11+$0x20];
	v27 =	vpop (erf)  }
0x2e4: {  	v21 =	vsub.f32 v25, v20;
	v25 =	vld [tilespmem:s15+$0xFFFFFFF0];
	v35 =	vmul.f32 v18, v27;
	v31 =	vmul.f32 v26, v24  }
0x2e5: {  	v32 =	vadd.s32 $0x20, v16;
	v33 =	vmax.f32 v23, $1.000000010e-10;
	v29 =	vmul.f32 v29, v19  }
0x2e6: {  	v34 =	vmul.f32 $1.442695020e+00, v21;
	(erf) = vpow2.f32 v28;
	vm8 =	vgt.f32 v35, v31  }
.Ltmp14:
0x2e7: {  	s11 =	sadd.s32 $0x50, s11;
	v21 =	vld [tilespmem:s15+$0x0];
	v26 =	vsel vm8, v27, v26;
	v28 =	vsel vm8, v24, v18;
	v17 =	vsel vm8, v32, v17;
	v30 =	vpop (erf);
	(pc) =	sbr.rel @p4 .LBB2_25-.Ltmp14, $4  }
0x2e8: {  	v18 =	vsub.f32 v29, v20;
	v23 =	vld [tilespmem:s11+$0xFFFFFFE0];
	v29 =	vmul.f32 v28, v30;
	v31 =	vmul.f32 v26, v33  }
0x2e9: {  	v32 =	vadd.s32 $0x30, v16;
	v22 =	vmax.f32 v22, $1.000000010e-10;
	v27 =	vmul.f32 v25, v19  }
0x2ea: {  	v24 =	vmul.f32 $1.442695020e+00, v18;
	(erf) = vpow2.f32 v34;
	vm8 =	vgt.f32 v29, v31  }
0x2eb: {  	s15 =	sadd.s32 $0x50, s15;
	v18 =	vld [tilespmem:s11+$0xFFFFFFF0];
	v26 =	vsel vm8, v30, v26;
	v25 =	vsel vm8, v33, v28;
	v17 =	vsel vm8, v32, v17;
	v28 =	vpop (erf)  }
0x2ec: {  	v29 =	vmul.f32 v25, v28;
	v30 =	vmul.f32 v26, v22  }
0x2ed: {  	v27 =	vsub.f32 v27, v20;
	v21 =	vmul.f32 v21, v19  }
0x2ee: {  	(erf) = vpow2.f32 v24;
	v23 =	vmax.f32 v23, $1.000000010e-10;
	vm8 =	vgt.f32 v29, v30  }
0x2ef: {  	v51 =	vmul.f32 $1.442695020e+00, v27;
	v52 =	vpop (erf);
	v53 =	vsel vm8, v28, v26;
	v22 =	vsel vm8, v22, v25  }
0x2f0: {  	v25 =	vmul.f32 v52, v22;
	v28 =	vmul.f32 v23, v53  }
0x2f1: {  	v21 =	vsub.f32 v21, v20  }
0x2f2: {  	v54 =	vld [tilespmem:s11+$0x0];
	v18 =	vmax.f32 v18, $1.000000010e-10;
	(erf) = vpow2.f32 v51;
	vm9 =	vgt.f32 v25, v28  }
0x2f3: {  	v21 =	vmul.f32 $1.442695020e+00, v21;
	v55 =	vsel vm9, v52, v53;
	v22 =	vsel vm9, v23, v22;
	v23 =	vpop (erf)  }
0x2f4: {  	v56 =	vmul.f32 v22, v23;
	v26 =	vmul.f32 v55, v18;
	_ =	sdelay $0x1  }
0x2f5: {  	v57 =	vld [tilespmem:s11+$0x10];
	(erf) = vpow2.f32 v21;
	vm10 =	vgt.f32 v56, v26  }
0x2f6: {  	v21 =	vmax.f32 v54, $1.000000010e-10;
	v23 =	vsel vm10, v23, v55;
	v18 =	vsel vm10, v18, v22;
	v22 =	vpop (erf)  }
0x2f7: {  	v60 =	vld [tilespmem:s11+$0x20];
	v58 =	vmul.f32 v18, v22;
	v59 =	vmul.f32 v23, v21;
	_ =	sdelay $0x1  }
0x2f8: {  	vm11 =	vgt.f32 v58, v59  }
0x2f9: {  	v61 =	vmax.f32 v57, $1.000000010e-10;
	v22 =	vsel vm11, v22, v23;
	v18 =	vsel vm11, v21, v18;
	v21 =	vpop (erf)  }
0x2fa: {  	v62 =	vmul.f32 v18, v21;
	v27 =	vmul.f32 v22, v61  }
0x2fb: {  	v63 =	vmax.f32 v60, $1.000000010e-10;
	v23 =	vadd.s32 $0x40, v16  }
0x2fc: {  	v17 =	vsel vm8, v23, v17;
	v23 =	vadd.s32 $0x50, v16;
	vm8 =	vgt.f32 v62, v27  }
0x2fd: {  	v16 =	vsel vm9, v23, v17;
	v17 =	vsel vm8, v21, v22;
	v18 =	vsel vm8, v61, v18;
	v21 =	vpop (erf)  }
.Ltmp15:
0x2fe: {  	v22 =	vadd.s32 $0x10, v23;
	v24 =	vmul.f32 v18, v21;
	v26 =	vmul.f32 v17, v63;
	(pc) =	sbr.rel @p3 .LBB2_28-.Ltmp15, $4  }
0x2ff: {  	v16 =	vsel vm10, v22, v16;
	v22 =	vadd.s32 $0x20, v23  }
0x300: {  	v16 =	vsel vm11, v22, v16;
	v22 =	vadd.s32 $0x30, v23;
	vm15 =	vgt.f32 v24, v26  }
0x301: {  	v16 =	vsel vm8, v22, v16;
	v22 =	vadd.s32 $0x40, v23;
	v17 =	vsel vm15, v21, v17  }
0x302: {  	v18 =	vsel vm15, v63, v18;
	v16 =	vsel vm15, v22, v16;
	v21 =	vadd.s32 $0x50, v23  }
0x303: {  	s11 =	smul.u32 $0x4E20, s6  }
.Ltmp16:
0x304: {  	_ = 	snop;
	(pc) =	sbr.rel .LBB2_22-.Ltmp16, $4  }
0x305: {  	s11 =	sadd.s32 s11, s18  }
0x306: {  	s6 =	sadd.s32 $0x1, s6;
	s11 =	sshrl.u32 s11, $0x3  }
0x307: {  	s7 =	sadd.s32 $0x4E20, s7;
	s10 =	sadd.s32 $0x4E20, s10;
	s11 =	sadd.s32 s4, s11  }
0x308: {  	[tilespmem:s1], [sflag:$0x2] =	stream.linear.gather [hbm4b:s11+s3], $0x2710, $0x38;
	[tilespmem:$0x1D570] =	vst v63  }
.LBB2_28:
0x309: {  	[tilespmem:s31], [sflag:$0x1] =	stream.linear.gather [hbm4b:s20+s3], $0x2710, $0x38;
	[tilespmem:$0x1D570] =	vst v63  }
0x30a: {  	_ = 	snop  }
0x30b: {  	[tilespmem:s1], [sflag:$0x2] =	stream.linear.gather [hbm4b:s28+s3], $0x2710, $0x38;
	[tilespmem:$0x1D570] =	vst v63  }
0x30c: {  	_ = 	snop  }
0x30d: {  	[tilespmem:s3], [sflag:$0x3] =	stream.linear.gather [hbm4b:s19+s3], $0x186A0, $0x38;
	[tilespmem:$0x1D570] =	vst v63  }
0x30e: {  	_ =	swait.ge [sflag:s30], $0x186A0  }
0x30f: {  	[sflag:s30] =	ssyncset.done $0x0  }
0x310: {  	s7 =	simm.s32 $0x50;
	[sflag:s30] =	ssyncadd.s32 $0xFFFE7960  }
0x311: {  	v20 =	vld [tilespmem:s7+$0xFFFFFFB0]  }
0x312: {  	v21 =	vld [tilespmem:s7+$0xFFFFFFC0]  }
0x313: {  	v22 =	vimm.f32 $-Inf;
	v19 =	vlaneseq.u32;
	v23 =	vld [tilespmem:s7+$0xFFFFFFD0]  }
0x314: {  	v24 =	vimm.s32 $0x0;
	v25 =	vadd.s32 $0x40, v19;
	v26 =	vadd.s32 $0x50, v19;
	v27 =	vld [tilespmem:s7+$0xFFFFFFE0]  }
0x315: {  	v28 =	vadd.s32 $0x60, v19;
	v29 =	vadd.s32 $0x10, v19;
	v30 =	vadd.s32 $0x20, v19;
	v31 =	vld [tilespmem:s7+$0xFFFFFFF0]  }
0x316: {  	v32 =	vadd.s32 $0x30, v19;
	vm8 =	vgt.f32 v20, v22;
	v20 =	vmax.f32 v22, v20;
	v22 =	vld [tilespmem:s7+$0x0]  }
0x317: {  	v24 =	vsel vm8, v19, v24;
	vm8 =	vgt.f32 v21, v20;
	v20 =	vmax.f32 v20, v21;
	v21 =	vld [tilespmem:s7+$0x10]  }
0x318: {  	v24 =	vsel vm8, v29, v24;
	vm8 =	vgt.f32 v23, v20;
	v20 =	vmax.f32 v20, v23;
	v23 =	vld [tilespmem:s7+$0x20]  }
0x319: {  	v24 =	vsel vm8, v30, v24;
	vm8 =	vgt.f32 v27, v20;
	v20 =	vmax.f32 v20, v27  }
0x31a: {  	v27 =	vld [tilespmem:s7+$0x30];
	v24 =	vsel vm8, v32, v24;
	vm8 =	vgt.f32 v31, v20;
	v20 =	vmax.f32 v20, v31  }
0x31b: {  	v24 =	vsel vm8, v25, v24;
	vm8 =	vgt.f32 v22, v20;
	v20 =	vmax.f32 v20, v22  }
0x31c: {  	v22 =	vsel vm8, v26, v24;
	vm8 =	vgt.f32 v21, v20;
	v20 =	vmax.f32 v20, v21  }
0x31d: {  	v21 =	vadd.s32 $0x70, v19;
	v22 =	vsel vm8, v28, v22;
	vm8 =	vgt.f32 v23, v20  }
0x31e: {  	v20 =	vmax.f32 v20, v23;
	v22 =	vsel vm8, v21, v22  }
0x31f: {  	s6 =	simm.s32 $0x0;
	v24 =	vld [tilespmem:s7+$0x40];
	s7 =	simm.s32 $0xF0;
	vm8 =	vgt.f32 v27, v20;
	v23 =	vmax.f32 v20, v27;
	v20 =	vlaneseq.u32  }
.LBB2_29:
0x320: {  	v21 =	vld [tilespmem:s7+$0xFFFFFFB0];
	s6 =	sadd.s32 $0xA, s6;
	v19 =	vadd.s32 $0xA0, v19  }
0x321: {  	v27 =	vadd.s32 $0x80, v20;
	v28 =	vadd.s32 $0x90, v20;
	v25 =	vld [tilespmem:s7+$0xFFFFFFC0];
	v26 =	vadd.s32 $0x70, v19;
	p3 =	slt.u32 s6, $0x1860;
	v20 =	vmovc v19  }
0x322: {  	v30 =	vadd.s32 $0x40, v19;
	v31 =	vadd.s32 $0x50, v19;
	v32 =	vadd.s32 $0x60, v19;
	v29 =	vld [tilespmem:s7+$0xFFFFFFD0]  }
0x323: {  	v33 =	vadd.s32 $0x10, v19;
	v34 =	vadd.s32 $0x20, v19;
	v35 =	vadd.s32 $0x30, v19;
	v36 =	vld [tilespmem:s7+$0xFFFFFFE0]  }
0x324: {  	v22 =	vsel vm8, v27, v22;
	v37 =	vld [tilespmem:s7+$0xFFFFFFF0];
	vm8 =	vgt.f32 v24, v23;
	v23 =	vmax.f32 v23, v24  }
0x325: {  	vm9 =	vgt.f32 v21, v23;
	v21 =	vmax.f32 v23, v21;
	v23 =	vld [tilespmem:s7+$0x0];
	v22 =	vsel vm8, v28, v22  }
0x326: {  	v22 =	vsel vm9, v19, v22;
	vm8 =	vgt.f32 v25, v21;
	v21 =	vmax.f32 v21, v25;
	v24 =	vld [tilespmem:s7+$0x10]  }
0x327: {  	v22 =	vsel vm8, v33, v22;
	vm8 =	vgt.f32 v29, v21;
	v21 =	vmax.f32 v21, v29;
	v25 =	vld [tilespmem:s7+$0x20]  }
0x328: {  	v22 =	vsel vm8, v34, v22;
	vm8 =	vgt.f32 v36, v21;
	v21 =	vmax.f32 v21, v36;
	v27 =	vld [tilespmem:s7+$0x30]  }
.Ltmp17:
0x329: {  	v22 =	vsel vm8, v35, v22;
	vm8 =	vgt.f32 v37, v21;
	v21 =	vmax.f32 v21, v37;
	(pc) =	sbr.rel @p3 .LBB2_29-.Ltmp17, $4  }
0x32a: {  	v22 =	vsel vm8, v30, v22;
	vm8 =	vgt.f32 v23, v21;
	v21 =	vmax.f32 v21, v23  }
0x32b: {  	v22 =	vsel vm8, v31, v22;
	vm8 =	vgt.f32 v24, v21;
	v21 =	vmax.f32 v21, v24  }
0x32c: {  	v22 =	vsel vm8, v32, v22;
	vm8 =	vgt.f32 v25, v21;
	v21 =	vmax.f32 v21, v25  }
0x32d: {  	v22 =	vsel vm8, v26, v22;
	vm8 =	vgt.f32 v27, v21;
	v23 =	vmax.f32 v21, v27;
	v24 =	vld [tilespmem:s7+$0x40];
	s7 =	sadd.s32 $0xA0, s7  }
0x32e: {  	_ =	sdelay $0x3  }
0x32f: {  	v19 =	vmax.f32 v23, v24  }
0x330: {  	v3 =	vsel vm3, $0xFF800000, v3;
	(xrf0) =	vmax.scan.msk.f32 $0xffff, v19  }
0x331: {  	(xrf0) =	vmax.scan.msk.f32 $0xffff, v3;
	_ =	sdelay $0x4  }
0x332: {  	v3, _, _ =	vpop (xrf0)  }
0x333: {  	v21, _, _ =	vpop (xrf0)  }
0x334: {  	(v2sf) =	vpush v21, $0xF;
	_ =	sdelay $0xe  }
0x335: {  	s6 =	spop (v2sf)  }
0x336: {  	v21 =	vbroadcast v21, $0xF;
	p3 =	sgt.f32 s6, $0.0e+00;
	_ =	sdelay $0x1  }
0x337: {  	v21 =	vpsel !p3, $0x3F800000, v21  }
0x338: {  	v25 =	vsub.s32 $0x7EF311C3, v21  }
0x339: {  	v26 =	vmul.f32 v25, v21;
	_ =	sdelay $0x1  }
0x33a: {  	v26 =	vsub.f32 $2.000000000e+00, v26;
	_ =	sdelay $0x1  }
0x33b: {  	v25 =	vmul.f32 v25, v26;
	_ =	sdelay $0x1  }
0x33c: {  	v26 =	vmul.f32 v25, v21;
	_ =	sdelay $0x1  }
0x33d: {  	v26 =	vsub.f32 $2.000000000e+00, v26;
	_ =	sdelay $0x1  }
0x33e: {  	v25 =	vmul.f32 v26, v25;
	_ =	sdelay $0x1  }
0x33f: {  	v26 =	vmul.f32 v25, v21;
	_ =	sdelay $0x1  }
0x340: {  	v26 =	vsub.f32 $2.000000000e+00, v26;
	_ =	sdelay $0x1  }
0x341: {  	v25 =	vmul.f32 v26, v25;
	_ =	sdelay $0x1  }
0x342: {  	v21 =	vmul.f32 v25, v21;
	_ =	sdelay $0x1  }
0x343: {  	v21 =	vsub.f32 $2.000000000e+00, v21;
	_ =	sdelay $0x1  }
0x344: {  	v3 =	vbroadcast v3, $0xF;
	v21 =	vmul.f32 v21, v25;
	v25 =	vadd.s32 $0x80, v20  }
0x345: {  	v20 =	vadd.s32 $0x90, v20;
	v22 =	vsel vm8, v25, v22;
	vm8 =	vgt.f32 v24, v23  }
0x346: {  	v26 =	vimm.f32 $1.000000000e+00;
	v20 =	vsel vm8, v20, v22;
	v22 =	vmul.f32 v3, v21  }
0x347: {  	s7 =	simm.s32 $0x20;
	s10 =	simm.s32 $0x2750;
	s6 =	simm.s32 $0x0;
	v25 =	vimm.f32 $-1.000000000e+00;
	v24 =	vimm.s32 $0x0;
	v23 =	vlaneseq.u32  }
.LBB2_31:
0x348: {  	_ =	swait.ge [sflag:s0], $0x2710  }
0x349: {  	[sflag:s0] =	ssyncset.done $0x0  }
0x34a: {  	[sflag:s0] =	ssyncadd.s32 $0xFFFFD8F0  }
0x34b: {  	v27 =	vld [tilespmem:s7+$0xFFFFFFE0];
	_ =	sdelay $0x3  }
0x34c: {  	v28 =	vld [tilespmem:s7+$0xFFFFFFF0]  }
0x34d: {  	v27 =	vmul.f32 v27, v21;
	_ =	sdelay $0x1  }
0x34e: {  	v27 =	vsub.f32 v27, v22  }
0x34f: {  	v29 =	vld [tilespmem:s7+$0x0]  }
0x350: {  	v28 =	vmul.f32 v28, v21;
	v27 =	vmul.f32 $1.442695020e+00, v27;
	_ =	sdelay $0x1  }
0x351: {  	v30 =	vld [tilespmem:s7+$0x10];
	v28 =	vsub.f32 v28, v22;
	(erf) = vpow2.f32 v27  }
0x352: {  	s11 =	simm.s32 $0x186C0  }
0x353: {  	s15 =	sadd.s32 $0x50, s7;
	v31 =	vld [tilespmem:s11+$0xFFFFFFE0];
	v28 =	vmul.f32 $1.442695020e+00, v28;
	v27 =	vmul.f32 v29, v21  }
0x354: {  	v32 =	vld [tilespmem:s15+$0xFFFFFFE0]  }
0x355: {  	v29 =	vld [tilespmem:s7+$0x20];
	(erf) = vpow2.f32 v28;
	v27 =	vsub.f32 v27, v22  }
0x356: {  	v28 =	vmul.f32 v30, v21  }
0x357: {  	v27 =	vmul.f32 $1.442695020e+00, v27  }
0x358: {  	v30 =	vld [tilespmem:s11+$0xFFFFFFF0];
	v28 =	vsub.f32 v28, v22  }
0x359: {  	v32 =	vmul.f32 v32, v21;
	(erf) = vpow2.f32 v27  }
0x35a: {  	v29 =	vmul.f32 v29, v21;
	v28 =	vmul.f32 $1.442695020e+00, v28;
	v27 =	vmax.f32 v31, $1.000000010e-10;
	v33 =	vpop (erf)  }
0x35b: {  	v34 =	vld [tilespmem:s15+$0xFFFFFFF0];
	v36 =	vmul.f32 v27, v25;
	v35 =	vmul.f32 v33, v26  }
0x35c: {  	v32 =	vsub.f32 v32, v22;
	v29 =	vsub.f32 v29, v22  }
0x35d: {  	v31 =	vld [tilespmem:s11+$0x0];
	v30 =	vmax.f32 v30, $1.000000010e-10;
	(erf) = vpow2.f32 v28;
	vm8 =	vgt.f32 v35, v36  }
0x35e: {  	v29 =	vmul.f32 $1.442695020e+00, v29;
	v28 =	vpop (erf);
	v25 =	vsel vm8, v33, v25;
	v26 =	vsel vm8, v27, v26  }
0x35f: {  	v37 =	vadd.s32 $0x10, v23;
	v54 =	vld [tilespmem:s15+$0x0];
	v55 =	vmul.f32 v26, v28;
	v56 =	vmul.f32 v25, v30  }
0x360: {  	v60 =	vadd.s32 $0x20, v23;
	v34 =	vmul.f32 v34, v21;
	v32 =	vmul.f32 $1.442695020e+00, v32;
	v27 =	vld [tilespmem:s11+$0x10]  }
0x361: {  	(erf) = vpow2.f32 v29;
	v24 =	vsel vm8, v23, v24;
	vm8 =	vgt.f32 v55, v56  }
0x362: {  	v57 =	vld [tilespmem:s15+$0x10];
	v31 =	vmax.f32 v31, $1.000000010e-10;
	v25 =	vsel vm8, v28, v25;
	v26 =	vsel vm8, v30, v26;
	v28 =	vpop (erf)  }
0x363: {  	v29 =	vld [tilespmem:s11+$0x20];
	v30 =	vsub.f32 v34, v22;
	v58 =	vmul.f32 v26, v28;
	v59 =	vmul.f32 v25, v31  }
0x364: {  	(erf) = vpow2.f32 v32;
	v33 =	vmul.f32 v54, v21;
	v24 =	vsel vm8, v37, v24  }
0x365: {  	s11 =	simm.s32 $0x18710;
	v38 =	vmax.f32 v27, $1.000000010e-10;
	v30 =	vmul.f32 $1.442695020e+00, v30;
	vm8 =	vgt.f32 v58, v59  }
0x366: {  	v61 =	vpop (erf);
	v27 =	vld [tilespmem:s11+$0xFFFFFFE0];
	v25 =	vsel vm8, v28, v25;
	v31 =	vsel vm8, v31, v26;
	v35 =	vsel vm8, v60, v24  }
0x367: {  	v24 =	vsub.f32 v33, v22;
	v28 =	vld [tilespmem:s15+$0x20];
	v62 =	vmul.f32 v31, v61;
	v39 =	vmul.f32 v25, v38  }
0x368: {  	v63 =	vadd.s32 $0x30, v23;
	v33 =	vmul.f32 v57, v21;
	v26 =	vmax.f32 v29, $1.000000010e-10  }
0x369: {  	(erf) = vpow2.f32 v30;
	v32 =	vmul.f32 $1.442695020e+00, v24;
	vm8 =	vgt.f32 v62, v39  }
0x36a: {  	s12 =	simm.s32 $0x5;
	s15 =	sadd.s32 $0x50, s15;
	v24 =	vld [tilespmem:s11+$0xFFFFFFF0];
	v30 =	vsel vm8, v61, v25;
	v29 =	vsel vm8, v38, v31;
	v25 =	vsel vm8, v63, v35;
	v31 =	vpop (erf)  }
.LBB2_32:
0x36b: {  	v34 =	vld [tilespmem:s15+$0xFFFFFFE0];
	v33 =	vsub.f32 v33, v22;
	v38 =	vmul.f32 v29, v31;
	v36 =	vmul.f32 v30, v26  }
0x36c: {  	v28 =	vmul.f32 v28, v21;
	v37 =	vadd.s32 $0x40, v23;
	v27 =	vmax.f32 v27, $1.000000010e-10  }
0x36d: {  	v33 =	vmul.f32 $1.442695020e+00, v33;
	(erf) = vpow2.f32 v32;
	vm8 =	vgt.f32 v38, v36  }
0x36e: {  	s12 =	sadd.s32 $0x5, s12;
	v32 =	vld [tilespmem:s11+$0x0];
	v35 =	vpop (erf);
	v30 =	vsel vm8, v31, v30;
	v26 =	vsel vm8, v26, v29;
	v25 =	vsel vm8, v37, v25  }
0x36f: {  	p4 =	slt.u32 s12, $0x26C;
	v28 =	vsub.f32 v28, v22;
	v29 =	vld [tilespmem:s15+$0xFFFFFFF0];
	v37 =	vmul.f32 v35, v26;
	v36 =	vmul.f32 v27, v30  }
0x370: {  	v23 =	vadd.s32 $0x50, v23;
	v24 =	vmax.f32 v24, $1.000000010e-10;
	v34 =	vmul.f32 v34, v21  }
0x371: {  	v28 =	vmul.f32 $1.442695020e+00, v28;
	vm8 =	vgt.f32 v37, v36;
	(erf) = vpow2.f32 v33  }
0x372: {  	v30 =	vsel vm8, v35, v30;
	v26 =	vsel vm8, v27, v26;
	v25 =	vsel vm8, v23, v25;
	v27 =	vld [tilespmem:s11+$0x10];
	v31 =	vpop (erf)  }
0x373: {  	v33 =	vsub.f32 v34, v22;
	v34 =	vld [tilespmem:s15+$0x0];
	v35 =	vmul.f32 v26, v31;
	v36 =	vmul.f32 v30, v24  }
0x374: {  	v37 =	vadd.s32 $0x10, v23;
	v32 =	vmax.f32 v32, $1.000000010e-10;
	v29 =	vmul.f32 v29, v21  }
0x375: {  	v33 =	vmul.f32 $1.442695020e+00, v33;
	vm8 =	vgt.f32 v35, v36;
	(erf) = vpow2.f32 v28  }
0x376: {  	v30 =	vsel vm8, v31, v30;
	v24 =	vsel vm8, v24, v26;
	v25 =	vsel vm8, v37, v25;
	v26 =	vld [tilespmem:s11+$0x20];
	v31 =	vpop (erf)  }
0x377: {  	v28 =	vsub.f32 v29, v22;
	v29 =	vld [tilespmem:s15+$0x10];
	v40 =	vmul.f32 v24, v31;
	v36 =	vmul.f32 v30, v32  }
0x378: {  	v37 =	vadd.s32 $0x20, v23;
	v38 =	vmax.f32 v27, $1.000000010e-10;
	v34 =	vmul.f32 v34, v21  }
0x379: {  	v39 =	vmul.f32 $1.442695020e+00, v28;
	(erf) = vpow2.f32 v33;
	vm8 =	vgt.f32 v40, v36  }
.Ltmp18:
0x37a: {  	s11 =	sadd.s32 $0x50, s11;
	v28 =	vld [tilespmem:s15+$0x20];
	v30 =	vsel vm8, v31, v30;
	v31 =	vsel vm8, v32, v24;
	v25 =	vsel vm8, v37, v25;
	v35 =	vpop (erf);
	(pc) =	sbr.rel @p4 .LBB2_32-.Ltmp18, $4  }
0x37b: {  	v24 =	vsub.f32 v34, v22;
	v27 =	vld [tilespmem:s11+$0xFFFFFFE0];
	v34 =	vmul.f32 v31, v35;
	v36 =	vmul.f32 v30, v38  }
0x37c: {  	v37 =	vadd.s32 $0x30, v23;
	v26 =	vmax.f32 v26, $1.000000010e-10;
	v33 =	vmul.f32 v29, v21  }
0x37d: {  	v32 =	vmul.f32 $1.442695020e+00, v24;
	(erf) = vpow2.f32 v39;
	vm8 =	vgt.f32 v34, v36  }
0x37e: {  	s15 =	sadd.s32 $0x50, s15;
	v24 =	vld [tilespmem:s11+$0xFFFFFFF0];
	v30 =	vsel vm8, v35, v30;
	v29 =	vsel vm8, v38, v31;
	v25 =	vsel vm8, v37, v25;
	v31 =	vpop (erf)  }
0x37f: {  	v28 =	vmul.f32 v28, v21  }
0x380: {  	v33 =	vsub.f32 v33, v22  }
0x381: {  	v28 =	vsub.f32 v28, v22  }
0x382: {  	v33 =	vmul.f32 $1.442695020e+00, v33  }
0x383: {  	(erf) = vpow2.f32 v32;
	v28 =	vmul.f32 $1.442695020e+00, v28  }
0x384: {  	(erf) = vpow2.f32 v33  }
0x385: {  	(erf) = vpow2.f32 v28;
	_ =	sdelay $0x2  }
0x386: {  	p4 =	seq.s32 s6, $0x4  }
0x387: {  	s12 =	smul.u32 @!p4 $0x4E20, s6  }
0x388: {  	v57 =	vmul.f32 v29, v31;
	v58 =	vmul.f32 v30, v26;
	v28 =	vpop (erf)  }
0x389: {  	v35 =	vld [tilespmem:s11+$0x0];
	s12 =	sadd.s32 @!p4 s12, s22;
	v34 =	vpop (erf)  }
0x38a: {  	v59 =	vld [tilespmem:s11+$0x10];
	vm8 =	vgt.f32 v57, v58;
	s12 =	sshrl.u32 @!p4 s12, $0x3;
	v60 =	vpop (erf)  }
0x38b: {  	v27 =	vmax.f32 v27, $1.000000010e-10;
	s15 =	simm.s32 @!p4 $0x186A0;
	v30 =	vsel vm8, v31, v30;
	v26 =	vsel vm8, v26, v29;
	v29 =	vld [tilespmem:s11+$0x20];
	s11 =	sadd.s32 @!p4 s4, s12;
	s12 =	simm.s32 @!p4 $0x0;
	v31 =	vpop (erf)  }
0x38c: {  	v37 =	vmul.f32 v27, v30;
	[tilespmem:s15], [sflag:$0x1] =	stream.linear.gather @!p4 [hbm4b:s11+s12], $0x2710, $0x38;
	v36 =	vmul.f32 v28, v26;
	v38 =	vpop (erf);
	[tilespmem:$0x1D570] =	vst v63  }
0x38d: {  	_ =	swait.ge [sflag:s2], $0x2710  }
0x38e: {  	vm9 =	vgt.f32 v36, v37;
	[sflag:s2] =	ssyncset.done $0x0  }
0x38f: {  	v24 =	vmax.f32 v24, $1.000000010e-10;
	v28 =	vsel vm9, v28, v30;
	v26 =	vsel vm9, v27, v26;
	[sflag:s2] =	ssyncadd.s32 $0xFFFFD8F0  }
0x390: {  	v27 =	vmul.f32 v26, v34;
	v30 =	vmul.f32 v28, v24;
	v61 =	vld [tilespmem:s10+$0xFFFFFFC0];
	_ =	sdelay $0x1  }
0x391: {  	vm10 =	vgt.f32 v27, v30  }
0x392: {  	v24 =	vsel vm10, v24, v26  }
0x393: {  	v26 =	vmax.f32 v35, $1.000000010e-10;
	v27 =	vsel vm10, v34, v28;
	v28 =	vmul.f32 v24, v60;
	v30 =	vld [tilespmem:s10+$0xFFFFFFD0]  }
0x394: {  	v34 =	vmul.f32 v27, v26;
	v62 =	vmul.f32 v61, v21  }
0x395: {  	v63 =	vadd.s32 $0x40, v23  }
0x396: {  	v25 =	vsel vm8, v63, v25;
	vm8 =	vgt.f32 v28, v34;
	v28 =	vsub.f32 v62, v22  }
0x397: {  	v23 =	vadd.s32 $0x50, v23;
	v32 =	vmax.f32 v59, $1.000000010e-10;
	v40 =	vld [tilespmem:s10+$0xFFFFFFE0];
	v27 =	vsel vm8, v60, v27  }
0x398: {  	v24 =	vsel vm8, v26, v24;
	v26 =	vmul.f32 v30, v21;
	v28 =	vmul.f32 $1.442695020e+00, v28  }
0x399: {  	v42 =	vadd.s32 $0x10, v23;
	v41 =	vmul.f32 v27, v32  }
0x39a: {  	v30 =	vmul.f32 v24, v31;
	v26 =	vsub.f32 v26, v22;
	(erf) = vpow2.f32 v28;
	v28 =	vld [tilespmem:s10+$0xFFFFFFF0]  }
0x39b: {  	v43 =	vadd.s32 $0x20, v23;
	v46 =	vadd.s32 $0x30, v23;
	v29 =	vmax.f32 v29, $1.000000010e-10  }
0x39c: {  	vm15 =	vgt.f32 v30, v41;
	v30 =	vmul.f32 v40, v21;
	v26 =	vmul.f32 $1.442695020e+00, v26  }
0x39d: {  	s12 =	simm.s32 $0x1ADD0;
	v25 =	vsel vm9, v23, v25;
	v44 =	vld [tilespmem:s10+$0x0];
	v24 =	vsel vm15, v32, v24;
	v27 =	vsel vm15, v31, v27  }
0x39e: {  	v31 =	vmul.f32 v24, v38;
	v30 =	vsub.f32 v30, v22;
	(erf) = vpow2.f32 v26;
	v26 =	vld [tilespmem:s12+$0xFFFFFFE0]  }
0x39f: {  	v25 =	vsel vm10, v42, v25;
	v45 =	vmul.f32 v27, v29;
	v28 =	vmul.f32 v28, v21  }
0x3a0: {  	v48 =	vadd.s32 $0x40, v23;
	s15 =	sadd.s32 $0x50, s10;
	v47 =	vld [tilespmem:s12+$0xFFFFFFF0];
	v25 =	vsel vm8, v43, v25;
	v30 =	vmul.f32 $1.442695020e+00, v30  }
0x3a1: {  	v25 =	vsel vm15, v46, v25;
	vm8 =	vgt.f32 v31, v45;
	v31 =	vld [tilespmem:s15+$0xFFFFFFC0];
	v28 =	vsub.f32 v28, v22  }
0x3a2: {  	v24 =	vsel vm8, v29, v24;
	v29 =	vmul.f32 v44, v21;
	(erf) = vpow2.f32 v30  }
0x3a3: {  	v27 =	vsel vm8, v38, v27;
	v26 =	vmax.f32 v26, $1.000000010e-10;
	v28 =	vmul.f32 $1.442695020e+00, v28;
	v49 =	vpop (erf)  }
0x3a4: {  	v50 =	vld [tilespmem:s15+$0xFFFFFFD0];
	v29 =	vsub.f32 v29, v22;
	v52 =	vmul.f32 v26, v27;
	v51 =	vmul.f32 v49, v24  }
0x3a5: {  	v35 =	vmax.f32 v47, $1.000000010e-10;
	v25 =	vsel vm8, v48, v25;
	v30 =	vld [tilespmem:s12+$0x0]  }
0x3a6: {  	v31 =	vmul.f32 v31, v21;
	v29 =	vmul.f32 $1.442695020e+00, v29;
	vm8 =	vgt.f32 v51, v52  }
0x3a7: {  	(erf) = vpow2.f32 v28;
	v27 =	vsel vm8, v49, v27;
	v24 =	vsel vm8, v26, v24;
	v28 =	vpop (erf)  }
0x3a8: {  	v23 =	vadd.s32 $0x50, v23;
	v53 =	vld [tilespmem:s15+$0xFFFFFFE0];
	v54 =	vmul.f32 v24, v28;
	v55 =	vmul.f32 v27, v35  }
0x3a9: {  	v56 =	vadd.s32 $0x10, v23;
	v33 =	vmul.f32 v50, v21;
	v31 =	vsub.f32 v31, v22  }
0x3aa: {  	v30 =	vmax.f32 v30, $1.000000010e-10;
	v25 =	vsel vm8, v23, v25;
	v26 =	vld [tilespmem:s12+$0x10];
	vm8 =	vgt.f32 v54, v55  }
0x3ab: {  	(erf) = vpow2.f32 v29;
	v29 =	vpop (erf);
	v27 =	vsel vm8, v28, v27;
	v24 =	vsel vm8, v35, v24  }
0x3ac: {  	v33 =	vsub.f32 v33, v22;
	v28 =	vld [tilespmem:s12+$0x20];
	v35 =	vmul.f32 v24, v29;
	v58 =	vmul.f32 v27, v30  }
0x3ad: {  	v59 =	vadd.s32 $0x20, v23;
	v32 =	vmul.f32 v53, v21;
	v31 =	vmul.f32 $1.442695020e+00, v31  }
0x3ae: {  	v57 =	vld [tilespmem:s15+$0xFFFFFFF0];
	v33 =	vmul.f32 $1.442695020e+00, v33;
	v25 =	vsel vm8, v56, v25;
	vm8 =	vgt.f32 v35, v58  }
0x3af: {  	(erf) = vpow2.f32 v31;
	v60 =	vmax.f32 v26, $1.000000010e-10;
	v31 =	vsel vm8, v29, v27  }
0x3b0: {  	s11 =	simm.s32 $0x1AE20;
	v26 =	vld [tilespmem:s15+$0x0];
	v24 =	vsel vm8, v30, v24;
	v35 =	vsel vm8, v59, v25;
	v30 =	vpop (erf);
	v25 =	vsub.f32 v32, v22  }
0x3b1: {  	v61 =	vmul.f32 v24, v30;
	v62 =	vmul.f32 v31, v60;
	v27 =	vmax.f32 v28, $1.000000010e-10;
	v28 =	vld [tilespmem:s11+$0xFFFFFFE0]  }
0x3b2: {  	v63 =	vadd.s32 $0x30, v23;
	(erf) = vpow2.f32 v33  }
0x3b3: {  	v32 =	vmul.f32 v57, v21;
	v29 =	vmul.f32 $1.442695020e+00, v25;
	vm8 =	vgt.f32 v61, v62  }
0x3b4: {  	s12 =	simm.s32 $0x5;
	s15 =	sadd.s32 $0x50, s15;
	v33 =	vpop (erf);
	v25 =	vld [tilespmem:s11+$0xFFFFFFF0];
	v31 =	vsel vm8, v30, v31;
	v30 =	vsel vm8, v60, v24;
	v24 =	vsel vm8, v63, v35  }
.LBB2_34:
0x3b5: {  	v34 =	vld [tilespmem:s15+$0xFFFFFFC0];
	v32 =	vsub.f32 v32, v22;
	v38 =	vmul.f32 v30, v33;
	v36 =	vmul.f32 v31, v27  }
0x3b6: {  	v26 =	vmul.f32 v26, v21;
	v37 =	vadd.s32 $0x40, v23;
	v28 =	vmax.f32 v28, $1.000000010e-10  }
0x3b7: {  	v32 =	vmul.f32 $1.442695020e+00, v32;
	(erf) = vpow2.f32 v29;
	vm8 =	vgt.f32 v38, v36  }
0x3b8: {  	s12 =	sadd.s32 $0x5, s12;
	v29 =	vld [tilespmem:s11+$0x0];
	v35 =	vpop (erf);
	v31 =	vsel vm8, v33, v31;
	v27 =	vsel vm8, v27, v30;
	v24 =	vsel vm8, v37, v24  }
0x3b9: {  	p5 =	slt.u32 s12, $0x26C;
	v26 =	vsub.f32 v26, v22;
	v30 =	vld [tilespmem:s15+$0xFFFFFFD0];
	v33 =	vmul.f32 v35, v27;
	v36 =	vmul.f32 v28, v31  }
0x3ba: {  	v23 =	vadd.s32 $0x50, v23;
	v25 =	vmax.f32 v25, $1.000000010e-10;
	v34 =	vmul.f32 v34, v21  }
0x3bb: {  	v26 =	vmul.f32 $1.442695020e+00, v26;
	vm8 =	vgt.f32 v33, v36;
	(erf) = vpow2.f32 v32  }
0x3bc: {  	v31 =	vsel vm8, v35, v31;
	v27 =	vsel vm8, v28, v27;
	v24 =	vsel vm8, v23, v24;
	v28 =	vld [tilespmem:s11+$0x10];
	v32 =	vpop (erf)  }
0x3bd: {  	v33 =	vsub.f32 v34, v22;
	v34 =	vld [tilespmem:s15+$0xFFFFFFE0];
	v35 =	vmul.f32 v27, v32;
	v36 =	vmul.f32 v31, v25  }
0x3be: {  	v37 =	vadd.s32 $0x10, v23;
	v29 =	vmax.f32 v29, $1.000000010e-10;
	v30 =	vmul.f32 v30, v21  }
0x3bf: {  	v33 =	vmul.f32 $1.442695020e+00, v33;
	vm8 =	vgt.f32 v35, v36;
	(erf) = vpow2.f32 v26  }
0x3c0: {  	v31 =	vsel vm8, v32, v31;
	v25 =	vsel vm8, v25, v27;
	v24 =	vsel vm8, v37, v24;
	v27 =	vld [tilespmem:s11+$0x20];
	v32 =	vpop (erf)  }
0x3c1: {  	v26 =	vsub.f32 v30, v22;
	v30 =	vld [tilespmem:s15+$0xFFFFFFF0];
	v40 =	vmul.f32 v25, v32;
	v36 =	vmul.f32 v31, v29  }
0x3c2: {  	v37 =	vadd.s32 $0x20, v23;
	v38 =	vmax.f32 v28, $1.000000010e-10;
	v34 =	vmul.f32 v34, v21  }
0x3c3: {  	v39 =	vmul.f32 $1.442695020e+00, v26;
	(erf) = vpow2.f32 v33;
	vm8 =	vgt.f32 v40, v36  }
.Ltmp19:
0x3c4: {  	s11 =	sadd.s32 $0x50, s11;
	v26 =	vld [tilespmem:s15+$0x0];
	v31 =	vsel vm8, v32, v31;
	v33 =	vsel vm8, v29, v25;
	v24 =	vsel vm8, v37, v24;
	v35 =	vpop (erf);
	(pc) =	sbr.rel @p5 .LBB2_34-.Ltmp19, $4  }
0x3c5: {  	v25 =	vsub.f32 v34, v22;
	v28 =	vld [tilespmem:s11+$0xFFFFFFE0];
	v34 =	vmul.f32 v33, v35;
	v36 =	vmul.f32 v31, v38  }
0x3c6: {  	v37 =	vadd.s32 $0x30, v23;
	v27 =	vmax.f32 v27, $1.000000010e-10;
	v32 =	vmul.f32 v30, v21  }
0x3c7: {  	v29 =	vmul.f32 $1.442695020e+00, v25;
	(erf) = vpow2.f32 v39;
	vm8 =	vgt.f32 v34, v36  }
0x3c8: {  	s15 =	sadd.s32 $0x50, s15;
	v25 =	vld [tilespmem:s11+$0xFFFFFFF0];
	v31 =	vsel vm8, v35, v31;
	v30 =	vsel vm8, v38, v33;
	v24 =	vsel vm8, v37, v24;
	v33 =	vpop (erf)  }
0x3c9: {  	v34 =	vmul.f32 v30, v33;
	v35 =	vmul.f32 v31, v27  }
0x3ca: {  	v32 =	vsub.f32 v32, v22;
	v26 =	vmul.f32 v26, v21  }
0x3cb: {  	(erf) = vpow2.f32 v29;
	v28 =	vmax.f32 v28, $1.000000010e-10;
	vm8 =	vgt.f32 v34, v35  }
0x3cc: {  	v44 =	vmul.f32 $1.442695020e+00, v32;
	v45 =	vpop (erf);
	v46 =	vsel vm8, v33, v31;
	v27 =	vsel vm8, v27, v30  }
0x3cd: {  	v30 =	vmul.f32 v45, v27;
	v33 =	vmul.f32 v28, v46  }
0x3ce: {  	v26 =	vsub.f32 v26, v22  }
0x3cf: {  	v47 =	vld [tilespmem:s11+$0x0];
	v25 =	vmax.f32 v25, $1.000000010e-10;
	(erf) = vpow2.f32 v44;
	vm9 =	vgt.f32 v30, v33  }
0x3d0: {  	v26 =	vmul.f32 $1.442695020e+00, v26;
	v48 =	vsel vm9, v45, v46;
	v27 =	vsel vm9, v28, v27;
	v49 =	vpop (erf)  }
0x3d1: {  	v50 =	vmul.f32 v27, v49;
	v31 =	vmul.f32 v48, v25;
	_ =	sdelay $0x1  }
0x3d2: {  	v51 =	vld [tilespmem:s11+$0x10];
	(erf) = vpow2.f32 v26;
	vm10 =	vgt.f32 v50, v31  }
0x3d3: {  	v26 =	vmax.f32 v47, $1.000000010e-10;
	v28 =	vsel vm10, v49, v48;
	v25 =	vsel vm10, v25, v27;
	v27 =	vpop (erf)  }
0x3d4: {  	v52 =	vmul.f32 v25, v27;
	v53 =	vmul.f32 v28, v26  }
0x3d5: {  	v54 =	vld [tilespmem:s11+$0x20]  }
0x3d6: {  	v56 =	vadd.s32 $0x40, v23;
	vm11 =	vgt.f32 v52, v53  }
0x3d7: {  	v55 =	vmax.f32 v51, $1.000000010e-10;
	v27 =	vsel vm11, v27, v28;
	v25 =	vsel vm11, v26, v25;
	v26 =	vpop (erf)  }
0x3d8: {  	v23 =	vadd.s32 $0x50, v23;
	v57 =	vmul.f32 v25, v26;
	v32 =	vmul.f32 v27, v55  }
0x3d9: {  	v59 =	vadd.s32 $0x10, v23;
	v61 =	vadd.s32 $0x20, v23  }
0x3da: {  	v24 =	vsel vm8, v56, v24;
	v58 =	vmax.f32 v54, $1.000000010e-10;
	vm8 =	vgt.f32 v57, v32  }
.Ltmp20:
0x3db: {  	v24 =	vsel vm9, v23, v24;
	v26 =	vsel vm8, v26, v27;
	v27 =	vsel vm8, v55, v25;
	v25 =	vpop (erf);
	(pc) =	sbr.rel @p4 .LBB2_37-.Ltmp20, $4  }
0x3dc: {  	v24 =	vsel vm10, v59, v24;
	v60 =	vmul.f32 v27, v25;
	v31 =	vmul.f32 v26, v58  }
0x3dd: {  	v62 =	vadd.s32 $0x30, v23;
	v63 =	vadd.s32 $0x40, v23;
	v24 =	vsel vm11, v61, v24  }
0x3de: {  	v23 =	vadd.s32 $0x50, v23;
	v24 =	vsel vm8, v62, v24;
	vm15 =	vgt.f32 v60, v31  }
0x3df: {  	v25 =	vsel vm15, v25, v26;
	v26 =	vsel vm15, v58, v27;
	v24 =	vsel vm15, v63, v24  }
0x3e0: {  	s11 =	smul.u32 $0x4E20, s6  }
.Ltmp21:
0x3e1: {  	_ = 	snop;
	(pc) =	sbr.rel .LBB2_31-.Ltmp21, $4  }
0x3e2: {  	s11 =	sadd.s32 s11, s23  }
0x3e3: {  	s6 =	sadd.s32 $0x1, s6;
	s11 =	sshrl.u32 s11, $0x3  }
0x3e4: {  	s7 =	sadd.s32 $0x4E20, s7;
	s10 =	sadd.s32 $0x4E20, s10;
	s11 =	sadd.s32 s4, s11  }
0x3e5: {  	[tilespmem:s1], [sflag:$0x2] =	stream.linear.gather [hbm4b:s11+s3], $0x2710, $0x38;
	[tilespmem:$0x1D570] =	vst v63  }
.LBB2_38:
0x3e6: {  	_ =	sfence.sel $0x180000  }
0x3e7: {  	[bflag:$0x0] =	sbarrier.arrive $0xFFFF  }
0x3e8: {  	_ =	strace $0x90000047  }
0x3e9: {  	s0 =	stileid.u32;
	[bflag:$0x2] =	sbarrier.arrive $0xFFFF  }
0x3ea: {  	p0 =	sne.s32 s0, $0x0;
	s0 =	rddreg [dreg:$0x3]  }
0x3eb: {  	s0 =	sadd.s32 @!p0 $0x100000, s0  }
0x3ec: {  	[sflag:s0] =	ssyncadd.tile.s32 @!p0 $0x1;
	_ =	shalt  }
.Lfunc_end2:
_tile_overlayer_lowered:
.L_overlay_start_2:
0x3ed: {  	(tag) =	ssettag $0x2  }
0x3ee: {  	s0 =	rddreg [dreg:$0x0];
	s2 =	stileid.u32  }
0x3ef: {  	s1 =	rddreg [dreg:$0x1];
	p0 =	sne.s32 s2, $0x0  }
0x3f0: {  	s3 =	rddreg [dreg:$0x2];
	[bflag:$0x3] =	sbarrier.arrive $0xFFFF;
	s2 =	simm.s32 @!p0 $0x1C03  }
0x3f1: {  	[timem:s3], [sflag:s2] =	dma.local @!p0 [hbm:s0], s1  }
0x3f2: {  	s0 =	simm.s32 @!p0 $0x3  }
0x3f3: {  	_ =	swait.ge @!p0 [sflag:s0], s1  }
0x3f4: {  	s1 =	ssub.s32 @!p0 $0x0, s1;
	[sflag:s0] =	ssyncset.done @!p0 $0x0  }
0x3f5: {  	[sflag:s0] =	ssyncadd.s32 @!p0 s1  }
0x3f6: {  	[bflag:$0x3] =	sbarrier.arrive $0xFFFF  }
0x3f7: {  	_ =	shalt  }

</sc_bundles>
